<compile_context>
chip_gen: v7x
topology: tpu7x:2x2x1
jax: 0.10.2.dev20260603
libtpu: 0.0.44.dev20260713+nightly
codegen_flags: <defaults>
</compile_context>

<pallas_src>
import jax
import jax.numpy as jnp
from jax import lax
from jax.experimental import pallas as pl
from jax.experimental.pallas import tpu as pltpu
from jax.experimental.pallas import tpu_sc as plsc

_V = 1000001
_D = 300
_DMAIN = 256
_DTAIL = _D - _DMAIN
_NOUT = 4
_B = 4096
_SEQ = 50

_NC, _NS, _L = 2, 16, 16
_NW = _NC * _NS
_BPW = _B // _NW
_PAIRS = _BPW // 2
_NCHUNK = _DMAIN // _L

_TCBLK = 8192
_TCGRID = -(-_V // _TCBLK)
_VPAD = _TCGRID * _TCBLK


def _sc_main(table, idx2d, fcw, fcb, out, idx_v, a0, a1, b0, b1,
             fcw_v, fcb_v, out_v, sA0, sA1, sB0, sB1):
    wid = lax.axis_index("s") * _NC + lax.axis_index("c")

    pltpu.sync_copy(idx2d.at[pl.ds(wid * _BPW, _BPW)], idx_v)
    pltpu.sync_copy(fcw, fcw_v)
    pltpu.sync_copy(fcb, fcb_v)

    lanes = lax.iota(jnp.int32, _L)
    bias = fcb_v[pl.ds(0, _L)]
    zero = jnp.zeros((_L,), jnp.float32)

    viewA = table.at[:, pl.ds(0, 128)]
    viewB = table.at[:, pl.ds(128, 128)]
    bufsA, bufsB = (a0, a1), (b0, b1)
    semsA, semsB = (sA0, sA1), (sB0, sB1)

    def issue(e, r):
        idx = idx_v.at[e]
        pltpu.make_async_copy(
            viewA.at[idx], bufsA[r].at[pl.ds(0, _SEQ)], semsA[r]).start()
        pltpu.make_async_copy(
            viewB.at[idx], bufsB[r].at[pl.ds(0, _SEQ)], semsB[r]).start()

    def wait(e, r):
        idx = idx_v.at[e]
        pltpu.make_async_copy(
            viewA.at[idx], bufsA[r].at[pl.ds(0, _SEQ)], semsA[r]).wait()
        pltpu.make_async_copy(
            viewB.at[idx], bufsB[r].at[pl.ds(0, _SEQ)], semsB[r]).wait()

    def pool_one(e, r, bb):
        bufA, bufB = bufsA[r], bufsB[r]

        def body(l, accs):
            outs = []
            for j in range(_NCHUNK):
                buf = bufA if j < 8 else bufB
                off = (j % 8) * _L
                outs.append(accs[j] + buf[l, pl.ds(off, _L)])
            return tuple(outs)

        accs = lax.fori_loop(0, _SEQ, body, (zero,) * _NCHUNK)

        y = zero
        for o in range(_NOUT):
            part = accs[0] * fcw_v[pl.ds(o * _L, _L)]
            for j in range(1, _NCHUNK):
                part = part + accs[j] * fcw_v[pl.ds((j * _NOUT + o) * _L, _L)]
            for k in (1, 2, 4, 8):
                perm = (lanes + k) & (_L - 1)
                part = part + part.at[perm].get(mode="promise_in_bounds")
            y = jnp.where(lanes == bb * _NOUT + o, part, y)
        return y

    issue(0, 0)
    issue(1, 1)

    def loop(p, carry):
        e = 2 * p
        wait(e, 0)
        y0 = pool_one(e, 0, 0)
        issue(e + 2, 0)
        wait(e + 1, 1)
        y1 = pool_one(e + 1, 1, 1)
        issue(e + 3, 1)
        out_v[pl.ds(2 * _NOUT * p, _L)] = y0 + y1 + bias
        return carry

    lax.fori_loop(0, _PAIRS - 1, loop, 0)
    p = _PAIRS - 1
    wait(2 * p, 0)
    y0 = pool_one(2 * p, 0, 0)
    wait(2 * p + 1, 1)
    y1 = pool_one(2 * p + 1, 1, 1)
    out_v[pl.ds(2 * _NOUT * p, _L)] = y0 + y1 + bias

    pltpu.sync_copy(out_v.at[pl.ds(0, _BPW * _NOUT)],
                    out.at[pl.ds(wid * _BPW * _NOUT, _BPW * _NOUT)])


def _sc_tail(ptail, idx2d, out, idx_v, t0, t1, out_v, s0, s1):
    wid = lax.axis_index("s") * _NC + lax.axis_index("c")
    pltpu.sync_copy(idx2d.at[pl.ds(wid * _BPW, _BPW)], idx_v)

    lanes = lax.iota(jnp.int32, _L)
    bufs = (t0, t1)
    sems = (s0, s1)

    def issue(e, r):
        pltpu.make_async_copy(ptail.at[idx_v.at[e]],
                              bufs[r].at[pl.ds(0, _SEQ)], sems[r]).start()

    def wait(e, r):
        pltpu.make_async_copy(ptail.at[idx_v.at[e]],
                              bufs[r].at[pl.ds(0, _SEQ)], sems[r]).wait()

    def pool_one(r):
        buf = bufs[r]

        def body(l, acc):
            return acc + buf[l, pl.ds(0, _L)]

        return lax.fori_loop(0, _SEQ, body, jnp.zeros((_L,), jnp.float32))

    issue(0, 0)
    issue(1, 1)

    def loop(p, carry):
        e = 2 * p
        wait(e, 0)
        y0 = pool_one(0)
        issue(e + 2, 0)
        wait(e + 1, 1)
        y1 = pool_one(1)
        issue(e + 3, 1)
        y1r = y1.at[(lanes + 12) & (_L - 1)].get(mode="promise_in_bounds")
        out_v[pl.ds(2 * _NOUT * p, _L)] = jnp.where(lanes < _NOUT, y0, y1r)
        return carry

    lax.fori_loop(0, _PAIRS - 1, loop, 0)
    p = _PAIRS - 1
    wait(2 * p, 0)
    y0 = pool_one(0)
    wait(2 * p + 1, 1)
    y1 = pool_one(1)
    y1r = y1.at[(lanes + 12) & (_L - 1)].get(mode="promise_in_bounds")
    out_v[pl.ds(2 * _NOUT * p, _L)] = jnp.where(lanes < _NOUT, y0, y1r)

    pltpu.sync_copy(out_v.at[pl.ds(0, _BPW * _NOUT)],
                    out.at[pl.ds(wid * _BPW * _NOUT, _BPW * _NOUT)])


def _tc_proj(tail_ref, fcwt_ref, out_ref):
    blk = tail_ref[...]
    col = lax.broadcasted_iota(jnp.int32, blk.shape, 1)
    blk = jnp.where(col < _DTAIL, blk, 0.0)
    out_ref[...] = jnp.dot(blk, fcwt_ref[...],
                           preferred_element_type=jnp.float32)


@jax.jit
def kernel(x, weights, fc_w, fc_b):
    chunks = [fc_w[:, j * _L:(j + 1) * _L] * (1.0 / _SEQ)
              for j in range(_NCHUNK)]
    fcw = jnp.stack(chunks).reshape(-1)
    fcb = jnp.tile(fc_b, _L // _NOUT)
    fcwt = jnp.zeros((128, 128), jnp.float32)
    fcwt = fcwt.at[:_DTAIL, :_NOUT].set(fc_w[:, _DMAIN:].T * (1.0 / _SEQ))

    mesh = plsc.VectorSubcoreMesh(
        core_axis_name="c", subcore_axis_name="s",
        num_cores=_NC, num_subcores=_NS)

    main = pl.kernel(
        _sc_main,
        out_type=jax.ShapeDtypeStruct((_B * _NOUT,), jnp.float32),
        mesh=mesh,
        compiler_params=pltpu.CompilerParams(use_tc_tiling_on_sc=True),
        scratch_types=[
            pltpu.VMEM((_BPW, _SEQ), jnp.int32),
            pltpu.VMEM((64, 128), jnp.float32),
            pltpu.VMEM((64, 128), jnp.float32),
            pltpu.VMEM((64, 128), jnp.float32),
            pltpu.VMEM((64, 128), jnp.float32),
            pltpu.VMEM((_NCHUNK * _NOUT * _L,), jnp.float32),
            pltpu.VMEM((_L,), jnp.float32),
            pltpu.VMEM((_BPW * _NOUT + _L,), jnp.float32),
            pltpu.SemaphoreType.DMA,
            pltpu.SemaphoreType.DMA,
            pltpu.SemaphoreType.DMA,
            pltpu.SemaphoreType.DMA,
        ],
    )

    proj = pl.pallas_call(
        _tc_proj,
        grid=(_TCGRID,),
        in_specs=[
            pl.BlockSpec((_TCBLK, 128), lambda i: (i, _DMAIN // 128)),
            pl.BlockSpec((128, 128), lambda i: (0, 0)),
        ],
        out_specs=pl.BlockSpec((_TCBLK, 128), lambda i: (i, 0)),
        out_shape=jax.ShapeDtypeStruct((_VPAD, 128), jnp.float32),
    )

    tail = pl.kernel(
        _sc_tail,
        out_type=jax.ShapeDtypeStruct((_B * _NOUT,), jnp.float32),
        mesh=mesh,
        compiler_params=pltpu.CompilerParams(use_tc_tiling_on_sc=True),
        scratch_types=[
            pltpu.VMEM((_BPW, _SEQ), jnp.int32),
            pltpu.VMEM((64, 128), jnp.float32),
            pltpu.VMEM((64, 128), jnp.float32),
            pltpu.VMEM((_BPW * _NOUT + _L,), jnp.float32),
            pltpu.SemaphoreType.DMA,
            pltpu.SemaphoreType.DMA,
        ],
    )

    out_main = main(weights, x, fcw, fcb)
    ptail = proj(weights, fcwt)
    out_tail = tail(ptail, x)
    return (out_main + out_tail).reshape(_B, _NOUT)

# --- scband reference (transcript-rebuilt; emitter-appended) ---
"""Pipeline reference for scband-net-16595753632531 (READ-ONLY COPY).

The authoritative reference and input builder live on the scoring server;
editing this copy changes nothing except your own understanding.
"""

import jax, jax.numpy as jnp
import numpy as np

V_SIZE = 1000001
DIM = 300
N_OUT = 4
BATCH = 4096
SEQ = 50

def setup_inputs(seed: int = 0) -> dict:
    key = jax.random.key(seed)
    k_x, k_w, k_fcw, k_fcb = jax.random.split(key, 4)
    x = jax.random.randint(k_x, (BATCH, SEQ), 0, V_SIZE, dtype=jnp.int64 if jax.config.jax_enable_x64 else jnp.int32).astype(jnp.int32)
    weights = jax.random.normal(k_w, (V_SIZE, DIM), dtype=jnp.float32) * 0.02
    weights = weights.at[0].set(0.0)  # padding_idx=0 row is zeros
    fc_w = jax.random.normal(k_fcw, (N_OUT, DIM), dtype=jnp.float32) * (1.0 / np.sqrt(DIM))
    fc_b = jnp.zeros((N_OUT,), dtype=jnp.float32)
    return {"x": x, "weights": weights, "fc_w": fc_w, "fc_b": fc_b}

def reference(x, weights, fc_w, fc_b):
    # nn.Embedding.from_pretrained(weights, padding_idx=0): pure gather
    e = jnp.take(weights, x, axis=0)            # [B, L, DIM]
    pooled = jnp.mean(e, axis=1)                # [B, DIM]
    out = pooled @ fc_w.T + fc_b                # [B, N_OUT]
    return out

if __name__ == "__main__":
    import jax
    _d = setup_inputs()
    print(jax.jit(kernel)(*tuple(_d.values())))

</pallas_src>

<mosaic_0001>
#map = affine_map<(d0, d1) -> (0, 0)>
#map1 = affine_map<(d0, d1) -> (0)>
module attributes {stable_mosaic.version = 14 : i64} {
  func.func @_sc_main(%arg0: i32, %arg1: i32, %arg2: memref<1000001x300xf32, #tpu.memory_space<hbm>>, %arg3: memref<4096x50xi32, #tpu.memory_space<hbm>>, %arg4: memref<1024xf32, #tpu.memory_space<hbm>>, %arg5: memref<16xf32, #tpu.memory_space<hbm>>, %arg6: memref<16384xf32, #tpu.memory_space<hbm>>, %arg7: memref<128x50xi32, #tpu.memory_space<vmem>>, %arg8: memref<64x128xf32, #tpu.memory_space<vmem>>, %arg9: memref<64x128xf32, #tpu.memory_space<vmem>>, %arg10: memref<64x128xf32, #tpu.memory_space<vmem>>, %arg11: memref<64x128xf32, #tpu.memory_space<vmem>>, %arg12: memref<1024xf32, #tpu.memory_space<vmem>>, %arg13: memref<16xf32, #tpu.memory_space<vmem>>, %arg14: memref<528xf32, #tpu.memory_space<vmem>>, %arg15: memref<!tpu.dma_semaphore, #tpu.memory_space<semaphore_mem>>, %arg16: memref<!tpu.dma_semaphore, #tpu.memory_space<semaphore_mem>>, %arg17: memref<!tpu.dma_semaphore, #tpu.memory_space<semaphore_mem>>, %arg18: memref<!tpu.dma_semaphore, #tpu.memory_space<semaphore_mem>>) attributes {dimension_semantics = [#tpu.dimension_semantics<core_parallel>, #tpu.dimension_semantics<subcore_parallel>], iteration_bounds = array<i64: 2, 16>, scalar_prefetch = 0 : i64, scratch_operands = 12 : i64, tpu.core_type = #tpu.core_type<sc_vector_subcore>, window_params = [{transform_indices = #map}, {transform_indices = #map}, {transform_indices = #map1}, {transform_indices = #map1}, {transform_indices = #map1}]} {
    %mul3A = arith.constant 2 : i32
    %mul3A_0 = arith.muli %arg1, %mul3A : i32
    %add3A = arith.addi %mul3A_0, %arg0 : i32
    %mul3A_1 = arith.constant 128 : i32
    %mul3A_2 = arith.muli %add3A, %mul3A_1 : i32
    "tpu.region"() ({
      %run_scoped3A = tpu.sem_alloc : memref<!tpu.dma_semaphore, #tpu.memory_space<semaphore_mem>>
      %dma_start3A_1337 = arith.constant 0 : i32
      %dma_start3A_1338 = tpu.memref_slice %arg3[%mul3A_2, %dma_start3A_1337] : memref<4096x50xi32, #tpu.memory_space<hbm>> -> memref<128x50xi32, #tpu.memory_space<hbm>>
      %dma_start3A_1339 = arith.constant 0 : i32
      %dma_start3A_1340 = tpu.memref_slice %arg3[%mul3A_2, %dma_start3A_1339] : memref<4096x50xi32, #tpu.memory_space<hbm>> -> memref<128x50xi32, #tpu.memory_space<hbm>>
      tpu.enqueue_dma source(%dma_start3A_1340 : memref<128x50xi32, #tpu.memory_space<hbm>>) target(%arg7 : memref<128x50xi32, #tpu.memory_space<vmem>>) target_semaphore(%run_scoped3A : memref<!tpu.dma_semaphore, #tpu.memory_space<semaphore_mem>>)
      %dma_wait3A_1341 = arith.constant 0 : i32
      %dma_wait3A_1342 = tpu.memref_slice %arg3[%mul3A_2, %dma_wait3A_1341] : memref<4096x50xi32, #tpu.memory_space<hbm>> -> memref<128x50xi32, #tpu.memory_space<hbm>>
      %dma_wait3A_1343 = arith.constant 0 : i32
      %dma_wait3A_1344 = tpu.memref_slice %arg3[%mul3A_2, %dma_wait3A_1343] : memref<4096x50xi32, #tpu.memory_space<hbm>> -> memref<128x50xi32, #tpu.memory_space<hbm>>
      tpu.wait_dma2 semaphore(%run_scoped3A : memref<!tpu.dma_semaphore, #tpu.memory_space<semaphore_mem>>) src(%dma_wait3A_1344 : memref<128x50xi32, #tpu.memory_space<hbm>>) dst(%arg7 : memref<128x50xi32, #tpu.memory_space<vmem>>)
      tpu.yield
    }) : () -> ()
    "tpu.region"() ({
      %run_scoped3A = tpu.sem_alloc : memref<!tpu.dma_semaphore, #tpu.memory_space<semaphore_mem>>
      tpu.enqueue_dma source(%arg4 : memref<1024xf32, #tpu.memory_space<hbm>>) target(%arg12 : memref<1024xf32, #tpu.memory_space<vmem>>) target_semaphore(%run_scoped3A : memref<!tpu.dma_semaphore, #tpu.memory_space<semaphore_mem>>)
      tpu.wait_dma2 semaphore(%run_scoped3A : memref<!tpu.dma_semaphore, #tpu.memory_space<semaphore_mem>>) src(%arg4 : memref<1024xf32, #tpu.memory_space<hbm>>) dst(%arg12 : memref<1024xf32, #tpu.memory_space<vmem>>)
      tpu.yield
    }) : () -> ()
    "tpu.region"() ({
      %run_scoped3A = tpu.sem_alloc : memref<!tpu.dma_semaphore, #tpu.memory_space<semaphore_mem>>
      tpu.enqueue_dma source(%arg5 : memref<16xf32, #tpu.memory_space<hbm>>) target(%arg13 : memref<16xf32, #tpu.memory_space<vmem>>) target_semaphore(%run_scoped3A : memref<!tpu.dma_semaphore, #tpu.memory_space<semaphore_mem>>)
      tpu.wait_dma2 semaphore(%run_scoped3A : memref<!tpu.dma_semaphore, #tpu.memory_space<semaphore_mem>>) src(%arg5 : memref<16xf32, #tpu.memory_space<hbm>>) dst(%arg13 : memref<16xf32, #tpu.memory_space<vmem>>)
      tpu.yield
    }) : () -> ()
    %iota3A = tpu.iota {dimensions = array<i32: 0>} : vector<16xi32>
    %get3A = arith.constant 0 : index
    %get3A_3 = tpu.vector_load %arg13[%get3A] {strides = array<i32>} : memref<16xf32, #tpu.memory_space<vmem>>, vector<16xf32>,
    %get3A_4 = vector.shape_cast %get3A_3 : vector<16xf32> to vector<16xf32>
    %broadcast_in_dim3A = arith.constant 0.000000e+00 : f32
    %broadcast_in_dim3A_5 = vector.broadcast %broadcast_in_dim3A : f32 to vector<16xf32>
    %dma_start3A = arith.constant 0 : i32
    %dma_start3A_6 = arith.constant 0 : i32
    %dma_start3A_7 = arith.constant 0 : i32
    %dma_start3A_8 = tpu.memref_slice %arg8[%dma_start3A_6, %dma_start3A_7] : memref<64x128xf32, #tpu.memory_space<vmem>> -> memref<50x128xf32, #tpu.memory_space<vmem>>
    %dma_start3A_9 = arith.constant 0 : i32
    %dma_start3A_10 = tpu.memref_slice %arg7[%dma_start3A, %dma_start3A_9] : memref<128x50xi32, #tpu.memory_space<vmem>> -> memref<1x50xi32, #tpu.memory_space<vmem>>
    %dma_start3A_11 = tpu.memref_squeeze %dma_start3A_10 : memref<1x50xi32, #tpu.memory_space<vmem>> -> memref<50xi32, #tpu.memory_space<vmem>>
    %dma_start3A_12 = arith.constant 0 : i32
    %dma_start3A_13 = arith.constant 0 : i32
    %dma_start3A_14 = tpu.memref_slice %arg2[%dma_start3A_12, %dma_start3A_13] : memref<1000001x300xf32, #tpu.memory_space<hbm>> -> memref<1000001x128xf32, #tpu.memory_space<hbm>>
    %dma_start3A_15 = arith.constant 0 : i32
    %dma_start3A_16 = arith.constant 0 : i32
    %dma_start3A_17 = tpu.memref_slice %dma_start3A_14[%dma_start3A_15, %dma_start3A_16] : memref<1000001x128xf32, #tpu.memory_space<hbm>> -> memref<1000001x128xf32, #tpu.memory_space<hbm>>
    tpu.enqueue_indirect_dma source(%dma_start3A_17 : memref<1000001x128xf32, #tpu.memory_space<hbm>>) target(%dma_start3A_8 : memref<50x128xf32, #tpu.memory_space<vmem>>) offsets(%dma_start3A_11 : memref<50xi32, #tpu.memory_space<vmem>>) semaphore(%arg15 : memref<!tpu.dma_semaphore, #tpu.memory_space<semaphore_mem>>)
    %dma_start3A_18 = arith.constant 0 : i32
    %dma_start3A_19 = arith.constant 0 : i32
    %dma_start3A_20 = arith.constant 0 : i32
    %dma_start3A_21 = tpu.memref_slice %arg10[%dma_start3A_19, %dma_start3A_20] : memref<64x128xf32, #tpu.memory_space<vmem>> -> memref<50x128xf32, #tpu.memory_space<vmem>>
    %dma_start3A_22 = arith.constant 0 : i32
    %dma_start3A_23 = tpu.memref_slice %arg7[%dma_start3A_18, %dma_start3A_22] : memref<128x50xi32, #tpu.memory_space<vmem>> -> memref<1x50xi32, #tpu.memory_space<vmem>>
    %dma_start3A_24 = tpu.memref_squeeze %dma_start3A_23 : memref<1x50xi32, #tpu.memory_space<vmem>> -> memref<50xi32, #tpu.memory_space<vmem>>
    %dma_start3A_25 = arith.constant 0 : i32
    %dma_start3A_26 = arith.constant 128 : i32
    %dma_start3A_27 = tpu.memref_slice %arg2[%dma_start3A_25, %dma_start3A_26] : memref<1000001x300xf32, #tpu.memory_space<hbm>> -> memref<1000001x128xf32, #tpu.memory_space<hbm>>
    %dma_start3A_28 = arith.constant 0 : i32
    %dma_start3A_29 = arith.constant 0 : i32
    %dma_start3A_30 = tpu.memref_slice %dma_start3A_27[%dma_start3A_28, %dma_start3A_29] : memref<1000001x128xf32, #tpu.memory_space<hbm>> -> memref<1000001x128xf32, #tpu.memory_space<hbm>>
    tpu.enqueue_indirect_dma source(%dma_start3A_30 : memref<1000001x128xf32, #tpu.memory_space<hbm>>) target(%dma_start3A_21 : memref<50x128xf32, #tpu.memory_space<vmem>>) offsets(%dma_start3A_24 : memref<50xi32, #tpu.memory_space<vmem>>) semaphore(%arg17 : memref<!tpu.dma_semaphore, #tpu.memory_space<semaphore_mem>>)
    %dma_start3A_31 = arith.constant 1 : i32
    %dma_start3A_32 = arith.constant 0 : i32
    %dma_start3A_33 = arith.constant 0 : i32
    %dma_start3A_34 = tpu.memref_slice %arg9[%dma_start3A_32, %dma_start3A_33] : memref<64x128xf32, #tpu.memory_space<vmem>> -> memref<50x128xf32, #tpu.memory_space<vmem>>
    %dma_start3A_35 = arith.constant 0 : i32
    %dma_start3A_36 = tpu.memref_slice %arg7[%dma_start3A_31, %dma_start3A_35] : memref<128x50xi32, #tpu.memory_space<vmem>> -> memref<1x50xi32, #tpu.memory_space<vmem>>
    %dma_start3A_37 = tpu.memref_squeeze %dma_start3A_36 : memref<1x50xi32, #tpu.memory_space<vmem>> -> memref<50xi32, #tpu.memory_space<vmem>>
    %dma_start3A_38 = arith.constant 0 : i32
    %dma_start3A_39 = arith.constant 0 : i32
    %dma_start3A_40 = tpu.memref_slice %arg2[%dma_start3A_38, %dma_start3A_39] : memref<1000001x300xf32, #tpu.memory_space<hbm>> -> memref<1000001x128xf32, #tpu.memory_space<hbm>>
    %dma_start3A_41 = arith.constant 0 : i32
    %dma_start3A_42 = arith.constant 0 : i32
    %dma_start3A_43 = tpu.memref_slice %dma_start3A_40[%dma_start3A_41, %dma_start3A_42] : memref<1000001x128xf32, #tpu.memory_space<hbm>> -> memref<1000001x128xf32, #tpu.memory_space<hbm>>
    tpu.enqueue_indirect_dma source(%dma_start3A_43 : memref<1000001x128xf32, #tpu.memory_space<hbm>>) target(%dma_start3A_34 : memref<50x128xf32, #tpu.memory_space<vmem>>) offsets(%dma_start3A_37 : memref<50xi32, #tpu.memory_space<vmem>>) semaphore(%arg16 : memref<!tpu.dma_semaphore, #tpu.memory_space<semaphore_mem>>)
    %dma_start3A_44 = arith.constant 1 : i32
    %dma_start3A_45 = arith.constant 0 : i32
    %dma_start3A_46 = arith.constant 0 : i32
    %dma_start3A_47 = tpu.memref_slice %arg11[%dma_start3A_45, %dma_start3A_46] : memref<64x128xf32, #tpu.memory_space<vmem>> -> memref<50x128xf32, #tpu.memory_space<vmem>>
    %dma_start3A_48 = arith.constant 0 : i32
    %dma_start3A_49 = tpu.memref_slice %arg7[%dma_start3A_44, %dma_start3A_48] : memref<128x50xi32, #tpu.memory_space<vmem>> -> memref<1x50xi32, #tpu.memory_space<vmem>>
    %dma_start3A_50 = tpu.memref_squeeze %dma_start3A_49 : memref<1x50xi32, #tpu.memory_space<vmem>> -> memref<50xi32, #tpu.memory_space<vmem>>
    %dma_start3A_51 = arith.constant 0 : i32
    %dma_start3A_52 = arith.constant 128 : i32
    %dma_start3A_53 = tpu.memref_slice %arg2[%dma_start3A_51, %dma_start3A_52] : memref<1000001x300xf32, #tpu.memory_space<hbm>> -> memref<1000001x128xf32, #tpu.memory_space<hbm>>
    %dma_start3A_54 = arith.constant 0 : i32
    %dma_start3A_55 = arith.constant 0 : i32
    %dma_start3A_56 = tpu.memref_slice %dma_start3A_53[%dma_start3A_54, %dma_start3A_55] : memref<1000001x128xf32, #tpu.memory_space<hbm>> -> memref<1000001x128xf32, #tpu.memory_space<hbm>>
    tpu.enqueue_indirect_dma source(%dma_start3A_56 : memref<1000001x128xf32, #tpu.memory_space<hbm>>) target(%dma_start3A_47 : memref<50x128xf32, #tpu.memory_space<vmem>>) offsets(%dma_start3A_50 : memref<50xi32, #tpu.memory_space<vmem>>) semaphore(%arg18 : memref<!tpu.dma_semaphore, #tpu.memory_space<semaphore_mem>>)
    %scan3A = arith.constant 0 : i32
    %scan3A_57 = arith.constant 0 : i32
    %scan3A_58 = arith.constant 63 : i32
    %scan3A_59 = arith.addi %scan3A_57, %scan3A_58 : i32
    %scan3A_60 = arith.constant 1 : i32
    scf.for %scan3A_1337 = %scan3A_57 to %scan3A_59 step %scan3A_60  : i32 {
      %mul3A_1338 = arith.constant 2 : i32
      %mul3A_1339 = arith.muli %mul3A_1338, %scan3A_1337 : i32
      %dma_wait3A_1340 = arith.constant 0 : i32
      %dma_wait3A_1341 = arith.constant 0 : i32
      %dma_wait3A_1342 = tpu.memref_slice %arg8[%dma_wait3A_1340, %dma_wait3A_1341] : memref<64x128xf32, #tpu.memory_space<vmem>> -> memref<50x128xf32, #tpu.memory_space<vmem>>
      %dma_wait3A_1343 = arith.constant 0 : i32
      %dma_wait3A_1344 = tpu.memref_slice %arg7[%mul3A_1339, %dma_wait3A_1343] : memref<128x50xi32, #tpu.memory_space<vmem>> -> memref<1x50xi32, #tpu.memory_space<vmem>>
      %dma_wait3A_1345 = tpu.memref_squeeze %dma_wait3A_1344 : memref<1x50xi32, #tpu.memory_space<vmem>> -> memref<50xi32, #tpu.memory_space<vmem>>
      %dma_wait3A_1346 = arith.constant 0 : i32
      %dma_wait3A_1347 = arith.constant 0 : i32
      %dma_wait3A_1348 = tpu.memref_slice %arg2[%dma_wait3A_1346, %dma_wait3A_1347] : memref<1000001x300xf32, #tpu.memory_space<hbm>> -> memref<1000001x128xf32, #tpu.memory_space<hbm>>
      %dma_wait3A_1349 = arith.constant 0 : i32
      %dma_wait3A_1350 = arith.constant 0 : i32
      %dma_wait3A_1351 = tpu.memref_slice %dma_wait3A_1348[%dma_wait3A_1349, %dma_wait3A_1350] : memref<1000001x128xf32, #tpu.memory_space<hbm>> -> memref<1000001x128xf32, #tpu.memory_space<hbm>>
      tpu.wait_indirect_dma semaphore(%arg15 : memref<!tpu.dma_semaphore, #tpu.memory_space<semaphore_mem>>) src(%dma_wait3A_1351 : memref<1000001x128xf32, #tpu.memory_space<hbm>>) dst(%dma_wait3A_1342 : memref<50x128xf32, #tpu.memory_space<vmem>>)
      %dma_wait3A_1352 = arith.constant 0 : i32
      %dma_wait3A_1353 = arith.constant 0 : i32
      %dma_wait3A_1354 = tpu.memref_slice %arg10[%dma_wait3A_1352, %dma_wait3A_1353] : memref<64x128xf32, #tpu.memory_space<vmem>> -> memref<50x128xf32, #tpu.memory_space<vmem>>
      %dma_wait3A_1355 = arith.constant 0 : i32
      %dma_wait3A_1356 = tpu.memref_slice %arg7[%mul3A_1339, %dma_wait3A_1355] : memref<128x50xi32, #tpu.memory_space<vmem>> -> memref<1x50xi32, #tpu.memory_space<vmem>>
      %dma_wait3A_1357 = tpu.memref_squeeze %dma_wait3A_1356 : memref<1x50xi32, #tpu.memory_space<vmem>> -> memref<50xi32, #tpu.memory_space<vmem>>
      %dma_wait3A_1358 = arith.constant 0 : i32
      %dma_wait3A_1359 = arith.constant 128 : i32
      %dma_wait3A_1360 = tpu.memref_slice %arg2[%dma_wait3A_1358, %dma_wait3A_1359] : memref<1000001x300xf32, #tpu.memory_space<hbm>> -> memref<1000001x128xf32, #tpu.memory_space<hbm>>
      %dma_wait3A_1361 = arith.constant 0 : i32
      %dma_wait3A_1362 = arith.constant 0 : i32
      %dma_wait3A_1363 = tpu.memref_slice %dma_wait3A_1360[%dma_wait3A_1361, %dma_wait3A_1362] : memref<1000001x128xf32, #tpu.memory_space<hbm>> -> memref<1000001x128xf32, #tpu.memory_space<hbm>>
      tpu.wait_indirect_dma semaphore(%arg17 : memref<!tpu.dma_semaphore, #tpu.memory_space<semaphore_mem>>) src(%dma_wait3A_1363 : memref<1000001x128xf32, #tpu.memory_space<hbm>>) dst(%dma_wait3A_1354 : memref<50x128xf32, #tpu.memory_space<vmem>>)
      %scan3A_1364 = arith.constant 0 : i32
      %scan3A_1365 = arith.constant 50 : i32
      %scan3A_1366 = arith.addi %scan3A_1364, %scan3A_1365 : i32
      %scan3A_1367 = arith.constant 1 : i32
      %scan3A_1368:16 = scf.for %scan3A_2672 = %scan3A_1364 to %scan3A_1366 step %scan3A_1367 iter_args(%scan3A_2673 = %broadcast_in_dim3A_5, %scan3A_2674 = %broadcast_in_dim3A_5, %scan3A_2675 = %broadcast_in_dim3A_5, %scan3A_2676 = %broadcast_in_dim3A_5, %scan3A_2677 = %broadcast_in_dim3A_5, %scan3A_2678 = %broadcast_in_dim3A_5, %scan3A_2679 = %broadcast_in_dim3A_5, %scan3A_2680 = %broadcast_in_dim3A_5, %scan3A_2681 = %broadcast_in_dim3A_5, %scan3A_2682 = %broadcast_in_dim3A_5, %scan3A_2683 = %broadcast_in_dim3A_5, %scan3A_2684 = %broadcast_in_dim3A_5, %scan3A_2685 = %broadcast_in_dim3A_5, %scan3A_2686 = %broadcast_in_dim3A_5, %scan3A_2687 = %broadcast_in_dim3A_5, %scan3A_2688 = %broadcast_in_dim3A_5) -> (vector<16xf32>, vector<16xf32>, vector<16xf32>, vector<16xf32>, vector<16xf32>, vector<16xf32>, vector<16xf32>, vector<16xf32>, vector<16xf32>, vector<16xf32>, vector<16xf32>, vector<16xf32>, vector<16xf32>, vector<16xf32>, vector<16xf32>, vector<16xf32>)  : i32 {
        %get3A_2689 = arith.index_cast %scan3A_2672 : i32 to index
        %get3A_2690 = arith.constant 0 : index
        %get3A_2691 = tpu.vector_load %arg8[%get3A_2689, %get3A_2690] {strides = array<i32>} : memref<64x128xf32, #tpu.memory_space<vmem>>, vector<1x16xf32>,
        %get3A_2692 = vector.shape_cast %get3A_2691 : vector<1x16xf32> to vector<16xf32>
        %add3A_2693 = arith.addf %scan3A_2673, %get3A_2692 : vector<16xf32>
        %get3A_2694 = arith.index_cast %scan3A_2672 : i32 to index
        %get3A_2695 = arith.constant 16 : index
        %get3A_2696 = tpu.vector_load %arg8[%get3A_2694, %get3A_2695] {strides = array<i32>} : memref<64x128xf32, #tpu.memory_space<vmem>>, vector<1x16xf32>,
        %get3A_2697 = vector.shape_cast %get3A_2696 : vector<1x16xf32> to vector<16xf32>
        %add3A_2698 = arith.addf %scan3A_2674, %get3A_2697 : vector<16xf32>
        %get3A_2699 = arith.index_cast %scan3A_2672 : i32 to index
        %get3A_2700 = arith.constant 32 : index
        %get3A_2701 = tpu.vector_load %arg8[%get3A_2699, %get3A_2700] {strides = array<i32>} : memref<64x128xf32, #tpu.memory_space<vmem>>, vector<1x16xf32>,
        %get3A_2702 = vector.shape_cast %get3A_2701 : vector<1x16xf32> to vector<16xf32>
        %add3A_2703 = arith.addf %scan3A_2675, %get3A_2702 : vector<16xf32>
        %get3A_2704 = arith.index_cast %scan3A_2672 : i32 to index
        %get3A_2705 = arith.constant 48 : index
        %get3A_2706 = tpu.vector_load %arg8[%get3A_2704, %get3A_2705] {strides = array<i32>} : memref<64x128xf32, #tpu.memory_space<vmem>>, vector<1x16xf32>,
        %get3A_2707 = vector.shape_cast %get3A_2706 : vector<1x16xf32> to vector<16xf32>
        %add3A_2708 = arith.addf %scan3A_2676, %get3A_2707 : vector<16xf32>
        %get3A_2709 = arith.index_cast %scan3A_2672 : i32 to index
        %get3A_2710 = arith.constant 64 : index
        %get3A_2711 = tpu.vector_load %arg8[%get3A_2709, %get3A_2710] {strides = array<i32>} : memref<64x128xf32, #tpu.memory_space<vmem>>, vector<1x16xf32>,
        %get3A_2712 = vector.shape_cast %get3A_2711 : vector<1x16xf32> to vector<16xf32>
        %add3A_2713 = arith.addf %scan3A_2677, %get3A_2712 : vector<16xf32>
        %get3A_2714 = arith.index_cast %scan3A_2672 : i32 to index
        %get3A_2715 = arith.constant 80 : index
        %get3A_2716 = tpu.vector_load %arg8[%get3A_2714, %get3A_2715] {strides = array<i32>} : memref<64x128xf32, #tpu.memory_space<vmem>>, vector<1x16xf32>,
        %get3A_2717 = vector.shape_cast %get3A_2716 : vector<1x16xf32> to vector<16xf32>
        %add3A_2718 = arith.addf %scan3A_2678, %get3A_2717 : vector<16xf32>
        %get3A_2719 = arith.index_cast %scan3A_2672 : i32 to index
        %get3A_2720 = arith.constant 96 : index
        %get3A_2721 = tpu.vector_load %arg8[%get3A_2719, %get3A_2720] {strides = array<i32>} : memref<64x128xf32, #tpu.memory_space<vmem>>, vector<1x16xf32>,
        %get3A_2722 = vector.shape_cast %get3A_2721 : vector<1x16xf32> to vector<16xf32>
        %add3A_2723 = arith.addf %scan3A_2679, %get3A_2722 : vector<16xf32>
        %get3A_2724 = arith.index_cast %scan3A_2672 : i32 to index
        %get3A_2725 = arith.constant 112 : index
        %get3A_2726 = tpu.vector_load %arg8[%get3A_2724, %get3A_2725] {strides = array<i32>} : memref<64x128xf32, #tpu.memory_space<vmem>>, vector<1x16xf32>,
        %get3A_2727 = vector.shape_cast %get3A_2726 : vector<1x16xf32> to vector<16xf32>
        %add3A_2728 = arith.addf %scan3A_2680, %get3A_2727 : vector<16xf32>
        %get3A_2729 = arith.index_cast %scan3A_2672 : i32 to index
        %get3A_2730 = arith.constant 0 : index
        %get3A_2731 = tpu.vector_load %arg10[%get3A_2729, %get3A_2730] {strides = array<i32>} : memref<64x128xf32, #tpu.memory_space<vmem>>, vector<1x16xf32>,
        %get3A_2732 = vector.shape_cast %get3A_2731 : vector<1x16xf32> to vector<16xf32>
        %add3A_2733 = arith.addf %scan3A_2681, %get3A_2732 : vector<16xf32>
        %get3A_2734 = arith.index_cast %scan3A_2672 : i32 to index
        %get3A_2735 = arith.constant 16 : index
        %get3A_2736 = tpu.vector_load %arg10[%get3A_2734, %get3A_2735] {strides = array<i32>} : memref<64x128xf32, #tpu.memory_space<vmem>>, vector<1x16xf32>,
        %get3A_2737 = vector.shape_cast %get3A_2736 : vector<1x16xf32> to vector<16xf32>
        %add3A_2738 = arith.addf %scan3A_2682, %get3A_2737 : vector<16xf32>
        %get3A_2739 = arith.index_cast %scan3A_2672 : i32 to index
        %get3A_2740 = arith.constant 32 : index
        %get3A_2741 = tpu.vector_load %arg10[%get3A_2739, %get3A_2740] {strides = array<i32>} : memref<64x128xf32, #tpu.memory_space<vmem>>, vector<1x16xf32>,
        %get3A_2742 = vector.shape_cast %get3A_2741 : vector<1x16xf32> to vector<16xf32>
        %add3A_2743 = arith.addf %scan3A_2683, %get3A_2742 : vector<16xf32>
        %get3A_2744 = arith.index_cast %scan3A_2672 : i32 to index
        %get3A_2745 = arith.constant 48 : index
        %get3A_2746 = tpu.vector_load %arg10[%get3A_2744, %get3A_2745] {strides = array<i32>} : memref<64x128xf32, #tpu.memory_space<vmem>>, vector<1x16xf32>,
        %get3A_2747 = vector.shape_cast %get3A_2746 : vector<1x16xf32> to vector<16xf32>
        %add3A_2748 = arith.addf %scan3A_2684, %get3A_2747 : vector<16xf32>
        %get3A_2749 = arith.index_cast %scan3A_2672 : i32 to index
        %get3A_2750 = arith.constant 64 : index
        %get3A_2751 = tpu.vector_load %arg10[%get3A_2749, %get3A_2750] {strides = array<i32>} : memref<64x128xf32, #tpu.memory_space<vmem>>, vector<1x16xf32>,
        %get3A_2752 = vector.shape_cast %get3A_2751 : vector<1x16xf32> to vector<16xf32>
        %add3A_2753 = arith.addf %scan3A_2685, %get3A_2752 : vector<16xf32>
        %get3A_2754 = arith.index_cast %scan3A_2672 : i32 to index
        %get3A_2755 = arith.constant 80 : index
        %get3A_2756 = tpu.vector_load %arg10[%get3A_2754, %get3A_2755] {strides = array<i32>} : memref<64x128xf32, #tpu.memory_space<vmem>>, vector<1x16xf32>,
        %get3A_2757 = vector.shape_cast %get3A_2756 : vector<1x16xf32> to vector<16xf32>
        %add3A_2758 = arith.addf %scan3A_2686, %get3A_2757 : vector<16xf32>
        %get3A_2759 = arith.index_cast %scan3A_2672 : i32 to index
        %get3A_2760 = arith.constant 96 : index
        %get3A_2761 = tpu.vector_load %arg10[%get3A_2759, %get3A_2760] {strides = array<i32>} : memref<64x128xf32, #tpu.memory_space<vmem>>, vector<1x16xf32>,
        %get3A_2762 = vector.shape_cast %get3A_2761 : vector<1x16xf32> to vector<16xf32>
        %add3A_2763 = arith.addf %scan3A_2687, %get3A_2762 : vector<16xf32>
        %get3A_2764 = arith.index_cast %scan3A_2672 : i32 to index
        %get3A_2765 = arith.constant 112 : index
        %get3A_2766 = tpu.vector_load %arg10[%get3A_2764, %get3A_2765] {strides = array<i32>} : memref<64x128xf32, #tpu.memory_space<vmem>>, vector<1x16xf32>,
        %get3A_2767 = vector.shape_cast %get3A_2766 : vector<1x16xf32> to vector<16xf32>
        %add3A_2768 = arith.addf %scan3A_2688, %get3A_2767 : vector<16xf32>
        scf.yield %add3A_2693, %add3A_2698, %add3A_2703, %add3A_2708, %add3A_2713, %add3A_2718, %add3A_2723, %add3A_2728, %add3A_2733, %add3A_2738, %add3A_2743, %add3A_2748, %add3A_2753, %add3A_2758, %add3A_2763, %add3A_2768 : vector<16xf32>, vector<16xf32>, vector<16xf32>, vector<16xf32>, vector<16xf32>, vector<16xf32>, vector<16xf32>, vector<16xf32>, vector<16xf32>, vector<16xf32>, vector<16xf32>, vector<16xf32>, vector<16xf32>, vector<16xf32>, vector<16xf32>, vector<16xf32>
      }
      %scan3A_1369 = arith.constant 50 : i32
      %get3A_1370 = arith.constant 0 : index
      %get3A_1371 = tpu.vector_load %arg12[%get3A_1370] {strides = array<i32>} : memref<1024xf32, #tpu.memory_space<vmem>>, vector<16xf32>,
      %get3A_1372 = vector.shape_cast %get3A_1371 : vector<16xf32> to vector<16xf32>
      %mul3A_1373 = arith.mulf %scan3A_1368#0, %get3A_1372 : vector<16xf32>
      %get3A_1374 = arith.constant 64 : index
      %get3A_1375 = tpu.vector_load %arg12[%get3A_1374] {strides = array<i32>} : memref<1024xf32, #tpu.memory_space<vmem>>, vector<16xf32>,
      %get3A_1376 = vector.shape_cast %get3A_1375 : vector<16xf32> to vector<16xf32>
      %mul3A_1377 = arith.mulf %scan3A_1368#1, %get3A_1376 : vector<16xf32>
      %add3A_1378 = arith.addf %mul3A_1373, %mul3A_1377 : vector<16xf32>
      %get3A_1379 = arith.constant 128 : index
      %get3A_1380 = tpu.vector_load %arg12[%get3A_1379] {strides = array<i32>} : memref<1024xf32, #tpu.memory_space<vmem>>, vector<16xf32>,
      %get3A_1381 = vector.shape_cast %get3A_1380 : vector<16xf32> to vector<16xf32>
      %mul3A_1382 = arith.mulf %scan3A_1368#2, %get3A_1381 : vector<16xf32>
      %add3A_1383 = arith.addf %add3A_1378, %mul3A_1382 : vector<16xf32>
      %get3A_1384 = arith.constant 192 : index
      %get3A_1385 = tpu.vector_load %arg12[%get3A_1384] {strides = array<i32>} : memref<1024xf32, #tpu.memory_space<vmem>>, vector<16xf32>,
      %get3A_1386 = vector.shape_cast %get3A_1385 : vector<16xf32> to vector<16xf32>
      %mul3A_1387 = arith.mulf %scan3A_1368#3, %get3A_1386 : vector<16xf32>
      %add3A_1388 = arith.addf %add3A_1383, %mul3A_1387 : vector<16xf32>
      %get3A_1389 = arith.constant 256 : index
      %get3A_1390 = tpu.vector_load %arg12[%get3A_1389] {strides = array<i32>} : memref<1024xf32, #tpu.memory_space<vmem>>, vector<16xf32>,
      %get3A_1391 = vector.shape_cast %get3A_1390 : vector<16xf32> to vector<16xf32>
      %mul3A_1392 = arith.mulf %scan3A_1368#4, %get3A_1391 : vector<16xf32>
      %add3A_1393 = arith.addf %add3A_1388, %mul3A_1392 : vector<16xf32>
      %get3A_1394 = arith.constant 320 : index
      %get3A_1395 = tpu.vector_load %arg12[%get3A_1394] {strides = array<i32>} : memref<1024xf32, #tpu.memory_space<vmem>>, vector<16xf32>,
      %get3A_1396 = vector.shape_cast %get3A_1395 : vector<16xf32> to vector<16xf32>
      %mul3A_1397 = arith.mulf %scan3A_1368#5, %get3A_1396 : vector<16xf32>
      %add3A_1398 = arith.addf %add3A_1393, %mul3A_1397 : vector<16xf32>
      %get3A_1399 = arith.constant 384 : index
      %get3A_1400 = tpu.vector_load %arg12[%get3A_1399] {strides = array<i32>} : memref<1024xf32, #tpu.memory_space<vmem>>, vector<16xf32>,
      %get3A_1401 = vector.shape_cast %get3A_1400 : vector<16xf32> to vector<16xf32>
      %mul3A_1402 = arith.mulf %scan3A_1368#6, %get3A_1401 : vector<16xf32>
      %add3A_1403 = arith.addf %add3A_1398, %mul3A_1402 : vector<16xf32>
      %get3A_1404 = arith.constant 448 : index
      %get3A_1405 = tpu.vector_load %arg12[%get3A_1404] {strides = array<i32>} : memref<1024xf32, #tpu.memory_space<vmem>>, vector<16xf32>,
      %get3A_1406 = vector.shape_cast %get3A_1405 : vector<16xf32> to vector<16xf32>
      %mul3A_1407 = arith.mulf %scan3A_1368#7, %get3A_1406 : vector<16xf32>
      %add3A_1408 = arith.addf %add3A_1403, %mul3A_1407 : vector<16xf32>
      %get3A_1409 = arith.constant 512 : index
      %get3A_1410 = tpu.vector_load %arg12[%get3A_1409] {strides = array<i32>} : memref<1024xf32, #tpu.memory_space<vmem>>, vector<16xf32>,
      %get3A_1411 = vector.shape_cast %get3A_1410 : vector<16xf32> to vector<16xf32>
      %mul3A_1412 = arith.mulf %scan3A_1368#8, %get3A_1411 : vector<16xf32>
      %add3A_1413 = arith.addf %add3A_1408, %mul3A_1412 : vector<16xf32>
      %get3A_1414 = arith.constant 576 : index
      %get3A_1415 = tpu.vector_load %arg12[%get3A_1414] {strides = array<i32>} : memref<1024xf32, #tpu.memory_space<vmem>>, vector<16xf32>,
      %get3A_1416 = vector.shape_cast %get3A_1415 : vector<16xf32> to vector<16xf32>
      %mul3A_1417 = arith.mulf %scan3A_1368#9, %get3A_1416 : vector<16xf32>
      %add3A_1418 = arith.addf %add3A_1413, %mul3A_1417 : vector<16xf32>
      %get3A_1419 = arith.constant 640 : index
      %get3A_1420 = tpu.vector_load %arg12[%get3A_1419] {strides = array<i32>} : memref<1024xf32, #tpu.memory_space<vmem>>, vector<16xf32>,
      %get3A_1421 = vector.shape_cast %get3A_1420 : vector<16xf32> to vector<16xf32>
      %mul3A_1422 = arith.mulf %scan3A_1368#10, %get3A_1421 : vector<16xf32>
      %add3A_1423 = arith.addf %add3A_1418, %mul3A_1422 : vector<16xf32>
      %get3A_1424 = arith.constant 704 : index
      %get3A_1425 = tpu.vector_load %arg12[%get3A_1424] {strides = array<i32>} : memref<1024xf32, #tpu.memory_space<vmem>>, vector<16xf32>,
      %get3A_1426 = vector.shape_cast %get3A_1425 : vector<16xf32> to vector<16xf32>
      %mul3A_1427 = arith.mulf %scan3A_1368#11, %get3A_1426 : vector<16xf32>
      %add3A_1428 = arith.addf %add3A_1423, %mul3A_1427 : vector<16xf32>
      %get3A_1429 = arith.constant 768 : index
      %get3A_1430 = tpu.vector_load %arg12[%get3A_1429] {strides = array<i32>} : memref<1024xf32, #tpu.memory_space<vmem>>, vector<16xf32>,
      %get3A_1431 = vector.shape_cast %get3A_1430 : vector<16xf32> to vector<16xf32>
      %mul3A_1432 = arith.mulf %scan3A_1368#12, %get3A_1431 : vector<16xf32>
      %add3A_1433 = arith.addf %add3A_1428, %mul3A_1432 : vector<16xf32>
      %get3A_1434 = arith.constant 832 : index
      %get3A_1435 = tpu.vector_load %arg12[%get3A_1434] {strides = array<i32>} : memref<1024xf32, #tpu.memory_space<vmem>>, vector<16xf32>,
      %get3A_1436 = vector.shape_cast %get3A_1435 : vector<16xf32> to vector<16xf32>
      %mul3A_1437 = arith.mulf %scan3A_1368#13, %get3A_1436 : vector<16xf32>
      %add3A_1438 = arith.addf %add3A_1433, %mul3A_1437 : vector<16xf32>
      %get3A_1439 = arith.constant 896 : index
      %get3A_1440 = tpu.vector_load %arg12[%get3A_1439] {strides = array<i32>} : memref<1024xf32, #tpu.memory_space<vmem>>, vector<16xf32>,
      %get3A_1441 = vector.shape_cast %get3A_1440 : vector<16xf32> to vector<16xf32>
      %mul3A_1442 = arith.mulf %scan3A_1368#14, %get3A_1441 : vector<16xf32>
      %add3A_1443 = arith.addf %add3A_1438, %mul3A_1442 : vector<16xf32>
      %get3A_1444 = arith.constant 960 : index
      %get3A_1445 = tpu.vector_load %arg12[%get3A_1444] {strides = array<i32>} : memref<1024xf32, #tpu.memory_space<vmem>>, vector<16xf32>,
      %get3A_1446 = vector.shape_cast %get3A_1445 : vector<16xf32> to vector<16xf32>
      %mul3A_1447 = arith.mulf %scan3A_1368#15, %get3A_1446 : vector<16xf32>
      %add3A_1448 = arith.addf %add3A_1443, %mul3A_1447 : vector<16xf32>
      %add3A_1449 = arith.constant 1 : i32
      %add3A_1450 = vector.broadcast %add3A_1449 : i32 to vector<16xi32>
      %add3A_1451 = arith.addi %iota3A, %add3A_1450 : vector<16xi32>
      %and3A_1452 = arith.constant 15 : i32
      %and3A_1453 = vector.broadcast %and3A_1452 : i32 to vector<16xi32>
      %and3A_1454 = arith.andi %add3A_1451, %and3A_1453 : vector<16xi32>
      %lt3A_1455 = arith.constant 0 : i32
      %lt3A_1456 = vector.broadcast %lt3A_1455 : i32 to vector<16xi32>
      %lt3A_1457 = arith.cmpi slt, %and3A_1454, %lt3A_1456 : vector<16xi32>
      %add3A_1458 = arith.constant 16 : i32
      %add3A_1459 = vector.broadcast %add3A_1458 : i32 to vector<16xi32>
      %add3A_1460 = arith.addi %and3A_1454, %add3A_1459 : vector<16xi32>
      %select_n3A_1461 = arith.select %lt3A_1457, %add3A_1460, %and3A_1454 : vector<16xi1>, vector<16xi32>
      %broadcast_in_dim3A_1462 = vector.shape_cast %select_n3A_1461 : vector<16xi32> to vector<16x1xi32>
      %gather3A_1463 = vector.shape_cast %broadcast_in_dim3A_1462 : vector<16x1xi32> to vector<16xi32>
      %gather3A_1464 = tpu.dynamic_gather %add3A_1448[%gather3A_1463] in [0] : vector<16xf32>, vector<16xi32> -> vector<16xf32>
      %add3A_1465 = arith.addf %add3A_1448, %gather3A_1464 : vector<16xf32>
      %add3A_1466 = arith.constant 2 : i32
      %add3A_1467 = vector.broadcast %add3A_1466 : i32 to vector<16xi32>
      %add3A_1468 = arith.addi %iota3A, %add3A_1467 : vector<16xi32>
      %and3A_1469 = arith.constant 15 : i32
      %and3A_1470 = vector.broadcast %and3A_1469 : i32 to vector<16xi32>
      %and3A_1471 = arith.andi %add3A_1468, %and3A_1470 : vector<16xi32>
      %lt3A_1472 = arith.constant 0 : i32
      %lt3A_1473 = vector.broadcast %lt3A_1472 : i32 to vector<16xi32>
      %lt3A_1474 = arith.cmpi slt, %and3A_1471, %lt3A_1473 : vector<16xi32>
      %add3A_1475 = arith.constant 16 : i32
      %add3A_1476 = vector.broadcast %add3A_1475 : i32 to vector<16xi32>
      %add3A_1477 = arith.addi %and3A_1471, %add3A_1476 : vector<16xi32>
      %select_n3A_1478 = arith.select %lt3A_1474, %add3A_1477, %and3A_1471 : vector<16xi1>, vector<16xi32>
      %broadcast_in_dim3A_1479 = vector.shape_cast %select_n3A_1478 : vector<16xi32> to vector<16x1xi32>
      %gather3A_1480 = vector.shape_cast %broadcast_in_dim3A_1479 : vector<16x1xi32> to vector<16xi32>
      %gather3A_1481 = tpu.dynamic_gather %add3A_1465[%gather3A_1480] in [0] : vector<16xf32>, vector<16xi32> -> vector<16xf32>
      %add3A_1482 = arith.addf %add3A_1465, %gather3A_1481 : vector<16xf32>
      %add3A_1483 = arith.constant 4 : i32
      %add3A_1484 = vector.broadcast %add3A_1483 : i32 to vector<16xi32>
      %add3A_1485 = arith.addi %iota3A, %add3A_1484 : vector<16xi32>
      %and3A_1486 = arith.constant 15 : i32
      %and3A_1487 = vector.broadcast %and3A_1486 : i32 to vector<16xi32>
      %and3A_1488 = arith.andi %add3A_1485, %and3A_1487 : vector<16xi32>
      %lt3A_1489 = arith.constant 0 : i32
      %lt3A_1490 = vector.broadcast %lt3A_1489 : i32 to vector<16xi32>
      %lt3A_1491 = arith.cmpi slt, %and3A_1488, %lt3A_1490 : vector<16xi32>
      %add3A_1492 = arith.constant 16 : i32
      %add3A_1493 = vector.broadcast %add3A_1492 : i32 to vector<16xi32>
      %add3A_1494 = arith.addi %and3A_1488, %add3A_1493 : vector<16xi32>
      %select_n3A_1495 = arith.select %lt3A_1491, %add3A_1494, %and3A_1488 : vector<16xi1>, vector<16xi32>
      %broadcast_in_dim3A_1496 = vector.shape_cast %select_n3A_1495 : vector<16xi32> to vector<16x1xi32>
      %gather3A_1497 = vector.shape_cast %broadcast_in_dim3A_1496 : vector<16x1xi32> to vector<16xi32>
      %gather3A_1498 = tpu.dynamic_gather %add3A_1482[%gather3A_1497] in [0] : vector<16xf32>, vector<16xi32> -> vector<16xf32>
      %add3A_1499 = arith.addf %add3A_1482, %gather3A_1498 : vector<16xf32>
      %add3A_1500 = arith.constant 8 : i32
      %add3A_1501 = vector.broadcast %add3A_1500 : i32 to vector<16xi32>
      %add3A_1502 = arith.addi %iota3A, %add3A_1501 : vector<16xi32>
      %and3A_1503 = arith.constant 15 : i32
      %and3A_1504 = vector.broadcast %and3A_1503 : i32 to vector<16xi32>
      %and3A_1505 = arith.andi %add3A_1502, %and3A_1504 : vector<16xi32>
      %lt3A_1506 = arith.constant 0 : i32
      %lt3A_1507 = vector.broadcast %lt3A_1506 : i32 to vector<16xi32>
      %lt3A_1508 = arith.cmpi slt, %and3A_1505, %lt3A_1507 : vector<16xi32>
      %add3A_1509 = arith.constant 16 : i32
      %add3A_1510 = vector.broadcast %add3A_1509 : i32 to vector<16xi32>
      %add3A_1511 = arith.addi %and3A_1505, %add3A_1510 : vector<16xi32>
      %select_n3A_1512 = arith.select %lt3A_1508, %add3A_1511, %and3A_1505 : vector<16xi1>, vector<16xi32>
      %broadcast_in_dim3A_1513 = vector.shape_cast %select_n3A_1512 : vector<16xi32> to vector<16x1xi32>
      %gather3A_1514 = vector.shape_cast %broadcast_in_dim3A_1513 : vector<16x1xi32> to vector<16xi32>
      %gather3A_1515 = tpu.dynamic_gather %add3A_1499[%gather3A_1514] in [0] : vector<16xf32>, vector<16xi32> -> vector<16xf32>
      %add3A_1516 = arith.addf %add3A_1499, %gather3A_1515 : vector<16xf32>
      %eq3A_1517 = arith.constant 0 : i32
      %eq3A_1518 = vector.broadcast %eq3A_1517 : i32 to vector<16xi32>
      %eq3A_1519 = arith.cmpi eq, %iota3A, %eq3A_1518 : vector<16xi32>
      %select_n3A_1520 = arith.select %eq3A_1519, %add3A_1516, %broadcast_in_dim3A_5 : vector<16xi1>, vector<16xf32>
      %get3A_1521 = arith.constant 16 : index
      %get3A_1522 = tpu.vector_load %arg12[%get3A_1521] {strides = array<i32>} : memref<1024xf32, #tpu.memory_space<vmem>>, vector<16xf32>,
      %get3A_1523 = vector.shape_cast %get3A_1522 : vector<16xf32> to vector<16xf32>
      %mul3A_1524 = arith.mulf %scan3A_1368#0, %get3A_1523 : vector<16xf32>
      %get3A_1525 = arith.constant 80 : index
      %get3A_1526 = tpu.vector_load %arg12[%get3A_1525] {strides = array<i32>} : memref<1024xf32, #tpu.memory_space<vmem>>, vector<16xf32>,
      %get3A_1527 = vector.shape_cast %get3A_1526 : vector<16xf32> to vector<16xf32>
      %mul3A_1528 = arith.mulf %scan3A_1368#1, %get3A_1527 : vector<16xf32>
      %add3A_1529 = arith.addf %mul3A_1524, %mul3A_1528 : vector<16xf32>
      %get3A_1530 = arith.constant 144 : index
      %get3A_1531 = tpu.vector_load %arg12[%get3A_1530] {strides = array<i32>} : memref<1024xf32, #tpu.memory_space<vmem>>, vector<16xf32>,
      %get3A_1532 = vector.shape_cast %get3A_1531 : vector<16xf32> to vector<16xf32>
      %mul3A_1533 = arith.mulf %scan3A_1368#2, %get3A_1532 : vector<16xf32>
      %add3A_1534 = arith.addf %add3A_1529, %mul3A_1533 : vector<16xf32>
      %get3A_1535 = arith.constant 208 : index
      %get3A_1536 = tpu.vector_load %arg12[%get3A_1535] {strides = array<i32>} : memref<1024xf32, #tpu.memory_space<vmem>>, vector<16xf32>,
      %get3A_1537 = vector.shape_cast %get3A_1536 : vector<16xf32> to vector<16xf32>
      %mul3A_1538 = arith.mulf %scan3A_1368#3, %get3A_1537 : vector<16xf32>
      %add3A_1539 = arith.addf %add3A_1534, %mul3A_1538 : vector<16xf32>
      %get3A_1540 = arith.constant 272 : index
      %get3A_1541 = tpu.vector_load %arg12[%get3A_1540] {strides = array<i32>} : memref<1024xf32, #tpu.memory_space<vmem>>, vector<16xf32>,
      %get3A_1542 = vector.shape_cast %get3A_1541 : vector<16xf32> to vector<16xf32>
      %mul3A_1543 = arith.mulf %scan3A_1368#4, %get3A_1542 : vector<16xf32>
      %add3A_1544 = arith.addf %add3A_1539, %mul3A_1543 : vector<16xf32>
      %get3A_1545 = arith.constant 336 : index
      %get3A_1546 = tpu.vector_load %arg12[%get3A_1545] {strides = array<i32>} : memref<1024xf32, #tpu.memory_space<vmem>>, vector<16xf32>,
      %get3A_1547 = vector.shape_cast %get3A_1546 : vector<16xf32> to vector<16xf32>
      %mul3A_1548 = arith.mulf %scan3A_1368#5, %get3A_1547 : vector<16xf32>
      %add3A_1549 = arith.addf %add3A_1544, %mul3A_1548 : vector<16xf32>
      %get3A_1550 = arith.constant 400 : index
      %get3A_1551 = tpu.vector_load %arg12[%get3A_1550] {strides = array<i32>} : memref<1024xf32, #tpu.memory_space<vmem>>, vector<16xf32>,
      %get3A_1552 = vector.shape_cast %get3A_1551 : vector<16xf32> to vector<16xf32>
      %mul3A_1553 = arith.mulf %scan3A_1368#6, %get3A_1552 : vector<16xf32>
      %add3A_1554 = arith.addf %add3A_1549, %mul3A_1553 : vector<16xf32>
      %get3A_1555 = arith.constant 464 : index
      %get3A_1556 = tpu.vector_load %arg12[%get3A_1555] {strides = array<i32>} : memref<1024xf32, #tpu.memory_space<vmem>>, vector<16xf32>,
      %get3A_1557 = vector.shape_cast %get3A_1556 : vector<16xf32> to vector<16xf32>
      %mul3A_1558 = arith.mulf %scan3A_1368#7, %get3A_1557 : vector<16xf32>
      %add3A_1559 = arith.addf %add3A_1554, %mul3A_1558 : vector<16xf32>
      %get3A_1560 = arith.constant 528 : index
      %get3A_1561 = tpu.vector_load %arg12[%get3A_1560] {strides = array<i32>} : memref<1024xf32, #tpu.memory_space<vmem>>, vector<16xf32>,
      %get3A_1562 = vector.shape_cast %get3A_1561 : vector<16xf32> to vector<16xf32>
      %mul3A_1563 = arith.mulf %scan3A_1368#8, %get3A_1562 : vector<16xf32>
      %add3A_1564 = arith.addf %add3A_1559, %mul3A_1563 : vector<16xf32>
      %get3A_1565 = arith.constant 592 : index
      %get3A_1566 = tpu.vector_load %arg12[%get3A_1565] {strides = array<i32>} : memref<1024xf32, #tpu.memory_space<vmem>>, vector<16xf32>,
      %get3A_1567 = vector.shape_cast %get3A_1566 : vector<16xf32> to vector<16xf32>
      %mul3A_1568 = arith.mulf %scan3A_1368#9, %get3A_1567 : vector<16xf32>
      %add3A_1569 = arith.addf %add3A_1564, %mul3A_1568 : vector<16xf32>
      %get3A_1570 = arith.constant 656 : index
      %get3A_1571 = tpu.vector_load %arg12[%get3A_1570] {strides = array<i32>} : memref<1024xf32, #tpu.memory_space<vmem>>, vector<16xf32>,
      %get3A_1572 = vector.shape_cast %get3A_1571 : vector<16xf32> to vector<16xf32>
      %mul3A_1573 = arith.mulf %scan3A_1368#10, %get3A_1572 : vector<16xf32>
      %add3A_1574 = arith.addf %add3A_1569, %mul3A_1573 : vector<16xf32>
      %get3A_1575 = arith.constant 720 : index
      %get3A_1576 = tpu.vector_load %arg12[%get3A_1575] {strides = array<i32>} : memref<1024xf32, #tpu.memory_space<vmem>>, vector<16xf32>,
      %get3A_1577 = vector.shape_cast %get3A_1576 : vector<16xf32> to vector<16xf32>
      %mul3A_1578 = arith.mulf %scan3A_1368#11, %get3A_1577 : vector<16xf32>
      %add3A_1579 = arith.addf %add3A_1574, %mul3A_1578 : vector<16xf32>
      %get3A_1580 = arith.constant 784 : index
      %get3A_1581 = tpu.vector_load %arg12[%get3A_1580] {strides = array<i32>} : memref<1024xf32, #tpu.memory_space<vmem>>, vector<16xf32>,
      %get3A_1582 = vector.shape_cast %get3A_1581 : vector<16xf32> to vector<16xf32>
      %mul3A_1583 = arith.mulf %scan3A_1368#12, %get3A_1582 : vector<16xf32>
      %add3A_1584 = arith.addf %add3A_1579, %mul3A_1583 : vector<16xf32>
      %get3A_1585 = arith.constant 848 : index
      %get3A_1586 = tpu.vector_load %arg12[%get3A_1585] {strides = array<i32>} : memref<1024xf32, #tpu.memory_space<vmem>>, vector<16xf32>,
      %get3A_1587 = vector.shape_cast %get3A_1586 : vector<16xf32> to vector<16xf32>
      %mul3A_1588 = arith.mulf %scan3A_1368#13, %get3A_1587 : vector<16xf32>
      %add3A_1589 = arith.addf %add3A_1584, %mul3A_1588 : vector<16xf32>
      %get3A_1590 = arith.constant 912 : index
      %get3A_1591 = tpu.vector_load %arg12[%get3A_1590] {strides = array<i32>} : memref<1024xf32, #tpu.memory_space<vmem>>, vector<16xf32>,
      %get3A_1592 = vector.shape_cast %get3A_1591 : vector<16xf32> to vector<16xf32>
      %mul3A_1593 = arith.mulf %scan3A_1368#14, %get3A_1592 : vector<16xf32>
      %add3A_1594 = arith.addf %add3A_1589, %mul3A_1593 : vector<16xf32>
      %get3A_1595 = arith.constant 976 : index
      %get3A_1596 = tpu.vector_load %arg12[%get3A_1595] {strides = array<i32>} : memref<1024xf32, #tpu.memory_space<vmem>>, vector<16xf32>,
      %get3A_1597 = vector.shape_cast %get3A_1596 : vector<16xf32> to vector<16xf32>
      %mul3A_1598 = arith.mulf %scan3A_1368#15, %get3A_1597 : vector<16xf32>
      %add3A_1599 = arith.addf %add3A_1594, %mul3A_1598 : vector<16xf32>
      %add3A_1600 = arith.constant 1 : i32
      %add3A_1601 = vector.broadcast %add3A_1600 : i32 to vector<16xi32>
      %add3A_1602 = arith.addi %iota3A, %add3A_1601 : vector<16xi32>
      %and3A_1603 = arith.constant 15 : i32
      %and3A_1604 = vector.broadcast %and3A_1603 : i32 to vector<16xi32>
      %and3A_1605 = arith.andi %add3A_1602, %and3A_1604 : vector<16xi32>
      %lt3A_1606 = arith.constant 0 : i32
      %lt3A_1607 = vector.broadcast %lt3A_1606 : i32 to vector<16xi32>
      %lt3A_1608 = arith.cmpi slt, %and3A_1605, %lt3A_1607 : vector<16xi32>
      %add3A_1609 = arith.constant 16 : i32
      %add3A_1610 = vector.broadcast %add3A_1609 : i32 to vector<16xi32>
      %add3A_1611 = arith.addi %and3A_1605, %add3A_1610 : vector<16xi32>
      %select_n3A_1612 = arith.select %lt3A_1608, %add3A_1611, %and3A_1605 : vector<16xi1>, vector<16xi32>
      %broadcast_in_dim3A_1613 = vector.shape_cast %select_n3A_1612 : vector<16xi32> to vector<16x1xi32>
      %gather3A_1614 = vector.shape_cast %broadcast_in_dim3A_1613 : vector<16x1xi32> to vector<16xi32>
      %gather3A_1615 = tpu.dynamic_gather %add3A_1599[%gather3A_1614] in [0] : vector<16xf32>, vector<16xi32> -> vector<16xf32>
      %add3A_1616 = arith.addf %add3A_1599, %gather3A_1615 : vector<16xf32>
      %add3A_1617 = arith.constant 2 : i32
      %add3A_1618 = vector.broadcast %add3A_1617 : i32 to vector<16xi32>
      %add3A_1619 = arith.addi %iota3A, %add3A_1618 : vector<16xi32>
      %and3A_1620 = arith.constant 15 : i32
      %and3A_1621 = vector.broadcast %and3A_1620 : i32 to vector<16xi32>
      %and3A_1622 = arith.andi %add3A_1619, %and3A_1621 : vector<16xi32>
      %lt3A_1623 = arith.constant 0 : i32
      %lt3A_1624 = vector.broadcast %lt3A_1623 : i32 to vector<16xi32>
      %lt3A_1625 = arith.cmpi slt, %and3A_1622, %lt3A_1624 : vector<16xi32>
      %add3A_1626 = arith.constant 16 : i32
      %add3A_1627 = vector.broadcast %add3A_1626 : i32 to vector<16xi32>
      %add3A_1628 = arith.addi %and3A_1622, %add3A_1627 : vector<16xi32>
      %select_n3A_1629 = arith.select %lt3A_1625, %add3A_1628, %and3A_1622 : vector<16xi1>, vector<16xi32>
      %broadcast_in_dim3A_1630 = vector.shape_cast %select_n3A_1629 : vector<16xi32> to vector<16x1xi32>
      %gather3A_1631 = vector.shape_cast %broadcast_in_dim3A_1630 : vector<16x1xi32> to vector<16xi32>
      %gather3A_1632 = tpu.dynamic_gather %add3A_1616[%gather3A_1631] in [0] : vector<16xf32>, vector<16xi32> -> vector<16xf32>
      %add3A_1633 = arith.addf %add3A_1616, %gather3A_1632 : vector<16xf32>
      %add3A_1634 = arith.constant 4 : i32
      %add3A_1635 = vector.broadcast %add3A_1634 : i32 to vector<16xi32>
      %add3A_1636 = arith.addi %iota3A, %add3A_1635 : vector<16xi32>
      %and3A_1637 = arith.constant 15 : i32
      %and3A_1638 = vector.broadcast %and3A_1637 : i32 to vector<16xi32>
      %and3A_1639 = arith.andi %add3A_1636, %and3A_1638 : vector<16xi32>
      %lt3A_1640 = arith.constant 0 : i32
      %lt3A_1641 = vector.broadcast %lt3A_1640 : i32 to vector<16xi32>
      %lt3A_1642 = arith.cmpi slt, %and3A_1639, %lt3A_1641 : vector<16xi32>
      %add3A_1643 = arith.constant 16 : i32
      %add3A_1644 = vector.broadcast %add3A_1643 : i32 to vector<16xi32>
      %add3A_1645 = arith.addi %and3A_1639, %add3A_1644 : vector<16xi32>
      %select_n3A_1646 = arith.select %lt3A_1642, %add3A_1645, %and3A_1639 : vector<16xi1>, vector<16xi32>
      %broadcast_in_dim3A_1647 = vector.shape_cast %select_n3A_1646 : vector<16xi32> to vector<16x1xi32>
      %gather3A_1648 = vector.shape_cast %broadcast_in_dim3A_1647 : vector<16x1xi32> to vector<16xi32>
      %gather3A_1649 = tpu.dynamic_gather %add3A_1633[%gather3A_1648] in [0] : vector<16xf32>, vector<16xi32> -> vector<16xf32>
      %add3A_1650 = arith.addf %add3A_1633, %gather3A_1649 : vector<16xf32>
      %add3A_1651 = arith.constant 8 : i32
      %add3A_1652 = vector.broadcast %add3A_1651 : i32 to vector<16xi32>
      %add3A_1653 = arith.addi %iota3A, %add3A_1652 : vector<16xi32>
      %and3A_1654 = arith.constant 15 : i32
      %and3A_1655 = vector.broadcast %and3A_1654 : i32 to vector<16xi32>
      %and3A_1656 = arith.andi %add3A_1653, %and3A_1655 : vector<16xi32>
      %lt3A_1657 = arith.constant 0 : i32
      %lt3A_1658 = vector.broadcast %lt3A_1657 : i32 to vector<16xi32>
      %lt3A_1659 = arith.cmpi slt, %and3A_1656, %lt3A_1658 : vector<16xi32>
      %add3A_1660 = arith.constant 16 : i32
      %add3A_1661 = vector.broadcast %add3A_1660 : i32 to vector<16xi32>
      %add3A_1662 = arith.addi %and3A_1656, %add3A_1661 : vector<16xi32>
      %select_n3A_1663 = arith.select %lt3A_1659, %add3A_1662, %and3A_1656 : vector<16xi1>, vector<16xi32>
      %broadcast_in_dim3A_1664 = vector.shape_cast %select_n3A_1663 : vector<16xi32> to vector<16x1xi32>
      %gather3A_1665 = vector.shape_cast %broadcast_in_dim3A_1664 : vector<16x1xi32> to vector<16xi32>
      %gather3A_1666 = tpu.dynamic_gather %add3A_1650[%gather3A_1665] in [0] : vector<16xf32>, vector<16xi32> -> vector<16xf32>
      %add3A_1667 = arith.addf %add3A_1650, %gather3A_1666 : vector<16xf32>
      %eq3A_1668 = arith.constant 1 : i32
      %eq3A_1669 = vector.broadcast %eq3A_1668 : i32 to vector<16xi32>
      %eq3A_1670 = arith.cmpi eq, %iota3A, %eq3A_1669 : vector<16xi32>
      %select_n3A_1671 = arith.select %eq3A_1670, %add3A_1667, %select_n3A_1520 : vector<16xi1>, vector<16xf32>
      %get3A_1672 = arith.constant 32 : index
      %get3A_1673 = tpu.vector_load %arg12[%get3A_1672] {strides = array<i32>} : memref<1024xf32, #tpu.memory_space<vmem>>, vector<16xf32>,
      %get3A_1674 = vector.shape_cast %get3A_1673 : vector<16xf32> to vector<16xf32>
      %mul3A_1675 = arith.mulf %scan3A_1368#0, %get3A_1674 : vector<16xf32>
      %get3A_1676 = arith.constant 96 : index
      %get3A_1677 = tpu.vector_load %arg12[%get3A_1676] {strides = array<i32>} : memref<1024xf32, #tpu.memory_space<vmem>>, vector<16xf32>,
      %get3A_1678 = vector.shape_cast %get3A_1677 : vector<16xf32> to vector<16xf32>
      %mul3A_1679 = arith.mulf %scan3A_1368#1, %get3A_1678 : vector<16xf32>
      %add3A_1680 = arith.addf %mul3A_1675, %mul3A_1679 : vector<16xf32>
      %get3A_1681 = arith.constant 160 : index
      %get3A_1682 = tpu.vector_load %arg12[%get3A_1681] {strides = array<i32>} : memref<1024xf32, #tpu.memory_space<vmem>>, vector<16xf32>,
      %get3A_1683 = vector.shape_cast %get3A_1682 : vector<16xf32> to vector<16xf32>
      %mul3A_1684 = arith.mulf %scan3A_1368#2, %get3A_1683 : vector<16xf32>
      %add3A_1685 = arith.addf %add3A_1680, %mul3A_1684 : vector<16xf32>
      %get3A_1686 = arith.constant 224 : index
      %get3A_1687 = tpu.vector_load %arg12[%get3A_1686] {strides = array<i32>} : memref<1024xf32, #tpu.memory_space<vmem>>, vector<16xf32>,
      %get3A_1688 = vector.shape_cast %get3A_1687 : vector<16xf32> to vector<16xf32>
      %mul3A_1689 = arith.mulf %scan3A_1368#3, %get3A_1688 : vector<16xf32>
      %add3A_1690 = arith.addf %add3A_1685, %mul3A_1689 : vector<16xf32>
      %get3A_1691 = arith.constant 288 : index
      %get3A_1692 = tpu.vector_load %arg12[%get3A_1691] {strides = array<i32>} : memref<1024xf32, #tpu.memory_space<vmem>>, vector<16xf32>,
      %get3A_1693 = vector.shape_cast %get3A_1692 : vector<16xf32> to vector<16xf32>
      %mul3A_1694 = arith.mulf %scan3A_1368#4, %get3A_1693 : vector<16xf32>
      %add3A_1695 = arith.addf %add3A_1690, %mul3A_1694 : vector<16xf32>
      %get3A_1696 = arith.constant 352 : index
      %get3A_1697 = tpu.vector_load %arg12[%get3A_1696] {strides = array<i32>} : memref<1024xf32, #tpu.memory_space<vmem>>, vector<16xf32>,
      %get3A_1698 = vector.shape_cast %get3A_1697 : vector<16xf32> to vector<16xf32>
      %mul3A_1699 = arith.mulf %scan3A_1368#5, %get3A_1698 : vector<16xf32>
      %add3A_1700 = arith.addf %add3A_1695, %mul3A_1699 : vector<16xf32>
      %get3A_1701 = arith.constant 416 : index
      %get3A_1702 = tpu.vector_load %arg12[%get3A_1701] {strides = array<i32>} : memref<1024xf32, #tpu.memory_space<vmem>>, vector<16xf32>,
      %get3A_1703 = vector.shape_cast %get3A_1702 : vector<16xf32> to vector<16xf32>
      %mul3A_1704 = arith.mulf %scan3A_1368#6, %get3A_1703 : vector<16xf32>
      %add3A_1705 = arith.addf %add3A_1700, %mul3A_1704 : vector<16xf32>
      %get3A_1706 = arith.constant 480 : index
      %get3A_1707 = tpu.vector_load %arg12[%get3A_1706] {strides = array<i32>} : memref<1024xf32, #tpu.memory_space<vmem>>, vector<16xf32>,
      %get3A_1708 = vector.shape_cast %get3A_1707 : vector<16xf32> to vector<16xf32>
      %mul3A_1709 = arith.mulf %scan3A_1368#7, %get3A_1708 : vector<16xf32>
      %add3A_1710 = arith.addf %add3A_1705, %mul3A_1709 : vector<16xf32>
      %get3A_1711 = arith.constant 544 : index
      %get3A_1712 = tpu.vector_load %arg12[%get3A_1711] {strides = array<i32>} : memref<1024xf32, #tpu.memory_space<vmem>>, vector<16xf32>,
      %get3A_1713 = vector.shape_cast %get3A_1712 : vector<16xf32> to vector<16xf32>
      %mul3A_1714 = arith.mulf %scan3A_1368#8, %get3A_1713 : vector<16xf32>
      %add3A_1715 = arith.addf %add3A_1710, %mul3A_1714 : vector<16xf32>
      %get3A_1716 = arith.constant 608 : index
      %get3A_1717 = tpu.vector_load %arg12[%get3A_1716] {strides = array<i32>} : memref<1024xf32, #tpu.memory_space<vmem>>, vector<16xf32>,
      %get3A_1718 = vector.shape_cast %get3A_1717 : vector<16xf32> to vector<16xf32>
      %mul3A_1719 = arith.mulf %scan3A_1368#9, %get3A_1718 : vector<16xf32>
      %add3A_1720 = arith.addf %add3A_1715, %mul3A_1719 : vector<16xf32>
      %get3A_1721 = arith.constant 672 : index
      %get3A_1722 = tpu.vector_load %arg12[%get3A_1721] {strides = array<i32>} : memref<1024xf32, #tpu.memory_space<vmem>>, vector<16xf32>,
      %get3A_1723 = vector.shape_cast %get3A_1722 : vector<16xf32> to vector<16xf32>
      %mul3A_1724 = arith.mulf %scan3A_1368#10, %get3A_1723 : vector<16xf32>
      %add3A_1725 = arith.addf %add3A_1720, %mul3A_1724 : vector<16xf32>
      %get3A_1726 = arith.constant 736 : index
      %get3A_1727 = tpu.vector_load %arg12[%get3A_1726] {strides = array<i32>} : memref<1024xf32, #tpu.memory_space<vmem>>, vector<16xf32>,
      %get3A_1728 = vector.shape_cast %get3A_1727 : vector<16xf32> to vector<16xf32>
      %mul3A_1729 = arith.mulf %scan3A_1368#11, %get3A_1728 : vector<16xf32>
      %add3A_1730 = arith.addf %add3A_1725, %mul3A_1729 : vector<16xf32>
      %get3A_1731 = arith.constant 800 : index
      %get3A_1732 = tpu.vector_load %arg12[%get3A_1731] {strides = array<i32>} : memref<1024xf32, #tpu.memory_space<vmem>>, vector<16xf32>,
      %get3A_1733 = vector.shape_cast %get3A_1732 : vector<16xf32> to vector<16xf32>
      %mul3A_1734 = arith.mulf %scan3A_1368#12, %get3A_1733 : vector<16xf32>
      %add3A_1735 = arith.addf %add3A_1730, %mul3A_1734 : vector<16xf32>
      %get3A_1736 = arith.constant 864 : index
      %get3A_1737 = tpu.vector_load %arg12[%get3A_1736] {strides = array<i32>} : memref<1024xf32, #tpu.memory_space<vmem>>, vector<16xf32>,
      %get3A_1738 = vector.shape_cast %get3A_1737 : vector<16xf32> to vector<16xf32>
      %mul3A_1739 = arith.mulf %scan3A_1368#13, %get3A_1738 : vector<16xf32>
      %add3A_1740 = arith.addf %add3A_1735, %mul3A_1739 : vector<16xf32>
      %get3A_1741 = arith.constant 928 : index
      %get3A_1742 = tpu.vector_load %arg12[%get3A_1741] {strides = array<i32>} : memref<1024xf32, #tpu.memory_space<vmem>>, vector<16xf32>,
      %get3A_1743 = vector.shape_cast %get3A_1742 : vector<16xf32> to vector<16xf32>
      %mul3A_1744 = arith.mulf %scan3A_1368#14, %get3A_1743 : vector<16xf32>
      %add3A_1745 = arith.addf %add3A_1740, %mul3A_1744 : vector<16xf32>
      %get3A_1746 = arith.constant 992 : index
      %get3A_1747 = tpu.vector_load %arg12[%get3A_1746] {strides = array<i32>} : memref<1024xf32, #tpu.memory_space<vmem>>, vector<16xf32>,
      %get3A_1748 = vector.shape_cast %get3A_1747 : vector<16xf32> to vector<16xf32>
      %mul3A_1749 = arith.mulf %scan3A_1368#15, %get3A_1748 : vector<16xf32>
      %add3A_1750 = arith.addf %add3A_1745, %mul3A_1749 : vector<16xf32>
      %add3A_1751 = arith.constant 1 : i32
      %add3A_1752 = vector.broadcast %add3A_1751 : i32 to vector<16xi32>
      %add3A_1753 = arith.addi %iota3A, %add3A_1752 : vector<16xi32>
      %and3A_1754 = arith.constant 15 : i32
      %and3A_1755 = vector.broadcast %and3A_1754 : i32 to vector<16xi32>
      %and3A_1756 = arith.andi %add3A_1753, %and3A_1755 : vector<16xi32>
      %lt3A_1757 = arith.constant 0 : i32
      %lt3A_1758 = vector.broadcast %lt3A_1757 : i32 to vector<16xi32>
      %lt3A_1759 = arith.cmpi slt, %and3A_1756, %lt3A_1758 : vector<16xi32>
      %add3A_1760 = arith.constant 16 : i32
      %add3A_1761 = vector.broadcast %add3A_1760 : i32 to vector<16xi32>
      %add3A_1762 = arith.addi %and3A_1756, %add3A_1761 : vector<16xi32>
      %select_n3A_1763 = arith.select %lt3A_1759, %add3A_1762, %and3A_1756 : vector<16xi1>, vector<16xi32>
      %broadcast_in_dim3A_1764 = vector.shape_cast %select_n3A_1763 : vector<16xi32> to vector<16x1xi32>
      %gather3A_1765 = vector.shape_cast %broadcast_in_dim3A_1764 : vector<16x1xi32> to vector<16xi32>
      %gather3A_1766 = tpu.dynamic_gather %add3A_1750[%gather3A_1765] in [0] : vector<16xf32>, vector<16xi32> -> vector<16xf32>
      %add3A_1767 = arith.addf %add3A_1750, %gather3A_1766 : vector<16xf32>
      %add3A_1768 = arith.constant 2 : i32
      %add3A_1769 = vector.broadcast %add3A_1768 : i32 to vector<16xi32>
      %add3A_1770 = arith.addi %iota3A, %add3A_1769 : vector<16xi32>
      %and3A_1771 = arith.constant 15 : i32
      %and3A_1772 = vector.broadcast %and3A_1771 : i32 to vector<16xi32>
      %and3A_1773 = arith.andi %add3A_1770, %and3A_1772 : vector<16xi32>
      %lt3A_1774 = arith.constant 0 : i32
      %lt3A_1775 = vector.broadcast %lt3A_1774 : i32 to vector<16xi32>
      %lt3A_1776 = arith.cmpi slt, %and3A_1773, %lt3A_1775 : vector<16xi32>
      %add3A_1777 = arith.constant 16 : i32
      %add3A_1778 = vector.broadcast %add3A_1777 : i32 to vector<16xi32>
      %add3A_1779 = arith.addi %and3A_1773, %add3A_1778 : vector<16xi32>
      %select_n3A_1780 = arith.select %lt3A_1776, %add3A_1779, %and3A_1773 : vector<16xi1>, vector<16xi32>
      %broadcast_in_dim3A_1781 = vector.shape_cast %select_n3A_1780 : vector<16xi32> to vector<16x1xi32>
      %gather3A_1782 = vector.shape_cast %broadcast_in_dim3A_1781 : vector<16x1xi32> to vector<16xi32>
      %gather3A_1783 = tpu.dynamic_gather %add3A_1767[%gather3A_1782] in [0] : vector<16xf32>, vector<16xi32> -> vector<16xf32>
      %add3A_1784 = arith.addf %add3A_1767, %gather3A_1783 : vector<16xf32>
      %add3A_1785 = arith.constant 4 : i32
      %add3A_1786 = vector.broadcast %add3A_1785 : i32 to vector<16xi32>
      %add3A_1787 = arith.addi %iota3A, %add3A_1786 : vector<16xi32>
      %and3A_1788 = arith.constant 15 : i32
      %and3A_1789 = vector.broadcast %and3A_1788 : i32 to vector<16xi32>
      %and3A_1790 = arith.andi %add3A_1787, %and3A_1789 : vector<16xi32>
      %lt3A_1791 = arith.constant 0 : i32
      %lt3A_1792 = vector.broadcast %lt3A_1791 : i32 to vector<16xi32>
      %lt3A_1793 = arith.cmpi slt, %and3A_1790, %lt3A_1792 : vector<16xi32>
      %add3A_1794 = arith.constant 16 : i32
      %add3A_1795 = vector.broadcast %add3A_1794 : i32 to vector<16xi32>
      %add3A_1796 = arith.addi %and3A_1790, %add3A_1795 : vector<16xi32>
      %select_n3A_1797 = arith.select %lt3A_1793, %add3A_1796, %and3A_1790 : vector<16xi1>, vector<16xi32>
      %broadcast_in_dim3A_1798 = vector.shape_cast %select_n3A_1797 : vector<16xi32> to vector<16x1xi32>
      %gather3A_1799 = vector.shape_cast %broadcast_in_dim3A_1798 : vector<16x1xi32> to vector<16xi32>
      %gather3A_1800 = tpu.dynamic_gather %add3A_1784[%gather3A_1799] in [0] : vector<16xf32>, vector<16xi32> -> vector<16xf32>
      %add3A_1801 = arith.addf %add3A_1784, %gather3A_1800 : vector<16xf32>
      %add3A_1802 = arith.constant 8 : i32
      %add3A_1803 = vector.broadcast %add3A_1802 : i32 to vector<16xi32>
      %add3A_1804 = arith.addi %iota3A, %add3A_1803 : vector<16xi32>
      %and3A_1805 = arith.constant 15 : i32
      %and3A_1806 = vector.broadcast %and3A_1805 : i32 to vector<16xi32>
      %and3A_1807 = arith.andi %add3A_1804, %and3A_1806 : vector<16xi32>
      %lt3A_1808 = arith.constant 0 : i32
      %lt3A_1809 = vector.broadcast %lt3A_1808 : i32 to vector<16xi32>
      %lt3A_1810 = arith.cmpi slt, %and3A_1807, %lt3A_1809 : vector<16xi32>
      %add3A_1811 = arith.constant 16 : i32
      %add3A_1812 = vector.broadcast %add3A_1811 : i32 to vector<16xi32>
      %add3A_1813 = arith.addi %and3A_1807, %add3A_1812 : vector<16xi32>
      %select_n3A_1814 = arith.select %lt3A_1810, %add3A_1813, %and3A_1807 : vector<16xi1>, vector<16xi32>
      %broadcast_in_dim3A_1815 = vector.shape_cast %select_n3A_1814 : vector<16xi32> to vector<16x1xi32>
      %gather3A_1816 = vector.shape_cast %broadcast_in_dim3A_1815 : vector<16x1xi32> to vector<16xi32>
      %gather3A_1817 = tpu.dynamic_gather %add3A_1801[%gather3A_1816] in [0] : vector<16xf32>, vector<16xi32> -> vector<16xf32>
      %add3A_1818 = arith.addf %add3A_1801, %gather3A_1817 : vector<16xf32>
      %eq3A_1819 = arith.constant 2 : i32
      %eq3A_1820 = vector.broadcast %eq3A_1819 : i32 to vector<16xi32>
      %eq3A_1821 = arith.cmpi eq, %iota3A, %eq3A_1820 : vector<16xi32>
      %select_n3A_1822 = arith.select %eq3A_1821, %add3A_1818, %select_n3A_1671 : vector<16xi1>, vector<16xf32>
      %get3A_1823 = arith.constant 48 : index
      %get3A_1824 = tpu.vector_load %arg12[%get3A_1823] {strides = array<i32>} : memref<1024xf32, #tpu.memory_space<vmem>>, vector<16xf32>,
      %get3A_1825 = vector.shape_cast %get3A_1824 : vector<16xf32> to vector<16xf32>
      %mul3A_1826 = arith.mulf %scan3A_1368#0, %get3A_1825 : vector<16xf32>
      %get3A_1827 = arith.constant 112 : index
      %get3A_1828 = tpu.vector_load %arg12[%get3A_1827] {strides = array<i32>} : memref<1024xf32, #tpu.memory_space<vmem>>, vector<16xf32>,
      %get3A_1829 = vector.shape_cast %get3A_1828 : vector<16xf32> to vector<16xf32>
      %mul3A_1830 = arith.mulf %scan3A_1368#1, %get3A_1829 : vector<16xf32>
      %add3A_1831 = arith.addf %mul3A_1826, %mul3A_1830 : vector<16xf32>
      %get3A_1832 = arith.constant 176 : index
      %get3A_1833 = tpu.vector_load %arg12[%get3A_1832] {strides = array<i32>} : memref<1024xf32, #tpu.memory_space<vmem>>, vector<16xf32>,
      %get3A_1834 = vector.shape_cast %get3A_1833 : vector<16xf32> to vector<16xf32>
      %mul3A_1835 = arith.mulf %scan3A_1368#2, %get3A_1834 : vector<16xf32>
      %add3A_1836 = arith.addf %add3A_1831, %mul3A_1835 : vector<16xf32>
      %get3A_1837 = arith.constant 240 : index
      %get3A_1838 = tpu.vector_load %arg12[%get3A_1837] {strides = array<i32>} : memref<1024xf32, #tpu.memory_space<vmem>>, vector<16xf32>,
      %get3A_1839 = vector.shape_cast %get3A_1838 : vector<16xf32> to vector<16xf32>
      %mul3A_1840 = arith.mulf %scan3A_1368#3, %get3A_1839 : vector<16xf32>
      %add3A_1841 = arith.addf %add3A_1836, %mul3A_1840 : vector<16xf32>
      %get3A_1842 = arith.constant 304 : index
      %get3A_1843 = tpu.vector_load %arg12[%get3A_1842] {strides = array<i32>} : memref<1024xf32, #tpu.memory_space<vmem>>, vector<16xf32>,
      %get3A_1844 = vector.shape_cast %get3A_1843 : vector<16xf32> to vector<16xf32>
      %mul3A_1845 = arith.mulf %scan3A_1368#4, %get3A_1844 : vector<16xf32>
      %add3A_1846 = arith.addf %add3A_1841, %mul3A_1845 : vector<16xf32>
      %get3A_1847 = arith.constant 368 : index
      %get3A_1848 = tpu.vector_load %arg12[%get3A_1847] {strides = array<i32>} : memref<1024xf32, #tpu.memory_space<vmem>>, vector<16xf32>,
      %get3A_1849 = vector.shape_cast %get3A_1848 : vector<16xf32> to vector<16xf32>
      %mul3A_1850 = arith.mulf %scan3A_1368#5, %get3A_1849 : vector<16xf32>
      %add3A_1851 = arith.addf %add3A_1846, %mul3A_1850 : vector<16xf32>
      %get3A_1852 = arith.constant 432 : index
      %get3A_1853 = tpu.vector_load %arg12[%get3A_1852] {strides = array<i32>} : memref<1024xf32, #tpu.memory_space<vmem>>, vector<16xf32>,
      %get3A_1854 = vector.shape_cast %get3A_1853 : vector<16xf32> to vector<16xf32>
      %mul3A_1855 = arith.mulf %scan3A_1368#6, %get3A_1854 : vector<16xf32>
      %add3A_1856 = arith.addf %add3A_1851, %mul3A_1855 : vector<16xf32>
      %get3A_1857 = arith.constant 496 : index
      %get3A_1858 = tpu.vector_load %arg12[%get3A_1857] {strides = array<i32>} : memref<1024xf32, #tpu.memory_space<vmem>>, vector<16xf32>,
      %get3A_1859 = vector.shape_cast %get3A_1858 : vector<16xf32> to vector<16xf32>
      %mul3A_1860 = arith.mulf %scan3A_1368#7, %get3A_1859 : vector<16xf32>
      %add3A_1861 = arith.addf %add3A_1856, %mul3A_1860 : vector<16xf32>
      %get3A_1862 = arith.constant 560 : index
      %get3A_1863 = tpu.vector_load %arg12[%get3A_1862] {strides = array<i32>} : memref<1024xf32, #tpu.memory_space<vmem>>, vector<16xf32>,
      %get3A_1864 = vector.shape_cast %get3A_1863 : vector<16xf32> to vector<16xf32>
      %mul3A_1865 = arith.mulf %scan3A_1368#8, %get3A_1864 : vector<16xf32>
      %add3A_1866 = arith.addf %add3A_1861, %mul3A_1865 : vector<16xf32>
      %get3A_1867 = arith.constant 624 : index
      %get3A_1868 = tpu.vector_load %arg12[%get3A_1867] {strides = array<i32>} : memref<1024xf32, #tpu.memory_space<vmem>>, vector<16xf32>,
      %get3A_1869 = vector.shape_cast %get3A_1868 : vector<16xf32> to vector<16xf32>
      %mul3A_1870 = arith.mulf %scan3A_1368#9, %get3A_1869 : vector<16xf32>
      %add3A_1871 = arith.addf %add3A_1866, %mul3A_1870 : vector<16xf32>
      %get3A_1872 = arith.constant 688 : index
      %get3A_1873 = tpu.vector_load %arg12[%get3A_1872] {strides = array<i32>} : memref<1024xf32, #tpu.memory_space<vmem>>, vector<16xf32>,
      %get3A_1874 = vector.shape_cast %get3A_1873 : vector<16xf32> to vector<16xf32>
      %mul3A_1875 = arith.mulf %scan3A_1368#10, %get3A_1874 : vector<16xf32>
      %add3A_1876 = arith.addf %add3A_1871, %mul3A_1875 : vector<16xf32>
      %get3A_1877 = arith.constant 752 : index
      %get3A_1878 = tpu.vector_load %arg12[%get3A_1877] {strides = array<i32>} : memref<1024xf32, #tpu.memory_space<vmem>>, vector<16xf32>,
      %get3A_1879 = vector.shape_cast %get3A_1878 : vector<16xf32> to vector<16xf32>
      %mul3A_1880 = arith.mulf %scan3A_1368#11, %get3A_1879 : vector<16xf32>
      %add3A_1881 = arith.addf %add3A_1876, %mul3A_1880 : vector<16xf32>
      %get3A_1882 = arith.constant 816 : index
      %get3A_1883 = tpu.vector_load %arg12[%get3A_1882] {strides = array<i32>} : memref<1024xf32, #tpu.memory_space<vmem>>, vector<16xf32>,
      %get3A_1884 = vector.shape_cast %get3A_1883 : vector<16xf32> to vector<16xf32>
      %mul3A_1885 = arith.mulf %scan3A_1368#12, %get3A_1884 : vector<16xf32>
      %add3A_1886 = arith.addf %add3A_1881, %mul3A_1885 : vector<16xf32>
      %get3A_1887 = arith.constant 880 : index
      %get3A_1888 = tpu.vector_load %arg12[%get3A_1887] {strides = array<i32>} : memref<1024xf32, #tpu.memory_space<vmem>>, vector<16xf32>,
      %get3A_1889 = vector.shape_cast %get3A_1888 : vector<16xf32> to vector<16xf32>
      %mul3A_1890 = arith.mulf %scan3A_1368#13, %get3A_1889 : vector<16xf32>
      %add3A_1891 = arith.addf %add3A_1886, %mul3A_1890 : vector<16xf32>
      %get3A_1892 = arith.constant 944 : index
      %get3A_1893 = tpu.vector_load %arg12[%get3A_1892] {strides = array<i32>} : memref<1024xf32, #tpu.memory_space<vmem>>, vector<16xf32>,
      %get3A_1894 = vector.shape_cast %get3A_1893 : vector<16xf32> to vector<16xf32>
      %mul3A_1895 = arith.mulf %scan3A_1368#14, %get3A_1894 : vector<16xf32>
      %add3A_1896 = arith.addf %add3A_1891, %mul3A_1895 : vector<16xf32>
      %get3A_1897 = arith.constant 1008 : index
      %get3A_1898 = tpu.vector_load %arg12[%get3A_1897] {strides = array<i32>} : memref<1024xf32, #tpu.memory_space<vmem>>, vector<16xf32>,
      %get3A_1899 = vector.shape_cast %get3A_1898 : vector<16xf32> to vector<16xf32>
      %mul3A_1900 = arith.mulf %scan3A_1368#15, %get3A_1899 : vector<16xf32>
      %add3A_1901 = arith.addf %add3A_1896, %mul3A_1900 : vector<16xf32>
      %add3A_1902 = arith.constant 1 : i32
      %add3A_1903 = vector.broadcast %add3A_1902 : i32 to vector<16xi32>
      %add3A_1904 = arith.addi %iota3A, %add3A_1903 : vector<16xi32>
      %and3A_1905 = arith.constant 15 : i32
      %and3A_1906 = vector.broadcast %and3A_1905 : i32 to vector<16xi32>
      %and3A_1907 = arith.andi %add3A_1904, %and3A_1906 : vector<16xi32>
      %lt3A_1908 = arith.constant 0 : i32
      %lt3A_1909 = vector.broadcast %lt3A_1908 : i32 to vector<16xi32>
      %lt3A_1910 = arith.cmpi slt, %and3A_1907, %lt3A_1909 : vector<16xi32>
      %add3A_1911 = arith.constant 16 : i32
      %add3A_1912 = vector.broadcast %add3A_1911 : i32 to vector<16xi32>
      %add3A_1913 = arith.addi %and3A_1907, %add3A_1912 : vector<16xi32>
      %select_n3A_1914 = arith.select %lt3A_1910, %add3A_1913, %and3A_1907 : vector<16xi1>, vector<16xi32>
      %broadcast_in_dim3A_1915 = vector.shape_cast %select_n3A_1914 : vector<16xi32> to vector<16x1xi32>
      %gather3A_1916 = vector.shape_cast %broadcast_in_dim3A_1915 : vector<16x1xi32> to vector<16xi32>
      %gather3A_1917 = tpu.dynamic_gather %add3A_1901[%gather3A_1916] in [0] : vector<16xf32>, vector<16xi32> -> vector<16xf32>
      %add3A_1918 = arith.addf %add3A_1901, %gather3A_1917 : vector<16xf32>
      %add3A_1919 = arith.constant 2 : i32
      %add3A_1920 = vector.broadcast %add3A_1919 : i32 to vector<16xi32>
      %add3A_1921 = arith.addi %iota3A, %add3A_1920 : vector<16xi32>
      %and3A_1922 = arith.constant 15 : i32
      %and3A_1923 = vector.broadcast %and3A_1922 : i32 to vector<16xi32>
      %and3A_1924 = arith.andi %add3A_1921, %and3A_1923 : vector<16xi32>
      %lt3A_1925 = arith.constant 0 : i32
      %lt3A_1926 = vector.broadcast %lt3A_1925 : i32 to vector<16xi32>
      %lt3A_1927 = arith.cmpi slt, %and3A_1924, %lt3A_1926 : vector<16xi32>
      %add3A_1928 = arith.constant 16 : i32
      %add3A_1929 = vector.broadcast %add3A_1928 : i32 to vector<16xi32>
      %add3A_1930 = arith.addi %and3A_1924, %add3A_1929 : vector<16xi32>
      %select_n3A_1931 = arith.select %lt3A_1927, %add3A_1930, %and3A_1924 : vector<16xi1>, vector<16xi32>
      %broadcast_in_dim3A_1932 = vector.shape_cast %select_n3A_1931 : vector<16xi32> to vector<16x1xi32>
      %gather3A_1933 = vector.shape_cast %broadcast_in_dim3A_1932 : vector<16x1xi32> to vector<16xi32>
      %gather3A_1934 = tpu.dynamic_gather %add3A_1918[%gather3A_1933] in [0] : vector<16xf32>, vector<16xi32> -> vector<16xf32>
      %add3A_1935 = arith.addf %add3A_1918, %gather3A_1934 : vector<16xf32>
      %add3A_1936 = arith.constant 4 : i32
      %add3A_1937 = vector.broadcast %add3A_1936 : i32 to vector<16xi32>
      %add3A_1938 = arith.addi %iota3A, %add3A_1937 : vector<16xi32>
      %and3A_1939 = arith.constant 15 : i32
      %and3A_1940 = vector.broadcast %and3A_1939 : i32 to vector<16xi32>
      %and3A_1941 = arith.andi %add3A_1938, %and3A_1940 : vector<16xi32>
      %lt3A_1942 = arith.constant 0 : i32
      %lt3A_1943 = vector.broadcast %lt3A_1942 : i32 to vector<16xi32>
      %lt3A_1944 = arith.cmpi slt, %and3A_1941, %lt3A_1943 : vector<16xi32>
      %add3A_1945 = arith.constant 16 : i32
      %add3A_1946 = vector.broadcast %add3A_1945 : i32 to vector<16xi32>
      %add3A_1947 = arith.addi %and3A_1941, %add3A_1946 : vector<16xi32>
      %select_n3A_1948 = arith.select %lt3A_1944, %add3A_1947, %and3A_1941 : vector<16xi1>, vector<16xi32>
      %broadcast_in_dim3A_1949 = vector.shape_cast %select_n3A_1948 : vector<16xi32> to vector<16x1xi32>
      %gather3A_1950 = vector.shape_cast %broadcast_in_dim3A_1949 : vector<16x1xi32> to vector<16xi32>
      %gather3A_1951 = tpu.dynamic_gather %add3A_1935[%gather3A_1950] in [0] : vector<16xf32>, vector<16xi32> -> vector<16xf32>
      %add3A_1952 = arith.addf %add3A_1935, %gather3A_1951 : vector<16xf32>
      %add3A_1953 = arith.constant 8 : i32
      %add3A_1954 = vector.broadcast %add3A_1953 : i32 to vector<16xi32>
      %add3A_1955 = arith.addi %iota3A, %add3A_1954 : vector<16xi32>
      %and3A_1956 = arith.constant 15 : i32
      %and3A_1957 = vector.broadcast %and3A_1956 : i32 to vector<16xi32>
      %and3A_1958 = arith.andi %add3A_1955, %and3A_1957 : vector<16xi32>
      %lt3A_1959 = arith.constant 0 : i32
      %lt3A_1960 = vector.broadcast %lt3A_1959 : i32 to vector<16xi32>
      %lt3A_1961 = arith.cmpi slt, %and3A_1958, %lt3A_1960 : vector<16xi32>
      %add3A_1962 = arith.constant 16 : i32
      %add3A_1963 = vector.broadcast %add3A_1962 : i32 to vector<16xi32>
      %add3A_1964 = arith.addi %and3A_1958, %add3A_1963 : vector<16xi32>
      %select_n3A_1965 = arith.select %lt3A_1961, %add3A_1964, %and3A_1958 : vector<16xi1>, vector<16xi32>
      %broadcast_in_dim3A_1966 = vector.shape_cast %select_n3A_1965 : vector<16xi32> to vector<16x1xi32>
      %gather3A_1967 = vector.shape_cast %broadcast_in_dim3A_1966 : vector<16x1xi32> to vector<16xi32>
      %gather3A_1968 = tpu.dynamic_gather %add3A_1952[%gather3A_1967] in [0] : vector<16xf32>, vector<16xi32> -> vector<16xf32>
      %add3A_1969 = arith.addf %add3A_1952, %gather3A_1968 : vector<16xf32>
      %eq3A_1970 = arith.constant 3 : i32
      %eq3A_1971 = vector.broadcast %eq3A_1970 : i32 to vector<16xi32>
      %eq3A_1972 = arith.cmpi eq, %iota3A, %eq3A_1971 : vector<16xi32>
      %select_n3A_1973 = arith.select %eq3A_1972, %add3A_1969, %select_n3A_1822 : vector<16xi1>, vector<16xf32>
      %add3A_1974 = arith.constant 2 : i32
      %add3A_1975 = arith.addi %mul3A_1339, %add3A_1974 : i32
      %dma_start3A_1976 = arith.constant 0 : i32
      %dma_start3A_1977 = arith.constant 0 : i32
      %dma_start3A_1978 = tpu.memref_slice %arg8[%dma_start3A_1976, %dma_start3A_1977] : memref<64x128xf32, #tpu.memory_space<vmem>> -> memref<50x128xf32, #tpu.memory_space<vmem>>
      %dma_start3A_1979 = arith.constant 0 : i32
      %dma_start3A_1980 = tpu.memref_slice %arg7[%add3A_1975, %dma_start3A_1979] : memref<128x50xi32, #tpu.memory_space<vmem>> -> memref<1x50xi32, #tpu.memory_space<vmem>>
      %dma_start3A_1981 = tpu.memref_squeeze %dma_start3A_1980 : memref<1x50xi32, #tpu.memory_space<vmem>> -> memref<50xi32, #tpu.memory_space<vmem>>
      %dma_start3A_1982 = arith.constant 0 : i32
      %dma_start3A_1983 = arith.constant 0 : i32
      %dma_start3A_1984 = tpu.memref_slice %arg2[%dma_start3A_1982, %dma_start3A_1983] : memref<1000001x300xf32, #tpu.memory_space<hbm>> -> memref<1000001x128xf32, #tpu.memory_space<hbm>>
      %dma_start3A_1985 = arith.constant 0 : i32
      %dma_start3A_1986 = arith.constant 0 : i32
      %dma_start3A_1987 = tpu.memref_slice %dma_start3A_1984[%dma_start3A_1985, %dma_start3A_1986] : memref<1000001x128xf32, #tpu.memory_space<hbm>> -> memref<1000001x128xf32, #tpu.memory_space<hbm>>
      tpu.enqueue_indirect_dma source(%dma_start3A_1987 : memref<1000001x128xf32, #tpu.memory_space<hbm>>) target(%dma_start3A_1978 : memref<50x128xf32, #tpu.memory_space<vmem>>) offsets(%dma_start3A_1981 : memref<50xi32, #tpu.memory_space<vmem>>) semaphore(%arg15 : memref<!tpu.dma_semaphore, #tpu.memory_space<semaphore_mem>>)
      %dma_start3A_1988 = arith.constant 0 : i32
      %dma_start3A_1989 = arith.constant 0 : i32
      %dma_start3A_1990 = tpu.memref_slice %arg10[%dma_start3A_1988, %dma_start3A_1989] : memref<64x128xf32, #tpu.memory_space<vmem>> -> memref<50x128xf32, #tpu.memory_space<vmem>>
      %dma_start3A_1991 = arith.constant 0 : i32
      %dma_start3A_1992 = tpu.memref_slice %arg7[%add3A_1975, %dma_start3A_1991] : memref<128x50xi32, #tpu.memory_space<vmem>> -> memref<1x50xi32, #tpu.memory_space<vmem>>
      %dma_start3A_1993 = tpu.memref_squeeze %dma_start3A_1992 : memref<1x50xi32, #tpu.memory_space<vmem>> -> memref<50xi32, #tpu.memory_space<vmem>>
      %dma_start3A_1994 = arith.constant 0 : i32
      %dma_start3A_1995 = arith.constant 128 : i32
      %dma_start3A_1996 = tpu.memref_slice %arg2[%dma_start3A_1994, %dma_start3A_1995] : memref<1000001x300xf32, #tpu.memory_space<hbm>> -> memref<1000001x128xf32, #tpu.memory_space<hbm>>
      %dma_start3A_1997 = arith.constant 0 : i32
      %dma_start3A_1998 = arith.constant 0 : i32
      %dma_start3A_1999 = tpu.memref_slice %dma_start3A_1996[%dma_start3A_1997, %dma_start3A_1998] : memref<1000001x128xf32, #tpu.memory_space<hbm>> -> memref<1000001x128xf32, #tpu.memory_space<hbm>>
      tpu.enqueue_indirect_dma source(%dma_start3A_1999 : memref<1000001x128xf32, #tpu.memory_space<hbm>>) target(%dma_start3A_1990 : memref<50x128xf32, #tpu.memory_space<vmem>>) offsets(%dma_start3A_1993 : memref<50xi32, #tpu.memory_space<vmem>>) semaphore(%arg17 : memref<!tpu.dma_semaphore, #tpu.memory_space<semaphore_mem>>)
      %add3A_2000 = arith.constant 1 : i32
      %add3A_2001 = arith.addi %mul3A_1339, %add3A_2000 : i32
      %dma_wait3A_2002 = arith.constant 0 : i32
      %dma_wait3A_2003 = arith.constant 0 : i32
      %dma_wait3A_2004 = tpu.memref_slice %arg9[%dma_wait3A_2002, %dma_wait3A_2003] : memref<64x128xf32, #tpu.memory_space<vmem>> -> memref<50x128xf32, #tpu.memory_space<vmem>>
      %dma_wait3A_2005 = arith.constant 0 : i32
      %dma_wait3A_2006 = tpu.memref_slice %arg7[%add3A_2001, %dma_wait3A_2005] : memref<128x50xi32, #tpu.memory_space<vmem>> -> memref<1x50xi32, #tpu.memory_space<vmem>>
      %dma_wait3A_2007 = tpu.memref_squeeze %dma_wait3A_2006 : memref<1x50xi32, #tpu.memory_space<vmem>> -> memref<50xi32, #tpu.memory_space<vmem>>
      %dma_wait3A_2008 = arith.constant 0 : i32
      %dma_wait3A_2009 = arith.constant 0 : i32
      %dma_wait3A_2010 = tpu.memref_slice %arg2[%dma_wait3A_2008, %dma_wait3A_2009] : memref<1000001x300xf32, #tpu.memory_space<hbm>> -> memref<1000001x128xf32, #tpu.memory_space<hbm>>
      %dma_wait3A_2011 = arith.constant 0 : i32
      %dma_wait3A_2012 = arith.constant 0 : i32
      %dma_wait3A_2013 = tpu.memref_slice %dma_wait3A_2010[%dma_wait3A_2011, %dma_wait3A_2012] : memref<1000001x128xf32, #tpu.memory_space<hbm>> -> memref<1000001x128xf32, #tpu.memory_space<hbm>>
      tpu.wait_indirect_dma semaphore(%arg16 : memref<!tpu.dma_semaphore, #tpu.memory_space<semaphore_mem>>) src(%dma_wait3A_2013 : memref<1000001x128xf32, #tpu.memory_space<hbm>>) dst(%dma_wait3A_2004 : memref<50x128xf32, #tpu.memory_space<vmem>>)
      %dma_wait3A_2014 = arith.constant 0 : i32
      %dma_wait3A_2015 = arith.constant 0 : i32
      %dma_wait3A_2016 = tpu.memref_slice %arg11[%dma_wait3A_2014, %dma_wait3A_2015] : memref<64x128xf32, #tpu.memory_space<vmem>> -> memref<50x128xf32, #tpu.memory_space<vmem>>
      %dma_wait3A_2017 = arith.constant 0 : i32
      %dma_wait3A_2018 = tpu.memref_slice %arg7[%add3A_2001, %dma_wait3A_2017] : memref<128x50xi32, #tpu.memory_space<vmem>> -> memref<1x50xi32, #tpu.memory_space<vmem>>
      %dma_wait3A_2019 = tpu.memref_squeeze %dma_wait3A_2018 : memref<1x50xi32, #tpu.memory_space<vmem>> -> memref<50xi32, #tpu.memory_space<vmem>>
      %dma_wait3A_2020 = arith.constant 0 : i32
      %dma_wait3A_2021 = arith.constant 128 : i32
      %dma_wait3A_2022 = tpu.memref_slice %arg2[%dma_wait3A_2020, %dma_wait3A_2021] : memref<1000001x300xf32, #tpu.memory_space<hbm>> -> memref<1000001x128xf32, #tpu.memory_space<hbm>>
      %dma_wait3A_2023 = arith.constant 0 : i32
      %dma_wait3A_2024 = arith.constant 0 : i32
      %dma_wait3A_2025 = tpu.memref_slice %dma_wait3A_2022[%dma_wait3A_2023, %dma_wait3A_2024] : memref<1000001x128xf32, #tpu.memory_space<hbm>> -> memref<1000001x128xf32, #tpu.memory_space<hbm>>
      tpu.wait_indirect_dma semaphore(%arg18 : memref<!tpu.dma_semaphore, #tpu.memory_space<semaphore_mem>>) src(%dma_wait3A_2025 : memref<1000001x128xf32, #tpu.memory_space<hbm>>) dst(%dma_wait3A_2016 : memref<50x128xf32, #tpu.memory_space<vmem>>)
      %add3A_2026 = arith.constant 1 : i32
      %add3A_2027 = arith.addi %mul3A_1339, %add3A_2026 : i32
      %scan3A_2028 = arith.constant 0 : i32
      %scan3A_2029 = arith.constant 50 : i32
      %scan3A_2030 = arith.addi %scan3A_2028, %scan3A_2029 : i32
      %scan3A_2031 = arith.constant 1 : i32
      %scan3A_2032:16 = scf.for %scan3A_2672 = %scan3A_2028 to %scan3A_2030 step %scan3A_2031 iter_args(%scan3A_2673 = %broadcast_in_dim3A_5, %scan3A_2674 = %broadcast_in_dim3A_5, %scan3A_2675 = %broadcast_in_dim3A_5, %scan3A_2676 = %broadcast_in_dim3A_5, %scan3A_2677 = %broadcast_in_dim3A_5, %scan3A_2678 = %broadcast_in_dim3A_5, %scan3A_2679 = %broadcast_in_dim3A_5, %scan3A_2680 = %broadcast_in_dim3A_5, %scan3A_2681 = %broadcast_in_dim3A_5, %scan3A_2682 = %broadcast_in_dim3A_5, %scan3A_2683 = %broadcast_in_dim3A_5, %scan3A_2684 = %broadcast_in_dim3A_5, %scan3A_2685 = %broadcast_in_dim3A_5, %scan3A_2686 = %broadcast_in_dim3A_5, %scan3A_2687 = %broadcast_in_dim3A_5, %scan3A_2688 = %broadcast_in_dim3A_5) -> (vector<16xf32>, vector<16xf32>, vector<16xf32>, vector<16xf32>, vector<16xf32>, vector<16xf32>, vector<16xf32>, vector<16xf32>, vector<16xf32>, vector<16xf32>, vector<16xf32>, vector<16xf32>, vector<16xf32>, vector<16xf32>, vector<16xf32>, vector<16xf32>)  : i32 {
        %get3A_2689 = arith.index_cast %scan3A_2672 : i32 to index
        %get3A_2690 = arith.constant 0 : index
        %get3A_2691 = tpu.vector_load %arg9[%get3A_2689, %get3A_2690] {strides = array<i32>} : memref<64x128xf32, #tpu.memory_space<vmem>>, vector<1x16xf32>,
        %get3A_2692 = vector.shape_cast %get3A_2691 : vector<1x16xf32> to vector<16xf32>
        %add3A_2693 = arith.addf %scan3A_2673, %get3A_2692 : vector<16xf32>
        %get3A_2694 = arith.index_cast %scan3A_2672 : i32 to index
        %get3A_2695 = arith.constant 16 : index
        %get3A_2696 = tpu.vector_load %arg9[%get3A_2694, %get3A_2695] {strides = array<i32>} : memref<64x128xf32, #tpu.memory_space<vmem>>, vector<1x16xf32>,
        %get3A_2697 = vector.shape_cast %get3A_2696 : vector<1x16xf32> to vector<16xf32>
        %add3A_2698 = arith.addf %scan3A_2674, %get3A_2697 : vector<16xf32>
        %get3A_2699 = arith.index_cast %scan3A_2672 : i32 to index
        %get3A_2700 = arith.constant 32 : index
        %get3A_2701 = tpu.vector_load %arg9[%get3A_2699, %get3A_2700] {strides = array<i32>} : memref<64x128xf32, #tpu.memory_space<vmem>>, vector<1x16xf32>,
        %get3A_2702 = vector.shape_cast %get3A_2701 : vector<1x16xf32> to vector<16xf32>
        %add3A_2703 = arith.addf %scan3A_2675, %get3A_2702 : vector<16xf32>
        %get3A_2704 = arith.index_cast %scan3A_2672 : i32 to index
        %get3A_2705 = arith.constant 48 : index
        %get3A_2706 = tpu.vector_load %arg9[%get3A_2704, %get3A_2705] {strides = array<i32>} : memref<64x128xf32, #tpu.memory_space<vmem>>, vector<1x16xf32>,
        %get3A_2707 = vector.shape_cast %get3A_2706 : vector<1x16xf32> to vector<16xf32>
        %add3A_2708 = arith.addf %scan3A_2676, %get3A_2707 : vector<16xf32>
        %get3A_2709 = arith.index_cast %scan3A_2672 : i32 to index
        %get3A_2710 = arith.constant 64 : index
        %get3A_2711 = tpu.vector_load %arg9[%get3A_2709, %get3A_2710] {strides = array<i32>} : memref<64x128xf32, #tpu.memory_space<vmem>>, vector<1x16xf32>,
        %get3A_2712 = vector.shape_cast %get3A_2711 : vector<1x16xf32> to vector<16xf32>
        %add3A_2713 = arith.addf %scan3A_2677, %get3A_2712 : vector<16xf32>
        %get3A_2714 = arith.index_cast %scan3A_2672 : i32 to index
        %get3A_2715 = arith.constant 80 : index
        %get3A_2716 = tpu.vector_load %arg9[%get3A_2714, %get3A_2715] {strides = array<i32>} : memref<64x128xf32, #tpu.memory_space<vmem>>, vector<1x16xf32>,
        %get3A_2717 = vector.shape_cast %get3A_2716 : vector<1x16xf32> to vector<16xf32>
        %add3A_2718 = arith.addf %scan3A_2678, %get3A_2717 : vector<16xf32>
        %get3A_2719 = arith.index_cast %scan3A_2672 : i32 to index
        %get3A_2720 = arith.constant 96 : index
        %get3A_2721 = tpu.vector_load %arg9[%get3A_2719, %get3A_2720] {strides = array<i32>} : memref<64x128xf32, #tpu.memory_space<vmem>>, vector<1x16xf32>,
        %get3A_2722 = vector.shape_cast %get3A_2721 : vector<1x16xf32> to vector<16xf32>
        %add3A_2723 = arith.addf %scan3A_2679, %get3A_2722 : vector<16xf32>
        %get3A_2724 = arith.index_cast %scan3A_2672 : i32 to index
        %get3A_2725 = arith.constant 112 : index
        %get3A_2726 = tpu.vector_load %arg9[%get3A_2724, %get3A_2725] {strides = array<i32>} : memref<64x128xf32, #tpu.memory_space<vmem>>, vector<1x16xf32>,
        %get3A_2727 = vector.shape_cast %get3A_2726 : vector<1x16xf32> to vector<16xf32>
        %add3A_2728 = arith.addf %scan3A_2680, %get3A_2727 : vector<16xf32>
        %get3A_2729 = arith.index_cast %scan3A_2672 : i32 to index
        %get3A_2730 = arith.constant 0 : index
        %get3A_2731 = tpu.vector_load %arg11[%get3A_2729, %get3A_2730] {strides = array<i32>} : memref<64x128xf32, #tpu.memory_space<vmem>>, vector<1x16xf32>,
        %get3A_2732 = vector.shape_cast %get3A_2731 : vector<1x16xf32> to vector<16xf32>
        %add3A_2733 = arith.addf %scan3A_2681, %get3A_2732 : vector<16xf32>
        %get3A_2734 = arith.index_cast %scan3A_2672 : i32 to index
        %get3A_2735 = arith.constant 16 : index
        %get3A_2736 = tpu.vector_load %arg11[%get3A_2734, %get3A_2735] {strides = array<i32>} : memref<64x128xf32, #tpu.memory_space<vmem>>, vector<1x16xf32>,
        %get3A_2737 = vector.shape_cast %get3A_2736 : vector<1x16xf32> to vector<16xf32>
        %add3A_2738 = arith.addf %scan3A_2682, %get3A_2737 : vector<16xf32>
        %get3A_2739 = arith.index_cast %scan3A_2672 : i32 to index
        %get3A_2740 = arith.constant 32 : index
        %get3A_2741 = tpu.vector_load %arg11[%get3A_2739, %get3A_2740] {strides = array<i32>} : memref<64x128xf32, #tpu.memory_space<vmem>>, vector<1x16xf32>,
        %get3A_2742 = vector.shape_cast %get3A_2741 : vector<1x16xf32> to vector<16xf32>
        %add3A_2743 = arith.addf %scan3A_2683, %get3A_2742 : vector<16xf32>
        %get3A_2744 = arith.index_cast %scan3A_2672 : i32 to index
        %get3A_2745 = arith.constant 48 : index
        %get3A_2746 = tpu.vector_load %arg11[%get3A_2744, %get3A_2745] {strides = array<i32>} : memref<64x128xf32, #tpu.memory_space<vmem>>, vector<1x16xf32>,
        %get3A_2747 = vector.shape_cast %get3A_2746 : vector<1x16xf32> to vector<16xf32>
        %add3A_2748 = arith.addf %scan3A_2684, %get3A_2747 : vector<16xf32>
        %get3A_2749 = arith.index_cast %scan3A_2672 : i32 to index
        %get3A_2750 = arith.constant 64 : index
        %get3A_2751 = tpu.vector_load %arg11[%get3A_2749, %get3A_2750] {strides = array<i32>} : memref<64x128xf32, #tpu.memory_space<vmem>>, vector<1x16xf32>,
        %get3A_2752 = vector.shape_cast %get3A_2751 : vector<1x16xf32> to vector<16xf32>
        %add3A_2753 = arith.addf %scan3A_2685, %get3A_2752 : vector<16xf32>
        %get3A_2754 = arith.index_cast %scan3A_2672 : i32 to index
        %get3A_2755 = arith.constant 80 : index
        %get3A_2756 = tpu.vector_load %arg11[%get3A_2754, %get3A_2755] {strides = array<i32>} : memref<64x128xf32, #tpu.memory_space<vmem>>, vector<1x16xf32>,
        %get3A_2757 = vector.shape_cast %get3A_2756 : vector<1x16xf32> to vector<16xf32>
        %add3A_2758 = arith.addf %scan3A_2686, %get3A_2757 : vector<16xf32>
        %get3A_2759 = arith.index_cast %scan3A_2672 : i32 to index
        %get3A_2760 = arith.constant 96 : index
        %get3A_2761 = tpu.vector_load %arg11[%get3A_2759, %get3A_2760] {strides = array<i32>} : memref<64x128xf32, #tpu.memory_space<vmem>>, vector<1x16xf32>,
        %get3A_2762 = vector.shape_cast %get3A_2761 : vector<1x16xf32> to vector<16xf32>
        %add3A_2763 = arith.addf %scan3A_2687, %get3A_2762 : vector<16xf32>
        %get3A_2764 = arith.index_cast %scan3A_2672 : i32 to index
        %get3A_2765 = arith.constant 112 : index
        %get3A_2766 = tpu.vector_load %arg11[%get3A_2764, %get3A_2765] {strides = array<i32>} : memref<64x128xf32, #tpu.memory_space<vmem>>, vector<1x16xf32>,
        %get3A_2767 = vector.shape_cast %get3A_2766 : vector<1x16xf32> to vector<16xf32>
        %add3A_2768 = arith.addf %scan3A_2688, %get3A_2767 : vector<16xf32>
        scf.yield %add3A_2693, %add3A_2698, %add3A_2703, %add3A_2708, %add3A_2713, %add3A_2718, %add3A_2723, %add3A_2728, %add3A_2733, %add3A_2738, %add3A_2743, %add3A_2748, %add3A_2753, %add3A_2758, %add3A_2763, %add3A_2768 : vector<16xf32>, vector<16xf32>, vector<16xf32>, vector<16xf32>, vector<16xf32>, vector<16xf32>, vector<16xf32>, vector<16xf32>, vector<16xf32>, vector<16xf32>, vector<16xf32>, vector<16xf32>, vector<16xf32>, vector<16xf32>, vector<16xf32>, vector<16xf32>
      }
      %scan3A_2033 = arith.constant 50 : i32
      %get3A_2034 = arith.constant 0 : index
      %get3A_2035 = tpu.vector_load %arg12[%get3A_2034] {strides = array<i32>} : memref<1024xf32, #tpu.memory_space<vmem>>, vector<16xf32>,
      %get3A_2036 = vector.shape_cast %get3A_2035 : vector<16xf32> to vector<16xf32>
      %mul3A_2037 = arith.mulf %scan3A_2032#0, %get3A_2036 : vector<16xf32>
      %get3A_2038 = arith.constant 64 : index
      %get3A_2039 = tpu.vector_load %arg12[%get3A_2038] {strides = array<i32>} : memref<1024xf32, #tpu.memory_space<vmem>>, vector<16xf32>,
      %get3A_2040 = vector.shape_cast %get3A_2039 : vector<16xf32> to vector<16xf32>
      %mul3A_2041 = arith.mulf %scan3A_2032#1, %get3A_2040 : vector<16xf32>
      %add3A_2042 = arith.addf %mul3A_2037, %mul3A_2041 : vector<16xf32>
      %get3A_2043 = arith.constant 128 : index
      %get3A_2044 = tpu.vector_load %arg12[%get3A_2043] {strides = array<i32>} : memref<1024xf32, #tpu.memory_space<vmem>>, vector<16xf32>,
      %get3A_2045 = vector.shape_cast %get3A_2044 : vector<16xf32> to vector<16xf32>
      %mul3A_2046 = arith.mulf %scan3A_2032#2, %get3A_2045 : vector<16xf32>
      %add3A_2047 = arith.addf %add3A_2042, %mul3A_2046 : vector<16xf32>
      %get3A_2048 = arith.constant 192 : index
      %get3A_2049 = tpu.vector_load %arg12[%get3A_2048] {strides = array<i32>} : memref<1024xf32, #tpu.memory_space<vmem>>, vector<16xf32>,
      %get3A_2050 = vector.shape_cast %get3A_2049 : vector<16xf32> to vector<16xf32>
      %mul3A_2051 = arith.mulf %scan3A_2032#3, %get3A_2050 : vector<16xf32>
      %add3A_2052 = arith.addf %add3A_2047, %mul3A_2051 : vector<16xf32>
      %get3A_2053 = arith.constant 256 : index
      %get3A_2054 = tpu.vector_load %arg12[%get3A_2053] {strides = array<i32>} : memref<1024xf32, #tpu.memory_space<vmem>>, vector<16xf32>,
      %get3A_2055 = vector.shape_cast %get3A_2054 : vector<16xf32> to vector<16xf32>
      %mul3A_2056 = arith.mulf %scan3A_2032#4, %get3A_2055 : vector<16xf32>
      %add3A_2057 = arith.addf %add3A_2052, %mul3A_2056 : vector<16xf32>
      %get3A_2058 = arith.constant 320 : index
      %get3A_2059 = tpu.vector_load %arg12[%get3A_2058] {strides = array<i32>} : memref<1024xf32, #tpu.memory_space<vmem>>, vector<16xf32>,
      %get3A_2060 = vector.shape_cast %get3A_2059 : vector<16xf32> to vector<16xf32>
      %mul3A_2061 = arith.mulf %scan3A_2032#5, %get3A_2060 : vector<16xf32>
      %add3A_2062 = arith.addf %add3A_2057, %mul3A_2061 : vector<16xf32>
      %get3A_2063 = arith.constant 384 : index
      %get3A_2064 = tpu.vector_load %arg12[%get3A_2063] {strides = array<i32>} : memref<1024xf32, #tpu.memory_space<vmem>>, vector<16xf32>,
      %get3A_2065 = vector.shape_cast %get3A_2064 : vector<16xf32> to vector<16xf32>
      %mul3A_2066 = arith.mulf %scan3A_2032#6, %get3A_2065 : vector<16xf32>
      %add3A_2067 = arith.addf %add3A_2062, %mul3A_2066 : vector<16xf32>
      %get3A_2068 = arith.constant 448 : index
      %get3A_2069 = tpu.vector_load %arg12[%get3A_2068] {strides = array<i32>} : memref<1024xf32, #tpu.memory_space<vmem>>, vector<16xf32>,
      %get3A_2070 = vector.shape_cast %get3A_2069 : vector<16xf32> to vector<16xf32>
      %mul3A_2071 = arith.mulf %scan3A_2032#7, %get3A_2070 : vector<16xf32>
      %add3A_2072 = arith.addf %add3A_2067, %mul3A_2071 : vector<16xf32>
      %get3A_2073 = arith.constant 512 : index
      %get3A_2074 = tpu.vector_load %arg12[%get3A_2073] {strides = array<i32>} : memref<1024xf32, #tpu.memory_space<vmem>>, vector<16xf32>,
      %get3A_2075 = vector.shape_cast %get3A_2074 : vector<16xf32> to vector<16xf32>
      %mul3A_2076 = arith.mulf %scan3A_2032#8, %get3A_2075 : vector<16xf32>
      %add3A_2077 = arith.addf %add3A_2072, %mul3A_2076 : vector<16xf32>
      %get3A_2078 = arith.constant 576 : index
      %get3A_2079 = tpu.vector_load %arg12[%get3A_2078] {strides = array<i32>} : memref<1024xf32, #tpu.memory_space<vmem>>, vector<16xf32>,
      %get3A_2080 = vector.shape_cast %get3A_2079 : vector<16xf32> to vector<16xf32>
      %mul3A_2081 = arith.mulf %scan3A_2032#9, %get3A_2080 : vector<16xf32>
      %add3A_2082 = arith.addf %add3A_2077, %mul3A_2081 : vector<16xf32>
      %get3A_2083 = arith.constant 640 : index
      %get3A_2084 = tpu.vector_load %arg12[%get3A_2083] {strides = array<i32>} : memref<1024xf32, #tpu.memory_space<vmem>>, vector<16xf32>,
      %get3A_2085 = vector.shape_cast %get3A_2084 : vector<16xf32> to vector<16xf32>
      %mul3A_2086 = arith.mulf %scan3A_2032#10, %get3A_2085 : vector<16xf32>
      %add3A_2087 = arith.addf %add3A_2082, %mul3A_2086 : vector<16xf32>
      %get3A_2088 = arith.constant 704 : index
      %get3A_2089 = tpu.vector_load %arg12[%get3A_2088] {strides = array<i32>} : memref<1024xf32, #tpu.memory_space<vmem>>, vector<16xf32>,
      %get3A_2090 = vector.shape_cast %get3A_2089 : vector<16xf32> to vector<16xf32>
      %mul3A_2091 = arith.mulf %scan3A_2032#11, %get3A_2090 : vector<16xf32>
      %add3A_2092 = arith.addf %add3A_2087, %mul3A_2091 : vector<16xf32>
      %get3A_2093 = arith.constant 768 : index
      %get3A_2094 = tpu.vector_load %arg12[%get3A_2093] {strides = array<i32>} : memref<1024xf32, #tpu.memory_space<vmem>>, vector<16xf32>,
      %get3A_2095 = vector.shape_cast %get3A_2094 : vector<16xf32> to vector<16xf32>
      %mul3A_2096 = arith.mulf %scan3A_2032#12, %get3A_2095 : vector<16xf32>
      %add3A_2097 = arith.addf %add3A_2092, %mul3A_2096 : vector<16xf32>
      %get3A_2098 = arith.constant 832 : index
      %get3A_2099 = tpu.vector_load %arg12[%get3A_2098] {strides = array<i32>} : memref<1024xf32, #tpu.memory_space<vmem>>, vector<16xf32>,
      %get3A_2100 = vector.shape_cast %get3A_2099 : vector<16xf32> to vector<16xf32>
      %mul3A_2101 = arith.mulf %scan3A_2032#13, %get3A_2100 : vector<16xf32>
      %add3A_2102 = arith.addf %add3A_2097, %mul3A_2101 : vector<16xf32>
      %get3A_2103 = arith.constant 896 : index
      %get3A_2104 = tpu.vector_load %arg12[%get3A_2103] {strides = array<i32>} : memref<1024xf32, #tpu.memory_space<vmem>>, vector<16xf32>,
      %get3A_2105 = vector.shape_cast %get3A_2104 : vector<16xf32> to vector<16xf32>
      %mul3A_2106 = arith.mulf %scan3A_2032#14, %get3A_2105 : vector<16xf32>
      %add3A_2107 = arith.addf %add3A_2102, %mul3A_2106 : vector<16xf32>
      %get3A_2108 = arith.constant 960 : index
      %get3A_2109 = tpu.vector_load %arg12[%get3A_2108] {strides = array<i32>} : memref<1024xf32, #tpu.memory_space<vmem>>, vector<16xf32>,
      %get3A_2110 = vector.shape_cast %get3A_2109 : vector<16xf32> to vector<16xf32>
      %mul3A_2111 = arith.mulf %scan3A_2032#15, %get3A_2110 : vector<16xf32>
      %add3A_2112 = arith.addf %add3A_2107, %mul3A_2111 : vector<16xf32>
      %add3A_2113 = arith.constant 1 : i32
      %add3A_2114 = vector.broadcast %add3A_2113 : i32 to vector<16xi32>
      %add3A_2115 = arith.addi %iota3A, %add3A_2114 : vector<16xi32>
      %and3A_2116 = arith.constant 15 : i32
      %and3A_2117 = vector.broadcast %and3A_2116 : i32 to vector<16xi32>
      %and3A_2118 = arith.andi %add3A_2115, %and3A_2117 : vector<16xi32>
      %lt3A_2119 = arith.constant 0 : i32
      %lt3A_2120 = vector.broadcast %lt3A_2119 : i32 to vector<16xi32>
      %lt3A_2121 = arith.cmpi slt, %and3A_2118, %lt3A_2120 : vector<16xi32>
      %add3A_2122 = arith.constant 16 : i32
      %add3A_2123 = vector.broadcast %add3A_2122 : i32 to vector<16xi32>
      %add3A_2124 = arith.addi %and3A_2118, %add3A_2123 : vector<16xi32>
      %select_n3A_2125 = arith.select %lt3A_2121, %add3A_2124, %and3A_2118 : vector<16xi1>, vector<16xi32>
      %broadcast_in_dim3A_2126 = vector.shape_cast %select_n3A_2125 : vector<16xi32> to vector<16x1xi32>
      %gather3A_2127 = vector.shape_cast %broadcast_in_dim3A_2126 : vector<16x1xi32> to vector<16xi32>
      %gather3A_2128 = tpu.dynamic_gather %add3A_2112[%gather3A_2127] in [0] : vector<16xf32>, vector<16xi32> -> vector<16xf32>
      %add3A_2129 = arith.addf %add3A_2112, %gather3A_2128 : vector<16xf32>
      %add3A_2130 = arith.constant 2 : i32
      %add3A_2131 = vector.broadcast %add3A_2130 : i32 to vector<16xi32>
      %add3A_2132 = arith.addi %iota3A, %add3A_2131 : vector<16xi32>
      %and3A_2133 = arith.constant 15 : i32
      %and3A_2134 = vector.broadcast %and3A_2133 : i32 to vector<16xi32>
      %and3A_2135 = arith.andi %add3A_2132, %and3A_2134 : vector<16xi32>
      %lt3A_2136 = arith.constant 0 : i32
      %lt3A_2137 = vector.broadcast %lt3A_2136 : i32 to vector<16xi32>
      %lt3A_2138 = arith.cmpi slt, %and3A_2135, %lt3A_2137 : vector<16xi32>
      %add3A_2139 = arith.constant 16 : i32
      %add3A_2140 = vector.broadcast %add3A_2139 : i32 to vector<16xi32>
      %add3A_2141 = arith.addi %and3A_2135, %add3A_2140 : vector<16xi32>
      %select_n3A_2142 = arith.select %lt3A_2138, %add3A_2141, %and3A_2135 : vector<16xi1>, vector<16xi32>
      %broadcast_in_dim3A_2143 = vector.shape_cast %select_n3A_2142 : vector<16xi32> to vector<16x1xi32>
      %gather3A_2144 = vector.shape_cast %broadcast_in_dim3A_2143 : vector<16x1xi32> to vector<16xi32>
      %gather3A_2145 = tpu.dynamic_gather %add3A_2129[%gather3A_2144] in [0] : vector<16xf32>, vector<16xi32> -> vector<16xf32>
      %add3A_2146 = arith.addf %add3A_2129, %gather3A_2145 : vector<16xf32>
      %add3A_2147 = arith.constant 4 : i32
      %add3A_2148 = vector.broadcast %add3A_2147 : i32 to vector<16xi32>
      %add3A_2149 = arith.addi %iota3A, %add3A_2148 : vector<16xi32>
      %and3A_2150 = arith.constant 15 : i32
      %and3A_2151 = vector.broadcast %and3A_2150 : i32 to vector<16xi32>
      %and3A_2152 = arith.andi %add3A_2149, %and3A_2151 : vector<16xi32>
      %lt3A_2153 = arith.constant 0 : i32
      %lt3A_2154 = vector.broadcast %lt3A_2153 : i32 to vector<16xi32>
      %lt3A_2155 = arith.cmpi slt, %and3A_2152, %lt3A_2154 : vector<16xi32>
      %add3A_2156 = arith.constant 16 : i32
      %add3A_2157 = vector.broadcast %add3A_2156 : i32 to vector<16xi32>
      %add3A_2158 = arith.addi %and3A_2152, %add3A_2157 : vector<16xi32>
      %select_n3A_2159 = arith.select %lt3A_2155, %add3A_2158, %and3A_2152 : vector<16xi1>, vector<16xi32>
      %broadcast_in_dim3A_2160 = vector.shape_cast %select_n3A_2159 : vector<16xi32> to vector<16x1xi32>
      %gather3A_2161 = vector.shape_cast %broadcast_in_dim3A_2160 : vector<16x1xi32> to vector<16xi32>
      %gather3A_2162 = tpu.dynamic_gather %add3A_2146[%gather3A_2161] in [0] : vector<16xf32>, vector<16xi32> -> vector<16xf32>
      %add3A_2163 = arith.addf %add3A_2146, %gather3A_2162 : vector<16xf32>
      %add3A_2164 = arith.constant 8 : i32
      %add3A_2165 = vector.broadcast %add3A_2164 : i32 to vector<16xi32>
      %add3A_2166 = arith.addi %iota3A, %add3A_2165 : vector<16xi32>
      %and3A_2167 = arith.constant 15 : i32
      %and3A_2168 = vector.broadcast %and3A_2167 : i32 to vector<16xi32>
      %and3A_2169 = arith.andi %add3A_2166, %and3A_2168 : vector<16xi32>
      %lt3A_2170 = arith.constant 0 : i32
      %lt3A_2171 = vector.broadcast %lt3A_2170 : i32 to vector<16xi32>
      %lt3A_2172 = arith.cmpi slt, %and3A_2169, %lt3A_2171 : vector<16xi32>
      %add3A_2173 = arith.constant 16 : i32
      %add3A_2174 = vector.broadcast %add3A_2173 : i32 to vector<16xi32>
      %add3A_2175 = arith.addi %and3A_2169, %add3A_2174 : vector<16xi32>
      %select_n3A_2176 = arith.select %lt3A_2172, %add3A_2175, %and3A_2169 : vector<16xi1>, vector<16xi32>
      %broadcast_in_dim3A_2177 = vector.shape_cast %select_n3A_2176 : vector<16xi32> to vector<16x1xi32>
      %gather3A_2178 = vector.shape_cast %broadcast_in_dim3A_2177 : vector<16x1xi32> to vector<16xi32>
      %gather3A_2179 = tpu.dynamic_gather %add3A_2163[%gather3A_2178] in [0] : vector<16xf32>, vector<16xi32> -> vector<16xf32>
      %add3A_2180 = arith.addf %add3A_2163, %gather3A_2179 : vector<16xf32>
      %eq3A_2181 = arith.constant 4 : i32
      %eq3A_2182 = vector.broadcast %eq3A_2181 : i32 to vector<16xi32>
      %eq3A_2183 = arith.cmpi eq, %iota3A, %eq3A_2182 : vector<16xi32>
      %select_n3A_2184 = arith.select %eq3A_2183, %add3A_2180, %broadcast_in_dim3A_5 : vector<16xi1>, vector<16xf32>
      %get3A_2185 = arith.constant 16 : index
      %get3A_2186 = tpu.vector_load %arg12[%get3A_2185] {strides = array<i32>} : memref<1024xf32, #tpu.memory_space<vmem>>, vector<16xf32>,
      %get3A_2187 = vector.shape_cast %get3A_2186 : vector<16xf32> to vector<16xf32>
      %mul3A_2188 = arith.mulf %scan3A_2032#0, %get3A_2187 : vector<16xf32>
      %get3A_2189 = arith.constant 80 : index
      %get3A_2190 = tpu.vector_load %arg12[%get3A_2189] {strides = array<i32>} : memref<1024xf32, #tpu.memory_space<vmem>>, vector<16xf32>,
      %get3A_2191 = vector.shape_cast %get3A_2190 : vector<16xf32> to vector<16xf32>
      %mul3A_2192 = arith.mulf %scan3A_2032#1, %get3A_2191 : vector<16xf32>
      %add3A_2193 = arith.addf %mul3A_2188, %mul3A_2192 : vector<16xf32>
      %get3A_2194 = arith.constant 144 : index
      %get3A_2195 = tpu.vector_load %arg12[%get3A_2194] {strides = array<i32>} : memref<1024xf32, #tpu.memory_space<vmem>>, vector<16xf32>,
      %get3A_2196 = vector.shape_cast %get3A_2195 : vector<16xf32> to vector<16xf32>
      %mul3A_2197 = arith.mulf %scan3A_2032#2, %get3A_2196 : vector<16xf32>
      %add3A_2198 = arith.addf %add3A_2193, %mul3A_2197 : vector<16xf32>
      %get3A_2199 = arith.constant 208 : index
      %get3A_2200 = tpu.vector_load %arg12[%get3A_2199] {strides = array<i32>} : memref<1024xf32, #tpu.memory_space<vmem>>, vector<16xf32>,
      %get3A_2201 = vector.shape_cast %get3A_2200 : vector<16xf32> to vector<16xf32>
      %mul3A_2202 = arith.mulf %scan3A_2032#3, %get3A_2201 : vector<16xf32>
      %add3A_2203 = arith.addf %add3A_2198, %mul3A_2202 : vector<16xf32>
      %get3A_2204 = arith.constant 272 : index
      %get3A_2205 = tpu.vector_load %arg12[%get3A_2204] {strides = array<i32>} : memref<1024xf32, #tpu.memory_space<vmem>>, vector<16xf32>,
      %get3A_2206 = vector.shape_cast %get3A_2205 : vector<16xf32> to vector<16xf32>
      %mul3A_2207 = arith.mulf %scan3A_2032#4, %get3A_2206 : vector<16xf32>
      %add3A_2208 = arith.addf %add3A_2203, %mul3A_2207 : vector<16xf32>
      %get3A_2209 = arith.constant 336 : index
      %get3A_2210 = tpu.vector_load %arg12[%get3A_2209] {strides = array<i32>} : memref<1024xf32, #tpu.memory_space<vmem>>, vector<16xf32>,
      %get3A_2211 = vector.shape_cast %get3A_2210 : vector<16xf32> to vector<16xf32>
      %mul3A_2212 = arith.mulf %scan3A_2032#5, %get3A_2211 : vector<16xf32>
      %add3A_2213 = arith.addf %add3A_2208, %mul3A_2212 : vector<16xf32>
      %get3A_2214 = arith.constant 400 : index
      %get3A_2215 = tpu.vector_load %arg12[%get3A_2214] {strides = array<i32>} : memref<1024xf32, #tpu.memory_space<vmem>>, vector<16xf32>,
      %get3A_2216 = vector.shape_cast %get3A_2215 : vector<16xf32> to vector<16xf32>
      %mul3A_2217 = arith.mulf %scan3A_2032#6, %get3A_2216 : vector<16xf32>
      %add3A_2218 = arith.addf %add3A_2213, %mul3A_2217 : vector<16xf32>
      %get3A_2219 = arith.constant 464 : index
      %get3A_2220 = tpu.vector_load %arg12[%get3A_2219] {strides = array<i32>} : memref<1024xf32, #tpu.memory_space<vmem>>, vector<16xf32>,
      %get3A_2221 = vector.shape_cast %get3A_2220 : vector<16xf32> to vector<16xf32>
      %mul3A_2222 = arith.mulf %scan3A_2032#7, %get3A_2221 : vector<16xf32>
      %add3A_2223 = arith.addf %add3A_2218, %mul3A_2222 : vector<16xf32>
      %get3A_2224 = arith.constant 528 : index
      %get3A_2225 = tpu.vector_load %arg12[%get3A_2224] {strides = array<i32>} : memref<1024xf32, #tpu.memory_space<vmem>>, vector<16xf32>,
      %get3A_2226 = vector.shape_cast %get3A_2225 : vector<16xf32> to vector<16xf32>
      %mul3A_2227 = arith.mulf %scan3A_2032#8, %get3A_2226 : vector<16xf32>
      %add3A_2228 = arith.addf %add3A_2223, %mul3A_2227 : vector<16xf32>
      %get3A_2229 = arith.constant 592 : index
      %get3A_2230 = tpu.vector_load %arg12[%get3A_2229] {strides = array<i32>} : memref<1024xf32, #tpu.memory_space<vmem>>, vector<16xf32>,
      %get3A_2231 = vector.shape_cast %get3A_2230 : vector<16xf32> to vector<16xf32>
      %mul3A_2232 = arith.mulf %scan3A_2032#9, %get3A_2231 : vector<16xf32>
      %add3A_2233 = arith.addf %add3A_2228, %mul3A_2232 : vector<16xf32>
      %get3A_2234 = arith.constant 656 : index
      %get3A_2235 = tpu.vector_load %arg12[%get3A_2234] {strides = array<i32>} : memref<1024xf32, #tpu.memory_space<vmem>>, vector<16xf32>,
      %get3A_2236 = vector.shape_cast %get3A_2235 : vector<16xf32> to vector<16xf32>
      %mul3A_2237 = arith.mulf %scan3A_2032#10, %get3A_2236 : vector<16xf32>
      %add3A_2238 = arith.addf %add3A_2233, %mul3A_2237 : vector<16xf32>
      %get3A_2239 = arith.constant 720 : index
      %get3A_2240 = tpu.vector_load %arg12[%get3A_2239] {strides = array<i32>} : memref<1024xf32, #tpu.memory_space<vmem>>, vector<16xf32>,
      %get3A_2241 = vector.shape_cast %get3A_2240 : vector<16xf32> to vector<16xf32>
      %mul3A_2242 = arith.mulf %scan3A_2032#11, %get3A_2241 : vector<16xf32>
      %add3A_2243 = arith.addf %add3A_2238, %mul3A_2242 : vector<16xf32>
      %get3A_2244 = arith.constant 784 : index
      %get3A_2245 = tpu.vector_load %arg12[%get3A_2244] {strides = array<i32>} : memref<1024xf32, #tpu.memory_space<vmem>>, vector<16xf32>,
      %get3A_2246 = vector.shape_cast %get3A_2245 : vector<16xf32> to vector<16xf32>
      %mul3A_2247 = arith.mulf %scan3A_2032#12, %get3A_2246 : vector<16xf32>
      %add3A_2248 = arith.addf %add3A_2243, %mul3A_2247 : vector<16xf32>
      %get3A_2249 = arith.constant 848 : index
      %get3A_2250 = tpu.vector_load %arg12[%get3A_2249] {strides = array<i32>} : memref<1024xf32, #tpu.memory_space<vmem>>, vector<16xf32>,
      %get3A_2251 = vector.shape_cast %get3A_2250 : vector<16xf32> to vector<16xf32>
      %mul3A_2252 = arith.mulf %scan3A_2032#13, %get3A_2251 : vector<16xf32>
      %add3A_2253 = arith.addf %add3A_2248, %mul3A_2252 : vector<16xf32>
      %get3A_2254 = arith.constant 912 : index
      %get3A_2255 = tpu.vector_load %arg12[%get3A_2254] {strides = array<i32>} : memref<1024xf32, #tpu.memory_space<vmem>>, vector<16xf32>,
      %get3A_2256 = vector.shape_cast %get3A_2255 : vector<16xf32> to vector<16xf32>
      %mul3A_2257 = arith.mulf %scan3A_2032#14, %get3A_2256 : vector<16xf32>
      %add3A_2258 = arith.addf %add3A_2253, %mul3A_2257 : vector<16xf32>
      %get3A_2259 = arith.constant 976 : index
      %get3A_2260 = tpu.vector_load %arg12[%get3A_2259] {strides = array<i32>} : memref<1024xf32, #tpu.memory_space<vmem>>, vector<16xf32>,
      %get3A_2261 = vector.shape_cast %get3A_2260 : vector<16xf32> to vector<16xf32>
      %mul3A_2262 = arith.mulf %scan3A_2032#15, %get3A_2261 : vector<16xf32>
      %add3A_2263 = arith.addf %add3A_2258, %mul3A_2262 : vector<16xf32>
      %add3A_2264 = arith.constant 1 : i32
      %add3A_2265 = vector.broadcast %add3A_2264 : i32 to vector<16xi32>
      %add3A_2266 = arith.addi %iota3A, %add3A_2265 : vector<16xi32>
      %and3A_2267 = arith.constant 15 : i32
      %and3A_2268 = vector.broadcast %and3A_2267 : i32 to vector<16xi32>
      %and3A_2269 = arith.andi %add3A_2266, %and3A_2268 : vector<16xi32>
      %lt3A_2270 = arith.constant 0 : i32
      %lt3A_2271 = vector.broadcast %lt3A_2270 : i32 to vector<16xi32>
      %lt3A_2272 = arith.cmpi slt, %and3A_2269, %lt3A_2271 : vector<16xi32>
      %add3A_2273 = arith.constant 16 : i32
      %add3A_2274 = vector.broadcast %add3A_2273 : i32 to vector<16xi32>
      %add3A_2275 = arith.addi %and3A_2269, %add3A_2274 : vector<16xi32>
      %select_n3A_2276 = arith.select %lt3A_2272, %add3A_2275, %and3A_2269 : vector<16xi1>, vector<16xi32>
      %broadcast_in_dim3A_2277 = vector.shape_cast %select_n3A_2276 : vector<16xi32> to vector<16x1xi32>
      %gather3A_2278 = vector.shape_cast %broadcast_in_dim3A_2277 : vector<16x1xi32> to vector<16xi32>
      %gather3A_2279 = tpu.dynamic_gather %add3A_2263[%gather3A_2278] in [0] : vector<16xf32>, vector<16xi32> -> vector<16xf32>
      %add3A_2280 = arith.addf %add3A_2263, %gather3A_2279 : vector<16xf32>
      %add3A_2281 = arith.constant 2 : i32
      %add3A_2282 = vector.broadcast %add3A_2281 : i32 to vector<16xi32>
      %add3A_2283 = arith.addi %iota3A, %add3A_2282 : vector<16xi32>
      %and3A_2284 = arith.constant 15 : i32
      %and3A_2285 = vector.broadcast %and3A_2284 : i32 to vector<16xi32>
      %and3A_2286 = arith.andi %add3A_2283, %and3A_2285 : vector<16xi32>
      %lt3A_2287 = arith.constant 0 : i32
      %lt3A_2288 = vector.broadcast %lt3A_2287 : i32 to vector<16xi32>
      %lt3A_2289 = arith.cmpi slt, %and3A_2286, %lt3A_2288 : vector<16xi32>
      %add3A_2290 = arith.constant 16 : i32
      %add3A_2291 = vector.broadcast %add3A_2290 : i32 to vector<16xi32>
      %add3A_2292 = arith.addi %and3A_2286, %add3A_2291 : vector<16xi32>
      %select_n3A_2293 = arith.select %lt3A_2289, %add3A_2292, %and3A_2286 : vector<16xi1>, vector<16xi32>
      %broadcast_in_dim3A_2294 = vector.shape_cast %select_n3A_2293 : vector<16xi32> to vector<16x1xi32>
      %gather3A_2295 = vector.shape_cast %broadcast_in_dim3A_2294 : vector<16x1xi32> to vector<16xi32>
      %gather3A_2296 = tpu.dynamic_gather %add3A_2280[%gather3A_2295] in [0] : vector<16xf32>, vector<16xi32> -> vector<16xf32>
      %add3A_2297 = arith.addf %add3A_2280, %gather3A_2296 : vector<16xf32>
      %add3A_2298 = arith.constant 4 : i32
      %add3A_2299 = vector.broadcast %add3A_2298 : i32 to vector<16xi32>
      %add3A_2300 = arith.addi %iota3A, %add3A_2299 : vector<16xi32>
      %and3A_2301 = arith.constant 15 : i32
      %and3A_2302 = vector.broadcast %and3A_2301 : i32 to vector<16xi32>
      %and3A_2303 = arith.andi %add3A_2300, %and3A_2302 : vector<16xi32>
      %lt3A_2304 = arith.constant 0 : i32
      %lt3A_2305 = vector.broadcast %lt3A_2304 : i32 to vector<16xi32>
      %lt3A_2306 = arith.cmpi slt, %and3A_2303, %lt3A_2305 : vector<16xi32>
      %add3A_2307 = arith.constant 16 : i32
      %add3A_2308 = vector.broadcast %add3A_2307 : i32 to vector<16xi32>
      %add3A_2309 = arith.addi %and3A_2303, %add3A_2308 : vector<16xi32>
      %select_n3A_2310 = arith.select %lt3A_2306, %add3A_2309, %and3A_2303 : vector<16xi1>, vector<16xi32>
      %broadcast_in_dim3A_2311 = vector.shape_cast %select_n3A_2310 : vector<16xi32> to vector<16x1xi32>
      %gather3A_2312 = vector.shape_cast %broadcast_in_dim3A_2311 : vector<16x1xi32> to vector<16xi32>
      %gather3A_2313 = tpu.dynamic_gather %add3A_2297[%gather3A_2312] in [0] : vector<16xf32>, vector<16xi32> -> vector<16xf32>
      %add3A_2314 = arith.addf %add3A_2297, %gather3A_2313 : vector<16xf32>
      %add3A_2315 = arith.constant 8 : i32
      %add3A_2316 = vector.broadcast %add3A_2315 : i32 to vector<16xi32>
      %add3A_2317 = arith.addi %iota3A, %add3A_2316 : vector<16xi32>
      %and3A_2318 = arith.constant 15 : i32
      %and3A_2319 = vector.broadcast %and3A_2318 : i32 to vector<16xi32>
      %and3A_2320 = arith.andi %add3A_2317, %and3A_2319 : vector<16xi32>
      %lt3A_2321 = arith.constant 0 : i32
      %lt3A_2322 = vector.broadcast %lt3A_2321 : i32 to vector<16xi32>
      %lt3A_2323 = arith.cmpi slt, %and3A_2320, %lt3A_2322 : vector<16xi32>
      %add3A_2324 = arith.constant 16 : i32
      %add3A_2325 = vector.broadcast %add3A_2324 : i32 to vector<16xi32>
      %add3A_2326 = arith.addi %and3A_2320, %add3A_2325 : vector<16xi32>
      %select_n3A_2327 = arith.select %lt3A_2323, %add3A_2326, %and3A_2320 : vector<16xi1>, vector<16xi32>
      %broadcast_in_dim3A_2328 = vector.shape_cast %select_n3A_2327 : vector<16xi32> to vector<16x1xi32>
      %gather3A_2329 = vector.shape_cast %broadcast_in_dim3A_2328 : vector<16x1xi32> to vector<16xi32>
      %gather3A_2330 = tpu.dynamic_gather %add3A_2314[%gather3A_2329] in [0] : vector<16xf32>, vector<16xi32> -> vector<16xf32>
      %add3A_2331 = arith.addf %add3A_2314, %gather3A_2330 : vector<16xf32>
      %eq3A_2332 = arith.constant 5 : i32
      %eq3A_2333 = vector.broadcast %eq3A_2332 : i32 to vector<16xi32>
      %eq3A_2334 = arith.cmpi eq, %iota3A, %eq3A_2333 : vector<16xi32>
      %select_n3A_2335 = arith.select %eq3A_2334, %add3A_2331, %select_n3A_2184 : vector<16xi1>, vector<16xf32>
      %get3A_2336 = arith.constant 32 : index
      %get3A_2337 = tpu.vector_load %arg12[%get3A_2336] {strides = array<i32>} : memref<1024xf32, #tpu.memory_space<vmem>>, vector<16xf32>,
      %get3A_2338 = vector.shape_cast %get3A_2337 : vector<16xf32> to vector<16xf32>
      %mul3A_2339 = arith.mulf %scan3A_2032#0, %get3A_2338 : vector<16xf32>
      %get3A_2340 = arith.constant 96 : index
      %get3A_2341 = tpu.vector_load %arg12[%get3A_2340] {strides = array<i32>} : memref<1024xf32, #tpu.memory_space<vmem>>, vector<16xf32>,
      %get3A_2342 = vector.shape_cast %get3A_2341 : vector<16xf32> to vector<16xf32>
      %mul3A_2343 = arith.mulf %scan3A_2032#1, %get3A_2342 : vector<16xf32>
      %add3A_2344 = arith.addf %mul3A_2339, %mul3A_2343 : vector<16xf32>
      %get3A_2345 = arith.constant 160 : index
      %get3A_2346 = tpu.vector_load %arg12[%get3A_2345] {strides = array<i32>} : memref<1024xf32, #tpu.memory_space<vmem>>, vector<16xf32>,
      %get3A_2347 = vector.shape_cast %get3A_2346 : vector<16xf32> to vector<16xf32>
      %mul3A_2348 = arith.mulf %scan3A_2032#2, %get3A_2347 : vector<16xf32>
      %add3A_2349 = arith.addf %add3A_2344, %mul3A_2348 : vector<16xf32>
      %get3A_2350 = arith.constant 224 : index
      %get3A_2351 = tpu.vector_load %arg12[%get3A_2350] {strides = array<i32>} : memref<1024xf32, #tpu.memory_space<vmem>>, vector<16xf32>,
      %get3A_2352 = vector.shape_cast %get3A_2351 : vector<16xf32> to vector<16xf32>
      %mul3A_2353 = arith.mulf %scan3A_2032#3, %get3A_2352 : vector<16xf32>
      %add3A_2354 = arith.addf %add3A_2349, %mul3A_2353 : vector<16xf32>
      %get3A_2355 = arith.constant 288 : index
      %get3A_2356 = tpu.vector_load %arg12[%get3A_2355] {strides = array<i32>} : memref<1024xf32, #tpu.memory_space<vmem>>, vector<16xf32>,
      %get3A_2357 = vector.shape_cast %get3A_2356 : vector<16xf32> to vector<16xf32>
      %mul3A_2358 = arith.mulf %scan3A_2032#4, %get3A_2357 : vector<16xf32>
      %add3A_2359 = arith.addf %add3A_2354, %mul3A_2358 : vector<16xf32>
      %get3A_2360 = arith.constant 352 : index
      %get3A_2361 = tpu.vector_load %arg12[%get3A_2360] {strides = array<i32>} : memref<1024xf32, #tpu.memory_space<vmem>>, vector<16xf32>,
      %get3A_2362 = vector.shape_cast %get3A_2361 : vector<16xf32> to vector<16xf32>
      %mul3A_2363 = arith.mulf %scan3A_2032#5, %get3A_2362 : vector<16xf32>
      %add3A_2364 = arith.addf %add3A_2359, %mul3A_2363 : vector<16xf32>
      %get3A_2365 = arith.constant 416 : index
      %get3A_2366 = tpu.vector_load %arg12[%get3A_2365] {strides = array<i32>} : memref<1024xf32, #tpu.memory_space<vmem>>, vector<16xf32>,
      %get3A_2367 = vector.shape_cast %get3A_2366 : vector<16xf32> to vector<16xf32>
      %mul3A_2368 = arith.mulf %scan3A_2032#6, %get3A_2367 : vector<16xf32>
      %add3A_2369 = arith.addf %add3A_2364, %mul3A_2368 : vector<16xf32>
      %get3A_2370 = arith.constant 480 : index
      %get3A_2371 = tpu.vector_load %arg12[%get3A_2370] {strides = array<i32>} : memref<1024xf32, #tpu.memory_space<vmem>>, vector<16xf32>,
      %get3A_2372 = vector.shape_cast %get3A_2371 : vector<16xf32> to vector<16xf32>
      %mul3A_2373 = arith.mulf %scan3A_2032#7, %get3A_2372 : vector<16xf32>
      %add3A_2374 = arith.addf %add3A_2369, %mul3A_2373 : vector<16xf32>
      %get3A_2375 = arith.constant 544 : index
      %get3A_2376 = tpu.vector_load %arg12[%get3A_2375] {strides = array<i32>} : memref<1024xf32, #tpu.memory_space<vmem>>, vector<16xf32>,
      %get3A_2377 = vector.shape_cast %get3A_2376 : vector<16xf32> to vector<16xf32>
      %mul3A_2378 = arith.mulf %scan3A_2032#8, %get3A_2377 : vector<16xf32>
      %add3A_2379 = arith.addf %add3A_2374, %mul3A_2378 : vector<16xf32>
      %get3A_2380 = arith.constant 608 : index
      %get3A_2381 = tpu.vector_load %arg12[%get3A_2380] {strides = array<i32>} : memref<1024xf32, #tpu.memory_space<vmem>>, vector<16xf32>,
      %get3A_2382 = vector.shape_cast %get3A_2381 : vector<16xf32> to vector<16xf32>
      %mul3A_2383 = arith.mulf %scan3A_2032#9, %get3A_2382 : vector<16xf32>
      %add3A_2384 = arith.addf %add3A_2379, %mul3A_2383 : vector<16xf32>
      %get3A_2385 = arith.constant 672 : index
      %get3A_2386 = tpu.vector_load %arg12[%get3A_2385] {strides = array<i32>} : memref<1024xf32, #tpu.memory_space<vmem>>, vector<16xf32>,
      %get3A_2387 = vector.shape_cast %get3A_2386 : vector<16xf32> to vector<16xf32>
      %mul3A_2388 = arith.mulf %scan3A_2032#10, %get3A_2387 : vector<16xf32>
      %add3A_2389 = arith.addf %add3A_2384, %mul3A_2388 : vector<16xf32>
      %get3A_2390 = arith.constant 736 : index
      %get3A_2391 = tpu.vector_load %arg12[%get3A_2390] {strides = array<i32>} : memref<1024xf32, #tpu.memory_space<vmem>>, vector<16xf32>,
      %get3A_2392 = vector.shape_cast %get3A_2391 : vector<16xf32> to vector<16xf32>
      %mul3A_2393 = arith.mulf %scan3A_2032#11, %get3A_2392 : vector<16xf32>
      %add3A_2394 = arith.addf %add3A_2389, %mul3A_2393 : vector<16xf32>
      %get3A_2395 = arith.constant 800 : index
      %get3A_2396 = tpu.vector_load %arg12[%get3A_2395] {strides = array<i32>} : memref<1024xf32, #tpu.memory_space<vmem>>, vector<16xf32>,
      %get3A_2397 = vector.shape_cast %get3A_2396 : vector<16xf32> to vector<16xf32>
      %mul3A_2398 = arith.mulf %scan3A_2032#12, %get3A_2397 : vector<16xf32>
      %add3A_2399 = arith.addf %add3A_2394, %mul3A_2398 : vector<16xf32>
      %get3A_2400 = arith.constant 864 : index
      %get3A_2401 = tpu.vector_load %arg12[%get3A_2400] {strides = array<i32>} : memref<1024xf32, #tpu.memory_space<vmem>>, vector<16xf32>,
      %get3A_2402 = vector.shape_cast %get3A_2401 : vector<16xf32> to vector<16xf32>
      %mul3A_2403 = arith.mulf %scan3A_2032#13, %get3A_2402 : vector<16xf32>
      %add3A_2404 = arith.addf %add3A_2399, %mul3A_2403 : vector<16xf32>
      %get3A_2405 = arith.constant 928 : index
      %get3A_2406 = tpu.vector_load %arg12[%get3A_2405] {strides = array<i32>} : memref<1024xf32, #tpu.memory_space<vmem>>, vector<16xf32>,
      %get3A_2407 = vector.shape_cast %get3A_2406 : vector<16xf32> to vector<16xf32>
      %mul3A_2408 = arith.mulf %scan3A_2032#14, %get3A_2407 : vector<16xf32>
      %add3A_2409 = arith.addf %add3A_2404, %mul3A_2408 : vector<16xf32>
      %get3A_2410 = arith.constant 992 : index
      %get3A_2411 = tpu.vector_load %arg12[%get3A_2410] {strides = array<i32>} : memref<1024xf32, #tpu.memory_space<vmem>>, vector<16xf32>,
      %get3A_2412 = vector.shape_cast %get3A_2411 : vector<16xf32> to vector<16xf32>
      %mul3A_2413 = arith.mulf %scan3A_2032#15, %get3A_2412 : vector<16xf32>
      %add3A_2414 = arith.addf %add3A_2409, %mul3A_2413 : vector<16xf32>
      %add3A_2415 = arith.constant 1 : i32
      %add3A_2416 = vector.broadcast %add3A_2415 : i32 to vector<16xi32>
      %add3A_2417 = arith.addi %iota3A, %add3A_2416 : vector<16xi32>
      %and3A_2418 = arith.constant 15 : i32
      %and3A_2419 = vector.broadcast %and3A_2418 : i32 to vector<16xi32>
      %and3A_2420 = arith.andi %add3A_2417, %and3A_2419 : vector<16xi32>
      %lt3A_2421 = arith.constant 0 : i32
      %lt3A_2422 = vector.broadcast %lt3A_2421 : i32 to vector<16xi32>
      %lt3A_2423 = arith.cmpi slt, %and3A_2420, %lt3A_2422 : vector<16xi32>
      %add3A_2424 = arith.constant 16 : i32
      %add3A_2425 = vector.broadcast %add3A_2424 : i32 to vector<16xi32>
      %add3A_2426 = arith.addi %and3A_2420, %add3A_2425 : vector<16xi32>
      %select_n3A_2427 = arith.select %lt3A_2423, %add3A_2426, %and3A_2420 : vector<16xi1>, vector<16xi32>
      %broadcast_in_dim3A_2428 = vector.shape_cast %select_n3A_2427 : vector<16xi32> to vector<16x1xi32>
      %gather3A_2429 = vector.shape_cast %broadcast_in_dim3A_2428 : vector<16x1xi32> to vector<16xi32>
      %gather3A_2430 = tpu.dynamic_gather %add3A_2414[%gather3A_2429] in [0] : vector<16xf32>, vector<16xi32> -> vector<16xf32>
      %add3A_2431 = arith.addf %add3A_2414, %gather3A_2430 : vector<16xf32>
      %add3A_2432 = arith.constant 2 : i32
      %add3A_2433 = vector.broadcast %add3A_2432 : i32 to vector<16xi32>
      %add3A_2434 = arith.addi %iota3A, %add3A_2433 : vector<16xi32>
      %and3A_2435 = arith.constant 15 : i32
      %and3A_2436 = vector.broadcast %and3A_2435 : i32 to vector<16xi32>
      %and3A_2437 = arith.andi %add3A_2434, %and3A_2436 : vector<16xi32>
      %lt3A_2438 = arith.constant 0 : i32
      %lt3A_2439 = vector.broadcast %lt3A_2438 : i32 to vector<16xi32>
      %lt3A_2440 = arith.cmpi slt, %and3A_2437, %lt3A_2439 : vector<16xi32>
      %add3A_2441 = arith.constant 16 : i32
      %add3A_2442 = vector.broadcast %add3A_2441 : i32 to vector<16xi32>
      %add3A_2443 = arith.addi %and3A_2437, %add3A_2442 : vector<16xi32>
      %select_n3A_2444 = arith.select %lt3A_2440, %add3A_2443, %and3A_2437 : vector<16xi1>, vector<16xi32>
      %broadcast_in_dim3A_2445 = vector.shape_cast %select_n3A_2444 : vector<16xi32> to vector<16x1xi32>
      %gather3A_2446 = vector.shape_cast %broadcast_in_dim3A_2445 : vector<16x1xi32> to vector<16xi32>
      %gather3A_2447 = tpu.dynamic_gather %add3A_2431[%gather3A_2446] in [0] : vector<16xf32>, vector<16xi32> -> vector<16xf32>
      %add3A_2448 = arith.addf %add3A_2431, %gather3A_2447 : vector<16xf32>
      %add3A_2449 = arith.constant 4 : i32
      %add3A_2450 = vector.broadcast %add3A_2449 : i32 to vector<16xi32>
      %add3A_2451 = arith.addi %iota3A, %add3A_2450 : vector<16xi32>
      %and3A_2452 = arith.constant 15 : i32
      %and3A_2453 = vector.broadcast %and3A_2452 : i32 to vector<16xi32>
      %and3A_2454 = arith.andi %add3A_2451, %and3A_2453 : vector<16xi32>
      %lt3A_2455 = arith.constant 0 : i32
      %lt3A_2456 = vector.broadcast %lt3A_2455 : i32 to vector<16xi32>
      %lt3A_2457 = arith.cmpi slt, %and3A_2454, %lt3A_2456 : vector<16xi32>
      %add3A_2458 = arith.constant 16 : i32
      %add3A_2459 = vector.broadcast %add3A_2458 : i32 to vector<16xi32>
      %add3A_2460 = arith.addi %and3A_2454, %add3A_2459 : vector<16xi32>
      %select_n3A_2461 = arith.select %lt3A_2457, %add3A_2460, %and3A_2454 : vector<16xi1>, vector<16xi32>
      %broadcast_in_dim3A_2462 = vector.shape_cast %select_n3A_2461 : vector<16xi32> to vector<16x1xi32>
      %gather3A_2463 = vector.shape_cast %broadcast_in_dim3A_2462 : vector<16x1xi32> to vector<16xi32>
      %gather3A_2464 = tpu.dynamic_gather %add3A_2448[%gather3A_2463] in [0] : vector<16xf32>, vector<16xi32> -> vector<16xf32>
      %add3A_2465 = arith.addf %add3A_2448, %gather3A_2464 : vector<16xf32>
      %add3A_2466 = arith.constant 8 : i32
      %add3A_2467 = vector.broadcast %add3A_2466 : i32 to vector<16xi32>
      %add3A_2468 = arith.addi %iota3A, %add3A_2467 : vector<16xi32>
      %and3A_2469 = arith.constant 15 : i32
      %and3A_2470 = vector.broadcast %and3A_2469 : i32 to vector<16xi32>
      %and3A_2471 = arith.andi %add3A_2468, %and3A_2470 : vector<16xi32>
      %lt3A_2472 = arith.constant 0 : i32
      %lt3A_2473 = vector.broadcast %lt3A_2472 : i32 to vector<16xi32>
      %lt3A_2474 = arith.cmpi slt, %and3A_2471, %lt3A_2473 : vector<16xi32>
      %add3A_2475 = arith.constant 16 : i32
      %add3A_2476 = vector.broadcast %add3A_2475 : i32 to vector<16xi32>
      %add3A_2477 = arith.addi %and3A_2471, %add3A_2476 : vector<16xi32>
      %select_n3A_2478 = arith.select %lt3A_2474, %add3A_2477, %and3A_2471 : vector<16xi1>, vector<16xi32>
      %broadcast_in_dim3A_2479 = vector.shape_cast %select_n3A_2478 : vector<16xi32> to vector<16x1xi32>
      %gather3A_2480 = vector.shape_cast %broadcast_in_dim3A_2479 : vector<16x1xi32> to vector<16xi32>
      %gather3A_2481 = tpu.dynamic_gather %add3A_2465[%gather3A_2480] in [0] : vector<16xf32>, vector<16xi32> -> vector<16xf32>
      %add3A_2482 = arith.addf %add3A_2465, %gather3A_2481 : vector<16xf32>
      %eq3A_2483 = arith.constant 6 : i32
      %eq3A_2484 = vector.broadcast %eq3A_2483 : i32 to vector<16xi32>
      %eq3A_2485 = arith.cmpi eq, %iota3A, %eq3A_2484 : vector<16xi32>
      %select_n3A_2486 = arith.select %eq3A_2485, %add3A_2482, %select_n3A_2335 : vector<16xi1>, vector<16xf32>
      %get3A_2487 = arith.constant 48 : index
      %get3A_2488 = tpu.vector_load %arg12[%get3A_2487] {strides = array<i32>} : memref<1024xf32, #tpu.memory_space<vmem>>, vector<16xf32>,
      %get3A_2489 = vector.shape_cast %get3A_2488 : vector<16xf32> to vector<16xf32>
      %mul3A_2490 = arith.mulf %scan3A_2032#0, %get3A_2489 : vector<16xf32>
      %get3A_2491 = arith.constant 112 : index
      %get3A_2492 = tpu.vector_load %arg12[%get3A_2491] {strides = array<i32>} : memref<1024xf32, #tpu.memory_space<vmem>>, vector<16xf32>,
      %get3A_2493 = vector.shape_cast %get3A_2492 : vector<16xf32> to vector<16xf32>
      %mul3A_2494 = arith.mulf %scan3A_2032#1, %get3A_2493 : vector<16xf32>
      %add3A_2495 = arith.addf %mul3A_2490, %mul3A_2494 : vector<16xf32>
      %get3A_2496 = arith.constant 176 : index
      %get3A_2497 = tpu.vector_load %arg12[%get3A_2496] {strides = array<i32>} : memref<1024xf32, #tpu.memory_space<vmem>>, vector<16xf32>,
      %get3A_2498 = vector.shape_cast %get3A_2497 : vector<16xf32> to vector<16xf32>
      %mul3A_2499 = arith.mulf %scan3A_2032#2, %get3A_2498 : vector<16xf32>
      %add3A_2500 = arith.addf %add3A_2495, %mul3A_2499 : vector<16xf32>
      %get3A_2501 = arith.constant 240 : index
      %get3A_2502 = tpu.vector_load %arg12[%get3A_2501] {strides = array<i32>} : memref<1024xf32, #tpu.memory_space<vmem>>, vector<16xf32>,
      %get3A_2503 = vector.shape_cast %get3A_2502 : vector<16xf32> to vector<16xf32>
      %mul3A_2504 = arith.mulf %scan3A_2032#3, %get3A_2503 : vector<16xf32>
      %add3A_2505 = arith.addf %add3A_2500, %mul3A_2504 : vector<16xf32>
      %get3A_2506 = arith.constant 304 : index
      %get3A_2507 = tpu.vector_load %arg12[%get3A_2506] {strides = array<i32>} : memref<1024xf32, #tpu.memory_space<vmem>>, vector<16xf32>,
      %get3A_2508 = vector.shape_cast %get3A_2507 : vector<16xf32> to vector<16xf32>
      %mul3A_2509 = arith.mulf %scan3A_2032#4, %get3A_2508 : vector<16xf32>
      %add3A_2510 = arith.addf %add3A_2505, %mul3A_2509 : vector<16xf32>
      %get3A_2511 = arith.constant 368 : index
      %get3A_2512 = tpu.vector_load %arg12[%get3A_2511] {strides = array<i32>} : memref<1024xf32, #tpu.memory_space<vmem>>, vector<16xf32>,
      %get3A_2513 = vector.shape_cast %get3A_2512 : vector<16xf32> to vector<16xf32>
      %mul3A_2514 = arith.mulf %scan3A_2032#5, %get3A_2513 : vector<16xf32>
      %add3A_2515 = arith.addf %add3A_2510, %mul3A_2514 : vector<16xf32>
      %get3A_2516 = arith.constant 432 : index
      %get3A_2517 = tpu.vector_load %arg12[%get3A_2516] {strides = array<i32>} : memref<1024xf32, #tpu.memory_space<vmem>>, vector<16xf32>,
      %get3A_2518 = vector.shape_cast %get3A_2517 : vector<16xf32> to vector<16xf32>
      %mul3A_2519 = arith.mulf %scan3A_2032#6, %get3A_2518 : vector<16xf32>
      %add3A_2520 = arith.addf %add3A_2515, %mul3A_2519 : vector<16xf32>
      %get3A_2521 = arith.constant 496 : index
      %get3A_2522 = tpu.vector_load %arg12[%get3A_2521] {strides = array<i32>} : memref<1024xf32, #tpu.memory_space<vmem>>, vector<16xf32>,
      %get3A_2523 = vector.shape_cast %get3A_2522 : vector<16xf32> to vector<16xf32>
      %mul3A_2524 = arith.mulf %scan3A_2032#7, %get3A_2523 : vector<16xf32>
      %add3A_2525 = arith.addf %add3A_2520, %mul3A_2524 : vector<16xf32>
      %get3A_2526 = arith.constant 560 : index
      %get3A_2527 = tpu.vector_load %arg12[%get3A_2526] {strides = array<i32>} : memref<1024xf32, #tpu.memory_space<vmem>>, vector<16xf32>,
      %get3A_2528 = vector.shape_cast %get3A_2527 : vector<16xf32> to vector<16xf32>
      %mul3A_2529 = arith.mulf %scan3A_2032#8, %get3A_2528 : vector<16xf32>
      %add3A_2530 = arith.addf %add3A_2525, %mul3A_2529 : vector<16xf32>
      %get3A_2531 = arith.constant 624 : index
      %get3A_2532 = tpu.vector_load %arg12[%get3A_2531] {strides = array<i32>} : memref<1024xf32, #tpu.memory_space<vmem>>, vector<16xf32>,
      %get3A_2533 = vector.shape_cast %get3A_2532 : vector<16xf32> to vector<16xf32>
      %mul3A_2534 = arith.mulf %scan3A_2032#9, %get3A_2533 : vector<16xf32>
      %add3A_2535 = arith.addf %add3A_2530, %mul3A_2534 : vector<16xf32>
      %get3A_2536 = arith.constant 688 : index
      %get3A_2537 = tpu.vector_load %arg12[%get3A_2536] {strides = array<i32>} : memref<1024xf32, #tpu.memory_space<vmem>>, vector<16xf32>,
      %get3A_2538 = vector.shape_cast %get3A_2537 : vector<16xf32> to vector<16xf32>
      %mul3A_2539 = arith.mulf %scan3A_2032#10, %get3A_2538 : vector<16xf32>
      %add3A_2540 = arith.addf %add3A_2535, %mul3A_2539 : vector<16xf32>
      %get3A_2541 = arith.constant 752 : index
      %get3A_2542 = tpu.vector_load %arg12[%get3A_2541] {strides = array<i32>} : memref<1024xf32, #tpu.memory_space<vmem>>, vector<16xf32>,
      %get3A_2543 = vector.shape_cast %get3A_2542 : vector<16xf32> to vector<16xf32>
      %mul3A_2544 = arith.mulf %scan3A_2032#11, %get3A_2543 : vector<16xf32>
      %add3A_2545 = arith.addf %add3A_2540, %mul3A_2544 : vector<16xf32>
      %get3A_2546 = arith.constant 816 : index
      %get3A_2547 = tpu.vector_load %arg12[%get3A_2546] {strides = array<i32>} : memref<1024xf32, #tpu.memory_space<vmem>>, vector<16xf32>,
      %get3A_2548 = vector.shape_cast %get3A_2547 : vector<16xf32> to vector<16xf32>
      %mul3A_2549 = arith.mulf %scan3A_2032#12, %get3A_2548 : vector<16xf32>
      %add3A_2550 = arith.addf %add3A_2545, %mul3A_2549 : vector<16xf32>
      %get3A_2551 = arith.constant 880 : index
      %get3A_2552 = tpu.vector_load %arg12[%get3A_2551] {strides = array<i32>} : memref<1024xf32, #tpu.memory_space<vmem>>, vector<16xf32>,
      %get3A_2553 = vector.shape_cast %get3A_2552 : vector<16xf32> to vector<16xf32>
      %mul3A_2554 = arith.mulf %scan3A_2032#13, %get3A_2553 : vector<16xf32>
      %add3A_2555 = arith.addf %add3A_2550, %mul3A_2554 : vector<16xf32>
      %get3A_2556 = arith.constant 944 : index
      %get3A_2557 = tpu.vector_load %arg12[%get3A_2556] {strides = array<i32>} : memref<1024xf32, #tpu.memory_space<vmem>>, vector<16xf32>,
      %get3A_2558 = vector.shape_cast %get3A_2557 : vector<16xf32> to vector<16xf32>
      %mul3A_2559 = arith.mulf %scan3A_2032#14, %get3A_2558 : vector<16xf32>
      %add3A_2560 = arith.addf %add3A_2555, %mul3A_2559 : vector<16xf32>
      %get3A_2561 = arith.constant 1008 : index
      %get3A_2562 = tpu.vector_load %arg12[%get3A_2561] {strides = array<i32>} : memref<1024xf32, #tpu.memory_space<vmem>>, vector<16xf32>,
      %get3A_2563 = vector.shape_cast %get3A_2562 : vector<16xf32> to vector<16xf32>
      %mul3A_2564 = arith.mulf %scan3A_2032#15, %get3A_2563 : vector<16xf32>
      %add3A_2565 = arith.addf %add3A_2560, %mul3A_2564 : vector<16xf32>
      %add3A_2566 = arith.constant 1 : i32
      %add3A_2567 = vector.broadcast %add3A_2566 : i32 to vector<16xi32>
      %add3A_2568 = arith.addi %iota3A, %add3A_2567 : vector<16xi32>
      %and3A_2569 = arith.constant 15 : i32
      %and3A_2570 = vector.broadcast %and3A_2569 : i32 to vector<16xi32>
      %and3A_2571 = arith.andi %add3A_2568, %and3A_2570 : vector<16xi32>
      %lt3A_2572 = arith.constant 0 : i32
      %lt3A_2573 = vector.broadcast %lt3A_2572 : i32 to vector<16xi32>
      %lt3A_2574 = arith.cmpi slt, %and3A_2571, %lt3A_2573 : vector<16xi32>
      %add3A_2575 = arith.constant 16 : i32
      %add3A_2576 = vector.broadcast %add3A_2575 : i32 to vector<16xi32>
      %add3A_2577 = arith.addi %and3A_2571, %add3A_2576 : vector<16xi32>
      %select_n3A_2578 = arith.select %lt3A_2574, %add3A_2577, %and3A_2571 : vector<16xi1>, vector<16xi32>
      %broadcast_in_dim3A_2579 = vector.shape_cast %select_n3A_2578 : vector<16xi32> to vector<16x1xi32>
      %gather3A_2580 = vector.shape_cast %broadcast_in_dim3A_2579 : vector<16x1xi32> to vector<16xi32>
      %gather3A_2581 = tpu.dynamic_gather %add3A_2565[%gather3A_2580] in [0] : vector<16xf32>, vector<16xi32> -> vector<16xf32>
      %add3A_2582 = arith.addf %add3A_2565, %gather3A_2581 : vector<16xf32>
      %add3A_2583 = arith.constant 2 : i32
      %add3A_2584 = vector.broadcast %add3A_2583 : i32 to vector<16xi32>
      %add3A_2585 = arith.addi %iota3A, %add3A_2584 : vector<16xi32>
      %and3A_2586 = arith.constant 15 : i32
      %and3A_2587 = vector.broadcast %and3A_2586 : i32 to vector<16xi32>
      %and3A_2588 = arith.andi %add3A_2585, %and3A_2587 : vector<16xi32>
      %lt3A_2589 = arith.constant 0 : i32
      %lt3A_2590 = vector.broadcast %lt3A_2589 : i32 to vector<16xi32>
      %lt3A_2591 = arith.cmpi slt, %and3A_2588, %lt3A_2590 : vector<16xi32>
      %add3A_2592 = arith.constant 16 : i32
      %add3A_2593 = vector.broadcast %add3A_2592 : i32 to vector<16xi32>
      %add3A_2594 = arith.addi %and3A_2588, %add3A_2593 : vector<16xi32>
      %select_n3A_2595 = arith.select %lt3A_2591, %add3A_2594, %and3A_2588 : vector<16xi1>, vector<16xi32>
      %broadcast_in_dim3A_2596 = vector.shape_cast %select_n3A_2595 : vector<16xi32> to vector<16x1xi32>
      %gather3A_2597 = vector.shape_cast %broadcast_in_dim3A_2596 : vector<16x1xi32> to vector<16xi32>
      %gather3A_2598 = tpu.dynamic_gather %add3A_2582[%gather3A_2597] in [0] : vector<16xf32>, vector<16xi32> -> vector<16xf32>
      %add3A_2599 = arith.addf %add3A_2582, %gather3A_2598 : vector<16xf32>
      %add3A_2600 = arith.constant 4 : i32
      %add3A_2601 = vector.broadcast %add3A_2600 : i32 to vector<16xi32>
      %add3A_2602 = arith.addi %iota3A, %add3A_2601 : vector<16xi32>
      %and3A_2603 = arith.constant 15 : i32
      %and3A_2604 = vector.broadcast %and3A_2603 : i32 to vector<16xi32>
      %and3A_2605 = arith.andi %add3A_2602, %and3A_2604 : vector<16xi32>
      %lt3A_2606 = arith.constant 0 : i32
      %lt3A_2607 = vector.broadcast %lt3A_2606 : i32 to vector<16xi32>
      %lt3A_2608 = arith.cmpi slt, %and3A_2605, %lt3A_2607 : vector<16xi32>
      %add3A_2609 = arith.constant 16 : i32
      %add3A_2610 = vector.broadcast %add3A_2609 : i32 to vector<16xi32>
      %add3A_2611 = arith.addi %and3A_2605, %add3A_2610 : vector<16xi32>
      %select_n3A_2612 = arith.select %lt3A_2608, %add3A_2611, %and3A_2605 : vector<16xi1>, vector<16xi32>
      %broadcast_in_dim3A_2613 = vector.shape_cast %select_n3A_2612 : vector<16xi32> to vector<16x1xi32>
      %gather3A_2614 = vector.shape_cast %broadcast_in_dim3A_2613 : vector<16x1xi32> to vector<16xi32>
      %gather3A_2615 = tpu.dynamic_gather %add3A_2599[%gather3A_2614] in [0] : vector<16xf32>, vector<16xi32> -> vector<16xf32>
      %add3A_2616 = arith.addf %add3A_2599, %gather3A_2615 : vector<16xf32>
      %add3A_2617 = arith.constant 8 : i32
      %add3A_2618 = vector.broadcast %add3A_2617 : i32 to vector<16xi32>
      %add3A_2619 = arith.addi %iota3A, %add3A_2618 : vector<16xi32>
      %and3A_2620 = arith.constant 15 : i32
      %and3A_2621 = vector.broadcast %and3A_2620 : i32 to vector<16xi32>
      %and3A_2622 = arith.andi %add3A_2619, %and3A_2621 : vector<16xi32>
      %lt3A_2623 = arith.constant 0 : i32
      %lt3A_2624 = vector.broadcast %lt3A_2623 : i32 to vector<16xi32>
      %lt3A_2625 = arith.cmpi slt, %and3A_2622, %lt3A_2624 : vector<16xi32>
      %add3A_2626 = arith.constant 16 : i32
      %add3A_2627 = vector.broadcast %add3A_2626 : i32 to vector<16xi32>
      %add3A_2628 = arith.addi %and3A_2622, %add3A_2627 : vector<16xi32>
      %select_n3A_2629 = arith.select %lt3A_2625, %add3A_2628, %and3A_2622 : vector<16xi1>, vector<16xi32>
      %broadcast_in_dim3A_2630 = vector.shape_cast %select_n3A_2629 : vector<16xi32> to vector<16x1xi32>
      %gather3A_2631 = vector.shape_cast %broadcast_in_dim3A_2630 : vector<16x1xi32> to vector<16xi32>
      %gather3A_2632 = tpu.dynamic_gather %add3A_2616[%gather3A_2631] in [0] : vector<16xf32>, vector<16xi32> -> vector<16xf32>
      %add3A_2633 = arith.addf %add3A_2616, %gather3A_2632 : vector<16xf32>
      %eq3A_2634 = arith.constant 7 : i32
      %eq3A_2635 = vector.broadcast %eq3A_2634 : i32 to vector<16xi32>
      %eq3A_2636 = arith.cmpi eq, %iota3A, %eq3A_2635 : vector<16xi32>
      %select_n3A_2637 = arith.select %eq3A_2636, %add3A_2633, %select_n3A_2486 : vector<16xi1>, vector<16xf32>
      %add3A_2638 = arith.constant 3 : i32
      %add3A_2639 = arith.addi %mul3A_1339, %add3A_2638 : i32
      %dma_start3A_2640 = arith.constant 0 : i32
      %dma_start3A_2641 = arith.constant 0 : i32
      %dma_start3A_2642 = tpu.memref_slice %arg9[%dma_start3A_2640, %dma_start3A_2641] : memref<64x128xf32, #tpu.memory_space<vmem>> -> memref<50x128xf32, #tpu.memory_space<vmem>>
      %dma_start3A_2643 = arith.constant 0 : i32
      %dma_start3A_2644 = tpu.memref_slice %arg7[%add3A_2639, %dma_start3A_2643] : memref<128x50xi32, #tpu.memory_space<vmem>> -> memref<1x50xi32, #tpu.memory_space<vmem>>
      %dma_start3A_2645 = tpu.memref_squeeze %dma_start3A_2644 : memref<1x50xi32, #tpu.memory_space<vmem>> -> memref<50xi32, #tpu.memory_space<vmem>>
      %dma_start3A_2646 = arith.constant 0 : i32
      %dma_start3A_2647 = arith.constant 0 : i32
      %dma_start3A_2648 = tpu.memref_slice %arg2[%dma_start3A_2646, %dma_start3A_2647] : memref<1000001x300xf32, #tpu.memory_space<hbm>> -> memref<1000001x128xf32, #tpu.memory_space<hbm>>
      %dma_start3A_2649 = arith.constant 0 : i32
      %dma_start3A_2650 = arith.constant 0 : i32
      %dma_start3A_2651 = tpu.memref_slice %dma_start3A_2648[%dma_start3A_2649, %dma_start3A_2650] : memref<1000001x128xf32, #tpu.memory_space<hbm>> -> memref<1000001x128xf32, #tpu.memory_space<hbm>>
      tpu.enqueue_indirect_dma source(%dma_start3A_2651 : memref<1000001x128xf32, #tpu.memory_space<hbm>>) target(%dma_start3A_2642 : memref<50x128xf32, #tpu.memory_space<vmem>>) offsets(%dma_start3A_2645 : memref<50xi32, #tpu.memory_space<vmem>>) semaphore(%arg16 : memref<!tpu.dma_semaphore, #tpu.memory_space<semaphore_mem>>)
      %dma_start3A_2652 = arith.constant 0 : i32
      %dma_start3A_2653 = arith.constant 0 : i32
      %dma_start3A_2654 = tpu.memref_slice %arg11[%dma_start3A_2652, %dma_start3A_2653] : memref<64x128xf32, #tpu.memory_space<vmem>> -> memref<50x128xf32, #tpu.memory_space<vmem>>
      %dma_start3A_2655 = arith.constant 0 : i32
      %dma_start3A_2656 = tpu.memref_slice %arg7[%add3A_2639, %dma_start3A_2655] : memref<128x50xi32, #tpu.memory_space<vmem>> -> memref<1x50xi32, #tpu.memory_space<vmem>>
      %dma_start3A_2657 = tpu.memref_squeeze %dma_start3A_2656 : memref<1x50xi32, #tpu.memory_space<vmem>> -> memref<50xi32, #tpu.memory_space<vmem>>
      %dma_start3A_2658 = arith.constant 0 : i32
      %dma_start3A_2659 = arith.constant 128 : i32
      %dma_start3A_2660 = tpu.memref_slice %arg2[%dma_start3A_2658, %dma_start3A_2659] : memref<1000001x300xf32, #tpu.memory_space<hbm>> -> memref<1000001x128xf32, #tpu.memory_space<hbm>>
      %dma_start3A_2661 = arith.constant 0 : i32
      %dma_start3A_2662 = arith.constant 0 : i32
      %dma_start3A_2663 = tpu.memref_slice %dma_start3A_2660[%dma_start3A_2661, %dma_start3A_2662] : memref<1000001x128xf32, #tpu.memory_space<hbm>> -> memref<1000001x128xf32, #tpu.memory_space<hbm>>
      tpu.enqueue_indirect_dma source(%dma_start3A_2663 : memref<1000001x128xf32, #tpu.memory_space<hbm>>) target(%dma_start3A_2654 : memref<50x128xf32, #tpu.memory_space<vmem>>) offsets(%dma_start3A_2657 : memref<50xi32, #tpu.memory_space<vmem>>) semaphore(%arg18 : memref<!tpu.dma_semaphore, #tpu.memory_space<semaphore_mem>>)
      %add3A_2664 = arith.addf %select_n3A_1973, %select_n3A_2637 : vector<16xf32>
      %add3A_2665 = arith.addf %add3A_2664, %get3A_4 : vector<16xf32>
      %mul3A_2666 = arith.constant 8 : i32
      %mul3A_2667 = arith.muli %mul3A_2666, %scan3A_1337 : i32
      %swap3A_2668 = arith.index_cast %mul3A_2667 : i32 to index
      %swap3A_2669 = tpu.vector_load %arg14[%swap3A_2668] {strides = array<i32>} : memref<528xf32, #tpu.memory_space<vmem>>, vector<16xf32>,
      %swap3A_2670 = vector.shape_cast %swap3A_2669 : vector<16xf32> to vector<16xf32>
      %swap3A_2671 = vector.shape_cast %add3A_2665 : vector<16xf32> to vector<16xf32>
      tpu.vector_store %arg14[%swap3A_2668], %swap3A_2671 {strides = array<i32>} : memref<528xf32, #tpu.memory_space<vmem>>, vector<16xf32>,
    }
    %scan3A_61 = arith.constant 63 : i32
    %dma_wait3A = arith.constant 126 : i32
    %dma_wait3A_62 = arith.constant 0 : i32
    %dma_wait3A_63 = arith.constant 0 : i32
    %dma_wait3A_64 = tpu.memref_slice %arg8[%dma_wait3A_62, %dma_wait3A_63] : memref<64x128xf32, #tpu.memory_space<vmem>> -> memref<50x128xf32, #tpu.memory_space<vmem>>
    %dma_wait3A_65 = arith.constant 0 : i32
    %dma_wait3A_66 = tpu.memref_slice %arg7[%dma_wait3A, %dma_wait3A_65] : memref<128x50xi32, #tpu.memory_space<vmem>> -> memref<1x50xi32, #tpu.memory_space<vmem>>
    %dma_wait3A_67 = tpu.memref_squeeze %dma_wait3A_66 : memref<1x50xi32, #tpu.memory_space<vmem>> -> memref<50xi32, #tpu.memory_space<vmem>>
    %dma_wait3A_68 = arith.constant 0 : i32
    %dma_wait3A_69 = arith.constant 0 : i32
    %dma_wait3A_70 = tpu.memref_slice %arg2[%dma_wait3A_68, %dma_wait3A_69] : memref<1000001x300xf32, #tpu.memory_space<hbm>> -> memref<1000001x128xf32, #tpu.memory_space<hbm>>
    %dma_wait3A_71 = arith.constant 0 : i32
    %dma_wait3A_72 = arith.constant 0 : i32
    %dma_wait3A_73 = tpu.memref_slice %dma_wait3A_70[%dma_wait3A_71, %dma_wait3A_72] : memref<1000001x128xf32, #tpu.memory_space<hbm>> -> memref<1000001x128xf32, #tpu.memory_space<hbm>>
    tpu.wait_indirect_dma semaphore(%arg15 : memref<!tpu.dma_semaphore, #tpu.memory_space<semaphore_mem>>) src(%dma_wait3A_73 : memref<1000001x128xf32, #tpu.memory_space<hbm>>) dst(%dma_wait3A_64 : memref<50x128xf32, #tpu.memory_space<vmem>>)
    %dma_wait3A_74 = arith.constant 126 : i32
    %dma_wait3A_75 = arith.constant 0 : i32
    %dma_wait3A_76 = arith.constant 0 : i32
    %dma_wait3A_77 = tpu.memref_slice %arg10[%dma_wait3A_75, %dma_wait3A_76] : memref<64x128xf32, #tpu.memory_space<vmem>> -> memref<50x128xf32, #tpu.memory_space<vmem>>
    %dma_wait3A_78 = arith.constant 0 : i32
    %dma_wait3A_79 = tpu.memref_slice %arg7[%dma_wait3A_74, %dma_wait3A_78] : memref<128x50xi32, #tpu.memory_space<vmem>> -> memref<1x50xi32, #tpu.memory_space<vmem>>
    %dma_wait3A_80 = tpu.memref_squeeze %dma_wait3A_79 : memref<1x50xi32, #tpu.memory_space<vmem>> -> memref<50xi32, #tpu.memory_space<vmem>>
    %dma_wait3A_81 = arith.constant 0 : i32
    %dma_wait3A_82 = arith.constant 128 : i32
    %dma_wait3A_83 = tpu.memref_slice %arg2[%dma_wait3A_81, %dma_wait3A_82] : memref<1000001x300xf32, #tpu.memory_space<hbm>> -> memref<1000001x128xf32, #tpu.memory_space<hbm>>
    %dma_wait3A_84 = arith.constant 0 : i32
    %dma_wait3A_85 = arith.constant 0 : i32
    %dma_wait3A_86 = tpu.memref_slice %dma_wait3A_83[%dma_wait3A_84, %dma_wait3A_85] : memref<1000001x128xf32, #tpu.memory_space<hbm>> -> memref<1000001x128xf32, #tpu.memory_space<hbm>>
    tpu.wait_indirect_dma semaphore(%arg17 : memref<!tpu.dma_semaphore, #tpu.memory_space<semaphore_mem>>) src(%dma_wait3A_86 : memref<1000001x128xf32, #tpu.memory_space<hbm>>) dst(%dma_wait3A_77 : memref<50x128xf32, #tpu.memory_space<vmem>>)
    %scan3A_87 = arith.constant 0 : i32
    %scan3A_88 = arith.constant 50 : i32
    %scan3A_89 = arith.addi %scan3A_87, %scan3A_88 : i32
    %scan3A_90 = arith.constant 1 : i32
    %scan3A_91:16 = scf.for %scan3A_1337 = %scan3A_87 to %scan3A_89 step %scan3A_90 iter_args(%scan3A_1338 = %broadcast_in_dim3A_5, %scan3A_1339 = %broadcast_in_dim3A_5, %scan3A_1340 = %broadcast_in_dim3A_5, %scan3A_1341 = %broadcast_in_dim3A_5, %scan3A_1342 = %broadcast_in_dim3A_5, %scan3A_1343 = %broadcast_in_dim3A_5, %scan3A_1344 = %broadcast_in_dim3A_5, %scan3A_1345 = %broadcast_in_dim3A_5, %scan3A_1346 = %broadcast_in_dim3A_5, %scan3A_1347 = %broadcast_in_dim3A_5, %scan3A_1348 = %broadcast_in_dim3A_5, %scan3A_1349 = %broadcast_in_dim3A_5, %scan3A_1350 = %broadcast_in_dim3A_5, %scan3A_1351 = %broadcast_in_dim3A_5, %scan3A_1352 = %broadcast_in_dim3A_5, %scan3A_1353 = %broadcast_in_dim3A_5) -> (vector<16xf32>, vector<16xf32>, vector<16xf32>, vector<16xf32>, vector<16xf32>, vector<16xf32>, vector<16xf32>, vector<16xf32>, vector<16xf32>, vector<16xf32>, vector<16xf32>, vector<16xf32>, vector<16xf32>, vector<16xf32>, vector<16xf32>, vector<16xf32>)  : i32 {
      %get3A_1354 = arith.index_cast %scan3A_1337 : i32 to index
      %get3A_1355 = arith.constant 0 : index
      %get3A_1356 = tpu.vector_load %arg8[%get3A_1354, %get3A_1355] {strides = array<i32>} : memref<64x128xf32, #tpu.memory_space<vmem>>, vector<1x16xf32>,
      %get3A_1357 = vector.shape_cast %get3A_1356 : vector<1x16xf32> to vector<16xf32>
      %add3A_1358 = arith.addf %scan3A_1338, %get3A_1357 : vector<16xf32>
      %get3A_1359 = arith.index_cast %scan3A_1337 : i32 to index
      %get3A_1360 = arith.constant 16 : index
      %get3A_1361 = tpu.vector_load %arg8[%get3A_1359, %get3A_1360] {strides = array<i32>} : memref<64x128xf32, #tpu.memory_space<vmem>>, vector<1x16xf32>,
      %get3A_1362 = vector.shape_cast %get3A_1361 : vector<1x16xf32> to vector<16xf32>
      %add3A_1363 = arith.addf %scan3A_1339, %get3A_1362 : vector<16xf32>
      %get3A_1364 = arith.index_cast %scan3A_1337 : i32 to index
      %get3A_1365 = arith.constant 32 : index
      %get3A_1366 = tpu.vector_load %arg8[%get3A_1364, %get3A_1365] {strides = array<i32>} : memref<64x128xf32, #tpu.memory_space<vmem>>, vector<1x16xf32>,
      %get3A_1367 = vector.shape_cast %get3A_1366 : vector<1x16xf32> to vector<16xf32>
      %add3A_1368 = arith.addf %scan3A_1340, %get3A_1367 : vector<16xf32>
      %get3A_1369 = arith.index_cast %scan3A_1337 : i32 to index
      %get3A_1370 = arith.constant 48 : index
      %get3A_1371 = tpu.vector_load %arg8[%get3A_1369, %get3A_1370] {strides = array<i32>} : memref<64x128xf32, #tpu.memory_space<vmem>>, vector<1x16xf32>,
      %get3A_1372 = vector.shape_cast %get3A_1371 : vector<1x16xf32> to vector<16xf32>
      %add3A_1373 = arith.addf %scan3A_1341, %get3A_1372 : vector<16xf32>
      %get3A_1374 = arith.index_cast %scan3A_1337 : i32 to index
      %get3A_1375 = arith.constant 64 : index
      %get3A_1376 = tpu.vector_load %arg8[%get3A_1374, %get3A_1375] {strides = array<i32>} : memref<64x128xf32, #tpu.memory_space<vmem>>, vector<1x16xf32>,
      %get3A_1377 = vector.shape_cast %get3A_1376 : vector<1x16xf32> to vector<16xf32>
      %add3A_1378 = arith.addf %scan3A_1342, %get3A_1377 : vector<16xf32>
      %get3A_1379 = arith.index_cast %scan3A_1337 : i32 to index
      %get3A_1380 = arith.constant 80 : index
      %get3A_1381 = tpu.vector_load %arg8[%get3A_1379, %get3A_1380] {strides = array<i32>} : memref<64x128xf32, #tpu.memory_space<vmem>>, vector<1x16xf32>,
      %get3A_1382 = vector.shape_cast %get3A_1381 : vector<1x16xf32> to vector<16xf32>
      %add3A_1383 = arith.addf %scan3A_1343, %get3A_1382 : vector<16xf32>
      %get3A_1384 = arith.index_cast %scan3A_1337 : i32 to index
      %get3A_1385 = arith.constant 96 : index
      %get3A_1386 = tpu.vector_load %arg8[%get3A_1384, %get3A_1385] {strides = array<i32>} : memref<64x128xf32, #tpu.memory_space<vmem>>, vector<1x16xf32>,
      %get3A_1387 = vector.shape_cast %get3A_1386 : vector<1x16xf32> to vector<16xf32>
      %add3A_1388 = arith.addf %scan3A_1344, %get3A_1387 : vector<16xf32>
      %get3A_1389 = arith.index_cast %scan3A_1337 : i32 to index
      %get3A_1390 = arith.constant 112 : index
      %get3A_1391 = tpu.vector_load %arg8[%get3A_1389, %get3A_1390] {strides = array<i32>} : memref<64x128xf32, #tpu.memory_space<vmem>>, vector<1x16xf32>,
      %get3A_1392 = vector.shape_cast %get3A_1391 : vector<1x16xf32> to vector<16xf32>
      %add3A_1393 = arith.addf %scan3A_1345, %get3A_1392 : vector<16xf32>
      %get3A_1394 = arith.index_cast %scan3A_1337 : i32 to index
      %get3A_1395 = arith.constant 0 : index
      %get3A_1396 = tpu.vector_load %arg10[%get3A_1394, %get3A_1395] {strides = array<i32>} : memref<64x128xf32, #tpu.memory_space<vmem>>, vector<1x16xf32>,
      %get3A_1397 = vector.shape_cast %get3A_1396 : vector<1x16xf32> to vector<16xf32>
      %add3A_1398 = arith.addf %scan3A_1346, %get3A_1397 : vector<16xf32>
      %get3A_1399 = arith.index_cast %scan3A_1337 : i32 to index
      %get3A_1400 = arith.constant 16 : index
      %get3A_1401 = tpu.vector_load %arg10[%get3A_1399, %get3A_1400] {strides = array<i32>} : memref<64x128xf32, #tpu.memory_space<vmem>>, vector<1x16xf32>,
      %get3A_1402 = vector.shape_cast %get3A_1401 : vector<1x16xf32> to vector<16xf32>
      %add3A_1403 = arith.addf %scan3A_1347, %get3A_1402 : vector<16xf32>
      %get3A_1404 = arith.index_cast %scan3A_1337 : i32 to index
      %get3A_1405 = arith.constant 32 : index
      %get3A_1406 = tpu.vector_load %arg10[%get3A_1404, %get3A_1405] {strides = array<i32>} : memref<64x128xf32, #tpu.memory_space<vmem>>, vector<1x16xf32>,
      %get3A_1407 = vector.shape_cast %get3A_1406 : vector<1x16xf32> to vector<16xf32>
      %add3A_1408 = arith.addf %scan3A_1348, %get3A_1407 : vector<16xf32>
      %get3A_1409 = arith.index_cast %scan3A_1337 : i32 to index
      %get3A_1410 = arith.constant 48 : index
      %get3A_1411 = tpu.vector_load %arg10[%get3A_1409, %get3A_1410] {strides = array<i32>} : memref<64x128xf32, #tpu.memory_space<vmem>>, vector<1x16xf32>,
      %get3A_1412 = vector.shape_cast %get3A_1411 : vector<1x16xf32> to vector<16xf32>
      %add3A_1413 = arith.addf %scan3A_1349, %get3A_1412 : vector<16xf32>
      %get3A_1414 = arith.index_cast %scan3A_1337 : i32 to index
      %get3A_1415 = arith.constant 64 : index
      %get3A_1416 = tpu.vector_load %arg10[%get3A_1414, %get3A_1415] {strides = array<i32>} : memref<64x128xf32, #tpu.memory_space<vmem>>, vector<1x16xf32>,
      %get3A_1417 = vector.shape_cast %get3A_1416 : vector<1x16xf32> to vector<16xf32>
      %add3A_1418 = arith.addf %scan3A_1350, %get3A_1417 : vector<16xf32>
      %get3A_1419 = arith.index_cast %scan3A_1337 : i32 to index
      %get3A_1420 = arith.constant 80 : index
      %get3A_1421 = tpu.vector_load %arg10[%get3A_1419, %get3A_1420] {strides = array<i32>} : memref<64x128xf32, #tpu.memory_space<vmem>>, vector<1x16xf32>,
      %get3A_1422 = vector.shape_cast %get3A_1421 : vector<1x16xf32> to vector<16xf32>
      %add3A_1423 = arith.addf %scan3A_1351, %get3A_1422 : vector<16xf32>
      %get3A_1424 = arith.index_cast %scan3A_1337 : i32 to index
      %get3A_1425 = arith.constant 96 : index
      %get3A_1426 = tpu.vector_load %arg10[%get3A_1424, %get3A_1425] {strides = array<i32>} : memref<64x128xf32, #tpu.memory_space<vmem>>, vector<1x16xf32>,
      %get3A_1427 = vector.shape_cast %get3A_1426 : vector<1x16xf32> to vector<16xf32>
      %add3A_1428 = arith.addf %scan3A_1352, %get3A_1427 : vector<16xf32>
      %get3A_1429 = arith.index_cast %scan3A_1337 : i32 to index
      %get3A_1430 = arith.constant 112 : index
      %get3A_1431 = tpu.vector_load %arg10[%get3A_1429, %get3A_1430] {strides = array<i32>} : memref<64x128xf32, #tpu.memory_space<vmem>>, vector<1x16xf32>,
      %get3A_1432 = vector.shape_cast %get3A_1431 : vector<1x16xf32> to vector<16xf32>
      %add3A_1433 = arith.addf %scan3A_1353, %get3A_1432 : vector<16xf32>
      scf.yield %add3A_1358, %add3A_1363, %add3A_1368, %add3A_1373, %add3A_1378, %add3A_1383, %add3A_1388, %add3A_1393, %add3A_1398, %add3A_1403, %add3A_1408, %add3A_1413, %add3A_1418, %add3A_1423, %add3A_1428, %add3A_1433 : vector<16xf32>, vector<16xf32>, vector<16xf32>, vector<16xf32>, vector<16xf32>, vector<16xf32>, vector<16xf32>, vector<16xf32>, vector<16xf32>, vector<16xf32>, vector<16xf32>, vector<16xf32>, vector<16xf32>, vector<16xf32>, vector<16xf32>, vector<16xf32>
    }
    %scan3A_92 = arith.constant 50 : i32
    %get3A_93 = arith.constant 0 : index
    %get3A_94 = tpu.vector_load %arg12[%get3A_93] {strides = array<i32>} : memref<1024xf32, #tpu.memory_space<vmem>>, vector<16xf32>,
    %get3A_95 = vector.shape_cast %get3A_94 : vector<16xf32> to vector<16xf32>
    %mul3A_96 = arith.mulf %scan3A_91#0, %get3A_95 : vector<16xf32>
    %get3A_97 = arith.constant 64 : index
    %get3A_98 = tpu.vector_load %arg12[%get3A_97] {strides = array<i32>} : memref<1024xf32, #tpu.memory_space<vmem>>, vector<16xf32>,
    %get3A_99 = vector.shape_cast %get3A_98 : vector<16xf32> to vector<16xf32>
    %mul3A_100 = arith.mulf %scan3A_91#1, %get3A_99 : vector<16xf32>
    %add3A_101 = arith.addf %mul3A_96, %mul3A_100 : vector<16xf32>
    %get3A_102 = arith.constant 128 : index
    %get3A_103 = tpu.vector_load %arg12[%get3A_102] {strides = array<i32>} : memref<1024xf32, #tpu.memory_space<vmem>>, vector<16xf32>,
    %get3A_104 = vector.shape_cast %get3A_103 : vector<16xf32> to vector<16xf32>
    %mul3A_105 = arith.mulf %scan3A_91#2, %get3A_104 : vector<16xf32>
    %add3A_106 = arith.addf %add3A_101, %mul3A_105 : vector<16xf32>
    %get3A_107 = arith.constant 192 : index
    %get3A_108 = tpu.vector_load %arg12[%get3A_107] {strides = array<i32>} : memref<1024xf32, #tpu.memory_space<vmem>>, vector<16xf32>,
    %get3A_109 = vector.shape_cast %get3A_108 : vector<16xf32> to vector<16xf32>
    %mul3A_110 = arith.mulf %scan3A_91#3, %get3A_109 : vector<16xf32>
    %add3A_111 = arith.addf %add3A_106, %mul3A_110 : vector<16xf32>
    %get3A_112 = arith.constant 256 : index
    %get3A_113 = tpu.vector_load %arg12[%get3A_112] {strides = array<i32>} : memref<1024xf32, #tpu.memory_space<vmem>>, vector<16xf32>,
    %get3A_114 = vector.shape_cast %get3A_113 : vector<16xf32> to vector<16xf32>
    %mul3A_115 = arith.mulf %scan3A_91#4, %get3A_114 : vector<16xf32>
    %add3A_116 = arith.addf %add3A_111, %mul3A_115 : vector<16xf32>
    %get3A_117 = arith.constant 320 : index
    %get3A_118 = tpu.vector_load %arg12[%get3A_117] {strides = array<i32>} : memref<1024xf32, #tpu.memory_space<vmem>>, vector<16xf32>,
    %get3A_119 = vector.shape_cast %get3A_118 : vector<16xf32> to vector<16xf32>
    %mul3A_120 = arith.mulf %scan3A_91#5, %get3A_119 : vector<16xf32>
    %add3A_121 = arith.addf %add3A_116, %mul3A_120 : vector<16xf32>
    %get3A_122 = arith.constant 384 : index
    %get3A_123 = tpu.vector_load %arg12[%get3A_122] {strides = array<i32>} : memref<1024xf32, #tpu.memory_space<vmem>>, vector<16xf32>,
    %get3A_124 = vector.shape_cast %get3A_123 : vector<16xf32> to vector<16xf32>
    %mul3A_125 = arith.mulf %scan3A_91#6, %get3A_124 : vector<16xf32>
    %add3A_126 = arith.addf %add3A_121, %mul3A_125 : vector<16xf32>
    %get3A_127 = arith.constant 448 : index
    %get3A_128 = tpu.vector_load %arg12[%get3A_127] {strides = array<i32>} : memref<1024xf32, #tpu.memory_space<vmem>>, vector<16xf32>,
    %get3A_129 = vector.shape_cast %get3A_128 : vector<16xf32> to vector<16xf32>
    %mul3A_130 = arith.mulf %scan3A_91#7, %get3A_129 : vector<16xf32>
    %add3A_131 = arith.addf %add3A_126, %mul3A_130 : vector<16xf32>
    %get3A_132 = arith.constant 512 : index
    %get3A_133 = tpu.vector_load %arg12[%get3A_132] {strides = array<i32>} : memref<1024xf32, #tpu.memory_space<vmem>>, vector<16xf32>,
    %get3A_134 = vector.shape_cast %get3A_133 : vector<16xf32> to vector<16xf32>
    %mul3A_135 = arith.mulf %scan3A_91#8, %get3A_134 : vector<16xf32>
    %add3A_136 = arith.addf %add3A_131, %mul3A_135 : vector<16xf32>
    %get3A_137 = arith.constant 576 : index
    %get3A_138 = tpu.vector_load %arg12[%get3A_137] {strides = array<i32>} : memref<1024xf32, #tpu.memory_space<vmem>>, vector<16xf32>,
    %get3A_139 = vector.shape_cast %get3A_138 : vector<16xf32> to vector<16xf32>
    %mul3A_140 = arith.mulf %scan3A_91#9, %get3A_139 : vector<16xf32>
    %add3A_141 = arith.addf %add3A_136, %mul3A_140 : vector<16xf32>
    %get3A_142 = arith.constant 640 : index
    %get3A_143 = tpu.vector_load %arg12[%get3A_142] {strides = array<i32>} : memref<1024xf32, #tpu.memory_space<vmem>>, vector<16xf32>,
    %get3A_144 = vector.shape_cast %get3A_143 : vector<16xf32> to vector<16xf32>
    %mul3A_145 = arith.mulf %scan3A_91#10, %get3A_144 : vector<16xf32>
    %add3A_146 = arith.addf %add3A_141, %mul3A_145 : vector<16xf32>
    %get3A_147 = arith.constant 704 : index
    %get3A_148 = tpu.vector_load %arg12[%get3A_147] {strides = array<i32>} : memref<1024xf32, #tpu.memory_space<vmem>>, vector<16xf32>,
    %get3A_149 = vector.shape_cast %get3A_148 : vector<16xf32> to vector<16xf32>
    %mul3A_150 = arith.mulf %scan3A_91#11, %get3A_149 : vector<16xf32>
    %add3A_151 = arith.addf %add3A_146, %mul3A_150 : vector<16xf32>
    %get3A_152 = arith.constant 768 : index
    %get3A_153 = tpu.vector_load %arg12[%get3A_152] {strides = array<i32>} : memref<1024xf32, #tpu.memory_space<vmem>>, vector<16xf32>,
    %get3A_154 = vector.shape_cast %get3A_153 : vector<16xf32> to vector<16xf32>
    %mul3A_155 = arith.mulf %scan3A_91#12, %get3A_154 : vector<16xf32>
    %add3A_156 = arith.addf %add3A_151, %mul3A_155 : vector<16xf32>
    %get3A_157 = arith.constant 832 : index
    %get3A_158 = tpu.vector_load %arg12[%get3A_157] {strides = array<i32>} : memref<1024xf32, #tpu.memory_space<vmem>>, vector<16xf32>,
    %get3A_159 = vector.shape_cast %get3A_158 : vector<16xf32> to vector<16xf32>
    %mul3A_160 = arith.mulf %scan3A_91#13, %get3A_159 : vector<16xf32>
    %add3A_161 = arith.addf %add3A_156, %mul3A_160 : vector<16xf32>
    %get3A_162 = arith.constant 896 : index
    %get3A_163 = tpu.vector_load %arg12[%get3A_162] {strides = array<i32>} : memref<1024xf32, #tpu.memory_space<vmem>>, vector<16xf32>,
    %get3A_164 = vector.shape_cast %get3A_163 : vector<16xf32> to vector<16xf32>
    %mul3A_165 = arith.mulf %scan3A_91#14, %get3A_164 : vector<16xf32>
    %add3A_166 = arith.addf %add3A_161, %mul3A_165 : vector<16xf32>
    %get3A_167 = arith.constant 960 : index
    %get3A_168 = tpu.vector_load %arg12[%get3A_167] {strides = array<i32>} : memref<1024xf32, #tpu.memory_space<vmem>>, vector<16xf32>,
    %get3A_169 = vector.shape_cast %get3A_168 : vector<16xf32> to vector<16xf32>
    %mul3A_170 = arith.mulf %scan3A_91#15, %get3A_169 : vector<16xf32>
    %add3A_171 = arith.addf %add3A_166, %mul3A_170 : vector<16xf32>
    %add3A_172 = arith.constant 1 : i32
    %add3A_173 = vector.broadcast %add3A_172 : i32 to vector<16xi32>
    %add3A_174 = arith.addi %iota3A, %add3A_173 : vector<16xi32>
    %and3A = arith.constant 15 : i32
    %and3A_175 = vector.broadcast %and3A : i32 to vector<16xi32>
    %and3A_176 = arith.andi %add3A_174, %and3A_175 : vector<16xi32>
    %lt3A = arith.constant 0 : i32
    %lt3A_177 = vector.broadcast %lt3A : i32 to vector<16xi32>
    %lt3A_178 = arith.cmpi slt, %and3A_176, %lt3A_177 : vector<16xi32>
    %add3A_179 = arith.constant 16 : i32
    %add3A_180 = vector.broadcast %add3A_179 : i32 to vector<16xi32>
    %add3A_181 = arith.addi %and3A_176, %add3A_180 : vector<16xi32>
    %select_n3A = arith.select %lt3A_178, %add3A_181, %and3A_176 : vector<16xi1>, vector<16xi32>
    %broadcast_in_dim3A_182 = vector.shape_cast %select_n3A : vector<16xi32> to vector<16x1xi32>
    %gather3A = vector.shape_cast %broadcast_in_dim3A_182 : vector<16x1xi32> to vector<16xi32>
    %gather3A_183 = tpu.dynamic_gather %add3A_171[%gather3A] in [0] : vector<16xf32>, vector<16xi32> -> vector<16xf32>
    %add3A_184 = arith.addf %add3A_171, %gather3A_183 : vector<16xf32>
    %add3A_185 = arith.constant 2 : i32
    %add3A_186 = vector.broadcast %add3A_185 : i32 to vector<16xi32>
    %add3A_187 = arith.addi %iota3A, %add3A_186 : vector<16xi32>
    %and3A_188 = arith.constant 15 : i32
    %and3A_189 = vector.broadcast %and3A_188 : i32 to vector<16xi32>
    %and3A_190 = arith.andi %add3A_187, %and3A_189 : vector<16xi32>
    %lt3A_191 = arith.constant 0 : i32
    %lt3A_192 = vector.broadcast %lt3A_191 : i32 to vector<16xi32>
    %lt3A_193 = arith.cmpi slt, %and3A_190, %lt3A_192 : vector<16xi32>
    %add3A_194 = arith.constant 16 : i32
    %add3A_195 = vector.broadcast %add3A_194 : i32 to vector<16xi32>
    %add3A_196 = arith.addi %and3A_190, %add3A_195 : vector<16xi32>
    %select_n3A_197 = arith.select %lt3A_193, %add3A_196, %and3A_190 : vector<16xi1>, vector<16xi32>
    %broadcast_in_dim3A_198 = vector.shape_cast %select_n3A_197 : vector<16xi32> to vector<16x1xi32>
    %gather3A_199 = vector.shape_cast %broadcast_in_dim3A_198 : vector<16x1xi32> to vector<16xi32>
    %gather3A_200 = tpu.dynamic_gather %add3A_184[%gather3A_199] in [0] : vector<16xf32>, vector<16xi32> -> vector<16xf32>
    %add3A_201 = arith.addf %add3A_184, %gather3A_200 : vector<16xf32>
    %add3A_202 = arith.constant 4 : i32
    %add3A_203 = vector.broadcast %add3A_202 : i32 to vector<16xi32>
    %add3A_204 = arith.addi %iota3A, %add3A_203 : vector<16xi32>
    %and3A_205 = arith.constant 15 : i32
    %and3A_206 = vector.broadcast %and3A_205 : i32 to vector<16xi32>
    %and3A_207 = arith.andi %add3A_204, %and3A_206 : vector<16xi32>
    %lt3A_208 = arith.constant 0 : i32
    %lt3A_209 = vector.broadcast %lt3A_208 : i32 to vector<16xi32>
    %lt3A_210 = arith.cmpi slt, %and3A_207, %lt3A_209 : vector<16xi32>
    %add3A_211 = arith.constant 16 : i32
    %add3A_212 = vector.broadcast %add3A_211 : i32 to vector<16xi32>
    %add3A_213 = arith.addi %and3A_207, %add3A_212 : vector<16xi32>
    %select_n3A_214 = arith.select %lt3A_210, %add3A_213, %and3A_207 : vector<16xi1>, vector<16xi32>
    %broadcast_in_dim3A_215 = vector.shape_cast %select_n3A_214 : vector<16xi32> to vector<16x1xi32>
    %gather3A_216 = vector.shape_cast %broadcast_in_dim3A_215 : vector<16x1xi32> to vector<16xi32>
    %gather3A_217 = tpu.dynamic_gather %add3A_201[%gather3A_216] in [0] : vector<16xf32>, vector<16xi32> -> vector<16xf32>
    %add3A_218 = arith.addf %add3A_201, %gather3A_217 : vector<16xf32>
    %add3A_219 = arith.constant 8 : i32
    %add3A_220 = vector.broadcast %add3A_219 : i32 to vector<16xi32>
    %add3A_221 = arith.addi %iota3A, %add3A_220 : vector<16xi32>
    %and3A_222 = arith.constant 15 : i32
    %and3A_223 = vector.broadcast %and3A_222 : i32 to vector<16xi32>
    %and3A_224 = arith.andi %add3A_221, %and3A_223 : vector<16xi32>
    %lt3A_225 = arith.constant 0 : i32
    %lt3A_226 = vector.broadcast %lt3A_225 : i32 to vector<16xi32>
    %lt3A_227 = arith.cmpi slt, %and3A_224, %lt3A_226 : vector<16xi32>
    %add3A_228 = arith.constant 16 : i32
    %add3A_229 = vector.broadcast %add3A_228 : i32 to vector<16xi32>
    %add3A_230 = arith.addi %and3A_224, %add3A_229 : vector<16xi32>
    %select_n3A_231 = arith.select %lt3A_227, %add3A_230, %and3A_224 : vector<16xi1>, vector<16xi32>
    %broadcast_in_dim3A_232 = vector.shape_cast %select_n3A_231 : vector<16xi32> to vector<16x1xi32>
    %gather3A_233 = vector.shape_cast %broadcast_in_dim3A_232 : vector<16x1xi32> to vector<16xi32>
    %gather3A_234 = tpu.dynamic_gather %add3A_218[%gather3A_233] in [0] : vector<16xf32>, vector<16xi32> -> vector<16xf32>
    %add3A_235 = arith.addf %add3A_218, %gather3A_234 : vector<16xf32>
    %eq3A = arith.constant 0 : i32
    %eq3A_236 = vector.broadcast %eq3A : i32 to vector<16xi32>
    %eq3A_237 = arith.cmpi eq, %iota3A, %eq3A_236 : vector<16xi32>
    %select_n3A_238 = arith.select %eq3A_237, %add3A_235, %broadcast_in_dim3A_5 : vector<16xi1>, vector<16xf32>
    %get3A_239 = arith.constant 16 : index
    %get3A_240 = tpu.vector_load %arg12[%get3A_239] {strides = array<i32>} : memref<1024xf32, #tpu.memory_space<vmem>>, vector<16xf32>,
    %get3A_241 = vector.shape_cast %get3A_240 : vector<16xf32> to vector<16xf32>
    %mul3A_242 = arith.mulf %scan3A_91#0, %get3A_241 : vector<16xf32>
    %get3A_243 = arith.constant 80 : index
    %get3A_244 = tpu.vector_load %arg12[%get3A_243] {strides = array<i32>} : memref<1024xf32, #tpu.memory_space<vmem>>, vector<16xf32>,
    %get3A_245 = vector.shape_cast %get3A_244 : vector<16xf32> to vector<16xf32>
    %mul3A_246 = arith.mulf %scan3A_91#1, %get3A_245 : vector<16xf32>
    %add3A_247 = arith.addf %mul3A_242, %mul3A_246 : vector<16xf32>
    %get3A_248 = arith.constant 144 : index
    %get3A_249 = tpu.vector_load %arg12[%get3A_248] {strides = array<i32>} : memref<1024xf32, #tpu.memory_space<vmem>>, vector<16xf32>,
    %get3A_250 = vector.shape_cast %get3A_249 : vector<16xf32> to vector<16xf32>
    %mul3A_251 = arith.mulf %scan3A_91#2, %get3A_250 : vector<16xf32>
    %add3A_252 = arith.addf %add3A_247, %mul3A_251 : vector<16xf32>
    %get3A_253 = arith.constant 208 : index
    %get3A_254 = tpu.vector_load %arg12[%get3A_253] {strides = array<i32>} : memref<1024xf32, #tpu.memory_space<vmem>>, vector<16xf32>,
    %get3A_255 = vector.shape_cast %get3A_254 : vector<16xf32> to vector<16xf32>
    %mul3A_256 = arith.mulf %scan3A_91#3, %get3A_255 : vector<16xf32>
    %add3A_257 = arith.addf %add3A_252, %mul3A_256 : vector<16xf32>
    %get3A_258 = arith.constant 272 : index
    %get3A_259 = tpu.vector_load %arg12[%get3A_258] {strides = array<i32>} : memref<1024xf32, #tpu.memory_space<vmem>>, vector<16xf32>,
    %get3A_260 = vector.shape_cast %get3A_259 : vector<16xf32> to vector<16xf32>
    %mul3A_261 = arith.mulf %scan3A_91#4, %get3A_260 : vector<16xf32>
    %add3A_262 = arith.addf %add3A_257, %mul3A_261 : vector<16xf32>
    %get3A_263 = arith.constant 336 : index
    %get3A_264 = tpu.vector_load %arg12[%get3A_263] {strides = array<i32>} : memref<1024xf32, #tpu.memory_space<vmem>>, vector<16xf32>,
    %get3A_265 = vector.shape_cast %get3A_264 : vector<16xf32> to vector<16xf32>
    %mul3A_266 = arith.mulf %scan3A_91#5, %get3A_265 : vector<16xf32>
    %add3A_267 = arith.addf %add3A_262, %mul3A_266 : vector<16xf32>
    %get3A_268 = arith.constant 400 : index
    %get3A_269 = tpu.vector_load %arg12[%get3A_268] {strides = array<i32>} : memref<1024xf32, #tpu.memory_space<vmem>>, vector<16xf32>,
    %get3A_270 = vector.shape_cast %get3A_269 : vector<16xf32> to vector<16xf32>
    %mul3A_271 = arith.mulf %scan3A_91#6, %get3A_270 : vector<16xf32>
    %add3A_272 = arith.addf %add3A_267, %mul3A_271 : vector<16xf32>
    %get3A_273 = arith.constant 464 : index
    %get3A_274 = tpu.vector_load %arg12[%get3A_273] {strides = array<i32>} : memref<1024xf32, #tpu.memory_space<vmem>>, vector<16xf32>,
    %get3A_275 = vector.shape_cast %get3A_274 : vector<16xf32> to vector<16xf32>
    %mul3A_276 = arith.mulf %scan3A_91#7, %get3A_275 : vector<16xf32>
    %add3A_277 = arith.addf %add3A_272, %mul3A_276 : vector<16xf32>
    %get3A_278 = arith.constant 528 : index
    %get3A_279 = tpu.vector_load %arg12[%get3A_278] {strides = array<i32>} : memref<1024xf32, #tpu.memory_space<vmem>>, vector<16xf32>,
    %get3A_280 = vector.shape_cast %get3A_279 : vector<16xf32> to vector<16xf32>
    %mul3A_281 = arith.mulf %scan3A_91#8, %get3A_280 : vector<16xf32>
    %add3A_282 = arith.addf %add3A_277, %mul3A_281 : vector<16xf32>
    %get3A_283 = arith.constant 592 : index
    %get3A_284 = tpu.vector_load %arg12[%get3A_283] {strides = array<i32>} : memref<1024xf32, #tpu.memory_space<vmem>>, vector<16xf32>,
    %get3A_285 = vector.shape_cast %get3A_284 : vector<16xf32> to vector<16xf32>
    %mul3A_286 = arith.mulf %scan3A_91#9, %get3A_285 : vector<16xf32>
    %add3A_287 = arith.addf %add3A_282, %mul3A_286 : vector<16xf32>
    %get3A_288 = arith.constant 656 : index
    %get3A_289 = tpu.vector_load %arg12[%get3A_288] {strides = array<i32>} : memref<1024xf32, #tpu.memory_space<vmem>>, vector<16xf32>,
    %get3A_290 = vector.shape_cast %get3A_289 : vector<16xf32> to vector<16xf32>
    %mul3A_291 = arith.mulf %scan3A_91#10, %get3A_290 : vector<16xf32>
    %add3A_292 = arith.addf %add3A_287, %mul3A_291 : vector<16xf32>
    %get3A_293 = arith.constant 720 : index
    %get3A_294 = tpu.vector_load %arg12[%get3A_293] {strides = array<i32>} : memref<1024xf32, #tpu.memory_space<vmem>>, vector<16xf32>,
    %get3A_295 = vector.shape_cast %get3A_294 : vector<16xf32> to vector<16xf32>
    %mul3A_296 = arith.mulf %scan3A_91#11, %get3A_295 : vector<16xf32>
    %add3A_297 = arith.addf %add3A_292, %mul3A_296 : vector<16xf32>
    %get3A_298 = arith.constant 784 : index
    %get3A_299 = tpu.vector_load %arg12[%get3A_298] {strides = array<i32>} : memref<1024xf32, #tpu.memory_space<vmem>>, vector<16xf32>,
    %get3A_300 = vector.shape_cast %get3A_299 : vector<16xf32> to vector<16xf32>
    %mul3A_301 = arith.mulf %scan3A_91#12, %get3A_300 : vector<16xf32>
    %add3A_302 = arith.addf %add3A_297, %mul3A_301 : vector<16xf32>
    %get3A_303 = arith.constant 848 : index
    %get3A_304 = tpu.vector_load %arg12[%get3A_303] {strides = array<i32>} : memref<1024xf32, #tpu.memory_space<vmem>>, vector<16xf32>,
    %get3A_305 = vector.shape_cast %get3A_304 : vector<16xf32> to vector<16xf32>
    %mul3A_306 = arith.mulf %scan3A_91#13, %get3A_305 : vector<16xf32>
    %add3A_307 = arith.addf %add3A_302, %mul3A_306 : vector<16xf32>
    %get3A_308 = arith.constant 912 : index
    %get3A_309 = tpu.vector_load %arg12[%get3A_308] {strides = array<i32>} : memref<1024xf32, #tpu.memory_space<vmem>>, vector<16xf32>,
    %get3A_310 = vector.shape_cast %get3A_309 : vector<16xf32> to vector<16xf32>
    %mul3A_311 = arith.mulf %scan3A_91#14, %get3A_310 : vector<16xf32>
    %add3A_312 = arith.addf %add3A_307, %mul3A_311 : vector<16xf32>
    %get3A_313 = arith.constant 976 : index
    %get3A_314 = tpu.vector_load %arg12[%get3A_313] {strides = array<i32>} : memref<1024xf32, #tpu.memory_space<vmem>>, vector<16xf32>,
    %get3A_315 = vector.shape_cast %get3A_314 : vector<16xf32> to vector<16xf32>
    %mul3A_316 = arith.mulf %scan3A_91#15, %get3A_315 : vector<16xf32>
    %add3A_317 = arith.addf %add3A_312, %mul3A_316 : vector<16xf32>
    %add3A_318 = arith.constant 1 : i32
    %add3A_319 = vector.broadcast %add3A_318 : i32 to vector<16xi32>
    %add3A_320 = arith.addi %iota3A, %add3A_319 : vector<16xi32>
    %and3A_321 = arith.constant 15 : i32
    %and3A_322 = vector.broadcast %and3A_321 : i32 to vector<16xi32>
    %and3A_323 = arith.andi %add3A_320, %and3A_322 : vector<16xi32>
    %lt3A_324 = arith.constant 0 : i32
    %lt3A_325 = vector.broadcast %lt3A_324 : i32 to vector<16xi32>
    %lt3A_326 = arith.cmpi slt, %and3A_323, %lt3A_325 : vector<16xi32>
    %add3A_327 = arith.constant 16 : i32
    %add3A_328 = vector.broadcast %add3A_327 : i32 to vector<16xi32>
    %add3A_329 = arith.addi %and3A_323, %add3A_328 : vector<16xi32>
    %select_n3A_330 = arith.select %lt3A_326, %add3A_329, %and3A_323 : vector<16xi1>, vector<16xi32>
    %broadcast_in_dim3A_331 = vector.shape_cast %select_n3A_330 : vector<16xi32> to vector<16x1xi32>
    %gather3A_332 = vector.shape_cast %broadcast_in_dim3A_331 : vector<16x1xi32> to vector<16xi32>
    %gather3A_333 = tpu.dynamic_gather %add3A_317[%gather3A_332] in [0] : vector<16xf32>, vector<16xi32> -> vector<16xf32>
    %add3A_334 = arith.addf %add3A_317, %gather3A_333 : vector<16xf32>
    %add3A_335 = arith.constant 2 : i32
    %add3A_336 = vector.broadcast %add3A_335 : i32 to vector<16xi32>
    %add3A_337 = arith.addi %iota3A, %add3A_336 : vector<16xi32>
    %and3A_338 = arith.constant 15 : i32
    %and3A_339 = vector.broadcast %and3A_338 : i32 to vector<16xi32>
    %and3A_340 = arith.andi %add3A_337, %and3A_339 : vector<16xi32>
    %lt3A_341 = arith.constant 0 : i32
    %lt3A_342 = vector.broadcast %lt3A_341 : i32 to vector<16xi32>
    %lt3A_343 = arith.cmpi slt, %and3A_340, %lt3A_342 : vector<16xi32>
    %add3A_344 = arith.constant 16 : i32
    %add3A_345 = vector.broadcast %add3A_344 : i32 to vector<16xi32>
    %add3A_346 = arith.addi %and3A_340, %add3A_345 : vector<16xi32>
    %select_n3A_347 = arith.select %lt3A_343, %add3A_346, %and3A_340 : vector<16xi1>, vector<16xi32>
    %broadcast_in_dim3A_348 = vector.shape_cast %select_n3A_347 : vector<16xi32> to vector<16x1xi32>
    %gather3A_349 = vector.shape_cast %broadcast_in_dim3A_348 : vector<16x1xi32> to vector<16xi32>
    %gather3A_350 = tpu.dynamic_gather %add3A_334[%gather3A_349] in [0] : vector<16xf32>, vector<16xi32> -> vector<16xf32>
    %add3A_351 = arith.addf %add3A_334, %gather3A_350 : vector<16xf32>
    %add3A_352 = arith.constant 4 : i32
    %add3A_353 = vector.broadcast %add3A_352 : i32 to vector<16xi32>
    %add3A_354 = arith.addi %iota3A, %add3A_353 : vector<16xi32>
    %and3A_355 = arith.constant 15 : i32
    %and3A_356 = vector.broadcast %and3A_355 : i32 to vector<16xi32>
    %and3A_357 = arith.andi %add3A_354, %and3A_356 : vector<16xi32>
    %lt3A_358 = arith.constant 0 : i32
    %lt3A_359 = vector.broadcast %lt3A_358 : i32 to vector<16xi32>
    %lt3A_360 = arith.cmpi slt, %and3A_357, %lt3A_359 : vector<16xi32>
    %add3A_361 = arith.constant 16 : i32
    %add3A_362 = vector.broadcast %add3A_361 : i32 to vector<16xi32>
    %add3A_363 = arith.addi %and3A_357, %add3A_362 : vector<16xi32>
    %select_n3A_364 = arith.select %lt3A_360, %add3A_363, %and3A_357 : vector<16xi1>, vector<16xi32>
    %broadcast_in_dim3A_365 = vector.shape_cast %select_n3A_364 : vector<16xi32> to vector<16x1xi32>
    %gather3A_366 = vector.shape_cast %broadcast_in_dim3A_365 : vector<16x1xi32> to vector<16xi32>
    %gather3A_367 = tpu.dynamic_gather %add3A_351[%gather3A_366] in [0] : vector<16xf32>, vector<16xi32> -> vector<16xf32>
    %add3A_368 = arith.addf %add3A_351, %gather3A_367 : vector<16xf32>
    %add3A_369 = arith.constant 8 : i32
    %add3A_370 = vector.broadcast %add3A_369 : i32 to vector<16xi32>
    %add3A_371 = arith.addi %iota3A, %add3A_370 : vector<16xi32>
    %and3A_372 = arith.constant 15 : i32
    %and3A_373 = vector.broadcast %and3A_372 : i32 to vector<16xi32>
    %and3A_374 = arith.andi %add3A_371, %and3A_373 : vector<16xi32>
    %lt3A_375 = arith.constant 0 : i32
    %lt3A_376 = vector.broadcast %lt3A_375 : i32 to vector<16xi32>
    %lt3A_377 = arith.cmpi slt, %and3A_374, %lt3A_376 : vector<16xi32>
    %add3A_378 = arith.constant 16 : i32
    %add3A_379 = vector.broadcast %add3A_378 : i32 to vector<16xi32>
    %add3A_380 = arith.addi %and3A_374, %add3A_379 : vector<16xi32>
    %select_n3A_381 = arith.select %lt3A_377, %add3A_380, %and3A_374 : vector<16xi1>, vector<16xi32>
    %broadcast_in_dim3A_382 = vector.shape_cast %select_n3A_381 : vector<16xi32> to vector<16x1xi32>
    %gather3A_383 = vector.shape_cast %broadcast_in_dim3A_382 : vector<16x1xi32> to vector<16xi32>
    %gather3A_384 = tpu.dynamic_gather %add3A_368[%gather3A_383] in [0] : vector<16xf32>, vector<16xi32> -> vector<16xf32>
    %add3A_385 = arith.addf %add3A_368, %gather3A_384 : vector<16xf32>
    %eq3A_386 = arith.constant 1 : i32
    %eq3A_387 = vector.broadcast %eq3A_386 : i32 to vector<16xi32>
    %eq3A_388 = arith.cmpi eq, %iota3A, %eq3A_387 : vector<16xi32>
    %select_n3A_389 = arith.select %eq3A_388, %add3A_385, %select_n3A_238 : vector<16xi1>, vector<16xf32>
    %get3A_390 = arith.constant 32 : index
    %get3A_391 = tpu.vector_load %arg12[%get3A_390] {strides = array<i32>} : memref<1024xf32, #tpu.memory_space<vmem>>, vector<16xf32>,
    %get3A_392 = vector.shape_cast %get3A_391 : vector<16xf32> to vector<16xf32>
    %mul3A_393 = arith.mulf %scan3A_91#0, %get3A_392 : vector<16xf32>
    %get3A_394 = arith.constant 96 : index
    %get3A_395 = tpu.vector_load %arg12[%get3A_394] {strides = array<i32>} : memref<1024xf32, #tpu.memory_space<vmem>>, vector<16xf32>,
    %get3A_396 = vector.shape_cast %get3A_395 : vector<16xf32> to vector<16xf32>
    %mul3A_397 = arith.mulf %scan3A_91#1, %get3A_396 : vector<16xf32>
    %add3A_398 = arith.addf %mul3A_393, %mul3A_397 : vector<16xf32>
    %get3A_399 = arith.constant 160 : index
    %get3A_400 = tpu.vector_load %arg12[%get3A_399] {strides = array<i32>} : memref<1024xf32, #tpu.memory_space<vmem>>, vector<16xf32>,
    %get3A_401 = vector.shape_cast %get3A_400 : vector<16xf32> to vector<16xf32>
    %mul3A_402 = arith.mulf %scan3A_91#2, %get3A_401 : vector<16xf32>
    %add3A_403 = arith.addf %add3A_398, %mul3A_402 : vector<16xf32>
    %get3A_404 = arith.constant 224 : index
    %get3A_405 = tpu.vector_load %arg12[%get3A_404] {strides = array<i32>} : memref<1024xf32, #tpu.memory_space<vmem>>, vector<16xf32>,
    %get3A_406 = vector.shape_cast %get3A_405 : vector<16xf32> to vector<16xf32>
    %mul3A_407 = arith.mulf %scan3A_91#3, %get3A_406 : vector<16xf32>
    %add3A_408 = arith.addf %add3A_403, %mul3A_407 : vector<16xf32>
    %get3A_409 = arith.constant 288 : index
    %get3A_410 = tpu.vector_load %arg12[%get3A_409] {strides = array<i32>} : memref<1024xf32, #tpu.memory_space<vmem>>, vector<16xf32>,
    %get3A_411 = vector.shape_cast %get3A_410 : vector<16xf32> to vector<16xf32>
    %mul3A_412 = arith.mulf %scan3A_91#4, %get3A_411 : vector<16xf32>
    %add3A_413 = arith.addf %add3A_408, %mul3A_412 : vector<16xf32>
    %get3A_414 = arith.constant 352 : index
    %get3A_415 = tpu.vector_load %arg12[%get3A_414] {strides = array<i32>} : memref<1024xf32, #tpu.memory_space<vmem>>, vector<16xf32>,
    %get3A_416 = vector.shape_cast %get3A_415 : vector<16xf32> to vector<16xf32>
    %mul3A_417 = arith.mulf %scan3A_91#5, %get3A_416 : vector<16xf32>
    %add3A_418 = arith.addf %add3A_413, %mul3A_417 : vector<16xf32>
    %get3A_419 = arith.constant 416 : index
    %get3A_420 = tpu.vector_load %arg12[%get3A_419] {strides = array<i32>} : memref<1024xf32, #tpu.memory_space<vmem>>, vector<16xf32>,
    %get3A_421 = vector.shape_cast %get3A_420 : vector<16xf32> to vector<16xf32>
    %mul3A_422 = arith.mulf %scan3A_91#6, %get3A_421 : vector<16xf32>
    %add3A_423 = arith.addf %add3A_418, %mul3A_422 : vector<16xf32>
    %get3A_424 = arith.constant 480 : index
    %get3A_425 = tpu.vector_load %arg12[%get3A_424] {strides = array<i32>} : memref<1024xf32, #tpu.memory_space<vmem>>, vector<16xf32>,
    %get3A_426 = vector.shape_cast %get3A_425 : vector<16xf32> to vector<16xf32>
    %mul3A_427 = arith.mulf %scan3A_91#7, %get3A_426 : vector<16xf32>
    %add3A_428 = arith.addf %add3A_423, %mul3A_427 : vector<16xf32>
    %get3A_429 = arith.constant 544 : index
    %get3A_430 = tpu.vector_load %arg12[%get3A_429] {strides = array<i32>} : memref<1024xf32, #tpu.memory_space<vmem>>, vector<16xf32>,
    %get3A_431 = vector.shape_cast %get3A_430 : vector<16xf32> to vector<16xf32>
    %mul3A_432 = arith.mulf %scan3A_91#8, %get3A_431 : vector<16xf32>
    %add3A_433 = arith.addf %add3A_428, %mul3A_432 : vector<16xf32>
    %get3A_434 = arith.constant 608 : index
    %get3A_435 = tpu.vector_load %arg12[%get3A_434] {strides = array<i32>} : memref<1024xf32, #tpu.memory_space<vmem>>, vector<16xf32>,
    %get3A_436 = vector.shape_cast %get3A_435 : vector<16xf32> to vector<16xf32>
    %mul3A_437 = arith.mulf %scan3A_91#9, %get3A_436 : vector<16xf32>
    %add3A_438 = arith.addf %add3A_433, %mul3A_437 : vector<16xf32>
    %get3A_439 = arith.constant 672 : index
    %get3A_440 = tpu.vector_load %arg12[%get3A_439] {strides = array<i32>} : memref<1024xf32, #tpu.memory_space<vmem>>, vector<16xf32>,
    %get3A_441 = vector.shape_cast %get3A_440 : vector<16xf32> to vector<16xf32>
    %mul3A_442 = arith.mulf %scan3A_91#10, %get3A_441 : vector<16xf32>
    %add3A_443 = arith.addf %add3A_438, %mul3A_442 : vector<16xf32>
    %get3A_444 = arith.constant 736 : index
    %get3A_445 = tpu.vector_load %arg12[%get3A_444] {strides = array<i32>} : memref<1024xf32, #tpu.memory_space<vmem>>, vector<16xf32>,
    %get3A_446 = vector.shape_cast %get3A_445 : vector<16xf32> to vector<16xf32>
    %mul3A_447 = arith.mulf %scan3A_91#11, %get3A_446 : vector<16xf32>
    %add3A_448 = arith.addf %add3A_443, %mul3A_447 : vector<16xf32>
    %get3A_449 = arith.constant 800 : index
    %get3A_450 = tpu.vector_load %arg12[%get3A_449] {strides = array<i32>} : memref<1024xf32, #tpu.memory_space<vmem>>, vector<16xf32>,
    %get3A_451 = vector.shape_cast %get3A_450 : vector<16xf32> to vector<16xf32>
    %mul3A_452 = arith.mulf %scan3A_91#12, %get3A_451 : vector<16xf32>
    %add3A_453 = arith.addf %add3A_448, %mul3A_452 : vector<16xf32>
    %get3A_454 = arith.constant 864 : index
    %get3A_455 = tpu.vector_load %arg12[%get3A_454] {strides = array<i32>} : memref<1024xf32, #tpu.memory_space<vmem>>, vector<16xf32>,
    %get3A_456 = vector.shape_cast %get3A_455 : vector<16xf32> to vector<16xf32>
    %mul3A_457 = arith.mulf %scan3A_91#13, %get3A_456 : vector<16xf32>
    %add3A_458 = arith.addf %add3A_453, %mul3A_457 : vector<16xf32>
    %get3A_459 = arith.constant 928 : index
    %get3A_460 = tpu.vector_load %arg12[%get3A_459] {strides = array<i32>} : memref<1024xf32, #tpu.memory_space<vmem>>, vector<16xf32>,
    %get3A_461 = vector.shape_cast %get3A_460 : vector<16xf32> to vector<16xf32>
    %mul3A_462 = arith.mulf %scan3A_91#14, %get3A_461 : vector<16xf32>
    %add3A_463 = arith.addf %add3A_458, %mul3A_462 : vector<16xf32>
    %get3A_464 = arith.constant 992 : index
    %get3A_465 = tpu.vector_load %arg12[%get3A_464] {strides = array<i32>} : memref<1024xf32, #tpu.memory_space<vmem>>, vector<16xf32>,
    %get3A_466 = vector.shape_cast %get3A_465 : vector<16xf32> to vector<16xf32>
    %mul3A_467 = arith.mulf %scan3A_91#15, %get3A_466 : vector<16xf32>
    %add3A_468 = arith.addf %add3A_463, %mul3A_467 : vector<16xf32>
    %add3A_469 = arith.constant 1 : i32
    %add3A_470 = vector.broadcast %add3A_469 : i32 to vector<16xi32>
    %add3A_471 = arith.addi %iota3A, %add3A_470 : vector<16xi32>
    %and3A_472 = arith.constant 15 : i32
    %and3A_473 = vector.broadcast %and3A_472 : i32 to vector<16xi32>
    %and3A_474 = arith.andi %add3A_471, %and3A_473 : vector<16xi32>
    %lt3A_475 = arith.constant 0 : i32
    %lt3A_476 = vector.broadcast %lt3A_475 : i32 to vector<16xi32>
    %lt3A_477 = arith.cmpi slt, %and3A_474, %lt3A_476 : vector<16xi32>
    %add3A_478 = arith.constant 16 : i32
    %add3A_479 = vector.broadcast %add3A_478 : i32 to vector<16xi32>
    %add3A_480 = arith.addi %and3A_474, %add3A_479 : vector<16xi32>
    %select_n3A_481 = arith.select %lt3A_477, %add3A_480, %and3A_474 : vector<16xi1>, vector<16xi32>
    %broadcast_in_dim3A_482 = vector.shape_cast %select_n3A_481 : vector<16xi32> to vector<16x1xi32>
    %gather3A_483 = vector.shape_cast %broadcast_in_dim3A_482 : vector<16x1xi32> to vector<16xi32>
    %gather3A_484 = tpu.dynamic_gather %add3A_468[%gather3A_483] in [0] : vector<16xf32>, vector<16xi32> -> vector<16xf32>
    %add3A_485 = arith.addf %add3A_468, %gather3A_484 : vector<16xf32>
    %add3A_486 = arith.constant 2 : i32
    %add3A_487 = vector.broadcast %add3A_486 : i32 to vector<16xi32>
    %add3A_488 = arith.addi %iota3A, %add3A_487 : vector<16xi32>
    %and3A_489 = arith.constant 15 : i32
    %and3A_490 = vector.broadcast %and3A_489 : i32 to vector<16xi32>
    %and3A_491 = arith.andi %add3A_488, %and3A_490 : vector<16xi32>
    %lt3A_492 = arith.constant 0 : i32
    %lt3A_493 = vector.broadcast %lt3A_492 : i32 to vector<16xi32>
    %lt3A_494 = arith.cmpi slt, %and3A_491, %lt3A_493 : vector<16xi32>
    %add3A_495 = arith.constant 16 : i32
    %add3A_496 = vector.broadcast %add3A_495 : i32 to vector<16xi32>
    %add3A_497 = arith.addi %and3A_491, %add3A_496 : vector<16xi32>
    %select_n3A_498 = arith.select %lt3A_494, %add3A_497, %and3A_491 : vector<16xi1>, vector<16xi32>
    %broadcast_in_dim3A_499 = vector.shape_cast %select_n3A_498 : vector<16xi32> to vector<16x1xi32>
    %gather3A_500 = vector.shape_cast %broadcast_in_dim3A_499 : vector<16x1xi32> to vector<16xi32>
    %gather3A_501 = tpu.dynamic_gather %add3A_485[%gather3A_500] in [0] : vector<16xf32>, vector<16xi32> -> vector<16xf32>
    %add3A_502 = arith.addf %add3A_485, %gather3A_501 : vector<16xf32>
    %add3A_503 = arith.constant 4 : i32
    %add3A_504 = vector.broadcast %add3A_503 : i32 to vector<16xi32>
    %add3A_505 = arith.addi %iota3A, %add3A_504 : vector<16xi32>
    %and3A_506 = arith.constant 15 : i32
    %and3A_507 = vector.broadcast %and3A_506 : i32 to vector<16xi32>
    %and3A_508 = arith.andi %add3A_505, %and3A_507 : vector<16xi32>
    %lt3A_509 = arith.constant 0 : i32
    %lt3A_510 = vector.broadcast %lt3A_509 : i32 to vector<16xi32>
    %lt3A_511 = arith.cmpi slt, %and3A_508, %lt3A_510 : vector<16xi32>
    %add3A_512 = arith.constant 16 : i32
    %add3A_513 = vector.broadcast %add3A_512 : i32 to vector<16xi32>
    %add3A_514 = arith.addi %and3A_508, %add3A_513 : vector<16xi32>
    %select_n3A_515 = arith.select %lt3A_511, %add3A_514, %and3A_508 : vector<16xi1>, vector<16xi32>
    %broadcast_in_dim3A_516 = vector.shape_cast %select_n3A_515 : vector<16xi32> to vector<16x1xi32>
    %gather3A_517 = vector.shape_cast %broadcast_in_dim3A_516 : vector<16x1xi32> to vector<16xi32>
    %gather3A_518 = tpu.dynamic_gather %add3A_502[%gather3A_517] in [0] : vector<16xf32>, vector<16xi32> -> vector<16xf32>
    %add3A_519 = arith.addf %add3A_502, %gather3A_518 : vector<16xf32>
    %add3A_520 = arith.constant 8 : i32
    %add3A_521 = vector.broadcast %add3A_520 : i32 to vector<16xi32>
    %add3A_522 = arith.addi %iota3A, %add3A_521 : vector<16xi32>
    %and3A_523 = arith.constant 15 : i32
    %and3A_524 = vector.broadcast %and3A_523 : i32 to vector<16xi32>
    %and3A_525 = arith.andi %add3A_522, %and3A_524 : vector<16xi32>
    %lt3A_526 = arith.constant 0 : i32
    %lt3A_527 = vector.broadcast %lt3A_526 : i32 to vector<16xi32>
    %lt3A_528 = arith.cmpi slt, %and3A_525, %lt3A_527 : vector<16xi32>
    %add3A_529 = arith.constant 16 : i32
    %add3A_530 = vector.broadcast %add3A_529 : i32 to vector<16xi32>
    %add3A_531 = arith.addi %and3A_525, %add3A_530 : vector<16xi32>
    %select_n3A_532 = arith.select %lt3A_528, %add3A_531, %and3A_525 : vector<16xi1>, vector<16xi32>
    %broadcast_in_dim3A_533 = vector.shape_cast %select_n3A_532 : vector<16xi32> to vector<16x1xi32>
    %gather3A_534 = vector.shape_cast %broadcast_in_dim3A_533 : vector<16x1xi32> to vector<16xi32>
    %gather3A_535 = tpu.dynamic_gather %add3A_519[%gather3A_534] in [0] : vector<16xf32>, vector<16xi32> -> vector<16xf32>
    %add3A_536 = arith.addf %add3A_519, %gather3A_535 : vector<16xf32>
    %eq3A_537 = arith.constant 2 : i32
    %eq3A_538 = vector.broadcast %eq3A_537 : i32 to vector<16xi32>
    %eq3A_539 = arith.cmpi eq, %iota3A, %eq3A_538 : vector<16xi32>
    %select_n3A_540 = arith.select %eq3A_539, %add3A_536, %select_n3A_389 : vector<16xi1>, vector<16xf32>
    %get3A_541 = arith.constant 48 : index
    %get3A_542 = tpu.vector_load %arg12[%get3A_541] {strides = array<i32>} : memref<1024xf32, #tpu.memory_space<vmem>>, vector<16xf32>,
    %get3A_543 = vector.shape_cast %get3A_542 : vector<16xf32> to vector<16xf32>
    %mul3A_544 = arith.mulf %scan3A_91#0, %get3A_543 : vector<16xf32>
    %get3A_545 = arith.constant 112 : index
    %get3A_546 = tpu.vector_load %arg12[%get3A_545] {strides = array<i32>} : memref<1024xf32, #tpu.memory_space<vmem>>, vector<16xf32>,
    %get3A_547 = vector.shape_cast %get3A_546 : vector<16xf32> to vector<16xf32>
    %mul3A_548 = arith.mulf %scan3A_91#1, %get3A_547 : vector<16xf32>
    %add3A_549 = arith.addf %mul3A_544, %mul3A_548 : vector<16xf32>
    %get3A_550 = arith.constant 176 : index
    %get3A_551 = tpu.vector_load %arg12[%get3A_550] {strides = array<i32>} : memref<1024xf32, #tpu.memory_space<vmem>>, vector<16xf32>,
    %get3A_552 = vector.shape_cast %get3A_551 : vector<16xf32> to vector<16xf32>
    %mul3A_553 = arith.mulf %scan3A_91#2, %get3A_552 : vector<16xf32>
    %add3A_554 = arith.addf %add3A_549, %mul3A_553 : vector<16xf32>
    %get3A_555 = arith.constant 240 : index
    %get3A_556 = tpu.vector_load %arg12[%get3A_555] {strides = array<i32>} : memref<1024xf32, #tpu.memory_space<vmem>>, vector<16xf32>,
    %get3A_557 = vector.shape_cast %get3A_556 : vector<16xf32> to vector<16xf32>
    %mul3A_558 = arith.mulf %scan3A_91#3, %get3A_557 : vector<16xf32>
    %add3A_559 = arith.addf %add3A_554, %mul3A_558 : vector<16xf32>
    %get3A_560 = arith.constant 304 : index
    %get3A_561 = tpu.vector_load %arg12[%get3A_560] {strides = array<i32>} : memref<1024xf32, #tpu.memory_space<vmem>>, vector<16xf32>,
    %get3A_562 = vector.shape_cast %get3A_561 : vector<16xf32> to vector<16xf32>
    %mul3A_563 = arith.mulf %scan3A_91#4, %get3A_562 : vector<16xf32>
    %add3A_564 = arith.addf %add3A_559, %mul3A_563 : vector<16xf32>
    %get3A_565 = arith.constant 368 : index
    %get3A_566 = tpu.vector_load %arg12[%get3A_565] {strides = array<i32>} : memref<1024xf32, #tpu.memory_space<vmem>>, vector<16xf32>,
    %get3A_567 = vector.shape_cast %get3A_566 : vector<16xf32> to vector<16xf32>
    %mul3A_568 = arith.mulf %scan3A_91#5, %get3A_567 : vector<16xf32>
    %add3A_569 = arith.addf %add3A_564, %mul3A_568 : vector<16xf32>
    %get3A_570 = arith.constant 432 : index
    %get3A_571 = tpu.vector_load %arg12[%get3A_570] {strides = array<i32>} : memref<1024xf32, #tpu.memory_space<vmem>>, vector<16xf32>,
    %get3A_572 = vector.shape_cast %get3A_571 : vector<16xf32> to vector<16xf32>
    %mul3A_573 = arith.mulf %scan3A_91#6, %get3A_572 : vector<16xf32>
    %add3A_574 = arith.addf %add3A_569, %mul3A_573 : vector<16xf32>
    %get3A_575 = arith.constant 496 : index
    %get3A_576 = tpu.vector_load %arg12[%get3A_575] {strides = array<i32>} : memref<1024xf32, #tpu.memory_space<vmem>>, vector<16xf32>,
    %get3A_577 = vector.shape_cast %get3A_576 : vector<16xf32> to vector<16xf32>
    %mul3A_578 = arith.mulf %scan3A_91#7, %get3A_577 : vector<16xf32>
    %add3A_579 = arith.addf %add3A_574, %mul3A_578 : vector<16xf32>
    %get3A_580 = arith.constant 560 : index
    %get3A_581 = tpu.vector_load %arg12[%get3A_580] {strides = array<i32>} : memref<1024xf32, #tpu.memory_space<vmem>>, vector<16xf32>,
    %get3A_582 = vector.shape_cast %get3A_581 : vector<16xf32> to vector<16xf32>
    %mul3A_583 = arith.mulf %scan3A_91#8, %get3A_582 : vector<16xf32>
    %add3A_584 = arith.addf %add3A_579, %mul3A_583 : vector<16xf32>
    %get3A_585 = arith.constant 624 : index
    %get3A_586 = tpu.vector_load %arg12[%get3A_585] {strides = array<i32>} : memref<1024xf32, #tpu.memory_space<vmem>>, vector<16xf32>,
    %get3A_587 = vector.shape_cast %get3A_586 : vector<16xf32> to vector<16xf32>
    %mul3A_588 = arith.mulf %scan3A_91#9, %get3A_587 : vector<16xf32>
    %add3A_589 = arith.addf %add3A_584, %mul3A_588 : vector<16xf32>
    %get3A_590 = arith.constant 688 : index
    %get3A_591 = tpu.vector_load %arg12[%get3A_590] {strides = array<i32>} : memref<1024xf32, #tpu.memory_space<vmem>>, vector<16xf32>,
    %get3A_592 = vector.shape_cast %get3A_591 : vector<16xf32> to vector<16xf32>
    %mul3A_593 = arith.mulf %scan3A_91#10, %get3A_592 : vector<16xf32>
    %add3A_594 = arith.addf %add3A_589, %mul3A_593 : vector<16xf32>
    %get3A_595 = arith.constant 752 : index
    %get3A_596 = tpu.vector_load %arg12[%get3A_595] {strides = array<i32>} : memref<1024xf32, #tpu.memory_space<vmem>>, vector<16xf32>,
    %get3A_597 = vector.shape_cast %get3A_596 : vector<16xf32> to vector<16xf32>
    %mul3A_598 = arith.mulf %scan3A_91#11, %get3A_597 : vector<16xf32>
    %add3A_599 = arith.addf %add3A_594, %mul3A_598 : vector<16xf32>
    %get3A_600 = arith.constant 816 : index
    %get3A_601 = tpu.vector_load %arg12[%get3A_600] {strides = array<i32>} : memref<1024xf32, #tpu.memory_space<vmem>>, vector<16xf32>,
    %get3A_602 = vector.shape_cast %get3A_601 : vector<16xf32> to vector<16xf32>
    %mul3A_603 = arith.mulf %scan3A_91#12, %get3A_602 : vector<16xf32>
    %add3A_604 = arith.addf %add3A_599, %mul3A_603 : vector<16xf32>
    %get3A_605 = arith.constant 880 : index
    %get3A_606 = tpu.vector_load %arg12[%get3A_605] {strides = array<i32>} : memref<1024xf32, #tpu.memory_space<vmem>>, vector<16xf32>,
    %get3A_607 = vector.shape_cast %get3A_606 : vector<16xf32> to vector<16xf32>
    %mul3A_608 = arith.mulf %scan3A_91#13, %get3A_607 : vector<16xf32>
    %add3A_609 = arith.addf %add3A_604, %mul3A_608 : vector<16xf32>
    %get3A_610 = arith.constant 944 : index
    %get3A_611 = tpu.vector_load %arg12[%get3A_610] {strides = array<i32>} : memref<1024xf32, #tpu.memory_space<vmem>>, vector<16xf32>,
    %get3A_612 = vector.shape_cast %get3A_611 : vector<16xf32> to vector<16xf32>
    %mul3A_613 = arith.mulf %scan3A_91#14, %get3A_612 : vector<16xf32>
    %add3A_614 = arith.addf %add3A_609, %mul3A_613 : vector<16xf32>
    %get3A_615 = arith.constant 1008 : index
    %get3A_616 = tpu.vector_load %arg12[%get3A_615] {strides = array<i32>} : memref<1024xf32, #tpu.memory_space<vmem>>, vector<16xf32>,
    %get3A_617 = vector.shape_cast %get3A_616 : vector<16xf32> to vector<16xf32>
    %mul3A_618 = arith.mulf %scan3A_91#15, %get3A_617 : vector<16xf32>
    %add3A_619 = arith.addf %add3A_614, %mul3A_618 : vector<16xf32>
    %add3A_620 = arith.constant 1 : i32
    %add3A_621 = vector.broadcast %add3A_620 : i32 to vector<16xi32>
    %add3A_622 = arith.addi %iota3A, %add3A_621 : vector<16xi32>
    %and3A_623 = arith.constant 15 : i32
    %and3A_624 = vector.broadcast %and3A_623 : i32 to vector<16xi32>
    %and3A_625 = arith.andi %add3A_622, %and3A_624 : vector<16xi32>
    %lt3A_626 = arith.constant 0 : i32
    %lt3A_627 = vector.broadcast %lt3A_626 : i32 to vector<16xi32>
    %lt3A_628 = arith.cmpi slt, %and3A_625, %lt3A_627 : vector<16xi32>
    %add3A_629 = arith.constant 16 : i32
    %add3A_630 = vector.broadcast %add3A_629 : i32 to vector<16xi32>
    %add3A_631 = arith.addi %and3A_625, %add3A_630 : vector<16xi32>
    %select_n3A_632 = arith.select %lt3A_628, %add3A_631, %and3A_625 : vector<16xi1>, vector<16xi32>
    %broadcast_in_dim3A_633 = vector.shape_cast %select_n3A_632 : vector<16xi32> to vector<16x1xi32>
    %gather3A_634 = vector.shape_cast %broadcast_in_dim3A_633 : vector<16x1xi32> to vector<16xi32>
    %gather3A_635 = tpu.dynamic_gather %add3A_619[%gather3A_634] in [0] : vector<16xf32>, vector<16xi32> -> vector<16xf32>
    %add3A_636 = arith.addf %add3A_619, %gather3A_635 : vector<16xf32>
    %add3A_637 = arith.constant 2 : i32
    %add3A_638 = vector.broadcast %add3A_637 : i32 to vector<16xi32>
    %add3A_639 = arith.addi %iota3A, %add3A_638 : vector<16xi32>
    %and3A_640 = arith.constant 15 : i32
    %and3A_641 = vector.broadcast %and3A_640 : i32 to vector<16xi32>
    %and3A_642 = arith.andi %add3A_639, %and3A_641 : vector<16xi32>
    %lt3A_643 = arith.constant 0 : i32
    %lt3A_644 = vector.broadcast %lt3A_643 : i32 to vector<16xi32>
    %lt3A_645 = arith.cmpi slt, %and3A_642, %lt3A_644 : vector<16xi32>
    %add3A_646 = arith.constant 16 : i32
    %add3A_647 = vector.broadcast %add3A_646 : i32 to vector<16xi32>
    %add3A_648 = arith.addi %and3A_642, %add3A_647 : vector<16xi32>
    %select_n3A_649 = arith.select %lt3A_645, %add3A_648, %and3A_642 : vector<16xi1>, vector<16xi32>
    %broadcast_in_dim3A_650 = vector.shape_cast %select_n3A_649 : vector<16xi32> to vector<16x1xi32>
    %gather3A_651 = vector.shape_cast %broadcast_in_dim3A_650 : vector<16x1xi32> to vector<16xi32>
    %gather3A_652 = tpu.dynamic_gather %add3A_636[%gather3A_651] in [0] : vector<16xf32>, vector<16xi32> -> vector<16xf32>
    %add3A_653 = arith.addf %add3A_636, %gather3A_652 : vector<16xf32>
    %add3A_654 = arith.constant 4 : i32
    %add3A_655 = vector.broadcast %add3A_654 : i32 to vector<16xi32>
    %add3A_656 = arith.addi %iota3A, %add3A_655 : vector<16xi32>
    %and3A_657 = arith.constant 15 : i32
    %and3A_658 = vector.broadcast %and3A_657 : i32 to vector<16xi32>
    %and3A_659 = arith.andi %add3A_656, %and3A_658 : vector<16xi32>
    %lt3A_660 = arith.constant 0 : i32
    %lt3A_661 = vector.broadcast %lt3A_660 : i32 to vector<16xi32>
    %lt3A_662 = arith.cmpi slt, %and3A_659, %lt3A_661 : vector<16xi32>
    %add3A_663 = arith.constant 16 : i32
    %add3A_664 = vector.broadcast %add3A_663 : i32 to vector<16xi32>
    %add3A_665 = arith.addi %and3A_659, %add3A_664 : vector<16xi32>
    %select_n3A_666 = arith.select %lt3A_662, %add3A_665, %and3A_659 : vector<16xi1>, vector<16xi32>
    %broadcast_in_dim3A_667 = vector.shape_cast %select_n3A_666 : vector<16xi32> to vector<16x1xi32>
    %gather3A_668 = vector.shape_cast %broadcast_in_dim3A_667 : vector<16x1xi32> to vector<16xi32>
    %gather3A_669 = tpu.dynamic_gather %add3A_653[%gather3A_668] in [0] : vector<16xf32>, vector<16xi32> -> vector<16xf32>
    %add3A_670 = arith.addf %add3A_653, %gather3A_669 : vector<16xf32>
    %add3A_671 = arith.constant 8 : i32
    %add3A_672 = vector.broadcast %add3A_671 : i32 to vector<16xi32>
    %add3A_673 = arith.addi %iota3A, %add3A_672 : vector<16xi32>
    %and3A_674 = arith.constant 15 : i32
    %and3A_675 = vector.broadcast %and3A_674 : i32 to vector<16xi32>
    %and3A_676 = arith.andi %add3A_673, %and3A_675 : vector<16xi32>
    %lt3A_677 = arith.constant 0 : i32
    %lt3A_678 = vector.broadcast %lt3A_677 : i32 to vector<16xi32>
    %lt3A_679 = arith.cmpi slt, %and3A_676, %lt3A_678 : vector<16xi32>
    %add3A_680 = arith.constant 16 : i32
    %add3A_681 = vector.broadcast %add3A_680 : i32 to vector<16xi32>
    %add3A_682 = arith.addi %and3A_676, %add3A_681 : vector<16xi32>
    %select_n3A_683 = arith.select %lt3A_679, %add3A_682, %and3A_676 : vector<16xi1>, vector<16xi32>
    %broadcast_in_dim3A_684 = vector.shape_cast %select_n3A_683 : vector<16xi32> to vector<16x1xi32>
    %gather3A_685 = vector.shape_cast %broadcast_in_dim3A_684 : vector<16x1xi32> to vector<16xi32>
    %gather3A_686 = tpu.dynamic_gather %add3A_670[%gather3A_685] in [0] : vector<16xf32>, vector<16xi32> -> vector<16xf32>
    %add3A_687 = arith.addf %add3A_670, %gather3A_686 : vector<16xf32>
    %eq3A_688 = arith.constant 3 : i32
    %eq3A_689 = vector.broadcast %eq3A_688 : i32 to vector<16xi32>
    %eq3A_690 = arith.cmpi eq, %iota3A, %eq3A_689 : vector<16xi32>
    %select_n3A_691 = arith.select %eq3A_690, %add3A_687, %select_n3A_540 : vector<16xi1>, vector<16xf32>
    %dma_wait3A_692 = arith.constant 127 : i32
    %dma_wait3A_693 = arith.constant 0 : i32
    %dma_wait3A_694 = arith.constant 0 : i32
    %dma_wait3A_695 = tpu.memref_slice %arg9[%dma_wait3A_693, %dma_wait3A_694] : memref<64x128xf32, #tpu.memory_space<vmem>> -> memref<50x128xf32, #tpu.memory_space<vmem>>
    %dma_wait3A_696 = arith.constant 0 : i32
    %dma_wait3A_697 = tpu.memref_slice %arg7[%dma_wait3A_692, %dma_wait3A_696] : memref<128x50xi32, #tpu.memory_space<vmem>> -> memref<1x50xi32, #tpu.memory_space<vmem>>
    %dma_wait3A_698 = tpu.memref_squeeze %dma_wait3A_697 : memref<1x50xi32, #tpu.memory_space<vmem>> -> memref<50xi32, #tpu.memory_space<vmem>>
    %dma_wait3A_699 = arith.constant 0 : i32
    %dma_wait3A_700 = arith.constant 0 : i32
    %dma_wait3A_701 = tpu.memref_slice %arg2[%dma_wait3A_699, %dma_wait3A_700] : memref<1000001x300xf32, #tpu.memory_space<hbm>> -> memref<1000001x128xf32, #tpu.memory_space<hbm>>
    %dma_wait3A_702 = arith.constant 0 : i32
    %dma_wait3A_703 = arith.constant 0 : i32
    %dma_wait3A_704 = tpu.memref_slice %dma_wait3A_701[%dma_wait3A_702, %dma_wait3A_703] : memref<1000001x128xf32, #tpu.memory_space<hbm>> -> memref<1000001x128xf32, #tpu.memory_space<hbm>>
    tpu.wait_indirect_dma semaphore(%arg16 : memref<!tpu.dma_semaphore, #tpu.memory_space<semaphore_mem>>) src(%dma_wait3A_704 : memref<1000001x128xf32, #tpu.memory_space<hbm>>) dst(%dma_wait3A_695 : memref<50x128xf32, #tpu.memory_space<vmem>>)
    %dma_wait3A_705 = arith.constant 127 : i32
    %dma_wait3A_706 = arith.constant 0 : i32
    %dma_wait3A_707 = arith.constant 0 : i32
    %dma_wait3A_708 = tpu.memref_slice %arg11[%dma_wait3A_706, %dma_wait3A_707] : memref<64x128xf32, #tpu.memory_space<vmem>> -> memref<50x128xf32, #tpu.memory_space<vmem>>
    %dma_wait3A_709 = arith.constant 0 : i32
    %dma_wait3A_710 = tpu.memref_slice %arg7[%dma_wait3A_705, %dma_wait3A_709] : memref<128x50xi32, #tpu.memory_space<vmem>> -> memref<1x50xi32, #tpu.memory_space<vmem>>
    %dma_wait3A_711 = tpu.memref_squeeze %dma_wait3A_710 : memref<1x50xi32, #tpu.memory_space<vmem>> -> memref<50xi32, #tpu.memory_space<vmem>>
    %dma_wait3A_712 = arith.constant 0 : i32
    %dma_wait3A_713 = arith.constant 128 : i32
    %dma_wait3A_714 = tpu.memref_slice %arg2[%dma_wait3A_712, %dma_wait3A_713] : memref<1000001x300xf32, #tpu.memory_space<hbm>> -> memref<1000001x128xf32, #tpu.memory_space<hbm>>
    %dma_wait3A_715 = arith.constant 0 : i32
    %dma_wait3A_716 = arith.constant 0 : i32
    %dma_wait3A_717 = tpu.memref_slice %dma_wait3A_714[%dma_wait3A_715, %dma_wait3A_716] : memref<1000001x128xf32, #tpu.memory_space<hbm>> -> memref<1000001x128xf32, #tpu.memory_space<hbm>>
    tpu.wait_indirect_dma semaphore(%arg18 : memref<!tpu.dma_semaphore, #tpu.memory_space<semaphore_mem>>) src(%dma_wait3A_717 : memref<1000001x128xf32, #tpu.memory_space<hbm>>) dst(%dma_wait3A_708 : memref<50x128xf32, #tpu.memory_space<vmem>>)
    %scan3A_718 = arith.constant 0 : i32
    %scan3A_719 = arith.constant 50 : i32
    %scan3A_720 = arith.addi %scan3A_718, %scan3A_719 : i32
    %scan3A_721 = arith.constant 1 : i32
    %scan3A_722:16 = scf.for %scan3A_1337 = %scan3A_718 to %scan3A_720 step %scan3A_721 iter_args(%scan3A_1338 = %broadcast_in_dim3A_5, %scan3A_1339 = %broadcast_in_dim3A_5, %scan3A_1340 = %broadcast_in_dim3A_5, %scan3A_1341 = %broadcast_in_dim3A_5, %scan3A_1342 = %broadcast_in_dim3A_5, %scan3A_1343 = %broadcast_in_dim3A_5, %scan3A_1344 = %broadcast_in_dim3A_5, %scan3A_1345 = %broadcast_in_dim3A_5, %scan3A_1346 = %broadcast_in_dim3A_5, %scan3A_1347 = %broadcast_in_dim3A_5, %scan3A_1348 = %broadcast_in_dim3A_5, %scan3A_1349 = %broadcast_in_dim3A_5, %scan3A_1350 = %broadcast_in_dim3A_5, %scan3A_1351 = %broadcast_in_dim3A_5, %scan3A_1352 = %broadcast_in_dim3A_5, %scan3A_1353 = %broadcast_in_dim3A_5) -> (vector<16xf32>, vector<16xf32>, vector<16xf32>, vector<16xf32>, vector<16xf32>, vector<16xf32>, vector<16xf32>, vector<16xf32>, vector<16xf32>, vector<16xf32>, vector<16xf32>, vector<16xf32>, vector<16xf32>, vector<16xf32>, vector<16xf32>, vector<16xf32>)  : i32 {
      %get3A_1354 = arith.index_cast %scan3A_1337 : i32 to index
      %get3A_1355 = arith.constant 0 : index
      %get3A_1356 = tpu.vector_load %arg9[%get3A_1354, %get3A_1355] {strides = array<i32>} : memref<64x128xf32, #tpu.memory_space<vmem>>, vector<1x16xf32>,
      %get3A_1357 = vector.shape_cast %get3A_1356 : vector<1x16xf32> to vector<16xf32>
      %add3A_1358 = arith.addf %scan3A_1338, %get3A_1357 : vector<16xf32>
      %get3A_1359 = arith.index_cast %scan3A_1337 : i32 to index
      %get3A_1360 = arith.constant 16 : index
      %get3A_1361 = tpu.vector_load %arg9[%get3A_1359, %get3A_1360] {strides = array<i32>} : memref<64x128xf32, #tpu.memory_space<vmem>>, vector<1x16xf32>,
      %get3A_1362 = vector.shape_cast %get3A_1361 : vector<1x16xf32> to vector<16xf32>
      %add3A_1363 = arith.addf %scan3A_1339, %get3A_1362 : vector<16xf32>
      %get3A_1364 = arith.index_cast %scan3A_1337 : i32 to index
      %get3A_1365 = arith.constant 32 : index
      %get3A_1366 = tpu.vector_load %arg9[%get3A_1364, %get3A_1365] {strides = array<i32>} : memref<64x128xf32, #tpu.memory_space<vmem>>, vector<1x16xf32>,
      %get3A_1367 = vector.shape_cast %get3A_1366 : vector<1x16xf32> to vector<16xf32>
      %add3A_1368 = arith.addf %scan3A_1340, %get3A_1367 : vector<16xf32>
      %get3A_1369 = arith.index_cast %scan3A_1337 : i32 to index
      %get3A_1370 = arith.constant 48 : index
      %get3A_1371 = tpu.vector_load %arg9[%get3A_1369, %get3A_1370] {strides = array<i32>} : memref<64x128xf32, #tpu.memory_space<vmem>>, vector<1x16xf32>,
      %get3A_1372 = vector.shape_cast %get3A_1371 : vector<1x16xf32> to vector<16xf32>
      %add3A_1373 = arith.addf %scan3A_1341, %get3A_1372 : vector<16xf32>
      %get3A_1374 = arith.index_cast %scan3A_1337 : i32 to index
      %get3A_1375 = arith.constant 64 : index
      %get3A_1376 = tpu.vector_load %arg9[%get3A_1374, %get3A_1375] {strides = array<i32>} : memref<64x128xf32, #tpu.memory_space<vmem>>, vector<1x16xf32>,
      %get3A_1377 = vector.shape_cast %get3A_1376 : vector<1x16xf32> to vector<16xf32>
      %add3A_1378 = arith.addf %scan3A_1342, %get3A_1377 : vector<16xf32>
      %get3A_1379 = arith.index_cast %scan3A_1337 : i32 to index
      %get3A_1380 = arith.constant 80 : index
      %get3A_1381 = tpu.vector_load %arg9[%get3A_1379, %get3A_1380] {strides = array<i32>} : memref<64x128xf32, #tpu.memory_space<vmem>>, vector<1x16xf32>,
      %get3A_1382 = vector.shape_cast %get3A_1381 : vector<1x16xf32> to vector<16xf32>
      %add3A_1383 = arith.addf %scan3A_1343, %get3A_1382 : vector<16xf32>
      %get3A_1384 = arith.index_cast %scan3A_1337 : i32 to index
      %get3A_1385 = arith.constant 96 : index
      %get3A_1386 = tpu.vector_load %arg9[%get3A_1384, %get3A_1385] {strides = array<i32>} : memref<64x128xf32, #tpu.memory_space<vmem>>, vector<1x16xf32>,
      %get3A_1387 = vector.shape_cast %get3A_1386 : vector<1x16xf32> to vector<16xf32>
      %add3A_1388 = arith.addf %scan3A_1344, %get3A_1387 : vector<16xf32>
      %get3A_1389 = arith.index_cast %scan3A_1337 : i32 to index
      %get3A_1390 = arith.constant 112 : index
      %get3A_1391 = tpu.vector_load %arg9[%get3A_1389, %get3A_1390] {strides = array<i32>} : memref<64x128xf32, #tpu.memory_space<vmem>>, vector<1x16xf32>,
      %get3A_1392 = vector.shape_cast %get3A_1391 : vector<1x16xf32> to vector<16xf32>
      %add3A_1393 = arith.addf %scan3A_1345, %get3A_1392 : vector<16xf32>
      %get3A_1394 = arith.index_cast %scan3A_1337 : i32 to index
      %get3A_1395 = arith.constant 0 : index
      %get3A_1396 = tpu.vector_load %arg11[%get3A_1394, %get3A_1395] {strides = array<i32>} : memref<64x128xf32, #tpu.memory_space<vmem>>, vector<1x16xf32>,
      %get3A_1397 = vector.shape_cast %get3A_1396 : vector<1x16xf32> to vector<16xf32>
      %add3A_1398 = arith.addf %scan3A_1346, %get3A_1397 : vector<16xf32>
      %get3A_1399 = arith.index_cast %scan3A_1337 : i32 to index
      %get3A_1400 = arith.constant 16 : index
      %get3A_1401 = tpu.vector_load %arg11[%get3A_1399, %get3A_1400] {strides = array<i32>} : memref<64x128xf32, #tpu.memory_space<vmem>>, vector<1x16xf32>,
      %get3A_1402 = vector.shape_cast %get3A_1401 : vector<1x16xf32> to vector<16xf32>
      %add3A_1403 = arith.addf %scan3A_1347, %get3A_1402 : vector<16xf32>
      %get3A_1404 = arith.index_cast %scan3A_1337 : i32 to index
      %get3A_1405 = arith.constant 32 : index
      %get3A_1406 = tpu.vector_load %arg11[%get3A_1404, %get3A_1405] {strides = array<i32>} : memref<64x128xf32, #tpu.memory_space<vmem>>, vector<1x16xf32>,
      %get3A_1407 = vector.shape_cast %get3A_1406 : vector<1x16xf32> to vector<16xf32>
      %add3A_1408 = arith.addf %scan3A_1348, %get3A_1407 : vector<16xf32>
      %get3A_1409 = arith.index_cast %scan3A_1337 : i32 to index
      %get3A_1410 = arith.constant 48 : index
      %get3A_1411 = tpu.vector_load %arg11[%get3A_1409, %get3A_1410] {strides = array<i32>} : memref<64x128xf32, #tpu.memory_space<vmem>>, vector<1x16xf32>,
      %get3A_1412 = vector.shape_cast %get3A_1411 : vector<1x16xf32> to vector<16xf32>
      %add3A_1413 = arith.addf %scan3A_1349, %get3A_1412 : vector<16xf32>
      %get3A_1414 = arith.index_cast %scan3A_1337 : i32 to index
      %get3A_1415 = arith.constant 64 : index
      %get3A_1416 = tpu.vector_load %arg11[%get3A_1414, %get3A_1415] {strides = array<i32>} : memref<64x128xf32, #tpu.memory_space<vmem>>, vector<1x16xf32>,
      %get3A_1417 = vector.shape_cast %get3A_1416 : vector<1x16xf32> to vector<16xf32>
      %add3A_1418 = arith.addf %scan3A_1350, %get3A_1417 : vector<16xf32>
      %get3A_1419 = arith.index_cast %scan3A_1337 : i32 to index
      %get3A_1420 = arith.constant 80 : index
      %get3A_1421 = tpu.vector_load %arg11[%get3A_1419, %get3A_1420] {strides = array<i32>} : memref<64x128xf32, #tpu.memory_space<vmem>>, vector<1x16xf32>,
      %get3A_1422 = vector.shape_cast %get3A_1421 : vector<1x16xf32> to vector<16xf32>
      %add3A_1423 = arith.addf %scan3A_1351, %get3A_1422 : vector<16xf32>
      %get3A_1424 = arith.index_cast %scan3A_1337 : i32 to index
      %get3A_1425 = arith.constant 96 : index
      %get3A_1426 = tpu.vector_load %arg11[%get3A_1424, %get3A_1425] {strides = array<i32>} : memref<64x128xf32, #tpu.memory_space<vmem>>, vector<1x16xf32>,
      %get3A_1427 = vector.shape_cast %get3A_1426 : vector<1x16xf32> to vector<16xf32>
      %add3A_1428 = arith.addf %scan3A_1352, %get3A_1427 : vector<16xf32>
      %get3A_1429 = arith.index_cast %scan3A_1337 : i32 to index
      %get3A_1430 = arith.constant 112 : index
      %get3A_1431 = tpu.vector_load %arg11[%get3A_1429, %get3A_1430] {strides = array<i32>} : memref<64x128xf32, #tpu.memory_space<vmem>>, vector<1x16xf32>,
      %get3A_1432 = vector.shape_cast %get3A_1431 : vector<1x16xf32> to vector<16xf32>
      %add3A_1433 = arith.addf %scan3A_1353, %get3A_1432 : vector<16xf32>
      scf.yield %add3A_1358, %add3A_1363, %add3A_1368, %add3A_1373, %add3A_1378, %add3A_1383, %add3A_1388, %add3A_1393, %add3A_1398, %add3A_1403, %add3A_1408, %add3A_1413, %add3A_1418, %add3A_1423, %add3A_1428, %add3A_1433 : vector<16xf32>, vector<16xf32>, vector<16xf32>, vector<16xf32>, vector<16xf32>, vector<16xf32>, vector<16xf32>, vector<16xf32>, vector<16xf32>, vector<16xf32>, vector<16xf32>, vector<16xf32>, vector<16xf32>, vector<16xf32>, vector<16xf32>, vector<16xf32>
    }
    %scan3A_723 = arith.constant 50 : i32
    %get3A_724 = arith.constant 0 : index
    %get3A_725 = tpu.vector_load %arg12[%get3A_724] {strides = array<i32>} : memref<1024xf32, #tpu.memory_space<vmem>>, vector<16xf32>,
    %get3A_726 = vector.shape_cast %get3A_725 : vector<16xf32> to vector<16xf32>
    %mul3A_727 = arith.mulf %scan3A_722#0, %get3A_726 : vector<16xf32>
    %get3A_728 = arith.constant 64 : index
    %get3A_729 = tpu.vector_load %arg12[%get3A_728] {strides = array<i32>} : memref<1024xf32, #tpu.memory_space<vmem>>, vector<16xf32>,
    %get3A_730 = vector.shape_cast %get3A_729 : vector<16xf32> to vector<16xf32>
    %mul3A_731 = arith.mulf %scan3A_722#1, %get3A_730 : vector<16xf32>
    %add3A_732 = arith.addf %mul3A_727, %mul3A_731 : vector<16xf32>
    %get3A_733 = arith.constant 128 : index
    %get3A_734 = tpu.vector_load %arg12[%get3A_733] {strides = array<i32>} : memref<1024xf32, #tpu.memory_space<vmem>>, vector<16xf32>,
    %get3A_735 = vector.shape_cast %get3A_734 : vector<16xf32> to vector<16xf32>
    %mul3A_736 = arith.mulf %scan3A_722#2, %get3A_735 : vector<16xf32>
    %add3A_737 = arith.addf %add3A_732, %mul3A_736 : vector<16xf32>
    %get3A_738 = arith.constant 192 : index
    %get3A_739 = tpu.vector_load %arg12[%get3A_738] {strides = array<i32>} : memref<1024xf32, #tpu.memory_space<vmem>>, vector<16xf32>,
    %get3A_740 = vector.shape_cast %get3A_739 : vector<16xf32> to vector<16xf32>
    %mul3A_741 = arith.mulf %scan3A_722#3, %get3A_740 : vector<16xf32>
    %add3A_742 = arith.addf %add3A_737, %mul3A_741 : vector<16xf32>
    %get3A_743 = arith.constant 256 : index
    %get3A_744 = tpu.vector_load %arg12[%get3A_743] {strides = array<i32>} : memref<1024xf32, #tpu.memory_space<vmem>>, vector<16xf32>,
    %get3A_745 = vector.shape_cast %get3A_744 : vector<16xf32> to vector<16xf32>
    %mul3A_746 = arith.mulf %scan3A_722#4, %get3A_745 : vector<16xf32>
    %add3A_747 = arith.addf %add3A_742, %mul3A_746 : vector<16xf32>
    %get3A_748 = arith.constant 320 : index
    %get3A_749 = tpu.vector_load %arg12[%get3A_748] {strides = array<i32>} : memref<1024xf32, #tpu.memory_space<vmem>>, vector<16xf32>,
    %get3A_750 = vector.shape_cast %get3A_749 : vector<16xf32> to vector<16xf32>
    %mul3A_751 = arith.mulf %scan3A_722#5, %get3A_750 : vector<16xf32>
    %add3A_752 = arith.addf %add3A_747, %mul3A_751 : vector<16xf32>
    %get3A_753 = arith.constant 384 : index
    %get3A_754 = tpu.vector_load %arg12[%get3A_753] {strides = array<i32>} : memref<1024xf32, #tpu.memory_space<vmem>>, vector<16xf32>,
    %get3A_755 = vector.shape_cast %get3A_754 : vector<16xf32> to vector<16xf32>
    %mul3A_756 = arith.mulf %scan3A_722#6, %get3A_755 : vector<16xf32>
    %add3A_757 = arith.addf %add3A_752, %mul3A_756 : vector<16xf32>
    %get3A_758 = arith.constant 448 : index
    %get3A_759 = tpu.vector_load %arg12[%get3A_758] {strides = array<i32>} : memref<1024xf32, #tpu.memory_space<vmem>>, vector<16xf32>,
    %get3A_760 = vector.shape_cast %get3A_759 : vector<16xf32> to vector<16xf32>
    %mul3A_761 = arith.mulf %scan3A_722#7, %get3A_760 : vector<16xf32>
    %add3A_762 = arith.addf %add3A_757, %mul3A_761 : vector<16xf32>
    %get3A_763 = arith.constant 512 : index
    %get3A_764 = tpu.vector_load %arg12[%get3A_763] {strides = array<i32>} : memref<1024xf32, #tpu.memory_space<vmem>>, vector<16xf32>,
    %get3A_765 = vector.shape_cast %get3A_764 : vector<16xf32> to vector<16xf32>
    %mul3A_766 = arith.mulf %scan3A_722#8, %get3A_765 : vector<16xf32>
    %add3A_767 = arith.addf %add3A_762, %mul3A_766 : vector<16xf32>
    %get3A_768 = arith.constant 576 : index
    %get3A_769 = tpu.vector_load %arg12[%get3A_768] {strides = array<i32>} : memref<1024xf32, #tpu.memory_space<vmem>>, vector<16xf32>,
    %get3A_770 = vector.shape_cast %get3A_769 : vector<16xf32> to vector<16xf32>
    %mul3A_771 = arith.mulf %scan3A_722#9, %get3A_770 : vector<16xf32>
    %add3A_772 = arith.addf %add3A_767, %mul3A_771 : vector<16xf32>
    %get3A_773 = arith.constant 640 : index
    %get3A_774 = tpu.vector_load %arg12[%get3A_773] {strides = array<i32>} : memref<1024xf32, #tpu.memory_space<vmem>>, vector<16xf32>,
    %get3A_775 = vector.shape_cast %get3A_774 : vector<16xf32> to vector<16xf32>
    %mul3A_776 = arith.mulf %scan3A_722#10, %get3A_775 : vector<16xf32>
    %add3A_777 = arith.addf %add3A_772, %mul3A_776 : vector<16xf32>
    %get3A_778 = arith.constant 704 : index
    %get3A_779 = tpu.vector_load %arg12[%get3A_778] {strides = array<i32>} : memref<1024xf32, #tpu.memory_space<vmem>>, vector<16xf32>,
    %get3A_780 = vector.shape_cast %get3A_779 : vector<16xf32> to vector<16xf32>
    %mul3A_781 = arith.mulf %scan3A_722#11, %get3A_780 : vector<16xf32>
    %add3A_782 = arith.addf %add3A_777, %mul3A_781 : vector<16xf32>
    %get3A_783 = arith.constant 768 : index
    %get3A_784 = tpu.vector_load %arg12[%get3A_783] {strides = array<i32>} : memref<1024xf32, #tpu.memory_space<vmem>>, vector<16xf32>,
    %get3A_785 = vector.shape_cast %get3A_784 : vector<16xf32> to vector<16xf32>
    %mul3A_786 = arith.mulf %scan3A_722#12, %get3A_785 : vector<16xf32>
    %add3A_787 = arith.addf %add3A_782, %mul3A_786 : vector<16xf32>
    %get3A_788 = arith.constant 832 : index
    %get3A_789 = tpu.vector_load %arg12[%get3A_788] {strides = array<i32>} : memref<1024xf32, #tpu.memory_space<vmem>>, vector<16xf32>,
    %get3A_790 = vector.shape_cast %get3A_789 : vector<16xf32> to vector<16xf32>
    %mul3A_791 = arith.mulf %scan3A_722#13, %get3A_790 : vector<16xf32>
    %add3A_792 = arith.addf %add3A_787, %mul3A_791 : vector<16xf32>
    %get3A_793 = arith.constant 896 : index
    %get3A_794 = tpu.vector_load %arg12[%get3A_793] {strides = array<i32>} : memref<1024xf32, #tpu.memory_space<vmem>>, vector<16xf32>,
    %get3A_795 = vector.shape_cast %get3A_794 : vector<16xf32> to vector<16xf32>
    %mul3A_796 = arith.mulf %scan3A_722#14, %get3A_795 : vector<16xf32>
    %add3A_797 = arith.addf %add3A_792, %mul3A_796 : vector<16xf32>
    %get3A_798 = arith.constant 960 : index
    %get3A_799 = tpu.vector_load %arg12[%get3A_798] {strides = array<i32>} : memref<1024xf32, #tpu.memory_space<vmem>>, vector<16xf32>,
    %get3A_800 = vector.shape_cast %get3A_799 : vector<16xf32> to vector<16xf32>
    %mul3A_801 = arith.mulf %scan3A_722#15, %get3A_800 : vector<16xf32>
    %add3A_802 = arith.addf %add3A_797, %mul3A_801 : vector<16xf32>
    %add3A_803 = arith.constant 1 : i32
    %add3A_804 = vector.broadcast %add3A_803 : i32 to vector<16xi32>
    %add3A_805 = arith.addi %iota3A, %add3A_804 : vector<16xi32>
    %and3A_806 = arith.constant 15 : i32
    %and3A_807 = vector.broadcast %and3A_806 : i32 to vector<16xi32>
    %and3A_808 = arith.andi %add3A_805, %and3A_807 : vector<16xi32>
    %lt3A_809 = arith.constant 0 : i32
    %lt3A_810 = vector.broadcast %lt3A_809 : i32 to vector<16xi32>
    %lt3A_811 = arith.cmpi slt, %and3A_808, %lt3A_810 : vector<16xi32>
    %add3A_812 = arith.constant 16 : i32
    %add3A_813 = vector.broadcast %add3A_812 : i32 to vector<16xi32>
    %add3A_814 = arith.addi %and3A_808, %add3A_813 : vector<16xi32>
    %select_n3A_815 = arith.select %lt3A_811, %add3A_814, %and3A_808 : vector<16xi1>, vector<16xi32>
    %broadcast_in_dim3A_816 = vector.shape_cast %select_n3A_815 : vector<16xi32> to vector<16x1xi32>
    %gather3A_817 = vector.shape_cast %broadcast_in_dim3A_816 : vector<16x1xi32> to vector<16xi32>
    %gather3A_818 = tpu.dynamic_gather %add3A_802[%gather3A_817] in [0] : vector<16xf32>, vector<16xi32> -> vector<16xf32>
    %add3A_819 = arith.addf %add3A_802, %gather3A_818 : vector<16xf32>
    %add3A_820 = arith.constant 2 : i32
    %add3A_821 = vector.broadcast %add3A_820 : i32 to vector<16xi32>
    %add3A_822 = arith.addi %iota3A, %add3A_821 : vector<16xi32>
    %and3A_823 = arith.constant 15 : i32
    %and3A_824 = vector.broadcast %and3A_823 : i32 to vector<16xi32>
    %and3A_825 = arith.andi %add3A_822, %and3A_824 : vector<16xi32>
    %lt3A_826 = arith.constant 0 : i32
    %lt3A_827 = vector.broadcast %lt3A_826 : i32 to vector<16xi32>
    %lt3A_828 = arith.cmpi slt, %and3A_825, %lt3A_827 : vector<16xi32>
    %add3A_829 = arith.constant 16 : i32
    %add3A_830 = vector.broadcast %add3A_829 : i32 to vector<16xi32>
    %add3A_831 = arith.addi %and3A_825, %add3A_830 : vector<16xi32>
    %select_n3A_832 = arith.select %lt3A_828, %add3A_831, %and3A_825 : vector<16xi1>, vector<16xi32>
    %broadcast_in_dim3A_833 = vector.shape_cast %select_n3A_832 : vector<16xi32> to vector<16x1xi32>
    %gather3A_834 = vector.shape_cast %broadcast_in_dim3A_833 : vector<16x1xi32> to vector<16xi32>
    %gather3A_835 = tpu.dynamic_gather %add3A_819[%gather3A_834] in [0] : vector<16xf32>, vector<16xi32> -> vector<16xf32>
    %add3A_836 = arith.addf %add3A_819, %gather3A_835 : vector<16xf32>
    %add3A_837 = arith.constant 4 : i32
    %add3A_838 = vector.broadcast %add3A_837 : i32 to vector<16xi32>
    %add3A_839 = arith.addi %iota3A, %add3A_838 : vector<16xi32>
    %and3A_840 = arith.constant 15 : i32
    %and3A_841 = vector.broadcast %and3A_840 : i32 to vector<16xi32>
    %and3A_842 = arith.andi %add3A_839, %and3A_841 : vector<16xi32>
    %lt3A_843 = arith.constant 0 : i32
    %lt3A_844 = vector.broadcast %lt3A_843 : i32 to vector<16xi32>
    %lt3A_845 = arith.cmpi slt, %and3A_842, %lt3A_844 : vector<16xi32>
    %add3A_846 = arith.constant 16 : i32
    %add3A_847 = vector.broadcast %add3A_846 : i32 to vector<16xi32>
    %add3A_848 = arith.addi %and3A_842, %add3A_847 : vector<16xi32>
    %select_n3A_849 = arith.select %lt3A_845, %add3A_848, %and3A_842 : vector<16xi1>, vector<16xi32>
    %broadcast_in_dim3A_850 = vector.shape_cast %select_n3A_849 : vector<16xi32> to vector<16x1xi32>
    %gather3A_851 = vector.shape_cast %broadcast_in_dim3A_850 : vector<16x1xi32> to vector<16xi32>
    %gather3A_852 = tpu.dynamic_gather %add3A_836[%gather3A_851] in [0] : vector<16xf32>, vector<16xi32> -> vector<16xf32>
    %add3A_853 = arith.addf %add3A_836, %gather3A_852 : vector<16xf32>
    %add3A_854 = arith.constant 8 : i32
    %add3A_855 = vector.broadcast %add3A_854 : i32 to vector<16xi32>
    %add3A_856 = arith.addi %iota3A, %add3A_855 : vector<16xi32>
    %and3A_857 = arith.constant 15 : i32
    %and3A_858 = vector.broadcast %and3A_857 : i32 to vector<16xi32>
    %and3A_859 = arith.andi %add3A_856, %and3A_858 : vector<16xi32>
    %lt3A_860 = arith.constant 0 : i32
    %lt3A_861 = vector.broadcast %lt3A_860 : i32 to vector<16xi32>
    %lt3A_862 = arith.cmpi slt, %and3A_859, %lt3A_861 : vector<16xi32>
    %add3A_863 = arith.constant 16 : i32
    %add3A_864 = vector.broadcast %add3A_863 : i32 to vector<16xi32>
    %add3A_865 = arith.addi %and3A_859, %add3A_864 : vector<16xi32>
    %select_n3A_866 = arith.select %lt3A_862, %add3A_865, %and3A_859 : vector<16xi1>, vector<16xi32>
    %broadcast_in_dim3A_867 = vector.shape_cast %select_n3A_866 : vector<16xi32> to vector<16x1xi32>
    %gather3A_868 = vector.shape_cast %broadcast_in_dim3A_867 : vector<16x1xi32> to vector<16xi32>
    %gather3A_869 = tpu.dynamic_gather %add3A_853[%gather3A_868] in [0] : vector<16xf32>, vector<16xi32> -> vector<16xf32>
    %add3A_870 = arith.addf %add3A_853, %gather3A_869 : vector<16xf32>
    %eq3A_871 = arith.constant 4 : i32
    %eq3A_872 = vector.broadcast %eq3A_871 : i32 to vector<16xi32>
    %eq3A_873 = arith.cmpi eq, %iota3A, %eq3A_872 : vector<16xi32>
    %select_n3A_874 = arith.select %eq3A_873, %add3A_870, %broadcast_in_dim3A_5 : vector<16xi1>, vector<16xf32>
    %get3A_875 = arith.constant 16 : index
    %get3A_876 = tpu.vector_load %arg12[%get3A_875] {strides = array<i32>} : memref<1024xf32, #tpu.memory_space<vmem>>, vector<16xf32>,
    %get3A_877 = vector.shape_cast %get3A_876 : vector<16xf32> to vector<16xf32>
    %mul3A_878 = arith.mulf %scan3A_722#0, %get3A_877 : vector<16xf32>
    %get3A_879 = arith.constant 80 : index
    %get3A_880 = tpu.vector_load %arg12[%get3A_879] {strides = array<i32>} : memref<1024xf32, #tpu.memory_space<vmem>>, vector<16xf32>,
    %get3A_881 = vector.shape_cast %get3A_880 : vector<16xf32> to vector<16xf32>
    %mul3A_882 = arith.mulf %scan3A_722#1, %get3A_881 : vector<16xf32>
    %add3A_883 = arith.addf %mul3A_878, %mul3A_882 : vector<16xf32>
    %get3A_884 = arith.constant 144 : index
    %get3A_885 = tpu.vector_load %arg12[%get3A_884] {strides = array<i32>} : memref<1024xf32, #tpu.memory_space<vmem>>, vector<16xf32>,
    %get3A_886 = vector.shape_cast %get3A_885 : vector<16xf32> to vector<16xf32>
    %mul3A_887 = arith.mulf %scan3A_722#2, %get3A_886 : vector<16xf32>
    %add3A_888 = arith.addf %add3A_883, %mul3A_887 : vector<16xf32>
    %get3A_889 = arith.constant 208 : index
    %get3A_890 = tpu.vector_load %arg12[%get3A_889] {strides = array<i32>} : memref<1024xf32, #tpu.memory_space<vmem>>, vector<16xf32>,
    %get3A_891 = vector.shape_cast %get3A_890 : vector<16xf32> to vector<16xf32>
    %mul3A_892 = arith.mulf %scan3A_722#3, %get3A_891 : vector<16xf32>
    %add3A_893 = arith.addf %add3A_888, %mul3A_892 : vector<16xf32>
    %get3A_894 = arith.constant 272 : index
    %get3A_895 = tpu.vector_load %arg12[%get3A_894] {strides = array<i32>} : memref<1024xf32, #tpu.memory_space<vmem>>, vector<16xf32>,
    %get3A_896 = vector.shape_cast %get3A_895 : vector<16xf32> to vector<16xf32>
    %mul3A_897 = arith.mulf %scan3A_722#4, %get3A_896 : vector<16xf32>
    %add3A_898 = arith.addf %add3A_893, %mul3A_897 : vector<16xf32>
    %get3A_899 = arith.constant 336 : index
    %get3A_900 = tpu.vector_load %arg12[%get3A_899] {strides = array<i32>} : memref<1024xf32, #tpu.memory_space<vmem>>, vector<16xf32>,
    %get3A_901 = vector.shape_cast %get3A_900 : vector<16xf32> to vector<16xf32>
    %mul3A_902 = arith.mulf %scan3A_722#5, %get3A_901 : vector<16xf32>
    %add3A_903 = arith.addf %add3A_898, %mul3A_902 : vector<16xf32>
    %get3A_904 = arith.constant 400 : index
    %get3A_905 = tpu.vector_load %arg12[%get3A_904] {strides = array<i32>} : memref<1024xf32, #tpu.memory_space<vmem>>, vector<16xf32>,
    %get3A_906 = vector.shape_cast %get3A_905 : vector<16xf32> to vector<16xf32>
    %mul3A_907 = arith.mulf %scan3A_722#6, %get3A_906 : vector<16xf32>
    %add3A_908 = arith.addf %add3A_903, %mul3A_907 : vector<16xf32>
    %get3A_909 = arith.constant 464 : index
    %get3A_910 = tpu.vector_load %arg12[%get3A_909] {strides = array<i32>} : memref<1024xf32, #tpu.memory_space<vmem>>, vector<16xf32>,
    %get3A_911 = vector.shape_cast %get3A_910 : vector<16xf32> to vector<16xf32>
    %mul3A_912 = arith.mulf %scan3A_722#7, %get3A_911 : vector<16xf32>
    %add3A_913 = arith.addf %add3A_908, %mul3A_912 : vector<16xf32>
    %get3A_914 = arith.constant 528 : index
    %get3A_915 = tpu.vector_load %arg12[%get3A_914] {strides = array<i32>} : memref<1024xf32, #tpu.memory_space<vmem>>, vector<16xf32>,
    %get3A_916 = vector.shape_cast %get3A_915 : vector<16xf32> to vector<16xf32>
    %mul3A_917 = arith.mulf %scan3A_722#8, %get3A_916 : vector<16xf32>
    %add3A_918 = arith.addf %add3A_913, %mul3A_917 : vector<16xf32>
    %get3A_919 = arith.constant 592 : index
    %get3A_920 = tpu.vector_load %arg12[%get3A_919] {strides = array<i32>} : memref<1024xf32, #tpu.memory_space<vmem>>, vector<16xf32>,
    %get3A_921 = vector.shape_cast %get3A_920 : vector<16xf32> to vector<16xf32>
    %mul3A_922 = arith.mulf %scan3A_722#9, %get3A_921 : vector<16xf32>
    %add3A_923 = arith.addf %add3A_918, %mul3A_922 : vector<16xf32>
    %get3A_924 = arith.constant 656 : index
    %get3A_925 = tpu.vector_load %arg12[%get3A_924] {strides = array<i32>} : memref<1024xf32, #tpu.memory_space<vmem>>, vector<16xf32>,
    %get3A_926 = vector.shape_cast %get3A_925 : vector<16xf32> to vector<16xf32>
    %mul3A_927 = arith.mulf %scan3A_722#10, %get3A_926 : vector<16xf32>
    %add3A_928 = arith.addf %add3A_923, %mul3A_927 : vector<16xf32>
    %get3A_929 = arith.constant 720 : index
    %get3A_930 = tpu.vector_load %arg12[%get3A_929] {strides = array<i32>} : memref<1024xf32, #tpu.memory_space<vmem>>, vector<16xf32>,
    %get3A_931 = vector.shape_cast %get3A_930 : vector<16xf32> to vector<16xf32>
    %mul3A_932 = arith.mulf %scan3A_722#11, %get3A_931 : vector<16xf32>
    %add3A_933 = arith.addf %add3A_928, %mul3A_932 : vector<16xf32>
    %get3A_934 = arith.constant 784 : index
    %get3A_935 = tpu.vector_load %arg12[%get3A_934] {strides = array<i32>} : memref<1024xf32, #tpu.memory_space<vmem>>, vector<16xf32>,
    %get3A_936 = vector.shape_cast %get3A_935 : vector<16xf32> to vector<16xf32>
    %mul3A_937 = arith.mulf %scan3A_722#12, %get3A_936 : vector<16xf32>
    %add3A_938 = arith.addf %add3A_933, %mul3A_937 : vector<16xf32>
    %get3A_939 = arith.constant 848 : index
    %get3A_940 = tpu.vector_load %arg12[%get3A_939] {strides = array<i32>} : memref<1024xf32, #tpu.memory_space<vmem>>, vector<16xf32>,
    %get3A_941 = vector.shape_cast %get3A_940 : vector<16xf32> to vector<16xf32>
    %mul3A_942 = arith.mulf %scan3A_722#13, %get3A_941 : vector<16xf32>
    %add3A_943 = arith.addf %add3A_938, %mul3A_942 : vector<16xf32>
    %get3A_944 = arith.constant 912 : index
    %get3A_945 = tpu.vector_load %arg12[%get3A_944] {strides = array<i32>} : memref<1024xf32, #tpu.memory_space<vmem>>, vector<16xf32>,
    %get3A_946 = vector.shape_cast %get3A_945 : vector<16xf32> to vector<16xf32>
    %mul3A_947 = arith.mulf %scan3A_722#14, %get3A_946 : vector<16xf32>
    %add3A_948 = arith.addf %add3A_943, %mul3A_947 : vector<16xf32>
    %get3A_949 = arith.constant 976 : index
    %get3A_950 = tpu.vector_load %arg12[%get3A_949] {strides = array<i32>} : memref<1024xf32, #tpu.memory_space<vmem>>, vector<16xf32>,
    %get3A_951 = vector.shape_cast %get3A_950 : vector<16xf32> to vector<16xf32>
    %mul3A_952 = arith.mulf %scan3A_722#15, %get3A_951 : vector<16xf32>
    %add3A_953 = arith.addf %add3A_948, %mul3A_952 : vector<16xf32>
    %add3A_954 = arith.constant 1 : i32
    %add3A_955 = vector.broadcast %add3A_954 : i32 to vector<16xi32>
    %add3A_956 = arith.addi %iota3A, %add3A_955 : vector<16xi32>
    %and3A_957 = arith.constant 15 : i32
    %and3A_958 = vector.broadcast %and3A_957 : i32 to vector<16xi32>
    %and3A_959 = arith.andi %add3A_956, %and3A_958 : vector<16xi32>
    %lt3A_960 = arith.constant 0 : i32
    %lt3A_961 = vector.broadcast %lt3A_960 : i32 to vector<16xi32>
    %lt3A_962 = arith.cmpi slt, %and3A_959, %lt3A_961 : vector<16xi32>
    %add3A_963 = arith.constant 16 : i32
    %add3A_964 = vector.broadcast %add3A_963 : i32 to vector<16xi32>
    %add3A_965 = arith.addi %and3A_959, %add3A_964 : vector<16xi32>
    %select_n3A_966 = arith.select %lt3A_962, %add3A_965, %and3A_959 : vector<16xi1>, vector<16xi32>
    %broadcast_in_dim3A_967 = vector.shape_cast %select_n3A_966 : vector<16xi32> to vector<16x1xi32>
    %gather3A_968 = vector.shape_cast %broadcast_in_dim3A_967 : vector<16x1xi32> to vector<16xi32>
    %gather3A_969 = tpu.dynamic_gather %add3A_953[%gather3A_968] in [0] : vector<16xf32>, vector<16xi32> -> vector<16xf32>
    %add3A_970 = arith.addf %add3A_953, %gather3A_969 : vector<16xf32>
    %add3A_971 = arith.constant 2 : i32
    %add3A_972 = vector.broadcast %add3A_971 : i32 to vector<16xi32>
    %add3A_973 = arith.addi %iota3A, %add3A_972 : vector<16xi32>
    %and3A_974 = arith.constant 15 : i32
    %and3A_975 = vector.broadcast %and3A_974 : i32 to vector<16xi32>
    %and3A_976 = arith.andi %add3A_973, %and3A_975 : vector<16xi32>
    %lt3A_977 = arith.constant 0 : i32
    %lt3A_978 = vector.broadcast %lt3A_977 : i32 to vector<16xi32>
    %lt3A_979 = arith.cmpi slt, %and3A_976, %lt3A_978 : vector<16xi32>
    %add3A_980 = arith.constant 16 : i32
    %add3A_981 = vector.broadcast %add3A_980 : i32 to vector<16xi32>
    %add3A_982 = arith.addi %and3A_976, %add3A_981 : vector<16xi32>
    %select_n3A_983 = arith.select %lt3A_979, %add3A_982, %and3A_976 : vector<16xi1>, vector<16xi32>
    %broadcast_in_dim3A_984 = vector.shape_cast %select_n3A_983 : vector<16xi32> to vector<16x1xi32>
    %gather3A_985 = vector.shape_cast %broadcast_in_dim3A_984 : vector<16x1xi32> to vector<16xi32>
    %gather3A_986 = tpu.dynamic_gather %add3A_970[%gather3A_985] in [0] : vector<16xf32>, vector<16xi32> -> vector<16xf32>
    %add3A_987 = arith.addf %add3A_970, %gather3A_986 : vector<16xf32>
    %add3A_988 = arith.constant 4 : i32
    %add3A_989 = vector.broadcast %add3A_988 : i32 to vector<16xi32>
    %add3A_990 = arith.addi %iota3A, %add3A_989 : vector<16xi32>
    %and3A_991 = arith.constant 15 : i32
    %and3A_992 = vector.broadcast %and3A_991 : i32 to vector<16xi32>
    %and3A_993 = arith.andi %add3A_990, %and3A_992 : vector<16xi32>
    %lt3A_994 = arith.constant 0 : i32
    %lt3A_995 = vector.broadcast %lt3A_994 : i32 to vector<16xi32>
    %lt3A_996 = arith.cmpi slt, %and3A_993, %lt3A_995 : vector<16xi32>
    %add3A_997 = arith.constant 16 : i32
    %add3A_998 = vector.broadcast %add3A_997 : i32 to vector<16xi32>
    %add3A_999 = arith.addi %and3A_993, %add3A_998 : vector<16xi32>
    %select_n3A_1000 = arith.select %lt3A_996, %add3A_999, %and3A_993 : vector<16xi1>, vector<16xi32>
    %broadcast_in_dim3A_1001 = vector.shape_cast %select_n3A_1000 : vector<16xi32> to vector<16x1xi32>
    %gather3A_1002 = vector.shape_cast %broadcast_in_dim3A_1001 : vector<16x1xi32> to vector<16xi32>
    %gather3A_1003 = tpu.dynamic_gather %add3A_987[%gather3A_1002] in [0] : vector<16xf32>, vector<16xi32> -> vector<16xf32>
    %add3A_1004 = arith.addf %add3A_987, %gather3A_1003 : vector<16xf32>
    %add3A_1005 = arith.constant 8 : i32
    %add3A_1006 = vector.broadcast %add3A_1005 : i32 to vector<16xi32>
    %add3A_1007 = arith.addi %iota3A, %add3A_1006 : vector<16xi32>
    %and3A_1008 = arith.constant 15 : i32
    %and3A_1009 = vector.broadcast %and3A_1008 : i32 to vector<16xi32>
    %and3A_1010 = arith.andi %add3A_1007, %and3A_1009 : vector<16xi32>
    %lt3A_1011 = arith.constant 0 : i32
    %lt3A_1012 = vector.broadcast %lt3A_1011 : i32 to vector<16xi32>
    %lt3A_1013 = arith.cmpi slt, %and3A_1010, %lt3A_1012 : vector<16xi32>
    %add3A_1014 = arith.constant 16 : i32
    %add3A_1015 = vector.broadcast %add3A_1014 : i32 to vector<16xi32>
    %add3A_1016 = arith.addi %and3A_1010, %add3A_1015 : vector<16xi32>
    %select_n3A_1017 = arith.select %lt3A_1013, %add3A_1016, %and3A_1010 : vector<16xi1>, vector<16xi32>
    %broadcast_in_dim3A_1018 = vector.shape_cast %select_n3A_1017 : vector<16xi32> to vector<16x1xi32>
    %gather3A_1019 = vector.shape_cast %broadcast_in_dim3A_1018 : vector<16x1xi32> to vector<16xi32>
    %gather3A_1020 = tpu.dynamic_gather %add3A_1004[%gather3A_1019] in [0] : vector<16xf32>, vector<16xi32> -> vector<16xf32>
    %add3A_1021 = arith.addf %add3A_1004, %gather3A_1020 : vector<16xf32>
    %eq3A_1022 = arith.constant 5 : i32
    %eq3A_1023 = vector.broadcast %eq3A_1022 : i32 to vector<16xi32>
    %eq3A_1024 = arith.cmpi eq, %iota3A, %eq3A_1023 : vector<16xi32>
    %select_n3A_1025 = arith.select %eq3A_1024, %add3A_1021, %select_n3A_874 : vector<16xi1>, vector<16xf32>
    %get3A_1026 = arith.constant 32 : index
    %get3A_1027 = tpu.vector_load %arg12[%get3A_1026] {strides = array<i32>} : memref<1024xf32, #tpu.memory_space<vmem>>, vector<16xf32>,
    %get3A_1028 = vector.shape_cast %get3A_1027 : vector<16xf32> to vector<16xf32>
    %mul3A_1029 = arith.mulf %scan3A_722#0, %get3A_1028 : vector<16xf32>
    %get3A_1030 = arith.constant 96 : index
    %get3A_1031 = tpu.vector_load %arg12[%get3A_1030] {strides = array<i32>} : memref<1024xf32, #tpu.memory_space<vmem>>, vector<16xf32>,
    %get3A_1032 = vector.shape_cast %get3A_1031 : vector<16xf32> to vector<16xf32>
    %mul3A_1033 = arith.mulf %scan3A_722#1, %get3A_1032 : vector<16xf32>
    %add3A_1034 = arith.addf %mul3A_1029, %mul3A_1033 : vector<16xf32>
    %get3A_1035 = arith.constant 160 : index
    %get3A_1036 = tpu.vector_load %arg12[%get3A_1035] {strides = array<i32>} : memref<1024xf32, #tpu.memory_space<vmem>>, vector<16xf32>,
    %get3A_1037 = vector.shape_cast %get3A_1036 : vector<16xf32> to vector<16xf32>
    %mul3A_1038 = arith.mulf %scan3A_722#2, %get3A_1037 : vector<16xf32>
    %add3A_1039 = arith.addf %add3A_1034, %mul3A_1038 : vector<16xf32>
    %get3A_1040 = arith.constant 224 : index
    %get3A_1041 = tpu.vector_load %arg12[%get3A_1040] {strides = array<i32>} : memref<1024xf32, #tpu.memory_space<vmem>>, vector<16xf32>,
    %get3A_1042 = vector.shape_cast %get3A_1041 : vector<16xf32> to vector<16xf32>
    %mul3A_1043 = arith.mulf %scan3A_722#3, %get3A_1042 : vector<16xf32>
    %add3A_1044 = arith.addf %add3A_1039, %mul3A_1043 : vector<16xf32>
    %get3A_1045 = arith.constant 288 : index
    %get3A_1046 = tpu.vector_load %arg12[%get3A_1045] {strides = array<i32>} : memref<1024xf32, #tpu.memory_space<vmem>>, vector<16xf32>,
    %get3A_1047 = vector.shape_cast %get3A_1046 : vector<16xf32> to vector<16xf32>
    %mul3A_1048 = arith.mulf %scan3A_722#4, %get3A_1047 : vector<16xf32>
    %add3A_1049 = arith.addf %add3A_1044, %mul3A_1048 : vector<16xf32>
    %get3A_1050 = arith.constant 352 : index
    %get3A_1051 = tpu.vector_load %arg12[%get3A_1050] {strides = array<i32>} : memref<1024xf32, #tpu.memory_space<vmem>>, vector<16xf32>,
    %get3A_1052 = vector.shape_cast %get3A_1051 : vector<16xf32> to vector<16xf32>
    %mul3A_1053 = arith.mulf %scan3A_722#5, %get3A_1052 : vector<16xf32>
    %add3A_1054 = arith.addf %add3A_1049, %mul3A_1053 : vector<16xf32>
    %get3A_1055 = arith.constant 416 : index
    %get3A_1056 = tpu.vector_load %arg12[%get3A_1055] {strides = array<i32>} : memref<1024xf32, #tpu.memory_space<vmem>>, vector<16xf32>,
    %get3A_1057 = vector.shape_cast %get3A_1056 : vector<16xf32> to vector<16xf32>
    %mul3A_1058 = arith.mulf %scan3A_722#6, %get3A_1057 : vector<16xf32>
    %add3A_1059 = arith.addf %add3A_1054, %mul3A_1058 : vector<16xf32>
    %get3A_1060 = arith.constant 480 : index
    %get3A_1061 = tpu.vector_load %arg12[%get3A_1060] {strides = array<i32>} : memref<1024xf32, #tpu.memory_space<vmem>>, vector<16xf32>,
    %get3A_1062 = vector.shape_cast %get3A_1061 : vector<16xf32> to vector<16xf32>
    %mul3A_1063 = arith.mulf %scan3A_722#7, %get3A_1062 : vector<16xf32>
    %add3A_1064 = arith.addf %add3A_1059, %mul3A_1063 : vector<16xf32>
    %get3A_1065 = arith.constant 544 : index
    %get3A_1066 = tpu.vector_load %arg12[%get3A_1065] {strides = array<i32>} : memref<1024xf32, #tpu.memory_space<vmem>>, vector<16xf32>,
    %get3A_1067 = vector.shape_cast %get3A_1066 : vector<16xf32> to vector<16xf32>
    %mul3A_1068 = arith.mulf %scan3A_722#8, %get3A_1067 : vector<16xf32>
    %add3A_1069 = arith.addf %add3A_1064, %mul3A_1068 : vector<16xf32>
    %get3A_1070 = arith.constant 608 : index
    %get3A_1071 = tpu.vector_load %arg12[%get3A_1070] {strides = array<i32>} : memref<1024xf32, #tpu.memory_space<vmem>>, vector<16xf32>,
    %get3A_1072 = vector.shape_cast %get3A_1071 : vector<16xf32> to vector<16xf32>
    %mul3A_1073 = arith.mulf %scan3A_722#9, %get3A_1072 : vector<16xf32>
    %add3A_1074 = arith.addf %add3A_1069, %mul3A_1073 : vector<16xf32>
    %get3A_1075 = arith.constant 672 : index
    %get3A_1076 = tpu.vector_load %arg12[%get3A_1075] {strides = array<i32>} : memref<1024xf32, #tpu.memory_space<vmem>>, vector<16xf32>,
    %get3A_1077 = vector.shape_cast %get3A_1076 : vector<16xf32> to vector<16xf32>
    %mul3A_1078 = arith.mulf %scan3A_722#10, %get3A_1077 : vector<16xf32>
    %add3A_1079 = arith.addf %add3A_1074, %mul3A_1078 : vector<16xf32>
    %get3A_1080 = arith.constant 736 : index
    %get3A_1081 = tpu.vector_load %arg12[%get3A_1080] {strides = array<i32>} : memref<1024xf32, #tpu.memory_space<vmem>>, vector<16xf32>,
    %get3A_1082 = vector.shape_cast %get3A_1081 : vector<16xf32> to vector<16xf32>
    %mul3A_1083 = arith.mulf %scan3A_722#11, %get3A_1082 : vector<16xf32>
    %add3A_1084 = arith.addf %add3A_1079, %mul3A_1083 : vector<16xf32>
    %get3A_1085 = arith.constant 800 : index
    %get3A_1086 = tpu.vector_load %arg12[%get3A_1085] {strides = array<i32>} : memref<1024xf32, #tpu.memory_space<vmem>>, vector<16xf32>,
    %get3A_1087 = vector.shape_cast %get3A_1086 : vector<16xf32> to vector<16xf32>
    %mul3A_1088 = arith.mulf %scan3A_722#12, %get3A_1087 : vector<16xf32>
    %add3A_1089 = arith.addf %add3A_1084, %mul3A_1088 : vector<16xf32>
    %get3A_1090 = arith.constant 864 : index
    %get3A_1091 = tpu.vector_load %arg12[%get3A_1090] {strides = array<i32>} : memref<1024xf32, #tpu.memory_space<vmem>>, vector<16xf32>,
    %get3A_1092 = vector.shape_cast %get3A_1091 : vector<16xf32> to vector<16xf32>
    %mul3A_1093 = arith.mulf %scan3A_722#13, %get3A_1092 : vector<16xf32>
    %add3A_1094 = arith.addf %add3A_1089, %mul3A_1093 : vector<16xf32>
    %get3A_1095 = arith.constant 928 : index
    %get3A_1096 = tpu.vector_load %arg12[%get3A_1095] {strides = array<i32>} : memref<1024xf32, #tpu.memory_space<vmem>>, vector<16xf32>,
    %get3A_1097 = vector.shape_cast %get3A_1096 : vector<16xf32> to vector<16xf32>
    %mul3A_1098 = arith.mulf %scan3A_722#14, %get3A_1097 : vector<16xf32>
    %add3A_1099 = arith.addf %add3A_1094, %mul3A_1098 : vector<16xf32>
    %get3A_1100 = arith.constant 992 : index
    %get3A_1101 = tpu.vector_load %arg12[%get3A_1100] {strides = array<i32>} : memref<1024xf32, #tpu.memory_space<vmem>>, vector<16xf32>,
    %get3A_1102 = vector.shape_cast %get3A_1101 : vector<16xf32> to vector<16xf32>
    %mul3A_1103 = arith.mulf %scan3A_722#15, %get3A_1102 : vector<16xf32>
    %add3A_1104 = arith.addf %add3A_1099, %mul3A_1103 : vector<16xf32>
    %add3A_1105 = arith.constant 1 : i32
    %add3A_1106 = vector.broadcast %add3A_1105 : i32 to vector<16xi32>
    %add3A_1107 = arith.addi %iota3A, %add3A_1106 : vector<16xi32>
    %and3A_1108 = arith.constant 15 : i32
    %and3A_1109 = vector.broadcast %and3A_1108 : i32 to vector<16xi32>
    %and3A_1110 = arith.andi %add3A_1107, %and3A_1109 : vector<16xi32>
    %lt3A_1111 = arith.constant 0 : i32
    %lt3A_1112 = vector.broadcast %lt3A_1111 : i32 to vector<16xi32>
    %lt3A_1113 = arith.cmpi slt, %and3A_1110, %lt3A_1112 : vector<16xi32>
    %add3A_1114 = arith.constant 16 : i32
    %add3A_1115 = vector.broadcast %add3A_1114 : i32 to vector<16xi32>
    %add3A_1116 = arith.addi %and3A_1110, %add3A_1115 : vector<16xi32>
    %select_n3A_1117 = arith.select %lt3A_1113, %add3A_1116, %and3A_1110 : vector<16xi1>, vector<16xi32>
    %broadcast_in_dim3A_1118 = vector.shape_cast %select_n3A_1117 : vector<16xi32> to vector<16x1xi32>
    %gather3A_1119 = vector.shape_cast %broadcast_in_dim3A_1118 : vector<16x1xi32> to vector<16xi32>
    %gather3A_1120 = tpu.dynamic_gather %add3A_1104[%gather3A_1119] in [0] : vector<16xf32>, vector<16xi32> -> vector<16xf32>
    %add3A_1121 = arith.addf %add3A_1104, %gather3A_1120 : vector<16xf32>
    %add3A_1122 = arith.constant 2 : i32
    %add3A_1123 = vector.broadcast %add3A_1122 : i32 to vector<16xi32>
    %add3A_1124 = arith.addi %iota3A, %add3A_1123 : vector<16xi32>
    %and3A_1125 = arith.constant 15 : i32
    %and3A_1126 = vector.broadcast %and3A_1125 : i32 to vector<16xi32>
    %and3A_1127 = arith.andi %add3A_1124, %and3A_1126 : vector<16xi32>
    %lt3A_1128 = arith.constant 0 : i32
    %lt3A_1129 = vector.broadcast %lt3A_1128 : i32 to vector<16xi32>
    %lt3A_1130 = arith.cmpi slt, %and3A_1127, %lt3A_1129 : vector<16xi32>
    %add3A_1131 = arith.constant 16 : i32
    %add3A_1132 = vector.broadcast %add3A_1131 : i32 to vector<16xi32>
    %add3A_1133 = arith.addi %and3A_1127, %add3A_1132 : vector<16xi32>
    %select_n3A_1134 = arith.select %lt3A_1130, %add3A_1133, %and3A_1127 : vector<16xi1>, vector<16xi32>
    %broadcast_in_dim3A_1135 = vector.shape_cast %select_n3A_1134 : vector<16xi32> to vector<16x1xi32>
    %gather3A_1136 = vector.shape_cast %broadcast_in_dim3A_1135 : vector<16x1xi32> to vector<16xi32>
    %gather3A_1137 = tpu.dynamic_gather %add3A_1121[%gather3A_1136] in [0] : vector<16xf32>, vector<16xi32> -> vector<16xf32>
    %add3A_1138 = arith.addf %add3A_1121, %gather3A_1137 : vector<16xf32>
    %add3A_1139 = arith.constant 4 : i32
    %add3A_1140 = vector.broadcast %add3A_1139 : i32 to vector<16xi32>
    %add3A_1141 = arith.addi %iota3A, %add3A_1140 : vector<16xi32>
    %and3A_1142 = arith.constant 15 : i32
    %and3A_1143 = vector.broadcast %and3A_1142 : i32 to vector<16xi32>
    %and3A_1144 = arith.andi %add3A_1141, %and3A_1143 : vector<16xi32>
    %lt3A_1145 = arith.constant 0 : i32
    %lt3A_1146 = vector.broadcast %lt3A_1145 : i32 to vector<16xi32>
    %lt3A_1147 = arith.cmpi slt, %and3A_1144, %lt3A_1146 : vector<16xi32>
    %add3A_1148 = arith.constant 16 : i32
    %add3A_1149 = vector.broadcast %add3A_1148 : i32 to vector<16xi32>
    %add3A_1150 = arith.addi %and3A_1144, %add3A_1149 : vector<16xi32>
    %select_n3A_1151 = arith.select %lt3A_1147, %add3A_1150, %and3A_1144 : vector<16xi1>, vector<16xi32>
    %broadcast_in_dim3A_1152 = vector.shape_cast %select_n3A_1151 : vector<16xi32> to vector<16x1xi32>
    %gather3A_1153 = vector.shape_cast %broadcast_in_dim3A_1152 : vector<16x1xi32> to vector<16xi32>
    %gather3A_1154 = tpu.dynamic_gather %add3A_1138[%gather3A_1153] in [0] : vector<16xf32>, vector<16xi32> -> vector<16xf32>
    %add3A_1155 = arith.addf %add3A_1138, %gather3A_1154 : vector<16xf32>
    %add3A_1156 = arith.constant 8 : i32
    %add3A_1157 = vector.broadcast %add3A_1156 : i32 to vector<16xi32>
    %add3A_1158 = arith.addi %iota3A, %add3A_1157 : vector<16xi32>
    %and3A_1159 = arith.constant 15 : i32
    %and3A_1160 = vector.broadcast %and3A_1159 : i32 to vector<16xi32>
    %and3A_1161 = arith.andi %add3A_1158, %and3A_1160 : vector<16xi32>
    %lt3A_1162 = arith.constant 0 : i32
    %lt3A_1163 = vector.broadcast %lt3A_1162 : i32 to vector<16xi32>
    %lt3A_1164 = arith.cmpi slt, %and3A_1161, %lt3A_1163 : vector<16xi32>
    %add3A_1165 = arith.constant 16 : i32
    %add3A_1166 = vector.broadcast %add3A_1165 : i32 to vector<16xi32>
    %add3A_1167 = arith.addi %and3A_1161, %add3A_1166 : vector<16xi32>
    %select_n3A_1168 = arith.select %lt3A_1164, %add3A_1167, %and3A_1161 : vector<16xi1>, vector<16xi32>
    %broadcast_in_dim3A_1169 = vector.shape_cast %select_n3A_1168 : vector<16xi32> to vector<16x1xi32>
    %gather3A_1170 = vector.shape_cast %broadcast_in_dim3A_1169 : vector<16x1xi32> to vector<16xi32>
    %gather3A_1171 = tpu.dynamic_gather %add3A_1155[%gather3A_1170] in [0] : vector<16xf32>, vector<16xi32> -> vector<16xf32>
    %add3A_1172 = arith.addf %add3A_1155, %gather3A_1171 : vector<16xf32>
    %eq3A_1173 = arith.constant 6 : i32
    %eq3A_1174 = vector.broadcast %eq3A_1173 : i32 to vector<16xi32>
    %eq3A_1175 = arith.cmpi eq, %iota3A, %eq3A_1174 : vector<16xi32>
    %select_n3A_1176 = arith.select %eq3A_1175, %add3A_1172, %select_n3A_1025 : vector<16xi1>, vector<16xf32>
    %get3A_1177 = arith.constant 48 : index
    %get3A_1178 = tpu.vector_load %arg12[%get3A_1177] {strides = array<i32>} : memref<1024xf32, #tpu.memory_space<vmem>>, vector<16xf32>,
    %get3A_1179 = vector.shape_cast %get3A_1178 : vector<16xf32> to vector<16xf32>
    %mul3A_1180 = arith.mulf %scan3A_722#0, %get3A_1179 : vector<16xf32>
    %get3A_1181 = arith.constant 112 : index
    %get3A_1182 = tpu.vector_load %arg12[%get3A_1181] {strides = array<i32>} : memref<1024xf32, #tpu.memory_space<vmem>>, vector<16xf32>,
    %get3A_1183 = vector.shape_cast %get3A_1182 : vector<16xf32> to vector<16xf32>
    %mul3A_1184 = arith.mulf %scan3A_722#1, %get3A_1183 : vector<16xf32>
    %add3A_1185 = arith.addf %mul3A_1180, %mul3A_1184 : vector<16xf32>
    %get3A_1186 = arith.constant 176 : index
    %get3A_1187 = tpu.vector_load %arg12[%get3A_1186] {strides = array<i32>} : memref<1024xf32, #tpu.memory_space<vmem>>, vector<16xf32>,
    %get3A_1188 = vector.shape_cast %get3A_1187 : vector<16xf32> to vector<16xf32>
    %mul3A_1189 = arith.mulf %scan3A_722#2, %get3A_1188 : vector<16xf32>
    %add3A_1190 = arith.addf %add3A_1185, %mul3A_1189 : vector<16xf32>
    %get3A_1191 = arith.constant 240 : index
    %get3A_1192 = tpu.vector_load %arg12[%get3A_1191] {strides = array<i32>} : memref<1024xf32, #tpu.memory_space<vmem>>, vector<16xf32>,
    %get3A_1193 = vector.shape_cast %get3A_1192 : vector<16xf32> to vector<16xf32>
    %mul3A_1194 = arith.mulf %scan3A_722#3, %get3A_1193 : vector<16xf32>
    %add3A_1195 = arith.addf %add3A_1190, %mul3A_1194 : vector<16xf32>
    %get3A_1196 = arith.constant 304 : index
    %get3A_1197 = tpu.vector_load %arg12[%get3A_1196] {strides = array<i32>} : memref<1024xf32, #tpu.memory_space<vmem>>, vector<16xf32>,
    %get3A_1198 = vector.shape_cast %get3A_1197 : vector<16xf32> to vector<16xf32>
    %mul3A_1199 = arith.mulf %scan3A_722#4, %get3A_1198 : vector<16xf32>
    %add3A_1200 = arith.addf %add3A_1195, %mul3A_1199 : vector<16xf32>
    %get3A_1201 = arith.constant 368 : index
    %get3A_1202 = tpu.vector_load %arg12[%get3A_1201] {strides = array<i32>} : memref<1024xf32, #tpu.memory_space<vmem>>, vector<16xf32>,
    %get3A_1203 = vector.shape_cast %get3A_1202 : vector<16xf32> to vector<16xf32>
    %mul3A_1204 = arith.mulf %scan3A_722#5, %get3A_1203 : vector<16xf32>
    %add3A_1205 = arith.addf %add3A_1200, %mul3A_1204 : vector<16xf32>
    %get3A_1206 = arith.constant 432 : index
    %get3A_1207 = tpu.vector_load %arg12[%get3A_1206] {strides = array<i32>} : memref<1024xf32, #tpu.memory_space<vmem>>, vector<16xf32>,
    %get3A_1208 = vector.shape_cast %get3A_1207 : vector<16xf32> to vector<16xf32>
    %mul3A_1209 = arith.mulf %scan3A_722#6, %get3A_1208 : vector<16xf32>
    %add3A_1210 = arith.addf %add3A_1205, %mul3A_1209 : vector<16xf32>
    %get3A_1211 = arith.constant 496 : index
    %get3A_1212 = tpu.vector_load %arg12[%get3A_1211] {strides = array<i32>} : memref<1024xf32, #tpu.memory_space<vmem>>, vector<16xf32>,
    %get3A_1213 = vector.shape_cast %get3A_1212 : vector<16xf32> to vector<16xf32>
    %mul3A_1214 = arith.mulf %scan3A_722#7, %get3A_1213 : vector<16xf32>
    %add3A_1215 = arith.addf %add3A_1210, %mul3A_1214 : vector<16xf32>
    %get3A_1216 = arith.constant 560 : index
    %get3A_1217 = tpu.vector_load %arg12[%get3A_1216] {strides = array<i32>} : memref<1024xf32, #tpu.memory_space<vmem>>, vector<16xf32>,
    %get3A_1218 = vector.shape_cast %get3A_1217 : vector<16xf32> to vector<16xf32>
    %mul3A_1219 = arith.mulf %scan3A_722#8, %get3A_1218 : vector<16xf32>
    %add3A_1220 = arith.addf %add3A_1215, %mul3A_1219 : vector<16xf32>
    %get3A_1221 = arith.constant 624 : index
    %get3A_1222 = tpu.vector_load %arg12[%get3A_1221] {strides = array<i32>} : memref<1024xf32, #tpu.memory_space<vmem>>, vector<16xf32>,
    %get3A_1223 = vector.shape_cast %get3A_1222 : vector<16xf32> to vector<16xf32>
    %mul3A_1224 = arith.mulf %scan3A_722#9, %get3A_1223 : vector<16xf32>
    %add3A_1225 = arith.addf %add3A_1220, %mul3A_1224 : vector<16xf32>
    %get3A_1226 = arith.constant 688 : index
    %get3A_1227 = tpu.vector_load %arg12[%get3A_1226] {strides = array<i32>} : memref<1024xf32, #tpu.memory_space<vmem>>, vector<16xf32>,
    %get3A_1228 = vector.shape_cast %get3A_1227 : vector<16xf32> to vector<16xf32>
    %mul3A_1229 = arith.mulf %scan3A_722#10, %get3A_1228 : vector<16xf32>
    %add3A_1230 = arith.addf %add3A_1225, %mul3A_1229 : vector<16xf32>
    %get3A_1231 = arith.constant 752 : index
    %get3A_1232 = tpu.vector_load %arg12[%get3A_1231] {strides = array<i32>} : memref<1024xf32, #tpu.memory_space<vmem>>, vector<16xf32>,
    %get3A_1233 = vector.shape_cast %get3A_1232 : vector<16xf32> to vector<16xf32>
    %mul3A_1234 = arith.mulf %scan3A_722#11, %get3A_1233 : vector<16xf32>
    %add3A_1235 = arith.addf %add3A_1230, %mul3A_1234 : vector<16xf32>
    %get3A_1236 = arith.constant 816 : index
    %get3A_1237 = tpu.vector_load %arg12[%get3A_1236] {strides = array<i32>} : memref<1024xf32, #tpu.memory_space<vmem>>, vector<16xf32>,
    %get3A_1238 = vector.shape_cast %get3A_1237 : vector<16xf32> to vector<16xf32>
    %mul3A_1239 = arith.mulf %scan3A_722#12, %get3A_1238 : vector<16xf32>
    %add3A_1240 = arith.addf %add3A_1235, %mul3A_1239 : vector<16xf32>
    %get3A_1241 = arith.constant 880 : index
    %get3A_1242 = tpu.vector_load %arg12[%get3A_1241] {strides = array<i32>} : memref<1024xf32, #tpu.memory_space<vmem>>, vector<16xf32>,
    %get3A_1243 = vector.shape_cast %get3A_1242 : vector<16xf32> to vector<16xf32>
    %mul3A_1244 = arith.mulf %scan3A_722#13, %get3A_1243 : vector<16xf32>
    %add3A_1245 = arith.addf %add3A_1240, %mul3A_1244 : vector<16xf32>
    %get3A_1246 = arith.constant 944 : index
    %get3A_1247 = tpu.vector_load %arg12[%get3A_1246] {strides = array<i32>} : memref<1024xf32, #tpu.memory_space<vmem>>, vector<16xf32>,
    %get3A_1248 = vector.shape_cast %get3A_1247 : vector<16xf32> to vector<16xf32>
    %mul3A_1249 = arith.mulf %scan3A_722#14, %get3A_1248 : vector<16xf32>
    %add3A_1250 = arith.addf %add3A_1245, %mul3A_1249 : vector<16xf32>
    %get3A_1251 = arith.constant 1008 : index
    %get3A_1252 = tpu.vector_load %arg12[%get3A_1251] {strides = array<i32>} : memref<1024xf32, #tpu.memory_space<vmem>>, vector<16xf32>,
    %get3A_1253 = vector.shape_cast %get3A_1252 : vector<16xf32> to vector<16xf32>
    %mul3A_1254 = arith.mulf %scan3A_722#15, %get3A_1253 : vector<16xf32>
    %add3A_1255 = arith.addf %add3A_1250, %mul3A_1254 : vector<16xf32>
    %add3A_1256 = arith.constant 1 : i32
    %add3A_1257 = vector.broadcast %add3A_1256 : i32 to vector<16xi32>
    %add3A_1258 = arith.addi %iota3A, %add3A_1257 : vector<16xi32>
    %and3A_1259 = arith.constant 15 : i32
    %and3A_1260 = vector.broadcast %and3A_1259 : i32 to vector<16xi32>
    %and3A_1261 = arith.andi %add3A_1258, %and3A_1260 : vector<16xi32>
    %lt3A_1262 = arith.constant 0 : i32
    %lt3A_1263 = vector.broadcast %lt3A_1262 : i32 to vector<16xi32>
    %lt3A_1264 = arith.cmpi slt, %and3A_1261, %lt3A_1263 : vector<16xi32>
    %add3A_1265 = arith.constant 16 : i32
    %add3A_1266 = vector.broadcast %add3A_1265 : i32 to vector<16xi32>
    %add3A_1267 = arith.addi %and3A_1261, %add3A_1266 : vector<16xi32>
    %select_n3A_1268 = arith.select %lt3A_1264, %add3A_1267, %and3A_1261 : vector<16xi1>, vector<16xi32>
    %broadcast_in_dim3A_1269 = vector.shape_cast %select_n3A_1268 : vector<16xi32> to vector<16x1xi32>
    %gather3A_1270 = vector.shape_cast %broadcast_in_dim3A_1269 : vector<16x1xi32> to vector<16xi32>
    %gather3A_1271 = tpu.dynamic_gather %add3A_1255[%gather3A_1270] in [0] : vector<16xf32>, vector<16xi32> -> vector<16xf32>
    %add3A_1272 = arith.addf %add3A_1255, %gather3A_1271 : vector<16xf32>
    %add3A_1273 = arith.constant 2 : i32
    %add3A_1274 = vector.broadcast %add3A_1273 : i32 to vector<16xi32>
    %add3A_1275 = arith.addi %iota3A, %add3A_1274 : vector<16xi32>
    %and3A_1276 = arith.constant 15 : i32
    %and3A_1277 = vector.broadcast %and3A_1276 : i32 to vector<16xi32>
    %and3A_1278 = arith.andi %add3A_1275, %and3A_1277 : vector<16xi32>
    %lt3A_1279 = arith.constant 0 : i32
    %lt3A_1280 = vector.broadcast %lt3A_1279 : i32 to vector<16xi32>
    %lt3A_1281 = arith.cmpi slt, %and3A_1278, %lt3A_1280 : vector<16xi32>
    %add3A_1282 = arith.constant 16 : i32
    %add3A_1283 = vector.broadcast %add3A_1282 : i32 to vector<16xi32>
    %add3A_1284 = arith.addi %and3A_1278, %add3A_1283 : vector<16xi32>
    %select_n3A_1285 = arith.select %lt3A_1281, %add3A_1284, %and3A_1278 : vector<16xi1>, vector<16xi32>
    %broadcast_in_dim3A_1286 = vector.shape_cast %select_n3A_1285 : vector<16xi32> to vector<16x1xi32>
    %gather3A_1287 = vector.shape_cast %broadcast_in_dim3A_1286 : vector<16x1xi32> to vector<16xi32>
    %gather3A_1288 = tpu.dynamic_gather %add3A_1272[%gather3A_1287] in [0] : vector<16xf32>, vector<16xi32> -> vector<16xf32>
    %add3A_1289 = arith.addf %add3A_1272, %gather3A_1288 : vector<16xf32>
    %add3A_1290 = arith.constant 4 : i32
    %add3A_1291 = vector.broadcast %add3A_1290 : i32 to vector<16xi32>
    %add3A_1292 = arith.addi %iota3A, %add3A_1291 : vector<16xi32>
    %and3A_1293 = arith.constant 15 : i32
    %and3A_1294 = vector.broadcast %and3A_1293 : i32 to vector<16xi32>
    %and3A_1295 = arith.andi %add3A_1292, %and3A_1294 : vector<16xi32>
    %lt3A_1296 = arith.constant 0 : i32
    %lt3A_1297 = vector.broadcast %lt3A_1296 : i32 to vector<16xi32>
    %lt3A_1298 = arith.cmpi slt, %and3A_1295, %lt3A_1297 : vector<16xi32>
    %add3A_1299 = arith.constant 16 : i32
    %add3A_1300 = vector.broadcast %add3A_1299 : i32 to vector<16xi32>
    %add3A_1301 = arith.addi %and3A_1295, %add3A_1300 : vector<16xi32>
    %select_n3A_1302 = arith.select %lt3A_1298, %add3A_1301, %and3A_1295 : vector<16xi1>, vector<16xi32>
    %broadcast_in_dim3A_1303 = vector.shape_cast %select_n3A_1302 : vector<16xi32> to vector<16x1xi32>
    %gather3A_1304 = vector.shape_cast %broadcast_in_dim3A_1303 : vector<16x1xi32> to vector<16xi32>
    %gather3A_1305 = tpu.dynamic_gather %add3A_1289[%gather3A_1304] in [0] : vector<16xf32>, vector<16xi32> -> vector<16xf32>
    %add3A_1306 = arith.addf %add3A_1289, %gather3A_1305 : vector<16xf32>
    %add3A_1307 = arith.constant 8 : i32
    %add3A_1308 = vector.broadcast %add3A_1307 : i32 to vector<16xi32>
    %add3A_1309 = arith.addi %iota3A, %add3A_1308 : vector<16xi32>
    %and3A_1310 = arith.constant 15 : i32
    %and3A_1311 = vector.broadcast %and3A_1310 : i32 to vector<16xi32>
    %and3A_1312 = arith.andi %add3A_1309, %and3A_1311 : vector<16xi32>
    %lt3A_1313 = arith.constant 0 : i32
    %lt3A_1314 = vector.broadcast %lt3A_1313 : i32 to vector<16xi32>
    %lt3A_1315 = arith.cmpi slt, %and3A_1312, %lt3A_1314 : vector<16xi32>
    %add3A_1316 = arith.constant 16 : i32
    %add3A_1317 = vector.broadcast %add3A_1316 : i32 to vector<16xi32>
    %add3A_1318 = arith.addi %and3A_1312, %add3A_1317 : vector<16xi32>
    %select_n3A_1319 = arith.select %lt3A_1315, %add3A_1318, %and3A_1312 : vector<16xi1>, vector<16xi32>
    %broadcast_in_dim3A_1320 = vector.shape_cast %select_n3A_1319 : vector<16xi32> to vector<16x1xi32>
    %gather3A_1321 = vector.shape_cast %broadcast_in_dim3A_1320 : vector<16x1xi32> to vector<16xi32>
    %gather3A_1322 = tpu.dynamic_gather %add3A_1306[%gather3A_1321] in [0] : vector<16xf32>, vector<16xi32> -> vector<16xf32>
    %add3A_1323 = arith.addf %add3A_1306, %gather3A_1322 : vector<16xf32>
    %eq3A_1324 = arith.constant 7 : i32
    %eq3A_1325 = vector.broadcast %eq3A_1324 : i32 to vector<16xi32>
    %eq3A_1326 = arith.cmpi eq, %iota3A, %eq3A_1325 : vector<16xi32>
    %select_n3A_1327 = arith.select %eq3A_1326, %add3A_1323, %select_n3A_1176 : vector<16xi1>, vector<16xf32>
    %add3A_1328 = arith.addf %select_n3A_691, %select_n3A_1327 : vector<16xf32>
    %add3A_1329 = arith.addf %add3A_1328, %get3A_4 : vector<16xf32>
    %swap3A = arith.constant 504 : index
    %swap3A_1330 = tpu.vector_load %arg14[%swap3A] {strides = array<i32>} : memref<528xf32, #tpu.memory_space<vmem>>, vector<16xf32>,
    %swap3A_1331 = vector.shape_cast %swap3A_1330 : vector<16xf32> to vector<16xf32>
    %swap3A_1332 = vector.shape_cast %add3A_1329 : vector<16xf32> to vector<16xf32>
    tpu.vector_store %arg14[%swap3A], %swap3A_1332 {strides = array<i32>} : memref<528xf32, #tpu.memory_space<vmem>>, vector<16xf32>,
    %mul3A_1333 = arith.constant 128 : i32
    %mul3A_1334 = arith.muli %add3A, %mul3A_1333 : i32
    %mul3A_1335 = arith.constant 4 : i32
    %mul3A_1336 = arith.muli %mul3A_1334, %mul3A_1335 : i32
    "tpu.region"() ({
      %run_scoped3A = tpu.sem_alloc : memref<!tpu.dma_semaphore, #tpu.memory_space<semaphore_mem>>
      %dma_start3A_1337 = arith.constant 0 : i32
      %dma_start3A_1338 = tpu.memref_slice %arg14[%dma_start3A_1337] : memref<528xf32, #tpu.memory_space<vmem>> -> memref<512xf32, #tpu.memory_space<vmem>>
      %dma_start3A_1339 = tpu.memref_slice %arg6[%mul3A_1336] : memref<16384xf32, #tpu.memory_space<hbm>> -> memref<512xf32, #tpu.memory_space<hbm>>
      %dma_start3A_1340 = tpu.memref_slice %arg6[%mul3A_1336] : memref<16384xf32, #tpu.memory_space<hbm>> -> memref<512xf32, #tpu.memory_space<hbm>>
      %dma_start3A_1341 = arith.constant 0 : i32
      %dma_start3A_1342 = tpu.memref_slice %arg14[%dma_start3A_1341] : memref<528xf32, #tpu.memory_space<vmem>> -> memref<512xf32, #tpu.memory_space<vmem>>
      tpu.enqueue_dma source(%dma_start3A_1342 : memref<512xf32, #tpu.memory_space<vmem>>) target(%dma_start3A_1340 : memref<512xf32, #tpu.memory_space<hbm>>) target_semaphore(%run_scoped3A : memref<!tpu.dma_semaphore, #tpu.memory_space<semaphore_mem>>)
      %dma_wait3A_1343 = arith.constant 0 : i32
      %dma_wait3A_1344 = tpu.memref_slice %arg14[%dma_wait3A_1343] : memref<528xf32, #tpu.memory_space<vmem>> -> memref<512xf32, #tpu.memory_space<vmem>>
      %dma_wait3A_1345 = tpu.memref_slice %arg6[%mul3A_1336] : memref<16384xf32, #tpu.memory_space<hbm>> -> memref<512xf32, #tpu.memory_space<hbm>>
      %dma_wait3A_1346 = tpu.memref_slice %arg6[%mul3A_1336] : memref<16384xf32, #tpu.memory_space<hbm>> -> memref<512xf32, #tpu.memory_space<hbm>>
      %dma_wait3A_1347 = arith.constant 0 : i32
      %dma_wait3A_1348 = tpu.memref_slice %arg14[%dma_wait3A_1347] : memref<528xf32, #tpu.memory_space<vmem>> -> memref<512xf32, #tpu.memory_space<vmem>>
      tpu.wait_dma2 semaphore(%run_scoped3A : memref<!tpu.dma_semaphore, #tpu.memory_space<semaphore_mem>>) src(%dma_wait3A_1348 : memref<512xf32, #tpu.memory_space<vmem>>) dst(%dma_wait3A_1346 : memref<512xf32, #tpu.memory_space<hbm>>)
      tpu.yield
    }) : () -> ()
    return
  }
}

#map = affine_map<(d0, d1) -> (0, 0)>
#map1 = affine_map<(d0, d1) -> (0)>
module attributes {stable_mosaic.version = 14 : i64} {
  func.func @_sc_tail(%arg0: i32, %arg1: i32, %arg2: memref<1007616x128xf32, #tpu.memory_space<hbm>>, %arg3: memref<4096x50xi32, #tpu.memory_space<hbm>>, %arg4: memref<16384xf32, #tpu.memory_space<hbm>>, %arg5: memref<128x50xi32, #tpu.memory_space<vmem>>, %arg6: memref<64x128xf32, #tpu.memory_space<vmem>>, %arg7: memref<64x128xf32, #tpu.memory_space<vmem>>, %arg8: memref<528xf32, #tpu.memory_space<vmem>>, %arg9: memref<!tpu.dma_semaphore, #tpu.memory_space<semaphore_mem>>, %arg10: memref<!tpu.dma_semaphore, #tpu.memory_space<semaphore_mem>>) attributes {dimension_semantics = [#tpu.dimension_semantics<core_parallel>, #tpu.dimension_semantics<subcore_parallel>], iteration_bounds = array<i64: 2, 16>, scalar_prefetch = 0 : i64, scratch_operands = 6 : i64, tpu.core_type = #tpu.core_type<sc_vector_subcore>, window_params = [{transform_indices = #map}, {transform_indices = #map}, {transform_indices = #map1}]} {
    %mul3A = arith.constant 2 : i32
    %mul3A_0 = arith.muli %arg1, %mul3A : i32
    %add3A = arith.addi %mul3A_0, %arg0 : i32
    %mul3A_1 = arith.constant 128 : i32
    %mul3A_2 = arith.muli %add3A, %mul3A_1 : i32
    "tpu.region"() ({
      %run_scoped3A = tpu.sem_alloc : memref<!tpu.dma_semaphore, #tpu.memory_space<semaphore_mem>>
      %dma_start3A_84 = arith.constant 0 : i32
      %dma_start3A_85 = tpu.memref_slice %arg3[%mul3A_2, %dma_start3A_84] : memref<4096x50xi32, #tpu.memory_space<hbm>> -> memref<128x50xi32, #tpu.memory_space<hbm>>
      %dma_start3A_86 = arith.constant 0 : i32
      %dma_start3A_87 = tpu.memref_slice %arg3[%mul3A_2, %dma_start3A_86] : memref<4096x50xi32, #tpu.memory_space<hbm>> -> memref<128x50xi32, #tpu.memory_space<hbm>>
      tpu.enqueue_dma source(%dma_start3A_87 : memref<128x50xi32, #tpu.memory_space<hbm>>) target(%arg5 : memref<128x50xi32, #tpu.memory_space<vmem>>) target_semaphore(%run_scoped3A : memref<!tpu.dma_semaphore, #tpu.memory_space<semaphore_mem>>)
      %dma_wait3A_88 = arith.constant 0 : i32
      %dma_wait3A_89 = tpu.memref_slice %arg3[%mul3A_2, %dma_wait3A_88] : memref<4096x50xi32, #tpu.memory_space<hbm>> -> memref<128x50xi32, #tpu.memory_space<hbm>>
      %dma_wait3A_90 = arith.constant 0 : i32
      %dma_wait3A_91 = tpu.memref_slice %arg3[%mul3A_2, %dma_wait3A_90] : memref<4096x50xi32, #tpu.memory_space<hbm>> -> memref<128x50xi32, #tpu.memory_space<hbm>>
      tpu.wait_dma2 semaphore(%run_scoped3A : memref<!tpu.dma_semaphore, #tpu.memory_space<semaphore_mem>>) src(%dma_wait3A_91 : memref<128x50xi32, #tpu.memory_space<hbm>>) dst(%arg5 : memref<128x50xi32, #tpu.memory_space<vmem>>)
      tpu.yield
    }) : () -> ()
    %iota3A = tpu.iota {dimensions = array<i32: 0>} : vector<16xi32>
    %dma_start3A = arith.constant 0 : i32
    %dma_start3A_3 = arith.constant 0 : i32
    %dma_start3A_4 = arith.constant 0 : i32
    %dma_start3A_5 = tpu.memref_slice %arg6[%dma_start3A_3, %dma_start3A_4] : memref<64x128xf32, #tpu.memory_space<vmem>> -> memref<50x128xf32, #tpu.memory_space<vmem>>
    %dma_start3A_6 = arith.constant 0 : i32
    %dma_start3A_7 = tpu.memref_slice %arg5[%dma_start3A, %dma_start3A_6] : memref<128x50xi32, #tpu.memory_space<vmem>> -> memref<1x50xi32, #tpu.memory_space<vmem>>
    %dma_start3A_8 = tpu.memref_squeeze %dma_start3A_7 : memref<1x50xi32, #tpu.memory_space<vmem>> -> memref<50xi32, #tpu.memory_space<vmem>>
    %dma_start3A_9 = arith.constant 0 : i32
    %dma_start3A_10 = arith.constant 0 : i32
    %dma_start3A_11 = tpu.memref_slice %arg2[%dma_start3A_9, %dma_start3A_10] : memref<1007616x128xf32, #tpu.memory_space<hbm>> -> memref<1007616x128xf32, #tpu.memory_space<hbm>>
    tpu.enqueue_indirect_dma source(%dma_start3A_11 : memref<1007616x128xf32, #tpu.memory_space<hbm>>) target(%dma_start3A_5 : memref<50x128xf32, #tpu.memory_space<vmem>>) offsets(%dma_start3A_8 : memref<50xi32, #tpu.memory_space<vmem>>) semaphore(%arg9 : memref<!tpu.dma_semaphore, #tpu.memory_space<semaphore_mem>>)
    %dma_start3A_12 = arith.constant 1 : i32
    %dma_start3A_13 = arith.constant 0 : i32
    %dma_start3A_14 = arith.constant 0 : i32
    %dma_start3A_15 = tpu.memref_slice %arg7[%dma_start3A_13, %dma_start3A_14] : memref<64x128xf32, #tpu.memory_space<vmem>> -> memref<50x128xf32, #tpu.memory_space<vmem>>
    %dma_start3A_16 = arith.constant 0 : i32
    %dma_start3A_17 = tpu.memref_slice %arg5[%dma_start3A_12, %dma_start3A_16] : memref<128x50xi32, #tpu.memory_space<vmem>> -> memref<1x50xi32, #tpu.memory_space<vmem>>
    %dma_start3A_18 = tpu.memref_squeeze %dma_start3A_17 : memref<1x50xi32, #tpu.memory_space<vmem>> -> memref<50xi32, #tpu.memory_space<vmem>>
    %dma_start3A_19 = arith.constant 0 : i32
    %dma_start3A_20 = arith.constant 0 : i32
    %dma_start3A_21 = tpu.memref_slice %arg2[%dma_start3A_19, %dma_start3A_20] : memref<1007616x128xf32, #tpu.memory_space<hbm>> -> memref<1007616x128xf32, #tpu.memory_space<hbm>>
    tpu.enqueue_indirect_dma source(%dma_start3A_21 : memref<1007616x128xf32, #tpu.memory_space<hbm>>) target(%dma_start3A_15 : memref<50x128xf32, #tpu.memory_space<vmem>>) offsets(%dma_start3A_18 : memref<50xi32, #tpu.memory_space<vmem>>) semaphore(%arg10 : memref<!tpu.dma_semaphore, #tpu.memory_space<semaphore_mem>>)
    %scan3A = arith.constant 0 : i32
    %scan3A_22 = arith.constant 0 : i32
    %scan3A_23 = arith.constant 63 : i32
    %scan3A_24 = arith.addi %scan3A_22, %scan3A_23 : i32
    %scan3A_25 = arith.constant 1 : i32
    scf.for %scan3A_84 = %scan3A_22 to %scan3A_24 step %scan3A_25  : i32 {
      %mul3A_85 = arith.constant 2 : i32
      %mul3A_86 = arith.muli %mul3A_85, %scan3A_84 : i32
      %dma_wait3A_87 = arith.constant 0 : i32
      %dma_wait3A_88 = arith.constant 0 : i32
      %dma_wait3A_89 = tpu.memref_slice %arg6[%dma_wait3A_87, %dma_wait3A_88] : memref<64x128xf32, #tpu.memory_space<vmem>> -> memref<50x128xf32, #tpu.memory_space<vmem>>
      %dma_wait3A_90 = arith.constant 0 : i32
      %dma_wait3A_91 = tpu.memref_slice %arg5[%mul3A_86, %dma_wait3A_90] : memref<128x50xi32, #tpu.memory_space<vmem>> -> memref<1x50xi32, #tpu.memory_space<vmem>>
      %dma_wait3A_92 = tpu.memref_squeeze %dma_wait3A_91 : memref<1x50xi32, #tpu.memory_space<vmem>> -> memref<50xi32, #tpu.memory_space<vmem>>
      %dma_wait3A_93 = arith.constant 0 : i32
      %dma_wait3A_94 = arith.constant 0 : i32
      %dma_wait3A_95 = tpu.memref_slice %arg2[%dma_wait3A_93, %dma_wait3A_94] : memref<1007616x128xf32, #tpu.memory_space<hbm>> -> memref<1007616x128xf32, #tpu.memory_space<hbm>>
      tpu.wait_indirect_dma semaphore(%arg9 : memref<!tpu.dma_semaphore, #tpu.memory_space<semaphore_mem>>) src(%dma_wait3A_95 : memref<1007616x128xf32, #tpu.memory_space<hbm>>) dst(%dma_wait3A_89 : memref<50x128xf32, #tpu.memory_space<vmem>>)
      %broadcast_in_dim3A_96 = arith.constant 0.000000e+00 : f32
      %broadcast_in_dim3A_97 = vector.broadcast %broadcast_in_dim3A_96 : f32 to vector<16xf32>
      %scan3A_98 = arith.constant 0 : i32
      %scan3A_99 = arith.constant 50 : i32
      %scan3A_100 = arith.addi %scan3A_98, %scan3A_99 : i32
      %scan3A_101 = arith.constant 1 : i32
      %scan3A_102 = scf.for %scan3A_171 = %scan3A_98 to %scan3A_100 step %scan3A_101 iter_args(%scan3A_172 = %broadcast_in_dim3A_97) -> (vector<16xf32>)  : i32 {
        %get3A = arith.index_cast %scan3A_171 : i32 to index
        %get3A_173 = arith.constant 0 : index
        %get3A_174 = tpu.vector_load %arg6[%get3A, %get3A_173] {strides = array<i32>} : memref<64x128xf32, #tpu.memory_space<vmem>>, vector<1x16xf32>,
        %get3A_175 = vector.shape_cast %get3A_174 : vector<1x16xf32> to vector<16xf32>
        %add3A_176 = arith.addf %scan3A_172, %get3A_175 : vector<16xf32>
        scf.yield %add3A_176 : vector<16xf32>
      }
      %scan3A_103 = arith.constant 50 : i32
      %add3A_104 = arith.constant 2 : i32
      %add3A_105 = arith.addi %mul3A_86, %add3A_104 : i32
      %dma_start3A_106 = arith.constant 0 : i32
      %dma_start3A_107 = arith.constant 0 : i32
      %dma_start3A_108 = tpu.memref_slice %arg6[%dma_start3A_106, %dma_start3A_107] : memref<64x128xf32, #tpu.memory_space<vmem>> -> memref<50x128xf32, #tpu.memory_space<vmem>>
      %dma_start3A_109 = arith.constant 0 : i32
      %dma_start3A_110 = tpu.memref_slice %arg5[%add3A_105, %dma_start3A_109] : memref<128x50xi32, #tpu.memory_space<vmem>> -> memref<1x50xi32, #tpu.memory_space<vmem>>
      %dma_start3A_111 = tpu.memref_squeeze %dma_start3A_110 : memref<1x50xi32, #tpu.memory_space<vmem>> -> memref<50xi32, #tpu.memory_space<vmem>>
      %dma_start3A_112 = arith.constant 0 : i32
      %dma_start3A_113 = arith.constant 0 : i32
      %dma_start3A_114 = tpu.memref_slice %arg2[%dma_start3A_112, %dma_start3A_113] : memref<1007616x128xf32, #tpu.memory_space<hbm>> -> memref<1007616x128xf32, #tpu.memory_space<hbm>>
      tpu.enqueue_indirect_dma source(%dma_start3A_114 : memref<1007616x128xf32, #tpu.memory_space<hbm>>) target(%dma_start3A_108 : memref<50x128xf32, #tpu.memory_space<vmem>>) offsets(%dma_start3A_111 : memref<50xi32, #tpu.memory_space<vmem>>) semaphore(%arg9 : memref<!tpu.dma_semaphore, #tpu.memory_space<semaphore_mem>>)
      %add3A_115 = arith.constant 1 : i32
      %add3A_116 = arith.addi %mul3A_86, %add3A_115 : i32
      %dma_wait3A_117 = arith.constant 0 : i32
      %dma_wait3A_118 = arith.constant 0 : i32
      %dma_wait3A_119 = tpu.memref_slice %arg7[%dma_wait3A_117, %dma_wait3A_118] : memref<64x128xf32, #tpu.memory_space<vmem>> -> memref<50x128xf32, #tpu.memory_space<vmem>>
      %dma_wait3A_120 = arith.constant 0 : i32
      %dma_wait3A_121 = tpu.memref_slice %arg5[%add3A_116, %dma_wait3A_120] : memref<128x50xi32, #tpu.memory_space<vmem>> -> memref<1x50xi32, #tpu.memory_space<vmem>>
      %dma_wait3A_122 = tpu.memref_squeeze %dma_wait3A_121 : memref<1x50xi32, #tpu.memory_space<vmem>> -> memref<50xi32, #tpu.memory_space<vmem>>
      %dma_wait3A_123 = arith.constant 0 : i32
      %dma_wait3A_124 = arith.constant 0 : i32
      %dma_wait3A_125 = tpu.memref_slice %arg2[%dma_wait3A_123, %dma_wait3A_124] : memref<1007616x128xf32, #tpu.memory_space<hbm>> -> memref<1007616x128xf32, #tpu.memory_space<hbm>>
      tpu.wait_indirect_dma semaphore(%arg10 : memref<!tpu.dma_semaphore, #tpu.memory_space<semaphore_mem>>) src(%dma_wait3A_125 : memref<1007616x128xf32, #tpu.memory_space<hbm>>) dst(%dma_wait3A_119 : memref<50x128xf32, #tpu.memory_space<vmem>>)
      %broadcast_in_dim3A_126 = arith.constant 0.000000e+00 : f32
      %broadcast_in_dim3A_127 = vector.broadcast %broadcast_in_dim3A_126 : f32 to vector<16xf32>
      %scan3A_128 = arith.constant 0 : i32
      %scan3A_129 = arith.constant 50 : i32
      %scan3A_130 = arith.addi %scan3A_128, %scan3A_129 : i32
      %scan3A_131 = arith.constant 1 : i32
      %scan3A_132 = scf.for %scan3A_171 = %scan3A_128 to %scan3A_130 step %scan3A_131 iter_args(%scan3A_172 = %broadcast_in_dim3A_127) -> (vector<16xf32>)  : i32 {
        %get3A = arith.index_cast %scan3A_171 : i32 to index
        %get3A_173 = arith.constant 0 : index
        %get3A_174 = tpu.vector_load %arg7[%get3A, %get3A_173] {strides = array<i32>} : memref<64x128xf32, #tpu.memory_space<vmem>>, vector<1x16xf32>,
        %get3A_175 = vector.shape_cast %get3A_174 : vector<1x16xf32> to vector<16xf32>
        %add3A_176 = arith.addf %scan3A_172, %get3A_175 : vector<16xf32>
        scf.yield %add3A_176 : vector<16xf32>
      }
      %scan3A_133 = arith.constant 50 : i32
      %add3A_134 = arith.constant 3 : i32
      %add3A_135 = arith.addi %mul3A_86, %add3A_134 : i32
      %dma_start3A_136 = arith.constant 0 : i32
      %dma_start3A_137 = arith.constant 0 : i32
      %dma_start3A_138 = tpu.memref_slice %arg7[%dma_start3A_136, %dma_start3A_137] : memref<64x128xf32, #tpu.memory_space<vmem>> -> memref<50x128xf32, #tpu.memory_space<vmem>>
      %dma_start3A_139 = arith.constant 0 : i32
      %dma_start3A_140 = tpu.memref_slice %arg5[%add3A_135, %dma_start3A_139] : memref<128x50xi32, #tpu.memory_space<vmem>> -> memref<1x50xi32, #tpu.memory_space<vmem>>
      %dma_start3A_141 = tpu.memref_squeeze %dma_start3A_140 : memref<1x50xi32, #tpu.memory_space<vmem>> -> memref<50xi32, #tpu.memory_space<vmem>>
      %dma_start3A_142 = arith.constant 0 : i32
      %dma_start3A_143 = arith.constant 0 : i32
      %dma_start3A_144 = tpu.memref_slice %arg2[%dma_start3A_142, %dma_start3A_143] : memref<1007616x128xf32, #tpu.memory_space<hbm>> -> memref<1007616x128xf32, #tpu.memory_space<hbm>>
      tpu.enqueue_indirect_dma source(%dma_start3A_144 : memref<1007616x128xf32, #tpu.memory_space<hbm>>) target(%dma_start3A_138 : memref<50x128xf32, #tpu.memory_space<vmem>>) offsets(%dma_start3A_141 : memref<50xi32, #tpu.memory_space<vmem>>) semaphore(%arg10 : memref<!tpu.dma_semaphore, #tpu.memory_space<semaphore_mem>>)
      %add3A_145 = arith.constant 12 : i32
      %add3A_146 = vector.broadcast %add3A_145 : i32 to vector<16xi32>
      %add3A_147 = arith.addi %iota3A, %add3A_146 : vector<16xi32>
      %and3A_148 = arith.constant 15 : i32
      %and3A_149 = vector.broadcast %and3A_148 : i32 to vector<16xi32>
      %and3A_150 = arith.andi %add3A_147, %and3A_149 : vector<16xi32>
      %lt3A_151 = arith.constant 0 : i32
      %lt3A_152 = vector.broadcast %lt3A_151 : i32 to vector<16xi32>
      %lt3A_153 = arith.cmpi slt, %and3A_150, %lt3A_152 : vector<16xi32>
      %add3A_154 = arith.constant 16 : i32
      %add3A_155 = vector.broadcast %add3A_154 : i32 to vector<16xi32>
      %add3A_156 = arith.addi %and3A_150, %add3A_155 : vector<16xi32>
      %select_n3A_157 = arith.select %lt3A_153, %add3A_156, %and3A_150 : vector<16xi1>, vector<16xi32>
      %broadcast_in_dim3A_158 = vector.shape_cast %select_n3A_157 : vector<16xi32> to vector<16x1xi32>
      %gather3A_159 = vector.shape_cast %broadcast_in_dim3A_158 : vector<16x1xi32> to vector<16xi32>
      %gather3A_160 = tpu.dynamic_gather %scan3A_132[%gather3A_159] in [0] : vector<16xf32>, vector<16xi32> -> vector<16xf32>
      %lt3A_161 = arith.constant 4 : i32
      %lt3A_162 = vector.broadcast %lt3A_161 : i32 to vector<16xi32>
      %lt3A_163 = arith.cmpi slt, %iota3A, %lt3A_162 : vector<16xi32>
      %select_n3A_164 = arith.select %lt3A_163, %scan3A_102, %gather3A_160 : vector<16xi1>, vector<16xf32>
      %mul3A_165 = arith.constant 8 : i32
      %mul3A_166 = arith.muli %mul3A_165, %scan3A_84 : i32
      %swap3A_167 = arith.index_cast %mul3A_166 : i32 to index
      %swap3A_168 = tpu.vector_load %arg8[%swap3A_167] {strides = array<i32>} : memref<528xf32, #tpu.memory_space<vmem>>, vector<16xf32>,
      %swap3A_169 = vector.shape_cast %swap3A_168 : vector<16xf32> to vector<16xf32>
      %swap3A_170 = vector.shape_cast %select_n3A_164 : vector<16xf32> to vector<16xf32>
      tpu.vector_store %arg8[%swap3A_167], %swap3A_170 {strides = array<i32>} : memref<528xf32, #tpu.memory_space<vmem>>, vector<16xf32>,
    }
    %scan3A_26 = arith.constant 63 : i32
    %dma_wait3A = arith.constant 126 : i32
    %dma_wait3A_27 = arith.constant 0 : i32
    %dma_wait3A_28 = arith.constant 0 : i32
    %dma_wait3A_29 = tpu.memref_slice %arg6[%dma_wait3A_27, %dma_wait3A_28] : memref<64x128xf32, #tpu.memory_space<vmem>> -> memref<50x128xf32, #tpu.memory_space<vmem>>
    %dma_wait3A_30 = arith.constant 0 : i32
    %dma_wait3A_31 = tpu.memref_slice %arg5[%dma_wait3A, %dma_wait3A_30] : memref<128x50xi32, #tpu.memory_space<vmem>> -> memref<1x50xi32, #tpu.memory_space<vmem>>
    %dma_wait3A_32 = tpu.memref_squeeze %dma_wait3A_31 : memref<1x50xi32, #tpu.memory_space<vmem>> -> memref<50xi32, #tpu.memory_space<vmem>>
    %dma_wait3A_33 = arith.constant 0 : i32
    %dma_wait3A_34 = arith.constant 0 : i32
    %dma_wait3A_35 = tpu.memref_slice %arg2[%dma_wait3A_33, %dma_wait3A_34] : memref<1007616x128xf32, #tpu.memory_space<hbm>> -> memref<1007616x128xf32, #tpu.memory_space<hbm>>
    tpu.wait_indirect_dma semaphore(%arg9 : memref<!tpu.dma_semaphore, #tpu.memory_space<semaphore_mem>>) src(%dma_wait3A_35 : memref<1007616x128xf32, #tpu.memory_space<hbm>>) dst(%dma_wait3A_29 : memref<50x128xf32, #tpu.memory_space<vmem>>)
    %broadcast_in_dim3A = arith.constant 0.000000e+00 : f32
    %broadcast_in_dim3A_36 = vector.broadcast %broadcast_in_dim3A : f32 to vector<16xf32>
    %scan3A_37 = arith.constant 0 : i32
    %scan3A_38 = arith.constant 50 : i32
    %scan3A_39 = arith.addi %scan3A_37, %scan3A_38 : i32
    %scan3A_40 = arith.constant 1 : i32
    %scan3A_41 = scf.for %scan3A_84 = %scan3A_37 to %scan3A_39 step %scan3A_40 iter_args(%scan3A_85 = %broadcast_in_dim3A_36) -> (vector<16xf32>)  : i32 {
      %get3A = arith.index_cast %scan3A_84 : i32 to index
      %get3A_86 = arith.constant 0 : index
      %get3A_87 = tpu.vector_load %arg6[%get3A, %get3A_86] {strides = array<i32>} : memref<64x128xf32, #tpu.memory_space<vmem>>, vector<1x16xf32>,
      %get3A_88 = vector.shape_cast %get3A_87 : vector<1x16xf32> to vector<16xf32>
      %add3A_89 = arith.addf %scan3A_85, %get3A_88 : vector<16xf32>
      scf.yield %add3A_89 : vector<16xf32>
    }
    %scan3A_42 = arith.constant 50 : i32
    %dma_wait3A_43 = arith.constant 127 : i32
    %dma_wait3A_44 = arith.constant 0 : i32
    %dma_wait3A_45 = arith.constant 0 : i32
    %dma_wait3A_46 = tpu.memref_slice %arg7[%dma_wait3A_44, %dma_wait3A_45] : memref<64x128xf32, #tpu.memory_space<vmem>> -> memref<50x128xf32, #tpu.memory_space<vmem>>
    %dma_wait3A_47 = arith.constant 0 : i32
    %dma_wait3A_48 = tpu.memref_slice %arg5[%dma_wait3A_43, %dma_wait3A_47] : memref<128x50xi32, #tpu.memory_space<vmem>> -> memref<1x50xi32, #tpu.memory_space<vmem>>
    %dma_wait3A_49 = tpu.memref_squeeze %dma_wait3A_48 : memref<1x50xi32, #tpu.memory_space<vmem>> -> memref<50xi32, #tpu.memory_space<vmem>>
    %dma_wait3A_50 = arith.constant 0 : i32
    %dma_wait3A_51 = arith.constant 0 : i32
    %dma_wait3A_52 = tpu.memref_slice %arg2[%dma_wait3A_50, %dma_wait3A_51] : memref<1007616x128xf32, #tpu.memory_space<hbm>> -> memref<1007616x128xf32, #tpu.memory_space<hbm>>
    tpu.wait_indirect_dma semaphore(%arg10 : memref<!tpu.dma_semaphore, #tpu.memory_space<semaphore_mem>>) src(%dma_wait3A_52 : memref<1007616x128xf32, #tpu.memory_space<hbm>>) dst(%dma_wait3A_46 : memref<50x128xf32, #tpu.memory_space<vmem>>)
    %broadcast_in_dim3A_53 = arith.constant 0.000000e+00 : f32
    %broadcast_in_dim3A_54 = vector.broadcast %broadcast_in_dim3A_53 : f32 to vector<16xf32>
    %scan3A_55 = arith.constant 0 : i32
    %scan3A_56 = arith.constant 50 : i32
    %scan3A_57 = arith.addi %scan3A_55, %scan3A_56 : i32
    %scan3A_58 = arith.constant 1 : i32
    %scan3A_59 = scf.for %scan3A_84 = %scan3A_55 to %scan3A_57 step %scan3A_58 iter_args(%scan3A_85 = %broadcast_in_dim3A_54) -> (vector<16xf32>)  : i32 {
      %get3A = arith.index_cast %scan3A_84 : i32 to index
      %get3A_86 = arith.constant 0 : index
      %get3A_87 = tpu.vector_load %arg7[%get3A, %get3A_86] {strides = array<i32>} : memref<64x128xf32, #tpu.memory_space<vmem>>, vector<1x16xf32>,
      %get3A_88 = vector.shape_cast %get3A_87 : vector<1x16xf32> to vector<16xf32>
      %add3A_89 = arith.addf %scan3A_85, %get3A_88 : vector<16xf32>
      scf.yield %add3A_89 : vector<16xf32>
    }
    %scan3A_60 = arith.constant 50 : i32
    %add3A_61 = arith.constant 12 : i32
    %add3A_62 = vector.broadcast %add3A_61 : i32 to vector<16xi32>
    %add3A_63 = arith.addi %iota3A, %add3A_62 : vector<16xi32>
    %and3A = arith.constant 15 : i32
    %and3A_64 = vector.broadcast %and3A : i32 to vector<16xi32>
    %and3A_65 = arith.andi %add3A_63, %and3A_64 : vector<16xi32>
    %lt3A = arith.constant 0 : i32
    %lt3A_66 = vector.broadcast %lt3A : i32 to vector<16xi32>
    %lt3A_67 = arith.cmpi slt, %and3A_65, %lt3A_66 : vector<16xi32>
    %add3A_68 = arith.constant 16 : i32
    %add3A_69 = vector.broadcast %add3A_68 : i32 to vector<16xi32>
    %add3A_70 = arith.addi %and3A_65, %add3A_69 : vector<16xi32>
    %select_n3A = arith.select %lt3A_67, %add3A_70, %and3A_65 : vector<16xi1>, vector<16xi32>
    %broadcast_in_dim3A_71 = vector.shape_cast %select_n3A : vector<16xi32> to vector<16x1xi32>
    %gather3A = vector.shape_cast %broadcast_in_dim3A_71 : vector<16x1xi32> to vector<16xi32>
    %gather3A_72 = tpu.dynamic_gather %scan3A_59[%gather3A] in [0] : vector<16xf32>, vector<16xi32> -> vector<16xf32>
    %lt3A_73 = arith.constant 4 : i32
    %lt3A_74 = vector.broadcast %lt3A_73 : i32 to vector<16xi32>
    %lt3A_75 = arith.cmpi slt, %iota3A, %lt3A_74 : vector<16xi32>
    %select_n3A_76 = arith.select %lt3A_75, %scan3A_41, %gather3A_72 : vector<16xi1>, vector<16xf32>
    %swap3A = arith.constant 504 : index
    %swap3A_77 = tpu.vector_load %arg8[%swap3A] {strides = array<i32>} : memref<528xf32, #tpu.memory_space<vmem>>, vector<16xf32>,
    %swap3A_78 = vector.shape_cast %swap3A_77 : vector<16xf32> to vector<16xf32>
    %swap3A_79 = vector.shape_cast %select_n3A_76 : vector<16xf32> to vector<16xf32>
    tpu.vector_store %arg8[%swap3A], %swap3A_79 {strides = array<i32>} : memref<528xf32, #tpu.memory_space<vmem>>, vector<16xf32>,
    %mul3A_80 = arith.constant 128 : i32
    %mul3A_81 = arith.muli %add3A, %mul3A_80 : i32
    %mul3A_82 = arith.constant 4 : i32
    %mul3A_83 = arith.muli %mul3A_81, %mul3A_82 : i32
    "tpu.region"() ({
      %run_scoped3A = tpu.sem_alloc : memref<!tpu.dma_semaphore, #tpu.memory_space<semaphore_mem>>
      %dma_start3A_84 = arith.constant 0 : i32
      %dma_start3A_85 = tpu.memref_slice %arg8[%dma_start3A_84] : memref<528xf32, #tpu.memory_space<vmem>> -> memref<512xf32, #tpu.memory_space<vmem>>
      %dma_start3A_86 = tpu.memref_slice %arg4[%mul3A_83] : memref<16384xf32, #tpu.memory_space<hbm>> -> memref<512xf32, #tpu.memory_space<hbm>>
      %dma_start3A_87 = tpu.memref_slice %arg4[%mul3A_83] : memref<16384xf32, #tpu.memory_space<hbm>> -> memref<512xf32, #tpu.memory_space<hbm>>
      %dma_start3A_88 = arith.constant 0 : i32
      %dma_start3A_89 = tpu.memref_slice %arg8[%dma_start3A_88] : memref<528xf32, #tpu.memory_space<vmem>> -> memref<512xf32, #tpu.memory_space<vmem>>
      tpu.enqueue_dma source(%dma_start3A_89 : memref<512xf32, #tpu.memory_space<vmem>>) target(%dma_start3A_87 : memref<512xf32, #tpu.memory_space<hbm>>) target_semaphore(%run_scoped3A : memref<!tpu.dma_semaphore, #tpu.memory_space<semaphore_mem>>)
      %dma_wait3A_90 = arith.constant 0 : i32
      %dma_wait3A_91 = tpu.memref_slice %arg8[%dma_wait3A_90] : memref<528xf32, #tpu.memory_space<vmem>> -> memref<512xf32, #tpu.memory_space<vmem>>
      %dma_wait3A_92 = tpu.memref_slice %arg4[%mul3A_83] : memref<16384xf32, #tpu.memory_space<hbm>> -> memref<512xf32, #tpu.memory_space<hbm>>
      %dma_wait3A_93 = tpu.memref_slice %arg4[%mul3A_83] : memref<16384xf32, #tpu.memory_space<hbm>> -> memref<512xf32, #tpu.memory_space<hbm>>
      %dma_wait3A_94 = arith.constant 0 : i32
      %dma_wait3A_95 = tpu.memref_slice %arg8[%dma_wait3A_94] : memref<528xf32, #tpu.memory_space<vmem>> -> memref<512xf32, #tpu.memory_space<vmem>>
      tpu.wait_dma2 semaphore(%run_scoped3A : memref<!tpu.dma_semaphore, #tpu.memory_space<semaphore_mem>>) src(%dma_wait3A_95 : memref<512xf32, #tpu.memory_space<vmem>>) dst(%dma_wait3A_93 : memref<512xf32, #tpu.memory_space<hbm>>)
      tpu.yield
    }) : () -> ()
    return
  }
}

module attributes {stable_mosaic.version = 14 : i64} {
  func.func @_tc_proj(%arg0: i32, %arg1: memref<8192x128xf32, #tpu.memory_space<vmem>>, %arg2: memref<128x128xf32, #tpu.memory_space<vmem>>, %arg3: memref<8192x128xf32, #tpu.memory_space<vmem>>) attributes {dimension_semantics = [#tpu.dimension_semantics<arbitrary>], iteration_bounds = array<i64: 123>, scalar_prefetch = 0 : i64, scratch_operands = 0 : i64, tpu.core_type = #tpu.core_type<tc>, window_params = [{transform_indices = @transform_0, window_bounds = array<i64: 8192, 128>}, {pipeline_mode = #tpu.pipeline_mode<synchronous>, transform_indices = @transform_1, window_bounds = array<i64: 128, 128>}, {transform_indices = @transform_2, window_bounds = array<i64: 8192, 128>}]} {
    %get3A = arith.constant 0 : index
    %get3A_0 = arith.constant 0 : index
    %get3A_1 = vector.load %arg1[%get3A, %get3A_0] : memref<8192x128xf32, #tpu.memory_space<vmem>>, vector<8192x128xf32>
    %iota3A = tpu.iota {dimensions = array<i32: 1>} : vector<8192x128xi32>
    %lt3A = arith.constant 44 : i32
    %lt3A_2 = vector.broadcast %lt3A : i32 to vector<8192x128xi32>
    %lt3A_3 = arith.cmpi slt, %iota3A, %lt3A_2 : vector<8192x128xi32>
    %jit3A = arith.constant 0.000000e+00 : f32
    %broadcast_in_dim3A = vector.broadcast %jit3A : f32 to vector<8192x128xf32>
    %select_n3A = arith.select %lt3A_3, %get3A_1, %broadcast_in_dim3A : vector<8192x128xi1>, vector<8192x128xf32>
    %get3A_4 = arith.constant 0 : index
    %get3A_5 = arith.constant 0 : index
    %get3A_6 = vector.load %arg2[%get3A_4, %get3A_5] : memref<128x128xf32, #tpu.memory_space<vmem>>, vector<128x128xf32>
    %dot_general3A = arith.constant dense<0.000000e+00> : vector<8192x128xf32>
    %dot_general3A_7 = tpu.matmul %select_n3A, %get3A_6, %dot_general3A {dimension_numbers = #tpu.dot_dimension_numbers<[1], [0], [0], [1], [0, 0, 1, 1], [], []>, transpose_lhs_hint = false} : vector<8192x128xf32>, vector<128x128xf32>, vector<8192x128xf32> -> vector<8192x128xf32>
    %swap3A = arith.constant 0 : index
    %swap3A_8 = arith.constant 0 : index
    %swap3A_9 = vector.load %arg3[%swap3A, %swap3A_8] : memref<8192x128xf32, #tpu.memory_space<vmem>>, vector<8192x128xf32>
    tpu.vector_store %arg3[%swap3A, %swap3A_8], %dot_general3A_7 {strides = array<i32>} : memref<8192x128xf32, #tpu.memory_space<vmem>>, vector<8192x128xf32>,
    return
  }
  func.func @transform_0(%arg0: i32) -> (i32, i32) {
    %c2_i32 = arith.constant 2 : i32
    %c0_i32 = arith.constant 0 : i32
    return %arg0, %c2_i32 : i32, i32
  }
  func.func @transform_1(%arg0: i32) -> (i32, i32) {
    %c0_i32 = arith.constant 0 : i32
    %c0_i32_0 = arith.constant 0 : i32
    %c0_i32_1 = arith.constant 0 : i32
    return %c0_i32, %c0_i32_0 : i32, i32
  }
  func.func @transform_2(%arg0: i32) -> (i32, i32) {
    %c0_i32 = arith.constant 0 : i32
    %c0_i32_0 = arith.constant 0 : i32
    return %arg0, %c0_i32 : i32, i32
  }
}

</mosaic_0001>

<sc_bundles>
// kernel: kernel.5.cloned.1.call-start
scs
__scs_entry_jumppad:
0x0: {  	(pc) =	sbr.rel $0x88, $3  }
0x1: {  	(tag) =	ssettag $0x0;
	lr =	simm.s32 $0x1  }
0x2: {  	[smem:$0x3F9D] =	sst lr;
	_ =	strace $0xD0000000  }
0x3: {  	_ = 	snop  }
0x4: {  	_ = 	snop  }
0x5: {  	_ = 	snop  }
0x6: {  	_ = 	snop  }
0x7: {  	_ = 	snop  }
__scs_overlays_trampoline_lowered:
0x8: {  	[smem:$0x3FAC] =	sst s0  }
0x9: {  	[smem:$0x3FAD] =	sst s1  }
0xa: {  	[smem:$0x3FAE] =	sst s2  }
0xb: {  	[smem:$0x3FAF] =	sst s3  }
0xc: {  	[smem:$0x3FB0] =	sst s4  }
0xd: {  	[smem:$0x3FB1] =	sst s5  }
0xe: {  	[smem:$0x3FB2] =	sst s6  }
0xf: {  	[smem:$0x3FB3] =	sst s7  }
0x10: {  	[smem:$0x3FB4] =	sst s8  }
0x11: {  	[smem:$0x3FB5] =	sst s9;
	s0 =	simm.s32 @!p0 $0x0  }
0x12: {  	s1 =	sld [smem:$0x3F9B];
	s0 =	simm.s32 @p0 $0x1  }
0x13: {  	[smem:$0x3FB6] =	sst s0;
	s0 =	simm.s32 @!p1 $0x0  }
0x14: {  	s2 =	sld [smem:$0x3F9A];
	s0 =	simm.s32 @p1 $0x1  }
0x15: {  	[smem:$0x3FB7] =	sst s0;
	s0 =	simm.s32 @!p2 $0x0  }
0x16: {  	s3 =	sld [smem:$0x3FDB];
	s0 =	simm.s32 @p2 $0x1  }
0x17: {  	s4 =	simm.s32 $0x1BF5;
	[smem:$0x3FB9] =	sst s0  }
0x18: {  	s0 =	sld [smem:$0x3F9C];
	_ =	swait.ge [sflag:s4], $0x0  }
0x19: {  	s7 =	sld [smem:$0x3F9D]  }
0x1a: {  	s8 =	sadd.s32 $0xFFFFE003, lr  }
0x1b: {  	s9 =	sadd.s32 $0xFFFFFEF7, lr;
	s5 =	simm.s32 $0xFFFFFFFF;
	p2 =	slt.u32 s8, $0xFFFFF086  }
0x1c: {  	p1 =	slt.u32 s9, $0xF7A;
	s5 =	simm.s32 @!p2 $0x0  }
0x1d: {  	s5 =	simm.s32 @p1 $0x1;
	p0 =	seq.s32 s7, s2  }
0x1e: {  	s7 =	smul.u32 @!p0 $0xF7A, s2;
	p2 =	seq.s32 @!p0 s5, $0x0  }
0x1f: {  	s9 =	smul.u32 $0xF7A, s1;
	s8 =	simm.s32 @!p0 $0x1BF5;
	p2 =	por !p2, p0  }
0x20: {  	[sflag:s8] =	ssyncset.s32 @!p0 $0xFFFFF086;
	s6 =	sadd.s32 @!p0 s3, s7;
	s7 =	simm.s32 @!p0 $0x108  }
0x21: {  	s3 =	sadd.s32 s3, s9;
	s6 =	sadd.s32 @!p0 $0x88, s6;
	s7 =	simm.s32 @p2 $0x1082  }
0x22: {  	[simem:s7], [sflag:s8] =	dma.local @!p0 [hbm:s6], $0xF7A  }
0x23: {  	s9 =	sor.u32 $0xD0000000, s2;
	s6 =	simm.s32 $0x108;
	_ =	swait.ge @!p0 [sflag:s8], $0x0  }
0x24: {  	s3 =	sadd.s32 $0x88, s3;
	s6 =	simm.s32 @!p1 $0x1082;
	[sflag:s4] =	ssyncset.s32 $0xFFFFF086  }
0x25: {  	[simem:s6], [sflag:s4] =	dma.local [hbm:s3], $0xF7A  }
0x26: {  	[smem:$0x3F9D] =	sst s1;
	(tag) =	ssettag s2;
	_ =	strace s9  }
0x27: {  	s1 =	sld [smem:$0x3FAD]  }
0x28: {  	s2 =	sld [smem:$0x3FAE]  }
0x29: {  	s4 =	sld [smem:$0x3FB0]  }
0x2a: {  	p0 =	seq.s32 s5, $0x0;
	s5 =	sld [smem:$0x3FB1]  }
0x2b: {  	s6 =	sld [smem:$0x3FB2]  }
0x2c: {  	s7 =	sld [smem:$0x3FB3]  }
0x2d: {  	s3 =	simm.s32 $0x108;
	s8 =	sld [smem:$0x3FB4]  }
0x2e: {  	s3 =	simm.s32 @!p0 $0x1082;
	s9 =	sld [smem:$0x3FB5]  }
0x2f: {  	lr =	sadd.s32 s0, s3;
	s0 =	sld [smem:$0x3FAC]  }
0x30: {  	s3 =	sld [smem:$0x3FAF]  }
0x31: {  	[smem:$0x3FB8] =	sst s10  }
0x32: {  	s10 =	sld [smem:$0x3FB6];
	_ =	sdelay $0x3  }
0x33: {  	p0 =	seq.s32 s10, $0x1;
	s10 =	sld [smem:$0x3FB8];
	_ =	sdelay $0x3  }
0x34: {  	[smem:$0x3FB8] =	sst s10  }
0x35: {  	s10 =	sld [smem:$0x3FB7];
	_ =	sdelay $0x3  }
0x36: {  	p1 =	seq.s32 s10, $0x1;
	s10 =	sld [smem:$0x3FB8];
	_ =	sdelay $0x3  }
0x37: {  	[smem:$0x3FB8] =	sst s10  }
0x38: {  	s10 =	sld [smem:$0x3FB9]  }
0x39: {  	_ = 	snop;
	(pc) =	sbr.ind lr, $3  }
0x3a: {  	_ = 	snop  }
0x3b: {  	_ = 	snop  }
0x3c: {  	p2 =	seq.s32 s10, $0x1;
	s10 =	sld [smem:$0x3FB8]  }
0x3d: {  	_ =	shalt  }
0x3e: {  	_ =	shalt  }
0x3f: {  	_ =	shalt  }
0x40: {  	_ =	shalt  }
0x41: {  	_ =	shalt  }
0x42: {  	_ =	shalt  }
0x43: {  	_ =	shalt  }
0x44: {  	_ =	shalt  }
0x45: {  	_ =	shalt  }
0x46: {  	_ =	shalt  }
0x47: {  	_ =	shalt  }
0x48: {  	_ =	shalt  }
0x49: {  	_ =	shalt  }
0x4a: {  	_ =	shalt  }
0x4b: {  	_ =	shalt  }
0x4c: {  	_ =	shalt  }
0x4d: {  	_ =	shalt  }
0x4e: {  	_ =	shalt  }
0x4f: {  	_ =	shalt  }
0x50: {  	_ =	shalt  }
0x51: {  	_ =	shalt  }
0x52: {  	_ =	shalt  }
0x53: {  	_ =	shalt  }
0x54: {  	_ =	shalt  }
0x55: {  	_ =	shalt  }
0x56: {  	_ =	shalt  }
0x57: {  	_ =	shalt  }
0x58: {  	_ =	shalt  }
0x59: {  	_ =	shalt  }
0x5a: {  	_ =	shalt  }
0x5b: {  	_ =	shalt  }
0x5c: {  	_ =	shalt  }
0x5d: {  	_ =	shalt  }
0x5e: {  	_ =	shalt  }
0x5f: {  	_ =	shalt  }
0x60: {  	_ =	shalt  }
0x61: {  	_ =	shalt  }
0x62: {  	_ =	shalt  }
0x63: {  	_ =	shalt  }
0x64: {  	_ =	shalt  }
0x65: {  	_ =	shalt  }
0x66: {  	_ =	shalt  }
0x67: {  	_ =	shalt  }
0x68: {  	_ =	shalt  }
0x69: {  	_ =	shalt  }
0x6a: {  	_ =	shalt  }
0x6b: {  	_ =	shalt  }
0x6c: {  	_ =	shalt  }
0x6d: {  	_ =	shalt  }
0x6e: {  	_ =	shalt  }
0x6f: {  	_ =	shalt  }
0x70: {  	_ =	shalt  }
0x71: {  	_ =	shalt  }
0x72: {  	_ =	shalt  }
0x73: {  	_ =	shalt  }
0x74: {  	_ =	shalt  }
0x75: {  	_ =	shalt  }
0x76: {  	_ =	shalt  }
0x77: {  	_ =	shalt  }
0x78: {  	_ =	shalt  }
0x79: {  	_ =	shalt  }
0x7a: {  	_ =	shalt  }
0x7b: {  	_ =	shalt  }
0x7c: {  	_ =	shalt  }
0x7d: {  	_ =	shalt  }
0x7e: {  	_ =	shalt  }
0x7f: {  	_ =	shalt  }
0x80: {  	_ =	shalt  }
0x81: {  	_ =	shalt  }
0x82: {  	_ =	shalt  }
0x83: {  	_ =	shalt  }
0x84: {  	_ =	shalt  }
0x85: {  	_ =	shalt  }
0x86: {  	_ =	shalt  }
0x87: {  	_ =	shalt  }
.Lfunc_end0:
.L_simem_size_0:
called_computation_lowered:
.L_overlay_start_0:
0x88: {  	s2 =	sld [smem:$0x3FD9]  }
0x89: {  	s3 =	sld [smem:$0x3FFE];
	_ =	sdelay $0x1  }
0x8a: {  	s1 =	srdreg.scid  }
0x8b: {  	s0 =	sand.u32 $0x1, s1  }
0x8c: {  	s17 =	sshll.u32 s0, $0xA;
	s2 =	sadd.s32 s3, s2  }
0x8d: {  	s2 =	sadd.s32 s2, s17  }
0x8e: {  	[smem:$0x3FC4] =	sst s2  }
0x8f: {  	_ = 	snop  }
0x90: {  	s18 =	sld [smem:$0x3FD0];
	(tm) =	ssettm $0x1  }
0x91: {  	s19 =	sld [smem:$0x3FFB];
	_ =	sdelay $0x3  }
0x92: {  	_ =	strace s19  }
0x93: {  	s2 =	sld [smem:$0x3FFC];
	_ =	sdelay $0x3  }
0x94: {  	_ =	strace s2  }
0x95: {  	s2 =	sld [smem:$0x3FFD];
	_ =	sdelay $0x3  }
0x96: {  	_ =	strace s2  }
0x97: {  	_ =	strace $0x8FFFFFFF  }
0x98: {  	s20 =	sld [smem:$0x3FDB];
	_ =	sdelay $0x1  }
0x99: {  	s4 =	simm.s32 $_scs_section_size  }
0x9a: {  	s5 =	simm.s32 $_size__tile_overlayer_lowered;
	s6 =	simm.s32 $_tile_overlayer_lowered  }
0x9b: {  	s7 =	simm.s32 $0x1BFF;
	s21 =	sshll.u32 s6, $0x1;
	s4 =	sadd.s32 s4, s20  }
0x9c: {  	s22 =	simm.s32 $0x0;
	s5 =	sshll.u32 s5, $0x1;
	s6 =	sadd.s32 s21, s4  }
0x9d: {  	[timem:s22], [sflag:s7] =	dma.local [hbm:s6], s5  }
0x9e: {  	_ =	swait.ge [sflag:s7], s5  }
0x9f: {  	s5 =	ssub.s32 $0x0, s5;
	[sflag:s7] =	ssyncset.done $0x0  }
0xa0: {  	[sflag:s7] =	ssyncadd.s32 s5;
	_ =	sdelay $0x1  }
0xa1: {  	s23 =	simm.s32 $0x1B8B  }
0xa2: {  	_ =	swait.ge [sflag:s23], $0x1  }
0xa3: {  	[sflag:s23] =	ssyncset.done $0x0  }
0xa4: {  	[sflag:s23] =	ssyncadd.s32 $0xFFFFFFFF  }
0xa5: {  	s5 =	sld [smem:$0x0]  }
0xa6: {  	s6 =	sand.u32 $0xFFFFFFFE, s1  }
0xa7: {  	p0 =	sne.s32 s1, s6  }
0xa8: {  	s6 =	sshll.u32 @p0 s6, $0xE  }
0xa9: {  	s6 =	sadd.s32 @p0 $0x11B8D, s6;
	s7 =	sshll.u32 @p0 s5, $0x11  }
0xaa: {  	s6 =	sor.u32 @p0 s7, s6  }
0xab: {  	[sflag:s6] =	ssyncadd.remote.s32 @p0 $0x1;
	_ =	sdelay $0x1  }
0xac: {  	s6 =	simm.s32 @p0 $0x1B8D  }
0xad: {  	_ =	swait.eq @p0 [sflag:s6], $0x1  }
0xae: {  	[sflag:s6] =	ssyncadd.s32 @p0 $0xFFFFFFFF  }
0xaf: {  	s7 =	sshll.u32 @!p0 s1, $0xE  }
0xb0: {  	s7 =	sor.u32 @!p0 $0x4000, s7;
	s6 =	simm.s32 @!p0 $0x1B8D  }
0xb1: {  	s5 =	sshll.u32 @!p0 s5, $0x11;
	s7 =	sadd.s32 @!p0 $0x11B8D, s7;
	_ =	swait.eq @!p0 [sflag:s6], $0x1  }
0xb2: {  	s5 =	sor.u32 @!p0 s5, s7;
	[sflag:s6] =	ssyncadd.s32 @!p0 $0xFFFFFFFF  }
0xb3: {  	s25 =	simm.s32 $0x1B8E;
	s24 =	sld [smem:$0x3FFE];
	[sflag:s5] =	ssyncadd.remote.s32 @!p0 $0x1  }
0xb4: {  	s26 =	simm.s32 $execute0_lowered;
	[smem:$0x3FD2] =	sst s25  }
0xb5: {  	s6 =	sshll.u32 s26, $0x1;
	_ =	strace $0x80000049;
	[dreg:$0x1] =	wrdreg $0xFFFFFFFF  }
0xb6: {  	s28 =	simm.s32 $_size_execute0_lowered;
	s4 =	sadd.s32 s4, s6;
	[dreg:$0x0] =	wrdreg $0x0  }
0xb7: {  	s6 =	sshll.u32 s28, $0x1;
	[dreg:$0x2] =	wrdreg s4  }
0xb8: {  	[dreg:$0x3] =	wrdreg s6  }
0xb9: {  	[dreg:$0x4] =	wrdreg $0xC0  }
0xba: {  	_ =	task [dreg:s22], $0x5FFFF  }
0xbb: {  	[dreg:$0x1] =	wrdreg $0xFFFFFFFF  }
0xbc: {  	[dreg:$0x0] =	wrdreg $0x60  }
0xbd: {  	[dreg:$0x2] =	wrdreg s24  }
0xbe: {  	[dreg:$0x3] =	wrdreg s18  }
0xbf: {  	[dreg:$0x4] =	wrdreg $0x9  }
0xc0: {  	_ =	task.clear_ibuf [dreg:s22], $0x5FFFF;
	_ =	strace $0x90000049  }
0xc1: {  	s29 =	simm.s32 $0x9;
	_ =	strace $0x8000004B  }
0xc2: {  	_ =	swait.ge [sflag:s29], $0x1  }
0xc3: {  	[sflag:s29] =	ssyncadd.s32 $0xFFFFFFFF  }
0xc4: {  	_ =	strace $0x9000004B  }
0xc5: {  	_ =	sfence  }
0xc6: {  	s30 =	sld [smem:$0x0];
	_ =	sdelay $0x2  }
0xc7: {  	s31 =	sshll.u32 s1, $0xD;
	s1 =	sshrl.u32 s1, $0x2  }
0xc8: {  	s4 =	sand.u32 $0x4000, s31;
	s1 =	sadd.s32 s1, s30  }
0xc9: {  	s0 =	sor.u32 s4, s0;
	s1 =	sshll.u32 s1, $0x11  }
0xca: {  	s0 =	sor.u32 s1, s0  }
0xcb: {  	s0 =	sadd.s32 $0x8F2B, s0  }
0xcc: {  	[sflag:s0] =	ssyncadd.remote.s32 $0x1  }
0xcd: {  	_ =	sfence.sel $0xFFFF  }
0xce: {  	[dreg:$0x0] =	wrdreg $0xFFFFFFFF;
	(pc) =	sbr.abs _section_cstart, $3  }
0xcf: {  	[dreg:$0x1] =	wrdreg $0xFFFFFFFF  }
0xd0: {  	_ =	task.clear_ibuf [dreg:s22], $0x2FFFF;
	_ =	strace $0x9FFFFFFF  }
0xd1: {  	(tm) =	ssettm $0x7FFFFFFF  }
tec
execute0_lowered:
.L_overlay_start_1:
0x0: {  	(tag) =	ssettag $0x1  }
0x1: {  	s0 =	rddreg [dreg:$0x0]  }
0x2: {  	s1 =	rddreg [dreg:$0x1];
	s2 =	simm.s32 $0x0  }
0x3: {  	s3 =	srdreg.scid;
	s5 =	stileid.u32;
	s22 =	simm.s32 $0x5;
	v1 =	vimm.s32 $0x87654321  }
0x4: {  	v0 =	vlaneseq.u32;
	v2 =	vimm.s32 $0x10FEDCBA;
	s28 =	simm.s32 $0xB000;
	s29 =	simm.s32 $0xB080;
	s30 =	simm.s32 $0xB100  }
0x5: {  	s31 =	simm.s32 $0xB180;
	s11 =	simm.s32 $0xB300;
	s12 =	simm.s32 $0xB380;
	v3 =	vmul.u32 $0x8, v0;
	v0 =	vimm.s32 $0xFEDCBA9  }
0x6: {  	v4 =	vimm.s32 $0x98765432;
	s9 =	simm.s32 $0xB600;
	s10 =	simm.s32 $0xB680;
	s13 =	simm.s32 $0xB700;
	v1 =	vunpack.c.l.s4.s8 v1;
	v0 =	vunpack.c.l.s4.s8 v0  }
0x7: {  	v5 =	vimm.s32 $0xBA987654;
	s14 =	simm.s32 $0xB780;
	s15 =	simm.s32 $0xB800;
	s16 =	simm.s32 $0xB880  }
0x8: {  	v6 =	vimm.s32 $0xFEDCBA98;
	s17 =	simm.s32 $0x1;
	s18 =	simm.s32 $0x3;
	s19 =	simm.s32 $0x2;
	v1 =	vunpack.c.0.s8.s32 v1;
	v0 =	vunpack.c.0.s8.s32 v0  }
0x9: {  	v7 =	vimm.s32 $0x76543210;
	s20 =	simm.s32 $0x4;
	[smem:$0x7FF] =	sst s2;
	s4 =	sand.u32 $0x1, s3;
	v2 =	vunpack.c.l.s4.s8 v2;
	v4 =	vunpack.c.l.s4.s8 v4  }
0xa: {  	s23 =	sshll.u32 s5, $0x1;
	s3 =	sadd.s32 $0xE00, s0;
	s7 =	sadd.s32 $0x3D38400, s0;
	v5 =	vunpack.c.l.s4.s8 v5;
	v0 =	vcombine.low v1, v0;
	v1 =	vimm.s32 $0x3210FEDC  }
0xb: {  	s8 =	sadd.s32 $0x3D38600, s0;
	_ =	strace $0x8000004A;
	[dreg:$0x3] =	wrdreg s7;
	v2 =	vunpack.c.0.s8.s32 v2;
	v4 =	vunpack.c.0.s8.s32 v4;
	v1 =	vunpack.c.l.s4.s8 v1  }
0xc: {  	v6 =	vunpack.c.l.s4.s8 v6;
	v7 =	vunpack.c.l.s4.s8 v7;
	s5 =	sor.u32 s4, s23;
	s4 =	ssub.s32 $0x2, s4;
	[dreg:$0x4] =	wrdreg s8  }
0xd: {  	s7 =	sadd.s32 $0xE80, s0;
	s8 =	simm.s32 $0xB580;
	s23 =	simm.s32 $0x0;
	v5 =	vunpack.c.0.s8.s32 v5;
	v2 =	vcombine.low v4, v2;
	v1 =	vunpack.c.0.s8.s32 v1  }
0xe: {  	s6 =	sshll.u32 s5, $0xB;
	s24 =	sshrl.u32 s4, $0x1;
	s5 =	sshll.u32 s5, $0x6;
	v4 =	vunpack.c.0.s8.s32 v6;
	v0 =	vand.u32 $0xF, v0  }
0xf: {  	s6 =	sadd.s32 s6, s0;
	s4 =	ssub.s32 s4, s24;
	s25 =	sadd.s32 s1, s5;
	[tilespmem:$0x1FFC0] =	vst v0;
	v0 =	vand.u32 $0xF, v2;
	v1 =	vcombine.low v5, v1;
	v5 =	vunpack.c.0.s8.s32 v7  }
0x10: {  	vm0 =	vmmov $0x1;
	s0 =	simm.s32 $0xB200;
	s1 =	simm.s32 $0xB280;
	s5 =	simm.s32 $0xB480;
	[tilespmem:$0x1FFD0] =	vst v0;
	v0 =	vand.u32 $0xF, v4  }
0x11: {  	vm1 =	vcmask $0x310;
	s6 =	sadd.s32 $0x2DC7C00, s6;
	[dreg:$0x6] =	wrdreg s25;
	s26 =	smax.u32 s4, $0x1;
	v1 =	vand.u32 $0xF, v1;
	v0 =	vcombine.low v0, v5  }
0x12: {  	vm2 =	vcmask $0x710;
	vm3 =	vcmask $0xB10;
	vm4 =	vcmask $0xF20;
	s25 =	simm.s32 $0xAF00;
	s4 =	simm.s32 $0xB400;
	[dreg:$0x5] =	wrdreg s6;
	[tilespmem:$0x1FFE0] =	vst v1  }
0x13: {  	vm5 =	vcmask $0x1320;
	vm6 =	vcmask $0x1720;
	vm7 =	vcmask $0x1B20;
	[dreg:$0x7] =	wrdreg s26;
	s26 =	simm.s32 $0xAF80;
	s6 =	simm.s32 $0xB500;
	[tilespmem:$0x1FFF0] =	vst v0  }
.LBB2_1:
0x14: {  	[dreg:$0x8] =	wrdreg s23  }
0x15: {  	s21 =	rddreg [dreg:$0x5]  }
0x16: {  	[tilespmem:s2], [sflag:$0x5] =	stream.linear.gather [hbm4b:s21+s2], $0x4000, $0x38;
	[tilespmem:$0xC700] =	vst v63  }
0x17: {  	_ =	swait.ge [sflag:s22], $0x4000  }
0x18: {  	[sflag:s22] =	ssyncset.done $0x0  }
0x19: {  	s24 =	simm.s32 $0xC000;
	s23 =	rddreg [dreg:$0x3];
	[sflag:s22] =	ssyncadd.s32 $0xFFFFC000  }
0x1a: {  	[tilespmem:s24], [sflag:$0x5] =	stream.linear.gather [hbm4b:s23+s2], $0x400, $0x38;
	[tilespmem:$0xC700] =	vst v63  }
0x1b: {  	_ =	swait.ge [sflag:s22], $0x400  }
0x1c: {  	[sflag:s22] =	ssyncset.done $0x0  }
0x1d: {  	s24 =	simm.s32 $0xC400;
	s23 =	rddreg [dreg:$0x4];
	[sflag:s22] =	ssyncadd.s32 $0xFFFFFC00  }
0x1e: {  	[tilespmem:s24], [sflag:$0x5] =	stream.linear.gather [hbm4b:s23+s2], $0x80, $0x38;
	[tilespmem:$0xC700] =	vst v63  }
0x1f: {  	_ =	swait.ge [sflag:s22], $0x80  }
0x20: {  	[sflag:s22] =	ssyncset.done $0x0  }
0x21: {  	[sflag:s22] =	ssyncadd.s32 $0xFFFFFF80  }
0x22: {  	v0 =	vld [tilespmem:$0x0];
	_ =	sdelay $0x4  }
0x23: {  	v1 =	vshrl.u32 v0, $0x3  }
0x24: {  	v1 =	vmul.u32 $0x18, v1  }
0x25: {  	v0 =	vand.u32 $0x7, v0  }
0x26: {  	v8 =	vimm.s32 $0x0;
	v0 =	vor.u32 v0, v1  }
0x27: {  	v1 =	vperm.xlane v0, v8  }
0x28: {  	v9 =	vimm.s32 $0x1;
	v5 =	vld [tilespmem:$0xC400]  }
0x29: {  	v2 =	vperm.xlane v0, v9;
	v1 =	vadd.s32 v3, v1  }
0x2a: {  	v10 =	vimm.s32 $0x2  }
0x2b: {  	v4 =	vperm.xlane v0, v10;
	v2 =	vadd.s32 v3, v2  }
0x2c: {  	v6 =	vimm.s32 $0x3  }
0x2d: {  	s22 =	simm.s32 $0x4000;
	[tilespmem:$0x1FFB0] =	vst v5;
	v5 =	vperm.xlane v0, v6;
	v4 =	vadd.s32 v3, v4  }
0x2e: {  	v11 =	vimm.s32 $0x4;
	[tilespmem:s22], [sflag:$0x1] =	stream.indirect_vreg.gather [hbm4b:s3+s2], $0x80, v1, vm0, $0xb8;
	[tilespmem:$0xC700] =	vst v63  }
0x2f: {  	s23 =	simm.s32 $0x4080;
	v1 =	vadd.s32 v3, v5;
	v5 =	vperm.xlane v0, v11  }
0x30: {  	v12 =	vimm.s32 $0x5;
	[tilespmem:s23], [sflag:$0x1] =	stream.indirect_vreg.gather [hbm4b:s3+s2], $0x80, v2, vm0, $0xb8;
	[tilespmem:$0xC700] =	vst v63  }
0x31: {  	s24 =	simm.s32 $0x4100;
	v2 =	vadd.s32 v3, v5;
	v5 =	vperm.xlane v0, v12  }
0x32: {  	v13 =	vimm.s32 $0x6;
	[tilespmem:s24], [sflag:$0x1] =	stream.indirect_vreg.gather [hbm4b:s3+s2], $0x80, v4, vm0, $0xb8;
	[tilespmem:$0xC700] =	vst v63  }
0x33: {  	s22 =	simm.s32 $0x4180;
	v4 =	vadd.s32 v3, v5;
	v5 =	vperm.xlane v0, v13  }
0x34: {  	v7 =	vimm.s32 $0x7;
	[tilespmem:s22], [sflag:$0x1] =	stream.indirect_vreg.gather [hbm4b:s3+s2], $0x80, v1, vm0, $0xb8;
	[tilespmem:$0xC700] =	vst v63  }
0x35: {  	s23 =	simm.s32 $0x4200;
	v1 =	vadd.s32 v3, v5;
	v5 =	vperm.xlane v0, v7  }
0x36: {  	v14 =	vimm.s32 $0x8;
	[tilespmem:s23], [sflag:$0x1] =	stream.indirect_vreg.gather [hbm4b:s3+s2], $0x80, v2, vm0, $0xb8;
	[tilespmem:$0xC700] =	vst v63  }
0x37: {  	s24 =	simm.s32 $0x4280;
	v2 =	vadd.s32 v3, v5;
	v5 =	vperm.xlane v0, v14  }
0x38: {  	v15 =	vimm.s32 $0x9;
	[tilespmem:s24], [sflag:$0x1] =	stream.indirect_vreg.gather [hbm4b:s3+s2], $0x80, v4, vm0, $0xb8;
	[tilespmem:$0xC700] =	vst v63  }
0x39: {  	s22 =	simm.s32 $0x4300;
	v4 =	vadd.s32 v3, v5;
	v5 =	vperm.xlane v0, v15  }
0x3a: {  	v16 =	vimm.s32 $0xA;
	[tilespmem:s22], [sflag:$0x1] =	stream.indirect_vreg.gather [hbm4b:s3+s2], $0x80, v1, vm0, $0xb8;
	[tilespmem:$0xC700] =	vst v63  }
0x3b: {  	s23 =	simm.s32 $0x4380;
	v1 =	vadd.s32 v3, v5;
	v5 =	vperm.xlane v0, v16  }
0x3c: {  	v17 =	vimm.s32 $0xB;
	[tilespmem:s23], [sflag:$0x1] =	stream.indirect_vreg.gather [hbm4b:s3+s2], $0x80, v2, vm0, $0xb8;
	[tilespmem:$0xC700] =	vst v63  }
0x3d: {  	s24 =	simm.s32 $0x4400;
	v2 =	vadd.s32 v3, v5;
	v5 =	vperm.xlane v0, v17  }
0x3e: {  	v18 =	vimm.s32 $0xC;
	[tilespmem:s24], [sflag:$0x1] =	stream.indirect_vreg.gather [hbm4b:s3+s2], $0x80, v4, vm0, $0xb8;
	[tilespmem:$0xC700] =	vst v63  }
0x3f: {  	s22 =	simm.s32 $0x4480;
	v4 =	vadd.s32 v3, v5;
	v5 =	vperm.xlane v0, v18  }
0x40: {  	v19 =	vimm.s32 $0xD;
	[tilespmem:s22], [sflag:$0x1] =	stream.indirect_vreg.gather [hbm4b:s3+s2], $0x80, v1, vm0, $0xb8;
	[tilespmem:$0xC700] =	vst v63  }
0x41: {  	s23 =	simm.s32 $0x4500;
	v1 =	vadd.s32 v3, v5;
	v5 =	vperm.xlane v0, v19  }
0x42: {  	v20 =	vimm.s32 $0xE;
	[tilespmem:s23], [sflag:$0x1] =	stream.indirect_vreg.gather [hbm4b:s3+s2], $0x80, v2, vm0, $0xb8;
	[tilespmem:$0xC700] =	vst v63  }
0x43: {  	s24 =	simm.s32 $0x4580;
	v2 =	vadd.s32 v3, v5;
	v5 =	vperm.xlane v0, v20  }
0x44: {  	v21 =	vimm.s32 $0xF;
	[tilespmem:s24], [sflag:$0x1] =	stream.indirect_vreg.gather [hbm4b:s3+s2], $0x80, v4, vm0, $0xb8;
	[tilespmem:$0xC700] =	vst v63  }
0x45: {  	s22 =	simm.s32 $0x4600;
	v0 =	vperm.xlane v0, v21;
	v4 =	vadd.s32 v3, v5  }
0x46: {  	[tilespmem:s22], [sflag:$0x1] =	stream.indirect_vreg.gather [hbm4b:s3+s2], $0x80, v1, vm0, $0xb8;
	[tilespmem:$0xC700] =	vst v63  }
0x47: {  	s23 =	simm.s32 $0x4680;
	v0 =	vadd.s32 v3, v0  }
0x48: {  	[tilespmem:s23], [sflag:$0x1] =	stream.indirect_vreg.gather [hbm4b:s3+s2], $0x80, v2, vm0, $0xb8;
	[tilespmem:$0xC700] =	vst v63  }
0x49: {  	s24 =	simm.s32 $0x4700  }
0x4a: {  	[tilespmem:s24], [sflag:$0x1] =	stream.indirect_vreg.gather [hbm4b:s3+s2], $0x80, v4, vm0, $0xb8;
	[tilespmem:$0xC700] =	vst v63  }
0x4b: {  	s22 =	simm.s32 $0x4780  }
0x4c: {  	[tilespmem:s22], [sflag:$0x1] =	stream.indirect_vreg.gather [hbm4b:s3+s2], $0x80, v0, vm0, $0xb8;
	[tilespmem:$0xC700] =	vst v63  }
0x4d: {  	v0 =	vld [tilespmem:$0x10];
	_ =	sdelay $0x4  }
0x4e: {  	v1 =	vshrl.u32 v0, $0x3  }
0x4f: {  	v1 =	vmul.u32 $0x18, v1  }
0x50: {  	v0 =	vand.u32 $0x7, v0  }
0x51: {  	v0 =	vor.u32 v0, v1  }
0x52: {  	v1 =	vperm.xlane v0, v8;
	_ =	sdelay $0x1  }
0x53: {  	v2 =	vperm.xlane v0, v9;
	v1 =	vadd.s32 v3, v1;
	_ =	sdelay $0x1  }
0x54: {  	v4 =	vperm.xlane v0, v10;
	v2 =	vadd.s32 v3, v2;
	_ =	sdelay $0x1  }
0x55: {  	s23 =	simm.s32 $0x4800;
	v5 =	vperm.xlane v0, v6;
	v4 =	vadd.s32 v3, v4  }
0x56: {  	[tilespmem:s23], [sflag:$0x1] =	stream.indirect_vreg.gather [hbm4b:s3+s2], $0x80, v1, vm0, $0xb8;
	[tilespmem:$0xC700] =	vst v63  }
0x57: {  	s24 =	simm.s32 $0x4880;
	v1 =	vadd.s32 v3, v5;
	v5 =	vperm.xlane v0, v11  }
0x58: {  	[tilespmem:s24], [sflag:$0x1] =	stream.indirect_vreg.gather [hbm4b:s3+s2], $0x80, v2, vm0, $0xb8;
	[tilespmem:$0xC700] =	vst v63  }
0x59: {  	s22 =	simm.s32 $0x4900;
	v2 =	vadd.s32 v3, v5;
	v5 =	vperm.xlane v0, v12  }
0x5a: {  	[tilespmem:s22], [sflag:$0x1] =	stream.indirect_vreg.gather [hbm4b:s3+s2], $0x80, v4, vm0, $0xb8;
	[tilespmem:$0xC700] =	vst v63  }
0x5b: {  	s23 =	simm.s32 $0x4980;
	v4 =	vadd.s32 v3, v5;
	v5 =	vperm.xlane v0, v13  }
0x5c: {  	[tilespmem:s23], [sflag:$0x1] =	stream.indirect_vreg.gather [hbm4b:s3+s2], $0x80, v1, vm0, $0xb8;
	[tilespmem:$0xC700] =	vst v63  }
0x5d: {  	s24 =	simm.s32 $0x4A00;
	v1 =	vadd.s32 v3, v5;
	v5 =	vperm.xlane v0, v7  }
0x5e: {  	[tilespmem:s24], [sflag:$0x1] =	stream.indirect_vreg.gather [hbm4b:s3+s2], $0x80, v2, vm0, $0xb8;
	[tilespmem:$0xC700] =	vst v63  }
0x5f: {  	s22 =	simm.s32 $0x4A80;
	v2 =	vadd.s32 v3, v5;
	v5 =	vperm.xlane v0, v14  }
0x60: {  	[tilespmem:s22], [sflag:$0x1] =	stream.indirect_vreg.gather [hbm4b:s3+s2], $0x80, v4, vm0, $0xb8;
	[tilespmem:$0xC700] =	vst v63  }
0x61: {  	s23 =	simm.s32 $0x4B00;
	v4 =	vadd.s32 v3, v5;
	v5 =	vperm.xlane v0, v15  }
0x62: {  	[tilespmem:s23], [sflag:$0x1] =	stream.indirect_vreg.gather [hbm4b:s3+s2], $0x80, v1, vm0, $0xb8;
	[tilespmem:$0xC700] =	vst v63  }
0x63: {  	s24 =	simm.s32 $0x4B80;
	v1 =	vadd.s32 v3, v5;
	v5 =	vperm.xlane v0, v16  }
0x64: {  	[tilespmem:s24], [sflag:$0x1] =	stream.indirect_vreg.gather [hbm4b:s3+s2], $0x80, v2, vm0, $0xb8;
	[tilespmem:$0xC700] =	vst v63  }
0x65: {  	s22 =	simm.s32 $0x4C00;
	v2 =	vadd.s32 v3, v5;
	v5 =	vperm.xlane v0, v17  }
0x66: {  	[tilespmem:s22], [sflag:$0x1] =	stream.indirect_vreg.gather [hbm4b:s3+s2], $0x80, v4, vm0, $0xb8;
	[tilespmem:$0xC700] =	vst v63  }
0x67: {  	s23 =	simm.s32 $0x4C80;
	v4 =	vadd.s32 v3, v5;
	v5 =	vperm.xlane v0, v18  }
0x68: {  	[tilespmem:s23], [sflag:$0x1] =	stream.indirect_vreg.gather [hbm4b:s3+s2], $0x80, v1, vm0, $0xb8;
	[tilespmem:$0xC700] =	vst v63  }
0x69: {  	s24 =	simm.s32 $0x4D00;
	v1 =	vadd.s32 v3, v5;
	v5 =	vperm.xlane v0, v19  }
0x6a: {  	[tilespmem:s24], [sflag:$0x1] =	stream.indirect_vreg.gather [hbm4b:s3+s2], $0x80, v2, vm0, $0xb8;
	[tilespmem:$0xC700] =	vst v63  }
0x6b: {  	s22 =	simm.s32 $0x4D80;
	v2 =	vadd.s32 v3, v5;
	v5 =	vperm.xlane v0, v20  }
0x6c: {  	[tilespmem:s22], [sflag:$0x1] =	stream.indirect_vreg.gather [hbm4b:s3+s2], $0x80, v4, vm0, $0xb8;
	[tilespmem:$0xC700] =	vst v63  }
0x6d: {  	s23 =	simm.s32 $0x4E00;
	v0 =	vperm.xlane v0, v21;
	v4 =	vadd.s32 v3, v5  }
0x6e: {  	[tilespmem:s23], [sflag:$0x1] =	stream.indirect_vreg.gather [hbm4b:s3+s2], $0x80, v1, vm0, $0xb8;
	[tilespmem:$0xC700] =	vst v63  }
0x6f: {  	s24 =	simm.s32 $0x4E80;
	v0 =	vadd.s32 v3, v0  }
0x70: {  	[tilespmem:s24], [sflag:$0x1] =	stream.indirect_vreg.gather [hbm4b:s3+s2], $0x80, v2, vm0, $0xb8;
	[tilespmem:$0xC700] =	vst v63  }
0x71: {  	s22 =	simm.s32 $0x4F00  }
0x72: {  	[tilespmem:s22], [sflag:$0x1] =	stream.indirect_vreg.gather [hbm4b:s3+s2], $0x80, v4, vm0, $0xb8;
	[tilespmem:$0xC700] =	vst v63  }
0x73: {  	s23 =	simm.s32 $0x4F80  }
0x74: {  	[tilespmem:s23], [sflag:$0x1] =	stream.indirect_vreg.gather [hbm4b:s3+s2], $0x80, v0, vm0, $0xb8;
	[tilespmem:$0xC700] =	vst v63  }
0x75: {  	v0 =	vld [tilespmem:$0x20];
	_ =	sdelay $0x4  }
0x76: {  	v1 =	vshrl.u32 v0, $0x3  }
0x77: {  	v1 =	vmul.u32 $0x18, v1  }
0x78: {  	v0 =	vand.u32 $0x7, v0  }
0x79: {  	v0 =	vor.u32 v0, v1  }
0x7a: {  	v1 =	vperm.xlane v0, v8;
	_ =	sdelay $0x1  }
0x7b: {  	v2 =	vperm.xlane v0, v9;
	v1 =	vadd.s32 v3, v1;
	_ =	sdelay $0x1  }
0x7c: {  	v4 =	vperm.xlane v0, v10;
	v2 =	vadd.s32 v3, v2;
	_ =	sdelay $0x1  }
0x7d: {  	s24 =	simm.s32 $0x5000;
	v5 =	vperm.xlane v0, v6;
	v4 =	vadd.s32 v3, v4  }
0x7e: {  	[tilespmem:s24], [sflag:$0x1] =	stream.indirect_vreg.gather [hbm4b:s3+s2], $0x80, v1, vm0, $0xb8;
	[tilespmem:$0xC700] =	vst v63  }
0x7f: {  	s22 =	simm.s32 $0x5080;
	v1 =	vadd.s32 v3, v5;
	v5 =	vperm.xlane v0, v11  }
0x80: {  	[tilespmem:s22], [sflag:$0x1] =	stream.indirect_vreg.gather [hbm4b:s3+s2], $0x80, v2, vm0, $0xb8;
	[tilespmem:$0xC700] =	vst v63  }
0x81: {  	s23 =	simm.s32 $0x5100;
	v2 =	vadd.s32 v3, v5;
	v5 =	vperm.xlane v0, v12  }
0x82: {  	[tilespmem:s23], [sflag:$0x1] =	stream.indirect_vreg.gather [hbm4b:s3+s2], $0x80, v4, vm0, $0xb8;
	[tilespmem:$0xC700] =	vst v63  }
0x83: {  	s24 =	simm.s32 $0x5180;
	v4 =	vadd.s32 v3, v5;
	v5 =	vperm.xlane v0, v13  }
0x84: {  	[tilespmem:s24], [sflag:$0x1] =	stream.indirect_vreg.gather [hbm4b:s3+s2], $0x80, v1, vm0, $0xb8;
	[tilespmem:$0xC700] =	vst v63  }
0x85: {  	s22 =	simm.s32 $0x5200;
	v1 =	vadd.s32 v3, v5;
	v5 =	vperm.xlane v0, v7  }
0x86: {  	[tilespmem:s22], [sflag:$0x1] =	stream.indirect_vreg.gather [hbm4b:s3+s2], $0x80, v2, vm0, $0xb8;
	[tilespmem:$0xC700] =	vst v63  }
0x87: {  	s23 =	simm.s32 $0x5280;
	v2 =	vadd.s32 v3, v5;
	v5 =	vperm.xlane v0, v14  }
0x88: {  	[tilespmem:s23], [sflag:$0x1] =	stream.indirect_vreg.gather [hbm4b:s3+s2], $0x80, v4, vm0, $0xb8;
	[tilespmem:$0xC700] =	vst v63  }
0x89: {  	s24 =	simm.s32 $0x5300;
	v4 =	vadd.s32 v3, v5;
	v5 =	vperm.xlane v0, v15  }
0x8a: {  	[tilespmem:s24], [sflag:$0x1] =	stream.indirect_vreg.gather [hbm4b:s3+s2], $0x80, v1, vm0, $0xb8;
	[tilespmem:$0xC700] =	vst v63  }
0x8b: {  	s22 =	simm.s32 $0x5380;
	v1 =	vadd.s32 v3, v5;
	v5 =	vperm.xlane v0, v16  }
0x8c: {  	[tilespmem:s22], [sflag:$0x1] =	stream.indirect_vreg.gather [hbm4b:s3+s2], $0x80, v2, vm0, $0xb8;
	[tilespmem:$0xC700] =	vst v63  }
0x8d: {  	s23 =	simm.s32 $0x5400;
	v2 =	vadd.s32 v3, v5;
	v5 =	vperm.xlane v0, v17  }
0x8e: {  	[tilespmem:s23], [sflag:$0x1] =	stream.indirect_vreg.gather [hbm4b:s3+s2], $0x80, v4, vm0, $0xb8;
	[tilespmem:$0xC700] =	vst v63  }
0x8f: {  	s24 =	simm.s32 $0x5480;
	v4 =	vadd.s32 v3, v5;
	v5 =	vperm.xlane v0, v18  }
0x90: {  	[tilespmem:s24], [sflag:$0x1] =	stream.indirect_vreg.gather [hbm4b:s3+s2], $0x80, v1, vm0, $0xb8;
	[tilespmem:$0xC700] =	vst v63  }
0x91: {  	s22 =	simm.s32 $0x5500;
	v1 =	vadd.s32 v3, v5;
	v5 =	vperm.xlane v0, v19  }
0x92: {  	[tilespmem:s22], [sflag:$0x1] =	stream.indirect_vreg.gather [hbm4b:s3+s2], $0x80, v2, vm0, $0xb8;
	[tilespmem:$0xC700] =	vst v63  }
0x93: {  	s23 =	simm.s32 $0x5580;
	v2 =	vadd.s32 v3, v5;
	v5 =	vperm.xlane v0, v20  }
0x94: {  	[tilespmem:s23], [sflag:$0x1] =	stream.indirect_vreg.gather [hbm4b:s3+s2], $0x80, v4, vm0, $0xb8;
	[tilespmem:$0xC700] =	vst v63  }
0x95: {  	s24 =	simm.s32 $0x5600;
	v0 =	vperm.xlane v0, v21;
	v4 =	vadd.s32 v3, v5  }
0x96: {  	[tilespmem:s24], [sflag:$0x1] =	stream.indirect_vreg.gather [hbm4b:s3+s2], $0x80, v1, vm0, $0xb8;
	[tilespmem:$0xC700] =	vst v63  }
0x97: {  	s22 =	simm.s32 $0x5680;
	v0 =	vadd.s32 v3, v0  }
0x98: {  	[tilespmem:s22], [sflag:$0x1] =	stream.indirect_vreg.gather [hbm4b:s3+s2], $0x80, v2, vm0, $0xb8;
	[tilespmem:$0xC700] =	vst v63  }
0x99: {  	s23 =	simm.s32 $0x5700  }
0x9a: {  	[tilespmem:s23], [sflag:$0x1] =	stream.indirect_vreg.gather [hbm4b:s3+s2], $0x80, v4, vm0, $0xb8;
	[tilespmem:$0xC700] =	vst v63  }
0x9b: {  	s24 =	simm.s32 $0x5780  }
0x9c: {  	[tilespmem:s24], [sflag:$0x1] =	stream.indirect_vreg.gather [hbm4b:s3+s2], $0x80, v0, vm0, $0xb8;
	[tilespmem:$0xC700] =	vst v63  }
0x9d: {  	v0 =	vld.msk [tilespmem:$0x30], $0x3;
	_ =	sdelay $0x4  }
0x9e: {  	v1 =	vshrl.u32 v0, $0x3  }
0x9f: {  	v1 =	vmul.u32 $0x18, v1  }
0xa0: {  	v0 =	vand.u32 $0x7, v0  }
0xa1: {  	v0 =	vor.u32 v0, v1  }
0xa2: {  	v1 =	vperm.xlane v0, v8;
	_ =	sdelay $0x1  }
0xa3: {  	v0 =	vperm.xlane v0, v9;
	v1 =	vadd.s32 v3, v1;
	_ =	sdelay $0x1  }
0xa4: {  	v0 =	vadd.s32 v3, v0;
	_ =	sdelay $0x1  }
0xa5: {  	s22 =	simm.s32 $0x5800  }
0xa6: {  	[tilespmem:s22], [sflag:$0x1] =	stream.indirect_vreg.gather [hbm4b:s3+s2], $0x80, v1, vm0, $0xb8;
	[tilespmem:$0xC700] =	vst v63  }
0xa7: {  	s23 =	simm.s32 $0x5880  }
0xa8: {  	[tilespmem:s23], [sflag:$0x1] =	stream.indirect_vreg.gather [hbm4b:s3+s2], $0x80, v0, vm0, $0xb8;
	[tilespmem:$0xC700] =	vst v63  }
0xa9: {  	v0 =	vld [tilespmem:$0x0];
	_ =	sdelay $0x4  }
0xaa: {  	v1 =	vshrl.u32 v0, $0x3  }
0xab: {  	v1 =	vmul.u32 $0x18, v1  }
0xac: {  	v0 =	vand.u32 $0x7, v0  }
0xad: {  	v0 =	vor.u32 v0, v1  }
0xae: {  	v1 =	vperm.xlane v0, v8;
	_ =	sdelay $0x1  }
0xaf: {  	v2 =	vperm.xlane v0, v9;
	v1 =	vadd.s32 v3, v1;
	_ =	sdelay $0x1  }
0xb0: {  	v4 =	vperm.xlane v0, v10;
	v2 =	vadd.s32 v3, v2;
	_ =	sdelay $0x1  }
0xb1: {  	s24 =	simm.s32 $0x8000;
	v5 =	vperm.xlane v0, v6;
	v4 =	vadd.s32 v3, v4  }
0xb2: {  	[tilespmem:s24], [sflag:$0x3] =	stream.indirect_vreg.gather [hbm4b:s7+s2], $0x80, v1, vm0, $0xb8;
	[tilespmem:$0xC700] =	vst v63  }
0xb3: {  	s22 =	simm.s32 $0x8080;
	v1 =	vadd.s32 v3, v5;
	v5 =	vperm.xlane v0, v11  }
0xb4: {  	[tilespmem:s22], [sflag:$0x3] =	stream.indirect_vreg.gather [hbm4b:s7+s2], $0x80, v2, vm0, $0xb8;
	[tilespmem:$0xC700] =	vst v63  }
0xb5: {  	s23 =	simm.s32 $0x8100;
	v2 =	vadd.s32 v3, v5;
	v5 =	vperm.xlane v0, v12  }
0xb6: {  	[tilespmem:s23], [sflag:$0x3] =	stream.indirect_vreg.gather [hbm4b:s7+s2], $0x80, v4, vm0, $0xb8;
	[tilespmem:$0xC700] =	vst v63  }
0xb7: {  	s24 =	simm.s32 $0x8180;
	v4 =	vadd.s32 v3, v5;
	v5 =	vperm.xlane v0, v13  }
0xb8: {  	[tilespmem:s24], [sflag:$0x3] =	stream.indirect_vreg.gather [hbm4b:s7+s2], $0x80, v1, vm0, $0xb8;
	[tilespmem:$0xC700] =	vst v63  }
0xb9: {  	s22 =	simm.s32 $0x8200;
	v1 =	vadd.s32 v3, v5;
	v5 =	vperm.xlane v0, v7  }
0xba: {  	[tilespmem:s22], [sflag:$0x3] =	stream.indirect_vreg.gather [hbm4b:s7+s2], $0x80, v2, vm0, $0xb8;
	[tilespmem:$0xC700] =	vst v63  }
0xbb: {  	s23 =	simm.s32 $0x8280;
	v2 =	vadd.s32 v3, v5;
	v5 =	vperm.xlane v0, v14  }
0xbc: {  	[tilespmem:s23], [sflag:$0x3] =	stream.indirect_vreg.gather [hbm4b:s7+s2], $0x80, v4, vm0, $0xb8;
	[tilespmem:$0xC700] =	vst v63  }
0xbd: {  	s24 =	simm.s32 $0x8300;
	v4 =	vadd.s32 v3, v5;
	v5 =	vperm.xlane v0, v15  }
0xbe: {  	[tilespmem:s24], [sflag:$0x3] =	stream.indirect_vreg.gather [hbm4b:s7+s2], $0x80, v1, vm0, $0xb8;
	[tilespmem:$0xC700] =	vst v63  }
0xbf: {  	s22 =	simm.s32 $0x8380;
	v1 =	vadd.s32 v3, v5;
	v5 =	vperm.xlane v0, v16  }
0xc0: {  	[tilespmem:s22], [sflag:$0x3] =	stream.indirect_vreg.gather [hbm4b:s7+s2], $0x80, v2, vm0, $0xb8;
	[tilespmem:$0xC700] =	vst v63  }
0xc1: {  	s23 =	simm.s32 $0x8400;
	v2 =	vadd.s32 v3, v5;
	v5 =	vperm.xlane v0, v17  }
0xc2: {  	[tilespmem:s23], [sflag:$0x3] =	stream.indirect_vreg.gather [hbm4b:s7+s2], $0x80, v4, vm0, $0xb8;
	[tilespmem:$0xC700] =	vst v63  }
0xc3: {  	s24 =	simm.s32 $0x8480;
	v4 =	vadd.s32 v3, v5;
	v5 =	vperm.xlane v0, v18  }
0xc4: {  	[tilespmem:s24], [sflag:$0x3] =	stream.indirect_vreg.gather [hbm4b:s7+s2], $0x80, v1, vm0, $0xb8;
	[tilespmem:$0xC700] =	vst v63  }
0xc5: {  	s22 =	simm.s32 $0x8500;
	v1 =	vadd.s32 v3, v5;
	v5 =	vperm.xlane v0, v19  }
0xc6: {  	[tilespmem:s22], [sflag:$0x3] =	stream.indirect_vreg.gather [hbm4b:s7+s2], $0x80, v2, vm0, $0xb8;
	[tilespmem:$0xC700] =	vst v63  }
0xc7: {  	s23 =	simm.s32 $0x8580;
	v2 =	vadd.s32 v3, v5;
	v5 =	vperm.xlane v0, v20  }
0xc8: {  	[tilespmem:s23], [sflag:$0x3] =	stream.indirect_vreg.gather [hbm4b:s7+s2], $0x80, v4, vm0, $0xb8;
	[tilespmem:$0xC700] =	vst v63  }
0xc9: {  	s24 =	simm.s32 $0x8600;
	v0 =	vperm.xlane v0, v21;
	v4 =	vadd.s32 v3, v5  }
0xca: {  	[tilespmem:s24], [sflag:$0x3] =	stream.indirect_vreg.gather [hbm4b:s7+s2], $0x80, v1, vm0, $0xb8;
	[tilespmem:$0xC700] =	vst v63  }
0xcb: {  	s22 =	simm.s32 $0x8680;
	v0 =	vadd.s32 v3, v0  }
0xcc: {  	[tilespmem:s22], [sflag:$0x3] =	stream.indirect_vreg.gather [hbm4b:s7+s2], $0x80, v2, vm0, $0xb8;
	[tilespmem:$0xC700] =	vst v63  }
0xcd: {  	s23 =	simm.s32 $0x8700  }
0xce: {  	[tilespmem:s23], [sflag:$0x3] =	stream.indirect_vreg.gather [hbm4b:s7+s2], $0x80, v4, vm0, $0xb8;
	[tilespmem:$0xC700] =	vst v63  }
0xcf: {  	s24 =	simm.s32 $0x8780  }
0xd0: {  	[tilespmem:s24], [sflag:$0x3] =	stream.indirect_vreg.gather [hbm4b:s7+s2], $0x80, v0, vm0, $0xb8;
	[tilespmem:$0xC700] =	vst v63  }
0xd1: {  	v0 =	vld [tilespmem:$0x10];
	_ =	sdelay $0x4  }
0xd2: {  	v1 =	vshrl.u32 v0, $0x3  }
0xd3: {  	v1 =	vmul.u32 $0x18, v1  }
0xd4: {  	v0 =	vand.u32 $0x7, v0  }
0xd5: {  	v0 =	vor.u32 v0, v1  }
0xd6: {  	v1 =	vperm.xlane v0, v8;
	_ =	sdelay $0x1  }
0xd7: {  	v2 =	vperm.xlane v0, v9;
	v1 =	vadd.s32 v3, v1;
	_ =	sdelay $0x1  }
0xd8: {  	v4 =	vperm.xlane v0, v10;
	v2 =	vadd.s32 v3, v2;
	_ =	sdelay $0x1  }
0xd9: {  	s22 =	simm.s32 $0x8800;
	v5 =	vperm.xlane v0, v6;
	v4 =	vadd.s32 v3, v4  }
0xda: {  	[tilespmem:s22], [sflag:$0x3] =	stream.indirect_vreg.gather [hbm4b:s7+s2], $0x80, v1, vm0, $0xb8;
	[tilespmem:$0xC700] =	vst v63  }
0xdb: {  	s23 =	simm.s32 $0x8880;
	v1 =	vadd.s32 v3, v5;
	v5 =	vperm.xlane v0, v11  }
0xdc: {  	[tilespmem:s23], [sflag:$0x3] =	stream.indirect_vreg.gather [hbm4b:s7+s2], $0x80, v2, vm0, $0xb8;
	[tilespmem:$0xC700] =	vst v63  }
0xdd: {  	s24 =	simm.s32 $0x8900;
	v2 =	vadd.s32 v3, v5;
	v5 =	vperm.xlane v0, v12  }
0xde: {  	[tilespmem:s24], [sflag:$0x3] =	stream.indirect_vreg.gather [hbm4b:s7+s2], $0x80, v4, vm0, $0xb8;
	[tilespmem:$0xC700] =	vst v63  }
0xdf: {  	s22 =	simm.s32 $0x8980;
	v4 =	vadd.s32 v3, v5;
	v5 =	vperm.xlane v0, v13  }
0xe0: {  	[tilespmem:s22], [sflag:$0x3] =	stream.indirect_vreg.gather [hbm4b:s7+s2], $0x80, v1, vm0, $0xb8;
	[tilespmem:$0xC700] =	vst v63  }
0xe1: {  	s23 =	simm.s32 $0x8A00;
	v1 =	vadd.s32 v3, v5;
	v5 =	vperm.xlane v0, v7  }
0xe2: {  	[tilespmem:s23], [sflag:$0x3] =	stream.indirect_vreg.gather [hbm4b:s7+s2], $0x80, v2, vm0, $0xb8;
	[tilespmem:$0xC700] =	vst v63  }
0xe3: {  	s24 =	simm.s32 $0x8A80;
	v2 =	vadd.s32 v3, v5;
	v5 =	vperm.xlane v0, v14  }
0xe4: {  	[tilespmem:s24], [sflag:$0x3] =	stream.indirect_vreg.gather [hbm4b:s7+s2], $0x80, v4, vm0, $0xb8;
	[tilespmem:$0xC700] =	vst v63  }
0xe5: {  	s22 =	simm.s32 $0x8B00;
	v4 =	vadd.s32 v3, v5;
	v5 =	vperm.xlane v0, v15  }
0xe6: {  	[tilespmem:s22], [sflag:$0x3] =	stream.indirect_vreg.gather [hbm4b:s7+s2], $0x80, v1, vm0, $0xb8;
	[tilespmem:$0xC700] =	vst v63  }
0xe7: {  	s23 =	simm.s32 $0x8B80;
	v1 =	vadd.s32 v3, v5;
	v5 =	vperm.xlane v0, v16  }
0xe8: {  	[tilespmem:s23], [sflag:$0x3] =	stream.indirect_vreg.gather [hbm4b:s7+s2], $0x80, v2, vm0, $0xb8;
	[tilespmem:$0xC700] =	vst v63  }
0xe9: {  	s24 =	simm.s32 $0x8C00;
	v2 =	vadd.s32 v3, v5;
	v5 =	vperm.xlane v0, v17  }
0xea: {  	[tilespmem:s24], [sflag:$0x3] =	stream.indirect_vreg.gather [hbm4b:s7+s2], $0x80, v4, vm0, $0xb8;
	[tilespmem:$0xC700] =	vst v63  }
0xeb: {  	s22 =	simm.s32 $0x8C80;
	v4 =	vadd.s32 v3, v5;
	v5 =	vperm.xlane v0, v18  }
0xec: {  	[tilespmem:s22], [sflag:$0x3] =	stream.indirect_vreg.gather [hbm4b:s7+s2], $0x80, v1, vm0, $0xb8;
	[tilespmem:$0xC700] =	vst v63  }
0xed: {  	s23 =	simm.s32 $0x8D00;
	v1 =	vadd.s32 v3, v5;
	v5 =	vperm.xlane v0, v19  }
0xee: {  	[tilespmem:s23], [sflag:$0x3] =	stream.indirect_vreg.gather [hbm4b:s7+s2], $0x80, v2, vm0, $0xb8;
	[tilespmem:$0xC700] =	vst v63  }
0xef: {  	s24 =	simm.s32 $0x8D80;
	v2 =	vadd.s32 v3, v5;
	v5 =	vperm.xlane v0, v20  }
0xf0: {  	[tilespmem:s24], [sflag:$0x3] =	stream.indirect_vreg.gather [hbm4b:s7+s2], $0x80, v4, vm0, $0xb8;
	[tilespmem:$0xC700] =	vst v63  }
0xf1: {  	s22 =	simm.s32 $0x8E00;
	v0 =	vperm.xlane v0, v21;
	v4 =	vadd.s32 v3, v5  }
0xf2: {  	[tilespmem:s22], [sflag:$0x3] =	stream.indirect_vreg.gather [hbm4b:s7+s2], $0x80, v1, vm0, $0xb8;
	[tilespmem:$0xC700] =	vst v63  }
0xf3: {  	s23 =	simm.s32 $0x8E80;
	v0 =	vadd.s32 v3, v0  }
0xf4: {  	[tilespmem:s23], [sflag:$0x3] =	stream.indirect_vreg.gather [hbm4b:s7+s2], $0x80, v2, vm0, $0xb8;
	[tilespmem:$0xC700] =	vst v63  }
0xf5: {  	s24 =	simm.s32 $0x8F00  }
0xf6: {  	[tilespmem:s24], [sflag:$0x3] =	stream.indirect_vreg.gather [hbm4b:s7+s2], $0x80, v4, vm0, $0xb8;
	[tilespmem:$0xC700] =	vst v63  }
0xf7: {  	s22 =	simm.s32 $0x8F80  }
0xf8: {  	[tilespmem:s22], [sflag:$0x3] =	stream.indirect_vreg.gather [hbm4b:s7+s2], $0x80, v0, vm0, $0xb8;
	[tilespmem:$0xC700] =	vst v63  }
0xf9: {  	v0 =	vld [tilespmem:$0x20];
	_ =	sdelay $0x4  }
0xfa: {  	v1 =	vshrl.u32 v0, $0x3  }
0xfb: {  	v1 =	vmul.u32 $0x18, v1  }
0xfc: {  	v0 =	vand.u32 $0x7, v0  }
0xfd: {  	v0 =	vor.u32 v0, v1  }
0xfe: {  	v1 =	vperm.xlane v0, v8;
	_ =	sdelay $0x1  }
0xff: {  	v2 =	vperm.xlane v0, v9;
	v1 =	vadd.s32 v3, v1;
	_ =	sdelay $0x1  }
0x100: {  	v4 =	vperm.xlane v0, v10;
	v2 =	vadd.s32 v3, v2;
	_ =	sdelay $0x1  }
0x101: {  	s23 =	simm.s32 $0x9000;
	v5 =	vperm.xlane v0, v6;
	v4 =	vadd.s32 v3, v4  }
0x102: {  	[tilespmem:s23], [sflag:$0x3] =	stream.indirect_vreg.gather [hbm4b:s7+s2], $0x80, v1, vm0, $0xb8;
	[tilespmem:$0xC700] =	vst v63  }
0x103: {  	s24 =	simm.s32 $0x9080;
	v1 =	vadd.s32 v3, v5;
	v5 =	vperm.xlane v0, v11  }
0x104: {  	[tilespmem:s24], [sflag:$0x3] =	stream.indirect_vreg.gather [hbm4b:s7+s2], $0x80, v2, vm0, $0xb8;
	[tilespmem:$0xC700] =	vst v63  }
0x105: {  	s22 =	simm.s32 $0x9100;
	v2 =	vadd.s32 v3, v5;
	v5 =	vperm.xlane v0, v12  }
0x106: {  	[tilespmem:s22], [sflag:$0x3] =	stream.indirect_vreg.gather [hbm4b:s7+s2], $0x80, v4, vm0, $0xb8;
	[tilespmem:$0xC700] =	vst v63  }
0x107: {  	s23 =	simm.s32 $0x9180;
	v4 =	vadd.s32 v3, v5;
	v5 =	vperm.xlane v0, v13  }
0x108: {  	[tilespmem:s23], [sflag:$0x3] =	stream.indirect_vreg.gather [hbm4b:s7+s2], $0x80, v1, vm0, $0xb8;
	[tilespmem:$0xC700] =	vst v63  }
0x109: {  	s24 =	simm.s32 $0x9200;
	v1 =	vadd.s32 v3, v5;
	v5 =	vperm.xlane v0, v7  }
0x10a: {  	[tilespmem:s24], [sflag:$0x3] =	stream.indirect_vreg.gather [hbm4b:s7+s2], $0x80, v2, vm0, $0xb8;
	[tilespmem:$0xC700] =	vst v63  }
0x10b: {  	s22 =	simm.s32 $0x9280;
	v2 =	vadd.s32 v3, v5;
	v5 =	vperm.xlane v0, v14  }
0x10c: {  	[tilespmem:s22], [sflag:$0x3] =	stream.indirect_vreg.gather [hbm4b:s7+s2], $0x80, v4, vm0, $0xb8;
	[tilespmem:$0xC700] =	vst v63  }
0x10d: {  	s23 =	simm.s32 $0x9300;
	v4 =	vadd.s32 v3, v5;
	v5 =	vperm.xlane v0, v15  }
0x10e: {  	[tilespmem:s23], [sflag:$0x3] =	stream.indirect_vreg.gather [hbm4b:s7+s2], $0x80, v1, vm0, $0xb8;
	[tilespmem:$0xC700] =	vst v63  }
0x10f: {  	s24 =	simm.s32 $0x9380;
	v1 =	vadd.s32 v3, v5;
	v5 =	vperm.xlane v0, v16  }
0x110: {  	[tilespmem:s24], [sflag:$0x3] =	stream.indirect_vreg.gather [hbm4b:s7+s2], $0x80, v2, vm0, $0xb8;
	[tilespmem:$0xC700] =	vst v63  }
0x111: {  	s22 =	simm.s32 $0x9400;
	v2 =	vadd.s32 v3, v5;
	v5 =	vperm.xlane v0, v17  }
0x112: {  	[tilespmem:s22], [sflag:$0x3] =	stream.indirect_vreg.gather [hbm4b:s7+s2], $0x80, v4, vm0, $0xb8;
	[tilespmem:$0xC700] =	vst v63  }
0x113: {  	s23 =	simm.s32 $0x9480;
	v4 =	vadd.s32 v3, v5;
	v5 =	vperm.xlane v0, v18  }
0x114: {  	[tilespmem:s23], [sflag:$0x3] =	stream.indirect_vreg.gather [hbm4b:s7+s2], $0x80, v1, vm0, $0xb8;
	[tilespmem:$0xC700] =	vst v63  }
0x115: {  	s24 =	simm.s32 $0x9500;
	v1 =	vadd.s32 v3, v5;
	v5 =	vperm.xlane v0, v19  }
0x116: {  	[tilespmem:s24], [sflag:$0x3] =	stream.indirect_vreg.gather [hbm4b:s7+s2], $0x80, v2, vm0, $0xb8;
	[tilespmem:$0xC700] =	vst v63  }
0x117: {  	s22 =	simm.s32 $0x9580;
	v2 =	vadd.s32 v3, v5;
	v5 =	vperm.xlane v0, v20  }
0x118: {  	[tilespmem:s22], [sflag:$0x3] =	stream.indirect_vreg.gather [hbm4b:s7+s2], $0x80, v4, vm0, $0xb8;
	[tilespmem:$0xC700] =	vst v63  }
0x119: {  	s23 =	simm.s32 $0x9600;
	v0 =	vperm.xlane v0, v21;
	v4 =	vadd.s32 v3, v5  }
0x11a: {  	[tilespmem:s23], [sflag:$0x3] =	stream.indirect_vreg.gather [hbm4b:s7+s2], $0x80, v1, vm0, $0xb8;
	[tilespmem:$0xC700] =	vst v63  }
0x11b: {  	s24 =	simm.s32 $0x9680;
	v0 =	vadd.s32 v3, v0  }
0x11c: {  	[tilespmem:s24], [sflag:$0x3] =	stream.indirect_vreg.gather [hbm4b:s7+s2], $0x80, v2, vm0, $0xb8;
	[tilespmem:$0xC700] =	vst v63  }
0x11d: {  	s22 =	simm.s32 $0x9700  }
0x11e: {  	[tilespmem:s22], [sflag:$0x3] =	stream.indirect_vreg.gather [hbm4b:s7+s2], $0x80, v4, vm0, $0xb8;
	[tilespmem:$0xC700] =	vst v63  }
0x11f: {  	s23 =	simm.s32 $0x9780  }
0x120: {  	[tilespmem:s23], [sflag:$0x3] =	stream.indirect_vreg.gather [hbm4b:s7+s2], $0x80, v0, vm0, $0xb8;
	[tilespmem:$0xC700] =	vst v63  }
0x121: {  	v0 =	vld.msk [tilespmem:$0x30], $0x3;
	_ =	sdelay $0x4  }
0x122: {  	v1 =	vshrl.u32 v0, $0x3  }
0x123: {  	v1 =	vmul.u32 $0x18, v1  }
0x124: {  	v0 =	vand.u32 $0x7, v0  }
0x125: {  	v0 =	vor.u32 v0, v1  }
0x126: {  	v1 =	vperm.xlane v0, v8;
	_ =	sdelay $0x1  }
0x127: {  	v0 =	vperm.xlane v0, v9;
	v1 =	vadd.s32 v3, v1;
	_ =	sdelay $0x1  }
0x128: {  	v0 =	vadd.s32 v3, v0;
	_ =	sdelay $0x1  }
0x129: {  	s24 =	simm.s32 $0x9800  }
0x12a: {  	[tilespmem:s24], [sflag:$0x3] =	stream.indirect_vreg.gather [hbm4b:s7+s2], $0x80, v1, vm0, $0xb8;
	[tilespmem:$0xC700] =	vst v63  }
0x12b: {  	s22 =	simm.s32 $0x9880  }
0x12c: {  	[tilespmem:s22], [sflag:$0x3] =	stream.indirect_vreg.gather [hbm4b:s7+s2], $0x80, v0, vm0, $0xb8;
	[tilespmem:$0xC700] =	vst v63  }
0x12d: {  	v0 =	vld [tilespmem:$0x80];
	_ =	sdelay $0x4  }
0x12e: {  	v1 =	vshrl.u32 v0, $0x3  }
0x12f: {  	v1 =	vmul.u32 $0x18, v1  }
0x130: {  	v0 =	vand.u32 $0x7, v0  }
0x131: {  	v0 =	vor.u32 v0, v1  }
0x132: {  	v1 =	vperm.xlane v0, v8;
	_ =	sdelay $0x1  }
0x133: {  	v2 =	vperm.xlane v0, v9;
	v1 =	vadd.s32 v3, v1;
	_ =	sdelay $0x1  }
0x134: {  	v4 =	vperm.xlane v0, v10;
	v2 =	vadd.s32 v3, v2;
	_ =	sdelay $0x1  }
0x135: {  	s23 =	simm.s32 $0x6000;
	v5 =	vperm.xlane v0, v6;
	v4 =	vadd.s32 v3, v4  }
0x136: {  	[tilespmem:s23], [sflag:$0x2] =	stream.indirect_vreg.gather [hbm4b:s3+s2], $0x80, v1, vm0, $0xb8;
	[tilespmem:$0xC700] =	vst v63  }
0x137: {  	s24 =	simm.s32 $0x6080;
	v1 =	vadd.s32 v3, v5;
	v5 =	vperm.xlane v0, v11  }
0x138: {  	[tilespmem:s24], [sflag:$0x2] =	stream.indirect_vreg.gather [hbm4b:s3+s2], $0x80, v2, vm0, $0xb8;
	[tilespmem:$0xC700] =	vst v63  }
0x139: {  	s22 =	simm.s32 $0x6100;
	v2 =	vadd.s32 v3, v5;
	v5 =	vperm.xlane v0, v12  }
0x13a: {  	[tilespmem:s22], [sflag:$0x2] =	stream.indirect_vreg.gather [hbm4b:s3+s2], $0x80, v4, vm0, $0xb8;
	[tilespmem:$0xC700] =	vst v63  }
0x13b: {  	s23 =	simm.s32 $0x6180;
	v4 =	vadd.s32 v3, v5;
	v5 =	vperm.xlane v0, v13  }
0x13c: {  	[tilespmem:s23], [sflag:$0x2] =	stream.indirect_vreg.gather [hbm4b:s3+s2], $0x80, v1, vm0, $0xb8;
	[tilespmem:$0xC700] =	vst v63  }
0x13d: {  	s24 =	simm.s32 $0x6200;
	v1 =	vadd.s32 v3, v5;
	v5 =	vperm.xlane v0, v7  }
0x13e: {  	[tilespmem:s24], [sflag:$0x2] =	stream.indirect_vreg.gather [hbm4b:s3+s2], $0x80, v2, vm0, $0xb8;
	[tilespmem:$0xC700] =	vst v63  }
0x13f: {  	s22 =	simm.s32 $0x6280;
	v2 =	vadd.s32 v3, v5;
	v5 =	vperm.xlane v0, v14  }
0x140: {  	[tilespmem:s22], [sflag:$0x2] =	stream.indirect_vreg.gather [hbm4b:s3+s2], $0x80, v4, vm0, $0xb8;
	[tilespmem:$0xC700] =	vst v63  }
0x141: {  	s23 =	simm.s32 $0x6300;
	v4 =	vadd.s32 v3, v5;
	v5 =	vperm.xlane v0, v15  }
0x142: {  	[tilespmem:s23], [sflag:$0x2] =	stream.indirect_vreg.gather [hbm4b:s3+s2], $0x80, v1, vm0, $0xb8;
	[tilespmem:$0xC700] =	vst v63  }
0x143: {  	s24 =	simm.s32 $0x6380;
	v1 =	vadd.s32 v3, v5;
	v5 =	vperm.xlane v0, v16  }
0x144: {  	[tilespmem:s24], [sflag:$0x2] =	stream.indirect_vreg.gather [hbm4b:s3+s2], $0x80, v2, vm0, $0xb8;
	[tilespmem:$0xC700] =	vst v63  }
0x145: {  	s22 =	simm.s32 $0x6400;
	v2 =	vadd.s32 v3, v5;
	v5 =	vperm.xlane v0, v17  }
0x146: {  	[tilespmem:s22], [sflag:$0x2] =	stream.indirect_vreg.gather [hbm4b:s3+s2], $0x80, v4, vm0, $0xb8;
	[tilespmem:$0xC700] =	vst v63  }
0x147: {  	s23 =	simm.s32 $0x6480;
	v4 =	vadd.s32 v3, v5;
	v5 =	vperm.xlane v0, v18  }
0x148: {  	[tilespmem:s23], [sflag:$0x2] =	stream.indirect_vreg.gather [hbm4b:s3+s2], $0x80, v1, vm0, $0xb8;
	[tilespmem:$0xC700] =	vst v63  }
0x149: {  	s24 =	simm.s32 $0x6500;
	v1 =	vadd.s32 v3, v5;
	v5 =	vperm.xlane v0, v19  }
0x14a: {  	[tilespmem:s24], [sflag:$0x2] =	stream.indirect_vreg.gather [hbm4b:s3+s2], $0x80, v2, vm0, $0xb8;
	[tilespmem:$0xC700] =	vst v63  }
0x14b: {  	s22 =	simm.s32 $0x6580;
	v2 =	vadd.s32 v3, v5;
	v5 =	vperm.xlane v0, v20  }
0x14c: {  	[tilespmem:s22], [sflag:$0x2] =	stream.indirect_vreg.gather [hbm4b:s3+s2], $0x80, v4, vm0, $0xb8;
	[tilespmem:$0xC700] =	vst v63  }
0x14d: {  	s23 =	simm.s32 $0x6600;
	v0 =	vperm.xlane v0, v21;
	v4 =	vadd.s32 v3, v5  }
0x14e: {  	[tilespmem:s23], [sflag:$0x2] =	stream.indirect_vreg.gather [hbm4b:s3+s2], $0x80, v1, vm0, $0xb8;
	[tilespmem:$0xC700] =	vst v63  }
0x14f: {  	s24 =	simm.s32 $0x6680;
	v0 =	vadd.s32 v3, v0  }
0x150: {  	[tilespmem:s24], [sflag:$0x2] =	stream.indirect_vreg.gather [hbm4b:s3+s2], $0x80, v2, vm0, $0xb8;
	[tilespmem:$0xC700] =	vst v63  }
0x151: {  	s22 =	simm.s32 $0x6700  }
0x152: {  	[tilespmem:s22], [sflag:$0x2] =	stream.indirect_vreg.gather [hbm4b:s3+s2], $0x80, v4, vm0, $0xb8;
	[tilespmem:$0xC700] =	vst v63  }
0x153: {  	s23 =	simm.s32 $0x6780  }
0x154: {  	[tilespmem:s23], [sflag:$0x2] =	stream.indirect_vreg.gather [hbm4b:s3+s2], $0x80, v0, vm0, $0xb8;
	[tilespmem:$0xC700] =	vst v63  }
0x155: {  	v0 =	vld [tilespmem:$0x90];
	_ =	sdelay $0x4  }
0x156: {  	v1 =	vshrl.u32 v0, $0x3  }
0x157: {  	v1 =	vmul.u32 $0x18, v1  }
0x158: {  	v0 =	vand.u32 $0x7, v0  }
0x159: {  	v0 =	vor.u32 v0, v1  }
0x15a: {  	v1 =	vperm.xlane v0, v8;
	_ =	sdelay $0x1  }
0x15b: {  	v2 =	vperm.xlane v0, v9;
	v1 =	vadd.s32 v3, v1;
	_ =	sdelay $0x1  }
0x15c: {  	v4 =	vperm.xlane v0, v10;
	v2 =	vadd.s32 v3, v2;
	_ =	sdelay $0x1  }
0x15d: {  	s24 =	simm.s32 $0x6800;
	v5 =	vperm.xlane v0, v6;
	v4 =	vadd.s32 v3, v4  }
0x15e: {  	[tilespmem:s24], [sflag:$0x2] =	stream.indirect_vreg.gather [hbm4b:s3+s2], $0x80, v1, vm0, $0xb8;
	[tilespmem:$0xC700] =	vst v63  }
0x15f: {  	s22 =	simm.s32 $0x6880;
	v1 =	vadd.s32 v3, v5;
	v5 =	vperm.xlane v0, v11  }
0x160: {  	[tilespmem:s22], [sflag:$0x2] =	stream.indirect_vreg.gather [hbm4b:s3+s2], $0x80, v2, vm0, $0xb8;
	[tilespmem:$0xC700] =	vst v63  }
0x161: {  	s23 =	simm.s32 $0x6900;
	v2 =	vadd.s32 v3, v5;
	v5 =	vperm.xlane v0, v12  }
0x162: {  	[tilespmem:s23], [sflag:$0x2] =	stream.indirect_vreg.gather [hbm4b:s3+s2], $0x80, v4, vm0, $0xb8;
	[tilespmem:$0xC700] =	vst v63  }
0x163: {  	s24 =	simm.s32 $0x6980;
	v4 =	vadd.s32 v3, v5;
	v5 =	vperm.xlane v0, v13  }
0x164: {  	[tilespmem:s24], [sflag:$0x2] =	stream.indirect_vreg.gather [hbm4b:s3+s2], $0x80, v1, vm0, $0xb8;
	[tilespmem:$0xC700] =	vst v63  }
0x165: {  	s22 =	simm.s32 $0x6A00;
	v1 =	vadd.s32 v3, v5;
	v5 =	vperm.xlane v0, v7  }
0x166: {  	[tilespmem:s22], [sflag:$0x2] =	stream.indirect_vreg.gather [hbm4b:s3+s2], $0x80, v2, vm0, $0xb8;
	[tilespmem:$0xC700] =	vst v63  }
0x167: {  	s23 =	simm.s32 $0x6A80;
	v2 =	vadd.s32 v3, v5;
	v5 =	vperm.xlane v0, v14  }
0x168: {  	[tilespmem:s23], [sflag:$0x2] =	stream.indirect_vreg.gather [hbm4b:s3+s2], $0x80, v4, vm0, $0xb8;
	[tilespmem:$0xC700] =	vst v63  }
0x169: {  	s24 =	simm.s32 $0x6B00;
	v4 =	vadd.s32 v3, v5;
	v5 =	vperm.xlane v0, v15  }
0x16a: {  	[tilespmem:s24], [sflag:$0x2] =	stream.indirect_vreg.gather [hbm4b:s3+s2], $0x80, v1, vm0, $0xb8;
	[tilespmem:$0xC700] =	vst v63  }
0x16b: {  	s22 =	simm.s32 $0x6B80;
	v1 =	vadd.s32 v3, v5;
	v5 =	vperm.xlane v0, v16  }
0x16c: {  	[tilespmem:s22], [sflag:$0x2] =	stream.indirect_vreg.gather [hbm4b:s3+s2], $0x80, v2, vm0, $0xb8;
	[tilespmem:$0xC700] =	vst v63  }
0x16d: {  	s23 =	simm.s32 $0x6C00;
	v2 =	vadd.s32 v3, v5;
	v5 =	vperm.xlane v0, v17  }
0x16e: {  	[tilespmem:s23], [sflag:$0x2] =	stream.indirect_vreg.gather [hbm4b:s3+s2], $0x80, v4, vm0, $0xb8;
	[tilespmem:$0xC700] =	vst v63  }
0x16f: {  	s24 =	simm.s32 $0x6C80;
	v4 =	vadd.s32 v3, v5;
	v5 =	vperm.xlane v0, v18  }
0x170: {  	[tilespmem:s24], [sflag:$0x2] =	stream.indirect_vreg.gather [hbm4b:s3+s2], $0x80, v1, vm0, $0xb8;
	[tilespmem:$0xC700] =	vst v63  }
0x171: {  	s22 =	simm.s32 $0x6D00;
	v1 =	vadd.s32 v3, v5;
	v5 =	vperm.xlane v0, v19  }
0x172: {  	[tilespmem:s22], [sflag:$0x2] =	stream.indirect_vreg.gather [hbm4b:s3+s2], $0x80, v2, vm0, $0xb8;
	[tilespmem:$0xC700] =	vst v63  }
0x173: {  	s23 =	simm.s32 $0x6D80;
	v2 =	vadd.s32 v3, v5;
	v5 =	vperm.xlane v0, v20  }
0x174: {  	[tilespmem:s23], [sflag:$0x2] =	stream.indirect_vreg.gather [hbm4b:s3+s2], $0x80, v4, vm0, $0xb8;
	[tilespmem:$0xC700] =	vst v63  }
0x175: {  	s24 =	simm.s32 $0x6E00;
	v0 =	vperm.xlane v0, v21;
	v4 =	vadd.s32 v3, v5  }
0x176: {  	[tilespmem:s24], [sflag:$0x2] =	stream.indirect_vreg.gather [hbm4b:s3+s2], $0x80, v1, vm0, $0xb8;
	[tilespmem:$0xC700] =	vst v63  }
0x177: {  	s22 =	simm.s32 $0x6E80;
	v0 =	vadd.s32 v3, v0  }
0x178: {  	[tilespmem:s22], [sflag:$0x2] =	stream.indirect_vreg.gather [hbm4b:s3+s2], $0x80, v2, vm0, $0xb8;
	[tilespmem:$0xC700] =	vst v63  }
0x179: {  	s23 =	simm.s32 $0x6F00  }
0x17a: {  	[tilespmem:s23], [sflag:$0x2] =	stream.indirect_vreg.gather [hbm4b:s3+s2], $0x80, v4, vm0, $0xb8;
	[tilespmem:$0xC700] =	vst v63  }
0x17b: {  	s24 =	simm.s32 $0x6F80  }
0x17c: {  	[tilespmem:s24], [sflag:$0x2] =	stream.indirect_vreg.gather [hbm4b:s3+s2], $0x80, v0, vm0, $0xb8;
	[tilespmem:$0xC700] =	vst v63  }
0x17d: {  	v0 =	vld [tilespmem:$0xA0];
	_ =	sdelay $0x4  }
0x17e: {  	v1 =	vshrl.u32 v0, $0x3  }
0x17f: {  	v1 =	vmul.u32 $0x18, v1  }
0x180: {  	v0 =	vand.u32 $0x7, v0  }
0x181: {  	v0 =	vor.u32 v0, v1  }
0x182: {  	v1 =	vperm.xlane v0, v8;
	_ =	sdelay $0x1  }
0x183: {  	v2 =	vperm.xlane v0, v9;
	v1 =	vadd.s32 v3, v1;
	_ =	sdelay $0x1  }
0x184: {  	v4 =	vperm.xlane v0, v10;
	v2 =	vadd.s32 v3, v2;
	_ =	sdelay $0x1  }
0x185: {  	s22 =	simm.s32 $0x7000;
	v5 =	vperm.xlane v0, v6;
	v4 =	vadd.s32 v3, v4  }
0x186: {  	[tilespmem:s22], [sflag:$0x2] =	stream.indirect_vreg.gather [hbm4b:s3+s2], $0x80, v1, vm0, $0xb8;
	[tilespmem:$0xC700] =	vst v63  }
0x187: {  	s23 =	simm.s32 $0x7080;
	v1 =	vadd.s32 v3, v5;
	v5 =	vperm.xlane v0, v11  }
0x188: {  	[tilespmem:s23], [sflag:$0x2] =	stream.indirect_vreg.gather [hbm4b:s3+s2], $0x80, v2, vm0, $0xb8;
	[tilespmem:$0xC700] =	vst v63  }
0x189: {  	s24 =	simm.s32 $0x7100;
	v2 =	vadd.s32 v3, v5;
	v5 =	vperm.xlane v0, v12  }
0x18a: {  	[tilespmem:s24], [sflag:$0x2] =	stream.indirect_vreg.gather [hbm4b:s3+s2], $0x80, v4, vm0, $0xb8;
	[tilespmem:$0xC700] =	vst v63  }
0x18b: {  	s22 =	simm.s32 $0x7180;
	v4 =	vadd.s32 v3, v5;
	v5 =	vperm.xlane v0, v13  }
0x18c: {  	[tilespmem:s22], [sflag:$0x2] =	stream.indirect_vreg.gather [hbm4b:s3+s2], $0x80, v1, vm0, $0xb8;
	[tilespmem:$0xC700] =	vst v63  }
0x18d: {  	s23 =	simm.s32 $0x7200;
	v1 =	vadd.s32 v3, v5;
	v5 =	vperm.xlane v0, v7  }
0x18e: {  	[tilespmem:s23], [sflag:$0x2] =	stream.indirect_vreg.gather [hbm4b:s3+s2], $0x80, v2, vm0, $0xb8;
	[tilespmem:$0xC700] =	vst v63  }
0x18f: {  	s24 =	simm.s32 $0x7280;
	v2 =	vadd.s32 v3, v5;
	v5 =	vperm.xlane v0, v14  }
0x190: {  	[tilespmem:s24], [sflag:$0x2] =	stream.indirect_vreg.gather [hbm4b:s3+s2], $0x80, v4, vm0, $0xb8;
	[tilespmem:$0xC700] =	vst v63  }
0x191: {  	s22 =	simm.s32 $0x7300;
	v4 =	vadd.s32 v3, v5;
	v5 =	vperm.xlane v0, v15  }
0x192: {  	[tilespmem:s22], [sflag:$0x2] =	stream.indirect_vreg.gather [hbm4b:s3+s2], $0x80, v1, vm0, $0xb8;
	[tilespmem:$0xC700] =	vst v63  }
0x193: {  	s23 =	simm.s32 $0x7380;
	v1 =	vadd.s32 v3, v5;
	v5 =	vperm.xlane v0, v16  }
0x194: {  	[tilespmem:s23], [sflag:$0x2] =	stream.indirect_vreg.gather [hbm4b:s3+s2], $0x80, v2, vm0, $0xb8;
	[tilespmem:$0xC700] =	vst v63  }
0x195: {  	s24 =	simm.s32 $0x7400;
	v2 =	vadd.s32 v3, v5;
	v5 =	vperm.xlane v0, v17  }
0x196: {  	[tilespmem:s24], [sflag:$0x2] =	stream.indirect_vreg.gather [hbm4b:s3+s2], $0x80, v4, vm0, $0xb8;
	[tilespmem:$0xC700] =	vst v63  }
0x197: {  	s22 =	simm.s32 $0x7480;
	v4 =	vadd.s32 v3, v5;
	v5 =	vperm.xlane v0, v18  }
0x198: {  	[tilespmem:s22], [sflag:$0x2] =	stream.indirect_vreg.gather [hbm4b:s3+s2], $0x80, v1, vm0, $0xb8;
	[tilespmem:$0xC700] =	vst v63  }
0x199: {  	s23 =	simm.s32 $0x7500;
	v1 =	vadd.s32 v3, v5;
	v5 =	vperm.xlane v0, v19  }
0x19a: {  	[tilespmem:s23], [sflag:$0x2] =	stream.indirect_vreg.gather [hbm4b:s3+s2], $0x80, v2, vm0, $0xb8;
	[tilespmem:$0xC700] =	vst v63  }
0x19b: {  	s24 =	simm.s32 $0x7580;
	v2 =	vadd.s32 v3, v5;
	v5 =	vperm.xlane v0, v20  }
0x19c: {  	[tilespmem:s24], [sflag:$0x2] =	stream.indirect_vreg.gather [hbm4b:s3+s2], $0x80, v4, vm0, $0xb8;
	[tilespmem:$0xC700] =	vst v63  }
0x19d: {  	s22 =	simm.s32 $0x7600;
	v0 =	vperm.xlane v0, v21;
	v4 =	vadd.s32 v3, v5  }
0x19e: {  	[tilespmem:s22], [sflag:$0x2] =	stream.indirect_vreg.gather [hbm4b:s3+s2], $0x80, v1, vm0, $0xb8;
	[tilespmem:$0xC700] =	vst v63  }
0x19f: {  	s23 =	simm.s32 $0x7680;
	v0 =	vadd.s32 v3, v0  }
0x1a0: {  	[tilespmem:s23], [sflag:$0x2] =	stream.indirect_vreg.gather [hbm4b:s3+s2], $0x80, v2, vm0, $0xb8;
	[tilespmem:$0xC700] =	vst v63  }
0x1a1: {  	s24 =	simm.s32 $0x7700  }
0x1a2: {  	[tilespmem:s24], [sflag:$0x2] =	stream.indirect_vreg.gather [hbm4b:s3+s2], $0x80, v4, vm0, $0xb8;
	[tilespmem:$0xC700] =	vst v63  }
0x1a3: {  	s22 =	simm.s32 $0x7780  }
0x1a4: {  	[tilespmem:s22], [sflag:$0x2] =	stream.indirect_vreg.gather [hbm4b:s3+s2], $0x80, v0, vm0, $0xb8;
	[tilespmem:$0xC700] =	vst v63  }
0x1a5: {  	v0 =	vld.msk [tilespmem:$0xB0], $0x3;
	_ =	sdelay $0x4  }
0x1a6: {  	v1 =	vshrl.u32 v0, $0x3  }
0x1a7: {  	v1 =	vmul.u32 $0x18, v1  }
0x1a8: {  	v0 =	vand.u32 $0x7, v0  }
0x1a9: {  	v0 =	vor.u32 v0, v1  }
0x1aa: {  	v1 =	vperm.xlane v0, v8;
	_ =	sdelay $0x1  }
0x1ab: {  	v0 =	vperm.xlane v0, v9;
	v1 =	vadd.s32 v3, v1;
	_ =	sdelay $0x1  }
0x1ac: {  	v0 =	vadd.s32 v3, v0;
	_ =	sdelay $0x1  }
0x1ad: {  	s23 =	simm.s32 $0x7800  }
0x1ae: {  	[tilespmem:s23], [sflag:$0x2] =	stream.indirect_vreg.gather [hbm4b:s3+s2], $0x80, v1, vm0, $0xb8;
	[tilespmem:$0xC700] =	vst v63  }
0x1af: {  	s24 =	simm.s32 $0x7880  }
0x1b0: {  	[tilespmem:s24], [sflag:$0x2] =	stream.indirect_vreg.gather [hbm4b:s3+s2], $0x80, v0, vm0, $0xb8;
	[tilespmem:$0xC700] =	vst v63  }
0x1b1: {  	v0 =	vld [tilespmem:$0x80];
	_ =	sdelay $0x4  }
0x1b2: {  	v1 =	vshrl.u32 v0, $0x3  }
0x1b3: {  	v1 =	vmul.u32 $0x18, v1  }
0x1b4: {  	v0 =	vand.u32 $0x7, v0  }
0x1b5: {  	v0 =	vor.u32 v0, v1  }
0x1b6: {  	v1 =	vperm.xlane v0, v8;
	_ =	sdelay $0x1  }
0x1b7: {  	v2 =	vperm.xlane v0, v9;
	v1 =	vadd.s32 v3, v1;
	_ =	sdelay $0x1  }
0x1b8: {  	v4 =	vperm.xlane v0, v10;
	v2 =	vadd.s32 v3, v2;
	_ =	sdelay $0x1  }
0x1b9: {  	s22 =	simm.s32 $0xA000;
	v5 =	vperm.xlane v0, v6;
	v4 =	vadd.s32 v3, v4  }
0x1ba: {  	[tilespmem:s22], [sflag:$0x4] =	stream.indirect_vreg.gather [hbm4b:s7+s2], $0x80, v1, vm0, $0xb8;
	[tilespmem:$0xC700] =	vst v63  }
0x1bb: {  	s23 =	simm.s32 $0xA080;
	v1 =	vadd.s32 v3, v5;
	v5 =	vperm.xlane v0, v11  }
0x1bc: {  	[tilespmem:s23], [sflag:$0x4] =	stream.indirect_vreg.gather [hbm4b:s7+s2], $0x80, v2, vm0, $0xb8;
	[tilespmem:$0xC700] =	vst v63  }
0x1bd: {  	s24 =	simm.s32 $0xA100;
	v2 =	vadd.s32 v3, v5;
	v5 =	vperm.xlane v0, v12  }
0x1be: {  	[tilespmem:s24], [sflag:$0x4] =	stream.indirect_vreg.gather [hbm4b:s7+s2], $0x80, v4, vm0, $0xb8;
	[tilespmem:$0xC700] =	vst v63  }
0x1bf: {  	s22 =	simm.s32 $0xA180;
	v4 =	vadd.s32 v3, v5;
	v5 =	vperm.xlane v0, v13  }
0x1c0: {  	[tilespmem:s22], [sflag:$0x4] =	stream.indirect_vreg.gather [hbm4b:s7+s2], $0x80, v1, vm0, $0xb8;
	[tilespmem:$0xC700] =	vst v63  }
0x1c1: {  	s23 =	simm.s32 $0xA200;
	v1 =	vadd.s32 v3, v5;
	v5 =	vperm.xlane v0, v7  }
0x1c2: {  	[tilespmem:s23], [sflag:$0x4] =	stream.indirect_vreg.gather [hbm4b:s7+s2], $0x80, v2, vm0, $0xb8;
	[tilespmem:$0xC700] =	vst v63  }
0x1c3: {  	s24 =	simm.s32 $0xA280;
	v2 =	vadd.s32 v3, v5;
	v5 =	vperm.xlane v0, v14  }
0x1c4: {  	[tilespmem:s24], [sflag:$0x4] =	stream.indirect_vreg.gather [hbm4b:s7+s2], $0x80, v4, vm0, $0xb8;
	[tilespmem:$0xC700] =	vst v63  }
0x1c5: {  	s22 =	simm.s32 $0xA300;
	v4 =	vadd.s32 v3, v5;
	v5 =	vperm.xlane v0, v15  }
0x1c6: {  	[tilespmem:s22], [sflag:$0x4] =	stream.indirect_vreg.gather [hbm4b:s7+s2], $0x80, v1, vm0, $0xb8;
	[tilespmem:$0xC700] =	vst v63  }
0x1c7: {  	s23 =	simm.s32 $0xA380;
	v1 =	vadd.s32 v3, v5;
	v5 =	vperm.xlane v0, v16  }
0x1c8: {  	[tilespmem:s23], [sflag:$0x4] =	stream.indirect_vreg.gather [hbm4b:s7+s2], $0x80, v2, vm0, $0xb8;
	[tilespmem:$0xC700] =	vst v63  }
0x1c9: {  	s24 =	simm.s32 $0xA400;
	v2 =	vadd.s32 v3, v5;
	v5 =	vperm.xlane v0, v17  }
0x1ca: {  	[tilespmem:s24], [sflag:$0x4] =	stream.indirect_vreg.gather [hbm4b:s7+s2], $0x80, v4, vm0, $0xb8;
	[tilespmem:$0xC700] =	vst v63  }
0x1cb: {  	s22 =	simm.s32 $0xA480;
	v4 =	vadd.s32 v3, v5;
	v5 =	vperm.xlane v0, v18  }
0x1cc: {  	[tilespmem:s22], [sflag:$0x4] =	stream.indirect_vreg.gather [hbm4b:s7+s2], $0x80, v1, vm0, $0xb8;
	[tilespmem:$0xC700] =	vst v63  }
0x1cd: {  	s23 =	simm.s32 $0xA500;
	v1 =	vadd.s32 v3, v5;
	v5 =	vperm.xlane v0, v19  }
0x1ce: {  	[tilespmem:s23], [sflag:$0x4] =	stream.indirect_vreg.gather [hbm4b:s7+s2], $0x80, v2, vm0, $0xb8;
	[tilespmem:$0xC700] =	vst v63  }
0x1cf: {  	s24 =	simm.s32 $0xA580;
	v2 =	vadd.s32 v3, v5;
	v5 =	vperm.xlane v0, v20  }
0x1d0: {  	[tilespmem:s24], [sflag:$0x4] =	stream.indirect_vreg.gather [hbm4b:s7+s2], $0x80, v4, vm0, $0xb8;
	[tilespmem:$0xC700] =	vst v63  }
0x1d1: {  	s22 =	simm.s32 $0xA600;
	v0 =	vperm.xlane v0, v21;
	v4 =	vadd.s32 v3, v5  }
0x1d2: {  	[tilespmem:s22], [sflag:$0x4] =	stream.indirect_vreg.gather [hbm4b:s7+s2], $0x80, v1, vm0, $0xb8;
	[tilespmem:$0xC700] =	vst v63  }
0x1d3: {  	s23 =	simm.s32 $0xA680;
	v0 =	vadd.s32 v3, v0  }
0x1d4: {  	[tilespmem:s23], [sflag:$0x4] =	stream.indirect_vreg.gather [hbm4b:s7+s2], $0x80, v2, vm0, $0xb8;
	[tilespmem:$0xC700] =	vst v63  }
0x1d5: {  	s24 =	simm.s32 $0xA700  }
0x1d6: {  	[tilespmem:s24], [sflag:$0x4] =	stream.indirect_vreg.gather [hbm4b:s7+s2], $0x80, v4, vm0, $0xb8;
	[tilespmem:$0xC700] =	vst v63  }
0x1d7: {  	s22 =	simm.s32 $0xA780  }
0x1d8: {  	[tilespmem:s22], [sflag:$0x4] =	stream.indirect_vreg.gather [hbm4b:s7+s2], $0x80, v0, vm0, $0xb8;
	[tilespmem:$0xC700] =	vst v63  }
0x1d9: {  	v0 =	vld [tilespmem:$0x90];
	_ =	sdelay $0x4  }
0x1da: {  	v1 =	vshrl.u32 v0, $0x3  }
0x1db: {  	v1 =	vmul.u32 $0x18, v1  }
0x1dc: {  	v0 =	vand.u32 $0x7, v0  }
0x1dd: {  	v0 =	vor.u32 v0, v1  }
0x1de: {  	v1 =	vperm.xlane v0, v8;
	_ =	sdelay $0x1  }
0x1df: {  	v2 =	vperm.xlane v0, v9;
	v1 =	vadd.s32 v3, v1;
	_ =	sdelay $0x1  }
0x1e0: {  	v4 =	vperm.xlane v0, v10;
	v2 =	vadd.s32 v3, v2;
	_ =	sdelay $0x1  }
0x1e1: {  	s23 =	simm.s32 $0xA800;
	v5 =	vperm.xlane v0, v6;
	v4 =	vadd.s32 v3, v4  }
0x1e2: {  	[tilespmem:s23], [sflag:$0x4] =	stream.indirect_vreg.gather [hbm4b:s7+s2], $0x80, v1, vm0, $0xb8;
	[tilespmem:$0xC700] =	vst v63  }
0x1e3: {  	s24 =	simm.s32 $0xA880;
	v1 =	vadd.s32 v3, v5;
	v5 =	vperm.xlane v0, v11  }
0x1e4: {  	[tilespmem:s24], [sflag:$0x4] =	stream.indirect_vreg.gather [hbm4b:s7+s2], $0x80, v2, vm0, $0xb8;
	[tilespmem:$0xC700] =	vst v63  }
0x1e5: {  	s22 =	simm.s32 $0xA900;
	v2 =	vadd.s32 v3, v5;
	v5 =	vperm.xlane v0, v12  }
0x1e6: {  	[tilespmem:s22], [sflag:$0x4] =	stream.indirect_vreg.gather [hbm4b:s7+s2], $0x80, v4, vm0, $0xb8;
	[tilespmem:$0xC700] =	vst v63  }
0x1e7: {  	s23 =	simm.s32 $0xA980;
	v4 =	vadd.s32 v3, v5;
	v5 =	vperm.xlane v0, v13  }
0x1e8: {  	[tilespmem:s23], [sflag:$0x4] =	stream.indirect_vreg.gather [hbm4b:s7+s2], $0x80, v1, vm0, $0xb8;
	[tilespmem:$0xC700] =	vst v63  }
0x1e9: {  	s24 =	simm.s32 $0xAA00;
	v1 =	vadd.s32 v3, v5;
	v5 =	vperm.xlane v0, v7  }
0x1ea: {  	[tilespmem:s24], [sflag:$0x4] =	stream.indirect_vreg.gather [hbm4b:s7+s2], $0x80, v2, vm0, $0xb8;
	[tilespmem:$0xC700] =	vst v63  }
0x1eb: {  	s22 =	simm.s32 $0xAA80;
	v2 =	vadd.s32 v3, v5;
	v5 =	vperm.xlane v0, v14  }
0x1ec: {  	[tilespmem:s22], [sflag:$0x4] =	stream.indirect_vreg.gather [hbm4b:s7+s2], $0x80, v4, vm0, $0xb8;
	[tilespmem:$0xC700] =	vst v63  }
0x1ed: {  	s23 =	simm.s32 $0xAB00;
	v4 =	vadd.s32 v3, v5;
	v5 =	vperm.xlane v0, v15  }
0x1ee: {  	[tilespmem:s23], [sflag:$0x4] =	stream.indirect_vreg.gather [hbm4b:s7+s2], $0x80, v1, vm0, $0xb8;
	[tilespmem:$0xC700] =	vst v63  }
0x1ef: {  	s24 =	simm.s32 $0xAB80;
	v1 =	vadd.s32 v3, v5;
	v5 =	vperm.xlane v0, v16  }
0x1f0: {  	[tilespmem:s24], [sflag:$0x4] =	stream.indirect_vreg.gather [hbm4b:s7+s2], $0x80, v2, vm0, $0xb8;
	[tilespmem:$0xC700] =	vst v63  }
0x1f1: {  	s22 =	simm.s32 $0xAC00;
	v2 =	vadd.s32 v3, v5;
	v5 =	vperm.xlane v0, v17  }
0x1f2: {  	[tilespmem:s22], [sflag:$0x4] =	stream.indirect_vreg.gather [hbm4b:s7+s2], $0x80, v4, vm0, $0xb8;
	[tilespmem:$0xC700] =	vst v63  }
0x1f3: {  	s23 =	simm.s32 $0xAC80;
	v4 =	vadd.s32 v3, v5;
	v5 =	vperm.xlane v0, v18  }
0x1f4: {  	[tilespmem:s23], [sflag:$0x4] =	stream.indirect_vreg.gather [hbm4b:s7+s2], $0x80, v1, vm0, $0xb8;
	[tilespmem:$0xC700] =	vst v63  }
0x1f5: {  	s24 =	simm.s32 $0xAD00;
	v1 =	vadd.s32 v3, v5;
	v5 =	vperm.xlane v0, v19  }
0x1f6: {  	[tilespmem:s24], [sflag:$0x4] =	stream.indirect_vreg.gather [hbm4b:s7+s2], $0x80, v2, vm0, $0xb8;
	[tilespmem:$0xC700] =	vst v63  }
0x1f7: {  	s22 =	simm.s32 $0xAD80;
	v2 =	vadd.s32 v3, v5;
	v5 =	vperm.xlane v0, v20  }
0x1f8: {  	[tilespmem:s22], [sflag:$0x4] =	stream.indirect_vreg.gather [hbm4b:s7+s2], $0x80, v4, vm0, $0xb8;
	[tilespmem:$0xC700] =	vst v63  }
0x1f9: {  	s23 =	simm.s32 $0xAE00;
	v0 =	vperm.xlane v0, v21;
	v4 =	vadd.s32 v3, v5  }
0x1fa: {  	[tilespmem:s23], [sflag:$0x4] =	stream.indirect_vreg.gather [hbm4b:s7+s2], $0x80, v1, vm0, $0xb8;
	[tilespmem:$0xC700] =	vst v63  }
0x1fb: {  	s24 =	simm.s32 $0xAE80;
	v0 =	vadd.s32 v3, v0  }
0x1fc: {  	[tilespmem:s24], [sflag:$0x4] =	stream.indirect_vreg.gather [hbm4b:s7+s2], $0x80, v2, vm0, $0xb8;
	[tilespmem:$0xC700] =	vst v63  }
0x1fd: {  	_ = 	snop  }
0x1fe: {  	[tilespmem:s25], [sflag:$0x4] =	stream.indirect_vreg.gather [hbm4b:s7+s2], $0x80, v4, vm0, $0xb8;
	[tilespmem:$0xC700] =	vst v63  }
0x1ff: {  	_ = 	snop  }
0x200: {  	[tilespmem:s26], [sflag:$0x4] =	stream.indirect_vreg.gather [hbm4b:s7+s2], $0x80, v0, vm0, $0xb8;
	[tilespmem:$0xC700] =	vst v63  }
0x201: {  	v0 =	vld [tilespmem:$0xA0];
	_ =	sdelay $0x4  }
0x202: {  	v1 =	vshrl.u32 v0, $0x3  }
0x203: {  	v1 =	vmul.u32 $0x18, v1  }
0x204: {  	v0 =	vand.u32 $0x7, v0  }
0x205: {  	v0 =	vor.u32 v0, v1  }
0x206: {  	v1 =	vperm.xlane v0, v8;
	_ =	sdelay $0x1  }
0x207: {  	v2 =	vperm.xlane v0, v9;
	v1 =	vadd.s32 v3, v1;
	_ =	sdelay $0x1  }
0x208: {  	v4 =	vperm.xlane v0, v10;
	v2 =	vadd.s32 v3, v2;
	_ =	sdelay $0x1  }
0x209: {  	v5 =	vperm.xlane v0, v6;
	v4 =	vadd.s32 v3, v4  }
0x20a: {  	[tilespmem:s28], [sflag:$0x4] =	stream.indirect_vreg.gather [hbm4b:s7+s2], $0x80, v1, vm0, $0xb8;
	[tilespmem:$0xC700] =	vst v63  }
0x20b: {  	v1 =	vadd.s32 v3, v5;
	v5 =	vperm.xlane v0, v11  }
0x20c: {  	[tilespmem:s29], [sflag:$0x4] =	stream.indirect_vreg.gather [hbm4b:s7+s2], $0x80, v2, vm0, $0xb8;
	[tilespmem:$0xC700] =	vst v63  }
0x20d: {  	v2 =	vadd.s32 v3, v5;
	v5 =	vperm.xlane v0, v12  }
0x20e: {  	[tilespmem:s30], [sflag:$0x4] =	stream.indirect_vreg.gather [hbm4b:s7+s2], $0x80, v4, vm0, $0xb8;
	[tilespmem:$0xC700] =	vst v63  }
0x20f: {  	v4 =	vadd.s32 v3, v5;
	v5 =	vperm.xlane v0, v13  }
0x210: {  	[tilespmem:s31], [sflag:$0x4] =	stream.indirect_vreg.gather [hbm4b:s7+s2], $0x80, v1, vm0, $0xb8;
	[tilespmem:$0xC700] =	vst v63  }
0x211: {  	v1 =	vadd.s32 v3, v5;
	v5 =	vperm.xlane v0, v7  }
0x212: {  	[tilespmem:s0], [sflag:$0x4] =	stream.indirect_vreg.gather [hbm4b:s7+s2], $0x80, v2, vm0, $0xb8;
	[tilespmem:$0xC700] =	vst v63  }
0x213: {  	v2 =	vadd.s32 v3, v5;
	v5 =	vperm.xlane v0, v14  }
0x214: {  	[tilespmem:s1], [sflag:$0x4] =	stream.indirect_vreg.gather [hbm4b:s7+s2], $0x80, v4, vm0, $0xb8;
	[tilespmem:$0xC700] =	vst v63  }
0x215: {  	v4 =	vadd.s32 v3, v5;
	v5 =	vperm.xlane v0, v15  }
0x216: {  	[tilespmem:s11], [sflag:$0x4] =	stream.indirect_vreg.gather [hbm4b:s7+s2], $0x80, v1, vm0, $0xb8;
	[tilespmem:$0xC700] =	vst v63  }
0x217: {  	v1 =	vadd.s32 v3, v5;
	v5 =	vperm.xlane v0, v16  }
0x218: {  	[tilespmem:s12], [sflag:$0x4] =	stream.indirect_vreg.gather [hbm4b:s7+s2], $0x80, v2, vm0, $0xb8;
	[tilespmem:$0xC700] =	vst v63  }
0x219: {  	v2 =	vadd.s32 v3, v5;
	v5 =	vperm.xlane v0, v17  }
0x21a: {  	[tilespmem:s4], [sflag:$0x4] =	stream.indirect_vreg.gather [hbm4b:s7+s2], $0x80, v4, vm0, $0xb8;
	[tilespmem:$0xC700] =	vst v63  }
0x21b: {  	v4 =	vadd.s32 v3, v5;
	v5 =	vperm.xlane v0, v18  }
0x21c: {  	[tilespmem:s5], [sflag:$0x4] =	stream.indirect_vreg.gather [hbm4b:s7+s2], $0x80, v1, vm0, $0xb8;
	[tilespmem:$0xC700] =	vst v63  }
0x21d: {  	v1 =	vadd.s32 v3, v5;
	v5 =	vperm.xlane v0, v19  }
0x21e: {  	[tilespmem:s6], [sflag:$0x4] =	stream.indirect_vreg.gather [hbm4b:s7+s2], $0x80, v2, vm0, $0xb8;
	[tilespmem:$0xC700] =	vst v63  }
0x21f: {  	v2 =	vadd.s32 v3, v5;
	v5 =	vperm.xlane v0, v20  }
0x220: {  	[tilespmem:s8], [sflag:$0x4] =	stream.indirect_vreg.gather [hbm4b:s7+s2], $0x80, v4, vm0, $0xb8;
	[tilespmem:$0xC700] =	vst v63  }
0x221: {  	v0 =	vperm.xlane v0, v21;
	v4 =	vadd.s32 v3, v5  }
0x222: {  	[tilespmem:s9], [sflag:$0x4] =	stream.indirect_vreg.gather [hbm4b:s7+s2], $0x80, v1, vm0, $0xb8;
	[tilespmem:$0xC700] =	vst v63  }
0x223: {  	v0 =	vadd.s32 v3, v0  }
0x224: {  	[tilespmem:s10], [sflag:$0x4] =	stream.indirect_vreg.gather [hbm4b:s7+s2], $0x80, v2, vm0, $0xb8;
	[tilespmem:$0xC700] =	vst v63  }
0x225: {  	_ = 	snop  }
0x226: {  	[tilespmem:s13], [sflag:$0x4] =	stream.indirect_vreg.gather [hbm4b:s7+s2], $0x80, v4, vm0, $0xb8;
	[tilespmem:$0xC700] =	vst v63  }
0x227: {  	_ = 	snop  }
0x228: {  	[tilespmem:s14], [sflag:$0x4] =	stream.indirect_vreg.gather [hbm4b:s7+s2], $0x80, v0, vm0, $0xb8;
	[tilespmem:$0xC700] =	vst v63  }
0x229: {  	v0 =	vld.msk [tilespmem:$0xB0], $0x3;
	_ =	sdelay $0x4  }
0x22a: {  	v1 =	vshrl.u32 v0, $0x3  }
0x22b: {  	v1 =	vmul.u32 $0x18, v1  }
0x22c: {  	v0 =	vand.u32 $0x7, v0  }
0x22d: {  	v0 =	vor.u32 v0, v1  }
0x22e: {  	v1 =	vperm.xlane v0, v8;
	_ =	sdelay $0x1  }
0x22f: {  	v0 =	vperm.xlane v0, v9;
	v1 =	vadd.s32 v3, v1;
	_ =	sdelay $0x1  }
0x230: {  	v0 =	vadd.s32 v3, v0;
	_ =	sdelay $0x2  }
0x231: {  	[tilespmem:s15], [sflag:$0x4] =	stream.indirect_vreg.gather [hbm4b:s7+s2], $0x80, v1, vm0, $0xb8;
	[tilespmem:$0xC700] =	vst v63  }
0x232: {  	s21 =	simm.s32 $0x0  }
0x233: {  	[tilespmem:s16], [sflag:$0x4] =	stream.indirect_vreg.gather [hbm4b:s7+s2], $0x80, v0, vm0, $0xb8;
	[tilespmem:$0xC700] =	vst v63  }
.LBB2_2:
0x234: {  	_ =	swait.ge [sflag:s17], $0x1900  }
0x235: {  	[sflag:s17] =	ssyncset.done $0x0  }
0x236: {  	[sflag:s17] =	ssyncadd.s32 $0xFFFFE700  }
0x237: {  	_ =	swait.ge [sflag:s18], $0x1900  }
0x238: {  	[sflag:s18] =	ssyncset.done $0x0  }
0x239: {  	s24 =	simm.s32 $0x0;
	[sflag:s18] =	ssyncadd.s32 $0xFFFFE700  }
0x23a: {  	v0 =	vld [tilespmem:s24+$0x8070]  }
0x23b: {  	v1 =	vld [tilespmem:s24+$0x4000]  }
0x23c: {  	v2 =	vld [tilespmem:s24+$0x4010]  }
0x23d: {  	v4 =	vld [tilespmem:s24+$0x4020]  }
0x23e: {  	v5 =	vld [tilespmem:s24+$0x4030]  }
0x23f: {  	v6 =	vld [tilespmem:s24+$0x4040]  }
0x240: {  	v7 =	vld [tilespmem:s24+$0x4050]  }
0x241: {  	v8 =	vld [tilespmem:s24+$0x4060]  }
0x242: {  	v9 =	vld [tilespmem:s24+$0x4070]  }
0x243: {  	v60 =	vimm.f32 $0.0e+00;
	v10 =	vld [tilespmem:s24+$0x8000]  }
0x244: {  	v50 =	vadd.f32 v0, v60;
	v0 =	vld [tilespmem:s24+$0x8010];
	v61 =	vadd.f32 v1, v60  }
0x245: {  	v19 =	vld [tilespmem:s24+$0x8020];
	v62 =	vadd.f32 v2, v60;
	v59 =	vadd.f32 v4, v60  }
0x246: {  	v25 =	vld [tilespmem:s24+$0x8030];
	v57 =	vadd.f32 v5, v60;
	v53 =	vadd.f32 v6, v60  }
0x247: {  	v12 =	vimm.f32 $0.0e+00;
	v20 =	vld [tilespmem:s24+$0x8040];
	v54 =	vadd.f32 v7, v60;
	v51 =	vadd.f32 v8, v60  }
0x248: {  	v23 =	vld [tilespmem:s24+$0x8050];
	v52 =	vadd.f32 v9, v60;
	v46 =	vadd.f32 v10, v60;
	v8 =	vimm.f32 $0.0e+00  }
0x249: {  	s22 =	simm.s32 $0x80;
	s23 =	simm.s32 $0x400;
	v26 =	vld [tilespmem:s24+$0x8060];
	v9 =	vimm.f32 $0.0e+00;
	v6 =	vimm.f32 $0.0e+00;
	v48 =	vadd.f32 v0, v60  }
.LBB2_3:
0x24a: {  	p0 =	sne.s32 s23, $0x6200;
	v0 =	vld [tilespmem:s22+$0x8070];
	v60 =	vadd.f32 v19, v60  }
0x24b: {  	v1 =	vld [tilespmem:s22+$0x4000];
	v12 =	vadd.f32 v25, v12  }
0x24c: {  	v2 =	vld [tilespmem:s22+$0x4010];
	v8 =	vadd.f32 v20, v8  }
0x24d: {  	v4 =	vld [tilespmem:s22+$0x4020];
	v9 =	vadd.f32 v23, v9  }
0x24e: {  	v5 =	vld [tilespmem:s22+$0x4030];
	v6 =	vadd.f32 v26, v6  }
0x24f: {  	v7 =	vld [tilespmem:s22+$0x4040];
	v50 =	vadd.f32 v0, v50  }
0x250: {  	v61 =	vadd.f32 v1, v61;
	v0 =	vld [tilespmem:s22+$0x4050]  }
0x251: {  	v62 =	vadd.f32 v2, v62;
	v1 =	vld [tilespmem:s22+$0x4060]  }
0x252: {  	v59 =	vadd.f32 v4, v59;
	v2 =	vld [tilespmem:s22+$0x4070]  }
0x253: {  	v57 =	vadd.f32 v5, v57;
	v4 =	vld [tilespmem:s22+$0x8000]  }
0x254: {  	v53 =	vadd.f32 v7, v53;
	v5 =	vld [tilespmem:s22+$0x8010]  }
.Ltmp0:
0x255: {  	v54 =	vadd.f32 v0, v54;
	v19 =	vld [tilespmem:s22+$0x8020];
	(pc) =	sbr.rel @p0 .LBB2_3-.Ltmp0, $4  }
0x256: {  	v51 =	vadd.f32 v1, v51;
	v25 =	vld [tilespmem:s22+$0x8030]  }
0x257: {  	v52 =	vadd.f32 v2, v52;
	v20 =	vld [tilespmem:s22+$0x8040]  }
0x258: {  	v46 =	vadd.f32 v4, v46;
	v23 =	vld [tilespmem:s22+$0x8050]  }
0x259: {  	v48 =	vadd.f32 v5, v48;
	v26 =	vld [tilespmem:s22+$0x8060];
	s22 =	sshra.s32 s23, $0x2;
	s23 =	sadd.s32 $0x200, s23  }
0x25a: {  	v0 =	vld [tilespmem:s22+$0x8030];
	_ =	sdelay $0x4  }
0x25b: {  	[tilespmem:$0x1FB80] =	vst v0;
	v0 =	vld [tilespmem:s22+$0x8040];
	_ =	sdelay $0x4  }
0x25c: {  	[tilespmem:$0x1FB90] =	vst v0;
	v0 =	vld [tilespmem:s22+$0x8050];
	_ =	sdelay $0x4  }
0x25d: {  	[tilespmem:$0x1FBA0] =	vst v0;
	v0 =	vld [tilespmem:s22+$0x8060];
	_ =	sdelay $0x4  }
0x25e: {  	[tilespmem:$0x1FBB0] =	vst v0;
	v0 =	vld [tilespmem:$0xC1C0];
	_ =	sdelay $0x4  }
0x25f: {  	[tilespmem:$0x1FBC0] =	vst v0;
	v0 =	vld [tilespmem:$0xC200];
	_ =	sdelay $0x4  }
0x260: {  	[tilespmem:$0x1FBF0] =	vst v0;
	v0 =	vld [tilespmem:$0xC240];
	_ =	sdelay $0x4  }
0x261: {  	[tilespmem:$0x1FC10] =	vst v0;
	v0 =	vld [tilespmem:$0xC280];
	_ =	sdelay $0x4  }
0x262: {  	[tilespmem:$0x1FC50] =	vst v0;
	v0 =	vld [tilespmem:$0xC2C0];
	_ =	sdelay $0x4  }
0x263: {  	[tilespmem:$0x1FD00] =	vst v0;
	v0 =	vld [tilespmem:$0xC300];
	_ =	sdelay $0x4  }
0x264: {  	[tilespmem:$0x1FD50] =	vst v0;
	v0 =	vld [tilespmem:$0xC340];
	_ =	sdelay $0x4  }
0x265: {  	[tilespmem:$0x1FDB0] =	vst v0;
	v0 =	vld [tilespmem:$0xC380];
	_ =	sdelay $0x4  }
0x266: {  	[tilespmem:$0x1FDF0] =	vst v0;
	v0 =	vld [tilespmem:$0xC3C0];
	_ =	sdelay $0x4  }
0x267: {  	[tilespmem:$0x1FE80] =	vst v0;
	v0 =	vld [tilespmem:$0xC090];
	_ =	sdelay $0x4  }
0x268: {  	[tilespmem:$0x1FBD0] =	vst v0;
	v0 =	vld [tilespmem:$0xC0D0];
	_ =	sdelay $0x4  }
0x269: {  	[tilespmem:$0x1FBE0] =	vst v0;
	v0 =	vld [tilespmem:$0xC110];
	_ =	sdelay $0x4  }
0x26a: {  	[tilespmem:$0x1FC00] =	vst v0;
	v0 =	vld [tilespmem:$0xC150];
	_ =	sdelay $0x4  }
0x26b: {  	[tilespmem:$0x1FC20] =	vst v0;
	v0 =	vld [tilespmem:$0xC190];
	_ =	sdelay $0x4  }
0x26c: {  	[tilespmem:$0x1FC60] =	vst v0;
	v0 =	vld [tilespmem:$0xC1D0];
	_ =	sdelay $0x4  }
0x26d: {  	[tilespmem:$0x1FC90] =	vst v0;
	v0 =	vld [tilespmem:$0xC210];
	_ =	sdelay $0x4  }
0x26e: {  	[tilespmem:$0x1FCC0] =	vst v0;
	v0 =	vld [tilespmem:$0xC250];
	_ =	sdelay $0x4  }
0x26f: {  	[tilespmem:$0x1FD10] =	vst v0;
	v0 =	vld [tilespmem:$0xC290];
	_ =	sdelay $0x4  }
0x270: {  	[tilespmem:$0x1FD70] =	vst v0;
	v0 =	vld [tilespmem:$0xC2D0];
	_ =	sdelay $0x4  }
0x271: {  	[tilespmem:$0x1FDC0] =	vst v0;
	v0 =	vld [tilespmem:$0xC310];
	_ =	sdelay $0x4  }
0x272: {  	[tilespmem:$0x1FE00] =	vst v0;
	v0 =	vld [tilespmem:$0xC350];
	_ =	sdelay $0x4  }
0x273: {  	[tilespmem:$0x1FE50] =	vst v0;
	v0 =	vld [tilespmem:$0xC390];
	_ =	sdelay $0x4  }
0x274: {  	[tilespmem:$0x1FEC0] =	vst v0;
	v0 =	vld [tilespmem:$0xC3D0];
	_ =	sdelay $0x4  }
0x275: {  	[tilespmem:$0x1FF00] =	vst v0;
	v0 =	vld [tilespmem:$0xC020];
	_ =	sdelay $0x4  }
0x276: {  	[tilespmem:$0x1FC30] =	vst v0;
	v0 =	vld [tilespmem:$0xC060];
	_ =	sdelay $0x4  }
0x277: {  	[tilespmem:$0x1FC40] =	vst v0;
	v0 =	vld [tilespmem:$0xC0A0];
	_ =	sdelay $0x4  }
0x278: {  	[tilespmem:$0x1FC70] =	vst v0;
	v0 =	vld [tilespmem:$0xC0E0];
	_ =	sdelay $0x4  }
0x279: {  	[tilespmem:$0x1FCA0] =	vst v0;
	v0 =	vld [tilespmem:$0xC120];
	_ =	sdelay $0x4  }
0x27a: {  	[tilespmem:$0x1FCD0] =	vst v0;
	v0 =	vld [tilespmem:$0xC160];
	_ =	sdelay $0x4  }
0x27b: {  	[tilespmem:$0x1FD30] =	vst v0;
	v0 =	vld [tilespmem:$0xC1A0];
	_ =	sdelay $0x4  }
0x27c: {  	[tilespmem:$0x1FD60] =	vst v0;
	v0 =	vld [tilespmem:$0xC1E0];
	_ =	sdelay $0x3  }
0x27d: {  	v1 =	vld [tilespmem:$0xC070]  }
0x27e: {  	[tilespmem:$0x1FD90] =	vst v0;
	v0 =	vld [tilespmem:$0xC220];
	_ =	sdelay $0x3  }
0x27f: {  	[tilespmem:$0x1FCB0] =	vst v1;
	v1 =	vld [tilespmem:$0xC0B0]  }
0x280: {  	[tilespmem:$0x1FDD0] =	vst v0;
	v0 =	vld [tilespmem:$0xC260];
	_ =	sdelay $0x3  }
0x281: {  	[tilespmem:$0x1FCE0] =	vst v1;
	v1 =	vld [tilespmem:$0xC0F0]  }
0x282: {  	[tilespmem:$0x1FE10] =	vst v0;
	v0 =	vld [tilespmem:$0xC2A0];
	_ =	sdelay $0x3  }
0x283: {  	[tilespmem:$0x1FCF0] =	vst v1;
	v1 =	vld [tilespmem:$0xC130]  }
0x284: {  	[tilespmem:$0x1FE30] =	vst v0;
	v0 =	vld [tilespmem:$0xC2E0];
	_ =	sdelay $0x3  }
0x285: {  	[tilespmem:$0x1FD20] =	vst v1;
	v1 =	vld [tilespmem:$0xC170]  }
0x286: {  	[tilespmem:$0x1FE60] =	vst v0;
	v0 =	vld [tilespmem:$0xC320];
	_ =	sdelay $0x3  }
0x287: {  	[tilespmem:$0x1FD40] =	vst v1;
	v1 =	vld [tilespmem:$0xC1B0]  }
0x288: {  	[tilespmem:$0x1FE90] =	vst v0;
	v0 =	vld [tilespmem:$0xC360]  }
0x289: {  	v22 =	vld [tilespmem:s22+$0x8070]  }
0x28a: {  	v13 =	vld [tilespmem:s22+$0x4000]  }
0x28b: {  	v14 =	vld [tilespmem:s22+$0x4010]  }
0x28c: {  	[tilespmem:$0x1FD80] =	vst v1;
	v1 =	vld [tilespmem:$0xC1F0]  }
0x28d: {  	[tilespmem:$0x1FEB0] =	vst v0;
	v0 =	vld [tilespmem:$0xC3A0]  }
0x28e: {  	v15 =	vld [tilespmem:s22+$0x4020]  }
0x28f: {  	v17 =	vld [tilespmem:s22+$0x4030]  }
0x290: {  	v21 =	vld [tilespmem:s22+$0x4040]  }
0x291: {  	[tilespmem:$0x1FDA0] =	vst v1;
	v1 =	vld [tilespmem:$0xC230]  }
0x292: {  	[tilespmem:$0x1FEE0] =	vst v0;
	v0 =	vld [tilespmem:$0xC3E0]  }
0x293: {  	v18 =	vld [tilespmem:s22+$0x4050]  }
0x294: {  	v44 =	vld [tilespmem:s22+$0x4060]  }
0x295: {  	v43 =	vld [tilespmem:s22+$0x4070]  }
0x296: {  	[tilespmem:$0x1FDE0] =	vst v1;
	v1 =	vld [tilespmem:$0xC270]  }
0x297: {  	[tilespmem:$0x1FF10] =	vst v0;
	v0 =	vld [tilespmem:$0xC030]  }
0x298: {  	v55 =	vld [tilespmem:s22+$0x8000]  }
0x299: {  	v56 =	vld [tilespmem:s22+$0x8010]  }
0x29a: {  	v58 =	vld [tilespmem:s22+$0x8020];
	s24 =	sshll.u32 s21, $0x8  }
0x29b: {  	s22 =	sand.u32 $0x3FFFFF00, s24;
	[tilespmem:$0x1FE20] =	vst v1;
	v1 =	vld [tilespmem:$0xC2B0]  }
0x29c: {  	[tilespmem:$0x1FC80] =	vst v0;
	v0 =	vld [tilespmem:s22+$0x100];
	_ =	sdelay $0x3  }
0x29d: {  	[tilespmem:$0x1FE40] =	vst v1;
	v1 =	vld [tilespmem:$0xC2F0]  }
0x29e: {  	v63 =	vshrl.u32 v0, $0x3  }
0x29f: {  	v63 =	vmul.u32 $0x18, v63  }
0x2a0: {  	v0 =	vand.u32 $0x7, v0  }
0x2a1: {  	v40 =	vimm.s32 $0x1;
	v2 =	vld [tilespmem:$0xC330];
	v0 =	vor.u32 v0, v63  }
0x2a2: {  	[tilespmem:$0x1FE70] =	vst v1;
	v1 =	vperm.xlane v0, v40;
	_ =	sdelay $0x1  }
0x2a3: {  	v4 =	vadd.s32 v3, v1;
	v1 =	vld [tilespmem:$0xC370];
	_ =	sdelay $0x1  }
0x2a4: {  	[tilespmem:$0x1FEA0] =	vst v2;
	v2 =	vld [tilespmem:$0xC3B0];
	_ =	sdelay $0x1  }
0x2a5: {  	v5 =	vld [tilespmem:$0xC000];
	v24 =	vimm.s32 $0x2  }
0x2a6: {  	v7 =	vld [tilespmem:$0xC040];
	v38 =	vimm.s32 $0x0;
	[tilespmem:$0x1FED0] =	vst v1;
	v1 =	vperm.xlane v0, v24  }
0x2a7: {  	v10 =	vld [tilespmem:$0xC080];
	v63 =	vperm.xlane v0, v38  }
0x2a8: {  	[tilespmem:$0x1FEF0] =	vst v2;
	v2 =	vadd.s32 v3, v1;
	v1 =	vld [tilespmem:$0xC3F0]  }
0x2a9: {  	v11 =	vld [tilespmem:$0xC0C0];
	v63 =	vadd.s32 v3, v63  }
0x2aa: {  	v16 =	vld [tilespmem:$0xC100]  }
0x2ab: {  	v42 =	vld [tilespmem:$0xC140]  }
0x2ac: {  	v49 =	vld [tilespmem:$0xC180];
	v27 =	vimm.s32 $0x3  }
0x2ad: {  	v47 =	vld [tilespmem:$0xC010];
	s23 =	simm.s32 $0x0;
	s24 =	simm.s32 $0x4000;
	[tilespmem:$0x1FF20] =	vst v1;
	v1 =	vperm.xlane v0, v27  }
0x2ae: {  	v45 =	vld [tilespmem:$0xC050];
	v28 =	vimm.s32 $0x4;
	[tilespmem:s24], [sflag:$0x1] =	stream.indirect_vreg.gather [hbm4b:s3+s23], $0x80, v63, vm0, $0xb8  }
0x2af: {  	v37 =	vperm.xlane v0, v28;
	s24 =	simm.s32 $0x4080;
	v1 =	vadd.s32 v3, v1  }
0x2b0: {  	[tilespmem:s24], [sflag:$0x1] =	stream.indirect_vreg.gather [hbm4b:s3+s23], $0x80, v4, vm0, $0xb8;
	[tilespmem:$0xC700] =	vst v63  }
0x2b1: {  	v29 =	vimm.s32 $0x5;
	v4 =	vadd.s32 v3, v37;
	s24 =	simm.s32 $0x4100  }
0x2b2: {  	v39 =	vperm.xlane v0, v29;
	[tilespmem:s24], [sflag:$0x1] =	stream.indirect_vreg.gather [hbm4b:s3+s23], $0x80, v2, vm0, $0xb8;
	[tilespmem:$0xC700] =	vst v63  }
0x2b3: {  	v31 =	vimm.s32 $0x7;
	s24 =	simm.s32 $0x4180  }
0x2b4: {  	v30 =	vimm.s32 $0x6;
	v32 =	vperm.xlane v0, v31;
	v2 =	vadd.s32 v3, v39;
	[tilespmem:s24], [sflag:$0x1] =	stream.indirect_vreg.gather [hbm4b:s3+s23], $0x80, v1, vm0, $0xb8;
	[tilespmem:$0xC700] =	vst v63  }
0x2b5: {  	v41 =	vperm.xlane v0, v30;
	s24 =	simm.s32 $0x4200  }
0x2b6: {  	[tilespmem:s24], [sflag:$0x1] =	stream.indirect_vreg.gather [hbm4b:s3+s23], $0x80, v4, vm0, $0xb8;
	v4 =	vadd.s32 v3, v32;
	v32 =	vimm.s32 $0x8;
	[tilespmem:$0xC700] =	vst v63  }
0x2b7: {  	v1 =	vadd.s32 v3, v41;
	v33 =	vperm.xlane v0, v32  }
0x2b8: {  	s24 =	simm.s32 $0x4280  }
0x2b9: {  	[tilespmem:s24], [sflag:$0x1] =	stream.indirect_vreg.gather [hbm4b:s3+s23], $0x80, v2, vm0, $0xb8;
	v2 =	vadd.s32 v3, v33;
	v33 =	vimm.s32 $0x9;
	[tilespmem:$0xC700] =	vst v63  }
0x2ba: {  	v34 =	vperm.xlane v0, v33  }
0x2bb: {  	s24 =	simm.s32 $0x4300  }
0x2bc: {  	[tilespmem:s24], [sflag:$0x1] =	stream.indirect_vreg.gather [hbm4b:s3+s23], $0x80, v1, vm0, $0xb8;
	v1 =	vadd.s32 v3, v34;
	v34 =	vimm.s32 $0xA;
	[tilespmem:$0xC700] =	vst v63  }
0x2bd: {  	v35 =	vperm.xlane v0, v34  }
0x2be: {  	s24 =	simm.s32 $0x4380  }
0x2bf: {  	[tilespmem:s24], [sflag:$0x1] =	stream.indirect_vreg.gather [hbm4b:s3+s23], $0x80, v4, vm0, $0xb8;
	v4 =	vadd.s32 v3, v35;
	v35 =	vimm.s32 $0xB;
	[tilespmem:$0xC700] =	vst v63  }
0x2c0: {  	v36 =	vperm.xlane v0, v35  }
0x2c1: {  	s24 =	simm.s32 $0x4400  }
0x2c2: {  	[tilespmem:s24], [sflag:$0x1] =	stream.indirect_vreg.gather [hbm4b:s3+s23], $0x80, v2, vm0, $0xb8;
	v2 =	vadd.s32 v3, v36;
	v36 =	vimm.s32 $0xC;
	[tilespmem:$0xC700] =	vst v63  }
0x2c3: {  	v37 =	vperm.xlane v0, v36  }
0x2c4: {  	s24 =	simm.s32 $0x4480  }
0x2c5: {  	[tilespmem:s24], [sflag:$0x1] =	stream.indirect_vreg.gather [hbm4b:s3+s23], $0x80, v1, vm0, $0xb8;
	v1 =	vadd.s32 v3, v37;
	v37 =	vimm.s32 $0xD;
	[tilespmem:$0xC700] =	vst v63  }
0x2c6: {  	v39 =	vperm.xlane v0, v37  }
0x2c7: {  	s24 =	simm.s32 $0x4500  }
0x2c8: {  	[tilespmem:s24], [sflag:$0x1] =	stream.indirect_vreg.gather [hbm4b:s3+s23], $0x80, v4, vm0, $0xb8;
	v4 =	vadd.s32 v3, v39;
	v39 =	vimm.s32 $0xE;
	[tilespmem:$0xC700] =	vst v63  }
0x2c9: {  	v41 =	vperm.xlane v0, v39  }
0x2ca: {  	s24 =	simm.s32 $0x4580  }
0x2cb: {  	[tilespmem:s24], [sflag:$0x1] =	stream.indirect_vreg.gather [hbm4b:s3+s23], $0x80, v2, vm0, $0xb8;
	v2 =	vadd.s32 v3, v41;
	v41 =	vimm.s32 $0xF;
	[tilespmem:$0xC700] =	vst v63  }
0x2cc: {  	s24 =	simm.s32 $0x4600;
	v0 =	vperm.xlane v0, v41  }
0x2cd: {  	[tilespmem:s24], [sflag:$0x1] =	stream.indirect_vreg.gather [hbm4b:s3+s23], $0x80, v1, vm0, $0xb8;
	[tilespmem:$0xC700] =	vst v63  }
0x2ce: {  	s24 =	simm.s32 $0x4680;
	v0 =	vadd.s32 v3, v0  }
0x2cf: {  	[tilespmem:s24], [sflag:$0x1] =	stream.indirect_vreg.gather [hbm4b:s3+s23], $0x80, v4, vm0, $0xb8;
	[tilespmem:$0xC700] =	vst v63  }
0x2d0: {  	s24 =	simm.s32 $0x4700  }
0x2d1: {  	[tilespmem:s24], [sflag:$0x1] =	stream.indirect_vreg.gather [hbm4b:s3+s23], $0x80, v2, vm0, $0xb8;
	[tilespmem:$0xC700] =	vst v63  }
0x2d2: {  	s24 =	simm.s32 $0x4780  }
0x2d3: {  	[tilespmem:s24], [sflag:$0x1] =	stream.indirect_vreg.gather [hbm4b:s3+s23], $0x80, v0, vm0, $0xb8;
	[tilespmem:$0xC700] =	vst v63  }
0x2d4: {  	v0 =	vld [tilespmem:s22+$0x110];
	_ =	sdelay $0x4  }
0x2d5: {  	v1 =	vshrl.u32 v0, $0x3  }
0x2d6: {  	v1 =	vmul.u32 $0x18, v1  }
0x2d7: {  	v0 =	vand.u32 $0x7, v0  }
0x2d8: {  	v0 =	vor.u32 v0, v1  }
0x2d9: {  	v1 =	vperm.xlane v0, v38;
	_ =	sdelay $0x1  }
0x2da: {  	v2 =	vperm.xlane v0, v40;
	v1 =	vadd.s32 v3, v1;
	_ =	sdelay $0x1  }
0x2db: {  	v4 =	vperm.xlane v0, v24;
	v2 =	vadd.s32 v3, v2;
	_ =	sdelay $0x1  }
0x2dc: {  	s24 =	simm.s32 $0x4800;
	v63 =	vperm.xlane v0, v27;
	v4 =	vadd.s32 v3, v4  }
0x2dd: {  	[tilespmem:s24], [sflag:$0x1] =	stream.indirect_vreg.gather [hbm4b:s3+s23], $0x80, v1, vm0, $0xb8;
	[tilespmem:$0xC700] =	vst v63  }
0x2de: {  	v1 =	vadd.s32 v3, v63;
	v63 =	vperm.xlane v0, v28;
	s24 =	simm.s32 $0x4880  }
0x2df: {  	[tilespmem:s24], [sflag:$0x1] =	stream.indirect_vreg.gather [hbm4b:s3+s23], $0x80, v2, vm0, $0xb8;
	[tilespmem:$0xC700] =	vst v63  }
0x2e0: {  	v2 =	vadd.s32 v3, v63;
	v63 =	vperm.xlane v0, v29;
	s24 =	simm.s32 $0x4900  }
0x2e1: {  	[tilespmem:s24], [sflag:$0x1] =	stream.indirect_vreg.gather [hbm4b:s3+s23], $0x80, v4, vm0, $0xb8;
	[tilespmem:$0xC700] =	vst v63  }
0x2e2: {  	v4 =	vadd.s32 v3, v63;
	v63 =	vperm.xlane v0, v30;
	s24 =	simm.s32 $0x4980  }
0x2e3: {  	[tilespmem:s24], [sflag:$0x1] =	stream.indirect_vreg.gather [hbm4b:s3+s23], $0x80, v1, vm0, $0xb8;
	[tilespmem:$0xC700] =	vst v63  }
0x2e4: {  	v1 =	vadd.s32 v3, v63;
	v63 =	vperm.xlane v0, v31;
	s24 =	simm.s32 $0x4A00  }
0x2e5: {  	[tilespmem:s24], [sflag:$0x1] =	stream.indirect_vreg.gather [hbm4b:s3+s23], $0x80, v2, vm0, $0xb8;
	[tilespmem:$0xC700] =	vst v63  }
0x2e6: {  	v2 =	vadd.s32 v3, v63;
	v63 =	vperm.xlane v0, v32;
	s24 =	simm.s32 $0x4A80  }
0x2e7: {  	[tilespmem:s24], [sflag:$0x1] =	stream.indirect_vreg.gather [hbm4b:s3+s23], $0x80, v4, vm0, $0xb8;
	[tilespmem:$0xC700] =	vst v63  }
0x2e8: {  	v4 =	vadd.s32 v3, v63;
	v63 =	vperm.xlane v0, v33;
	s24 =	simm.s32 $0x4B00  }
0x2e9: {  	[tilespmem:s24], [sflag:$0x1] =	stream.indirect_vreg.gather [hbm4b:s3+s23], $0x80, v1, vm0, $0xb8;
	[tilespmem:$0xC700] =	vst v63  }
0x2ea: {  	v1 =	vadd.s32 v3, v63;
	v63 =	vperm.xlane v0, v34;
	s24 =	simm.s32 $0x4B80  }
0x2eb: {  	[tilespmem:s24], [sflag:$0x1] =	stream.indirect_vreg.gather [hbm4b:s3+s23], $0x80, v2, vm0, $0xb8;
	[tilespmem:$0xC700] =	vst v63  }
0x2ec: {  	v2 =	vadd.s32 v3, v63;
	v63 =	vperm.xlane v0, v35;
	s24 =	simm.s32 $0x4C00  }
0x2ed: {  	[tilespmem:s24], [sflag:$0x1] =	stream.indirect_vreg.gather [hbm4b:s3+s23], $0x80, v4, vm0, $0xb8;
	[tilespmem:$0xC700] =	vst v63  }
0x2ee: {  	v4 =	vadd.s32 v3, v63;
	v63 =	vperm.xlane v0, v36;
	s24 =	simm.s32 $0x4C80  }
0x2ef: {  	[tilespmem:s24], [sflag:$0x1] =	stream.indirect_vreg.gather [hbm4b:s3+s23], $0x80, v1, vm0, $0xb8;
	[tilespmem:$0xC700] =	vst v63  }
0x2f0: {  	v1 =	vadd.s32 v3, v63;
	v63 =	vperm.xlane v0, v37;
	s24 =	simm.s32 $0x4D00  }
0x2f1: {  	[tilespmem:s24], [sflag:$0x1] =	stream.indirect_vreg.gather [hbm4b:s3+s23], $0x80, v2, vm0, $0xb8;
	[tilespmem:$0xC700] =	vst v63  }
0x2f2: {  	v2 =	vadd.s32 v3, v63;
	v63 =	vperm.xlane v0, v39;
	s24 =	simm.s32 $0x4D80  }
0x2f3: {  	[tilespmem:s24], [sflag:$0x1] =	stream.indirect_vreg.gather [hbm4b:s3+s23], $0x80, v4, vm0, $0xb8;
	[tilespmem:$0xC700] =	vst v63  }
0x2f4: {  	v0 =	vperm.xlane v0, v41;
	v4 =	vadd.s32 v3, v63;
	s24 =	simm.s32 $0x4E00  }
0x2f5: {  	[tilespmem:s24], [sflag:$0x1] =	stream.indirect_vreg.gather [hbm4b:s3+s23], $0x80, v1, vm0, $0xb8;
	[tilespmem:$0xC700] =	vst v63  }
0x2f6: {  	v0 =	vadd.s32 v3, v0;
	s24 =	simm.s32 $0x4E80  }
0x2f7: {  	[tilespmem:s24], [sflag:$0x1] =	stream.indirect_vreg.gather [hbm4b:s3+s23], $0x80, v2, vm0, $0xb8;
	[tilespmem:$0xC700] =	vst v63  }
0x2f8: {  	s24 =	simm.s32 $0x4F00  }
0x2f9: {  	[tilespmem:s24], [sflag:$0x1] =	stream.indirect_vreg.gather [hbm4b:s3+s23], $0x80, v4, vm0, $0xb8;
	[tilespmem:$0xC700] =	vst v63  }
0x2fa: {  	s24 =	simm.s32 $0x4F80  }
0x2fb: {  	[tilespmem:s24], [sflag:$0x1] =	stream.indirect_vreg.gather [hbm4b:s3+s23], $0x80, v0, vm0, $0xb8;
	[tilespmem:$0xC700] =	vst v63  }
0x2fc: {  	v0 =	vld [tilespmem:s22+$0x120];
	_ =	sdelay $0x4  }
0x2fd: {  	v1 =	vshrl.u32 v0, $0x3  }
0x2fe: {  	v1 =	vmul.u32 $0x18, v1  }
0x2ff: {  	v0 =	vand.u32 $0x7, v0  }
0x300: {  	v0 =	vor.u32 v0, v1  }
0x301: {  	v1 =	vperm.xlane v0, v38;
	_ =	sdelay $0x1  }
0x302: {  	v2 =	vperm.xlane v0, v40;
	v1 =	vadd.s32 v3, v1;
	_ =	sdelay $0x1  }
0x303: {  	v4 =	vperm.xlane v0, v24;
	v2 =	vadd.s32 v3, v2;
	_ =	sdelay $0x1  }
0x304: {  	s24 =	simm.s32 $0x5000;
	v63 =	vperm.xlane v0, v27;
	v4 =	vadd.s32 v3, v4  }
0x305: {  	[tilespmem:s24], [sflag:$0x1] =	stream.indirect_vreg.gather [hbm4b:s3+s23], $0x80, v1, vm0, $0xb8;
	[tilespmem:$0xC700] =	vst v63  }
0x306: {  	v1 =	vadd.s32 v3, v63;
	v63 =	vperm.xlane v0, v28;
	s24 =	simm.s32 $0x5080  }
0x307: {  	[tilespmem:s24], [sflag:$0x1] =	stream.indirect_vreg.gather [hbm4b:s3+s23], $0x80, v2, vm0, $0xb8;
	[tilespmem:$0xC700] =	vst v63  }
0x308: {  	v2 =	vadd.s32 v3, v63;
	v63 =	vperm.xlane v0, v29;
	s24 =	simm.s32 $0x5100  }
0x309: {  	[tilespmem:s24], [sflag:$0x1] =	stream.indirect_vreg.gather [hbm4b:s3+s23], $0x80, v4, vm0, $0xb8;
	[tilespmem:$0xC700] =	vst v63  }
0x30a: {  	v4 =	vadd.s32 v3, v63;
	v63 =	vperm.xlane v0, v30;
	s24 =	simm.s32 $0x5180  }
0x30b: {  	[tilespmem:s24], [sflag:$0x1] =	stream.indirect_vreg.gather [hbm4b:s3+s23], $0x80, v1, vm0, $0xb8;
	[tilespmem:$0xC700] =	vst v63  }
0x30c: {  	v1 =	vadd.s32 v3, v63;
	v63 =	vperm.xlane v0, v31;
	s24 =	simm.s32 $0x5200  }
0x30d: {  	[tilespmem:s24], [sflag:$0x1] =	stream.indirect_vreg.gather [hbm4b:s3+s23], $0x80, v2, vm0, $0xb8;
	[tilespmem:$0xC700] =	vst v63  }
0x30e: {  	v2 =	vadd.s32 v3, v63;
	v63 =	vperm.xlane v0, v32;
	s24 =	simm.s32 $0x5280  }
0x30f: {  	[tilespmem:s24], [sflag:$0x1] =	stream.indirect_vreg.gather [hbm4b:s3+s23], $0x80, v4, vm0, $0xb8;
	[tilespmem:$0xC700] =	vst v63  }
0x310: {  	v4 =	vadd.s32 v3, v63;
	v63 =	vperm.xlane v0, v33;
	s24 =	simm.s32 $0x5300  }
0x311: {  	[tilespmem:s24], [sflag:$0x1] =	stream.indirect_vreg.gather [hbm4b:s3+s23], $0x80, v1, vm0, $0xb8;
	[tilespmem:$0xC700] =	vst v63  }
0x312: {  	v1 =	vadd.s32 v3, v63;
	v63 =	vperm.xlane v0, v34;
	s24 =	simm.s32 $0x5380  }
0x313: {  	[tilespmem:s24], [sflag:$0x1] =	stream.indirect_vreg.gather [hbm4b:s3+s23], $0x80, v2, vm0, $0xb8;
	[tilespmem:$0xC700] =	vst v63  }
0x314: {  	v2 =	vadd.s32 v3, v63;
	v63 =	vperm.xlane v0, v35;
	s24 =	simm.s32 $0x5400  }
0x315: {  	[tilespmem:s24], [sflag:$0x1] =	stream.indirect_vreg.gather [hbm4b:s3+s23], $0x80, v4, vm0, $0xb8;
	[tilespmem:$0xC700] =	vst v63  }
0x316: {  	v4 =	vadd.s32 v3, v63;
	v63 =	vperm.xlane v0, v36;
	s24 =	simm.s32 $0x5480  }
0x317: {  	[tilespmem:s24], [sflag:$0x1] =	stream.indirect_vreg.gather [hbm4b:s3+s23], $0x80, v1, vm0, $0xb8;
	[tilespmem:$0xC700] =	vst v63  }
0x318: {  	v1 =	vadd.s32 v3, v63;
	v63 =	vperm.xlane v0, v37;
	s24 =	simm.s32 $0x5500  }
0x319: {  	[tilespmem:s24], [sflag:$0x1] =	stream.indirect_vreg.gather [hbm4b:s3+s23], $0x80, v2, vm0, $0xb8;
	[tilespmem:$0xC700] =	vst v63  }
0x31a: {  	v2 =	vadd.s32 v3, v63;
	v63 =	vperm.xlane v0, v39;
	s24 =	simm.s32 $0x5580  }
0x31b: {  	[tilespmem:s24], [sflag:$0x1] =	stream.indirect_vreg.gather [hbm4b:s3+s23], $0x80, v4, vm0, $0xb8;
	[tilespmem:$0xC700] =	vst v63  }
0x31c: {  	v0 =	vperm.xlane v0, v41;
	v4 =	vadd.s32 v3, v63;
	s24 =	simm.s32 $0x5600  }
0x31d: {  	[tilespmem:s24], [sflag:$0x1] =	stream.indirect_vreg.gather [hbm4b:s3+s23], $0x80, v1, vm0, $0xb8;
	[tilespmem:$0xC700] =	vst v63  }
0x31e: {  	v0 =	vadd.s32 v3, v0;
	s24 =	simm.s32 $0x5680  }
0x31f: {  	[tilespmem:s24], [sflag:$0x1] =	stream.indirect_vreg.gather [hbm4b:s3+s23], $0x80, v2, vm0, $0xb8;
	[tilespmem:$0xC700] =	vst v63  }
0x320: {  	s24 =	simm.s32 $0x5700  }
0x321: {  	[tilespmem:s24], [sflag:$0x1] =	stream.indirect_vreg.gather [hbm4b:s3+s23], $0x80, v4, vm0, $0xb8;
	[tilespmem:$0xC700] =	vst v63  }
0x322: {  	s24 =	simm.s32 $0x5780  }
0x323: {  	[tilespmem:s24], [sflag:$0x1] =	stream.indirect_vreg.gather [hbm4b:s3+s23], $0x80, v0, vm0, $0xb8;
	[tilespmem:$0xC700] =	vst v63  }
0x324: {  	v0 =	vld.msk [tilespmem:s22+$0x130], $0x3;
	_ =	sdelay $0x4  }
0x325: {  	v1 =	vshrl.u32 v0, $0x3  }
0x326: {  	v1 =	vmul.u32 $0x18, v1  }
0x327: {  	v0 =	vand.u32 $0x7, v0  }
0x328: {  	v0 =	vor.u32 v0, v1  }
0x329: {  	v1 =	vperm.xlane v0, v38;
	_ =	sdelay $0x1  }
0x32a: {  	v0 =	vperm.xlane v0, v40;
	v1 =	vadd.s32 v3, v1;
	_ =	sdelay $0x1  }
0x32b: {  	v0 =	vadd.s32 v3, v0;
	_ =	sdelay $0x1  }
0x32c: {  	s24 =	simm.s32 $0x5800  }
0x32d: {  	[tilespmem:s24], [sflag:$0x1] =	stream.indirect_vreg.gather [hbm4b:s3+s23], $0x80, v1, vm0, $0xb8;
	[tilespmem:$0xC700] =	vst v63  }
0x32e: {  	s24 =	simm.s32 $0x5880  }
0x32f: {  	[tilespmem:s24], [sflag:$0x1] =	stream.indirect_vreg.gather [hbm4b:s3+s23], $0x80, v0, vm0, $0xb8;
	[tilespmem:$0xC700] =	vst v63  }
0x330: {  	v0 =	vld [tilespmem:s22+$0x100];
	_ =	sdelay $0x4  }
0x331: {  	v1 =	vshrl.u32 v0, $0x3  }
0x332: {  	v1 =	vmul.u32 $0x18, v1  }
0x333: {  	v0 =	vand.u32 $0x7, v0  }
0x334: {  	v0 =	vor.u32 v0, v1  }
0x335: {  	v1 =	vperm.xlane v0, v38;
	_ =	sdelay $0x1  }
0x336: {  	v2 =	vperm.xlane v0, v40;
	v1 =	vadd.s32 v3, v1;
	_ =	sdelay $0x1  }
0x337: {  	v4 =	vperm.xlane v0, v24;
	v2 =	vadd.s32 v3, v2;
	_ =	sdelay $0x1  }
0x338: {  	s24 =	simm.s32 $0x8000;
	v63 =	vperm.xlane v0, v27;
	v4 =	vadd.s32 v3, v4  }
0x339: {  	[tilespmem:s24], [sflag:$0x3] =	stream.indirect_vreg.gather [hbm4b:s7+s23], $0x80, v1, vm0, $0xb8;
	[tilespmem:$0xC700] =	vst v63  }
0x33a: {  	v1 =	vadd.s32 v3, v63;
	v63 =	vperm.xlane v0, v28;
	s24 =	simm.s32 $0x8080  }
0x33b: {  	[tilespmem:s24], [sflag:$0x3] =	stream.indirect_vreg.gather [hbm4b:s7+s23], $0x80, v2, vm0, $0xb8;
	[tilespmem:$0xC700] =	vst v63  }
0x33c: {  	v2 =	vadd.s32 v3, v63;
	v63 =	vperm.xlane v0, v29;
	s24 =	simm.s32 $0x8100  }
0x33d: {  	[tilespmem:s24], [sflag:$0x3] =	stream.indirect_vreg.gather [hbm4b:s7+s23], $0x80, v4, vm0, $0xb8;
	[tilespmem:$0xC700] =	vst v63  }
0x33e: {  	v4 =	vadd.s32 v3, v63;
	v63 =	vperm.xlane v0, v30;
	s24 =	simm.s32 $0x8180  }
0x33f: {  	[tilespmem:s24], [sflag:$0x3] =	stream.indirect_vreg.gather [hbm4b:s7+s23], $0x80, v1, vm0, $0xb8;
	[tilespmem:$0xC700] =	vst v63  }
0x340: {  	v1 =	vadd.s32 v3, v63;
	v63 =	vperm.xlane v0, v31;
	s24 =	simm.s32 $0x8200  }
0x341: {  	[tilespmem:s24], [sflag:$0x3] =	stream.indirect_vreg.gather [hbm4b:s7+s23], $0x80, v2, vm0, $0xb8;
	[tilespmem:$0xC700] =	vst v63  }
0x342: {  	v2 =	vadd.s32 v3, v63;
	v63 =	vperm.xlane v0, v32;
	s24 =	simm.s32 $0x8280  }
0x343: {  	[tilespmem:s24], [sflag:$0x3] =	stream.indirect_vreg.gather [hbm4b:s7+s23], $0x80, v4, vm0, $0xb8;
	[tilespmem:$0xC700] =	vst v63  }
0x344: {  	v4 =	vadd.s32 v3, v63;
	v63 =	vperm.xlane v0, v33;
	s24 =	simm.s32 $0x8300  }
0x345: {  	[tilespmem:s24], [sflag:$0x3] =	stream.indirect_vreg.gather [hbm4b:s7+s23], $0x80, v1, vm0, $0xb8;
	[tilespmem:$0xC700] =	vst v63  }
0x346: {  	v1 =	vadd.s32 v3, v63;
	v63 =	vperm.xlane v0, v34;
	s24 =	simm.s32 $0x8380  }
0x347: {  	[tilespmem:s24], [sflag:$0x3] =	stream.indirect_vreg.gather [hbm4b:s7+s23], $0x80, v2, vm0, $0xb8;
	[tilespmem:$0xC700] =	vst v63  }
0x348: {  	v2 =	vadd.s32 v3, v63;
	v63 =	vperm.xlane v0, v35;
	s24 =	simm.s32 $0x8400  }
0x349: {  	[tilespmem:s24], [sflag:$0x3] =	stream.indirect_vreg.gather [hbm4b:s7+s23], $0x80, v4, vm0, $0xb8;
	[tilespmem:$0xC700] =	vst v63  }
0x34a: {  	v4 =	vadd.s32 v3, v63;
	v63 =	vperm.xlane v0, v36;
	s24 =	simm.s32 $0x8480  }
0x34b: {  	[tilespmem:s24], [sflag:$0x3] =	stream.indirect_vreg.gather [hbm4b:s7+s23], $0x80, v1, vm0, $0xb8;
	[tilespmem:$0xC700] =	vst v63  }
0x34c: {  	v1 =	vadd.s32 v3, v63;
	v63 =	vperm.xlane v0, v37;
	s24 =	simm.s32 $0x8500  }
0x34d: {  	[tilespmem:s24], [sflag:$0x3] =	stream.indirect_vreg.gather [hbm4b:s7+s23], $0x80, v2, vm0, $0xb8;
	[tilespmem:$0xC700] =	vst v63  }
0x34e: {  	v2 =	vadd.s32 v3, v63;
	v63 =	vperm.xlane v0, v39;
	s24 =	simm.s32 $0x8580  }
0x34f: {  	[tilespmem:s24], [sflag:$0x3] =	stream.indirect_vreg.gather [hbm4b:s7+s23], $0x80, v4, vm0, $0xb8;
	[tilespmem:$0xC700] =	vst v63  }
0x350: {  	v0 =	vperm.xlane v0, v41;
	v4 =	vadd.s32 v3, v63;
	s24 =	simm.s32 $0x8600  }
0x351: {  	[tilespmem:s24], [sflag:$0x3] =	stream.indirect_vreg.gather [hbm4b:s7+s23], $0x80, v1, vm0, $0xb8;
	[tilespmem:$0xC700] =	vst v63  }
0x352: {  	v0 =	vadd.s32 v3, v0;
	s24 =	simm.s32 $0x8680  }
0x353: {  	[tilespmem:s24], [sflag:$0x3] =	stream.indirect_vreg.gather [hbm4b:s7+s23], $0x80, v2, vm0, $0xb8;
	[tilespmem:$0xC700] =	vst v63  }
0x354: {  	s24 =	simm.s32 $0x8700  }
0x355: {  	[tilespmem:s24], [sflag:$0x3] =	stream.indirect_vreg.gather [hbm4b:s7+s23], $0x80, v4, vm0, $0xb8;
	[tilespmem:$0xC700] =	vst v63  }
0x356: {  	s24 =	simm.s32 $0x8780  }
0x357: {  	[tilespmem:s24], [sflag:$0x3] =	stream.indirect_vreg.gather [hbm4b:s7+s23], $0x80, v0, vm0, $0xb8;
	[tilespmem:$0xC700] =	vst v63  }
0x358: {  	v0 =	vld [tilespmem:s22+$0x110];
	_ =	sdelay $0x4  }
0x359: {  	v1 =	vshrl.u32 v0, $0x3  }
0x35a: {  	v1 =	vmul.u32 $0x18, v1  }
0x35b: {  	v0 =	vand.u32 $0x7, v0  }
0x35c: {  	v0 =	vor.u32 v0, v1  }
0x35d: {  	v1 =	vperm.xlane v0, v38;
	_ =	sdelay $0x1  }
0x35e: {  	v2 =	vperm.xlane v0, v40;
	v1 =	vadd.s32 v3, v1;
	_ =	sdelay $0x1  }
0x35f: {  	v4 =	vperm.xlane v0, v24;
	v2 =	vadd.s32 v3, v2;
	_ =	sdelay $0x1  }
0x360: {  	s24 =	simm.s32 $0x8800;
	v63 =	vperm.xlane v0, v27;
	v4 =	vadd.s32 v3, v4  }
0x361: {  	[tilespmem:s24], [sflag:$0x3] =	stream.indirect_vreg.gather [hbm4b:s7+s23], $0x80, v1, vm0, $0xb8;
	[tilespmem:$0xC700] =	vst v63  }
0x362: {  	v1 =	vadd.s32 v3, v63;
	v63 =	vperm.xlane v0, v28;
	s24 =	simm.s32 $0x8880  }
0x363: {  	[tilespmem:s24], [sflag:$0x3] =	stream.indirect_vreg.gather [hbm4b:s7+s23], $0x80, v2, vm0, $0xb8;
	[tilespmem:$0xC700] =	vst v63  }
0x364: {  	v2 =	vadd.s32 v3, v63;
	v63 =	vperm.xlane v0, v29;
	s24 =	simm.s32 $0x8900  }
0x365: {  	[tilespmem:s24], [sflag:$0x3] =	stream.indirect_vreg.gather [hbm4b:s7+s23], $0x80, v4, vm0, $0xb8;
	[tilespmem:$0xC700] =	vst v63  }
0x366: {  	v4 =	vadd.s32 v3, v63;
	v63 =	vperm.xlane v0, v30;
	s24 =	simm.s32 $0x8980  }
0x367: {  	[tilespmem:s24], [sflag:$0x3] =	stream.indirect_vreg.gather [hbm4b:s7+s23], $0x80, v1, vm0, $0xb8;
	[tilespmem:$0xC700] =	vst v63  }
0x368: {  	v1 =	vadd.s32 v3, v63;
	v63 =	vperm.xlane v0, v31;
	s24 =	simm.s32 $0x8A00  }
0x369: {  	[tilespmem:s24], [sflag:$0x3] =	stream.indirect_vreg.gather [hbm4b:s7+s23], $0x80, v2, vm0, $0xb8;
	[tilespmem:$0xC700] =	vst v63  }
0x36a: {  	v2 =	vadd.s32 v3, v63;
	v63 =	vperm.xlane v0, v32;
	s24 =	simm.s32 $0x8A80  }
0x36b: {  	[tilespmem:s24], [sflag:$0x3] =	stream.indirect_vreg.gather [hbm4b:s7+s23], $0x80, v4, vm0, $0xb8;
	[tilespmem:$0xC700] =	vst v63  }
0x36c: {  	v4 =	vadd.s32 v3, v63;
	v63 =	vperm.xlane v0, v33;
	s24 =	simm.s32 $0x8B00  }
0x36d: {  	[tilespmem:s24], [sflag:$0x3] =	stream.indirect_vreg.gather [hbm4b:s7+s23], $0x80, v1, vm0, $0xb8;
	[tilespmem:$0xC700] =	vst v63  }
0x36e: {  	v1 =	vadd.s32 v3, v63;
	v63 =	vperm.xlane v0, v34;
	s24 =	simm.s32 $0x8B80  }
0x36f: {  	[tilespmem:s24], [sflag:$0x3] =	stream.indirect_vreg.gather [hbm4b:s7+s23], $0x80, v2, vm0, $0xb8;
	[tilespmem:$0xC700] =	vst v63  }
0x370: {  	v2 =	vadd.s32 v3, v63;
	v63 =	vperm.xlane v0, v35;
	s24 =	simm.s32 $0x8C00  }
0x371: {  	[tilespmem:s24], [sflag:$0x3] =	stream.indirect_vreg.gather [hbm4b:s7+s23], $0x80, v4, vm0, $0xb8;
	[tilespmem:$0xC700] =	vst v63  }
0x372: {  	v4 =	vadd.s32 v3, v63;
	v63 =	vperm.xlane v0, v36;
	s24 =	simm.s32 $0x8C80  }
0x373: {  	[tilespmem:s24], [sflag:$0x3] =	stream.indirect_vreg.gather [hbm4b:s7+s23], $0x80, v1, vm0, $0xb8;
	[tilespmem:$0xC700] =	vst v63  }
0x374: {  	v1 =	vadd.s32 v3, v63;
	v63 =	vperm.xlane v0, v37;
	s24 =	simm.s32 $0x8D00  }
0x375: {  	[tilespmem:s24], [sflag:$0x3] =	stream.indirect_vreg.gather [hbm4b:s7+s23], $0x80, v2, vm0, $0xb8;
	[tilespmem:$0xC700] =	vst v63  }
0x376: {  	v2 =	vadd.s32 v3, v63;
	v63 =	vperm.xlane v0, v39;
	s24 =	simm.s32 $0x8D80  }
0x377: {  	[tilespmem:s24], [sflag:$0x3] =	stream.indirect_vreg.gather [hbm4b:s7+s23], $0x80, v4, vm0, $0xb8;
	[tilespmem:$0xC700] =	vst v63  }
0x378: {  	v0 =	vperm.xlane v0, v41;
	v4 =	vadd.s32 v3, v63;
	s24 =	simm.s32 $0x8E00  }
0x379: {  	[tilespmem:s24], [sflag:$0x3] =	stream.indirect_vreg.gather [hbm4b:s7+s23], $0x80, v1, vm0, $0xb8;
	[tilespmem:$0xC700] =	vst v63  }
0x37a: {  	v0 =	vadd.s32 v3, v0;
	s24 =	simm.s32 $0x8E80  }
0x37b: {  	[tilespmem:s24], [sflag:$0x3] =	stream.indirect_vreg.gather [hbm4b:s7+s23], $0x80, v2, vm0, $0xb8;
	[tilespmem:$0xC700] =	vst v63  }
0x37c: {  	s24 =	simm.s32 $0x8F00  }
0x37d: {  	[tilespmem:s24], [sflag:$0x3] =	stream.indirect_vreg.gather [hbm4b:s7+s23], $0x80, v4, vm0, $0xb8;
	[tilespmem:$0xC700] =	vst v63  }
0x37e: {  	s24 =	simm.s32 $0x8F80  }
0x37f: {  	v2 =	vadd.f32 v25, v12;
	[tilespmem:s24], [sflag:$0x3] =	stream.indirect_vreg.gather [hbm4b:s7+s23], $0x80, v0, vm0, $0xb8;
	[tilespmem:$0xC700] =	vst v63  }
0x380: {  	v12 =	vadd.f32 v13, v61;
	v13 =	vadd.f32 v14, v62;
	v4 =	vld [tilespmem:s22+$0x120];
	_ =	sdelay $0x1  }
0x381: {  	v14 =	vadd.f32 v15, v59;
	v5 =	vmul.f32 v5, v12;
	v7 =	vmul.f32 v7, v13  }
0x382: {  	v17 =	vadd.f32 v17, v57  }
0x383: {  	v15 =	vadd.f32 v26, v6;
	v6 =	vmul.f32 v10, v14;
	v5 =	vadd.f32 v7, v5  }
0x384: {  	v53 =	vadd.f32 v21, v53;
	v7 =	vshrl.u32 v4, $0x3  }
0x385: {  	v5 =	vadd.f32 v6, v5;
	v6 =	vmul.f32 v11, v17;
	v7 =	vmul.u32 $0x18, v7  }
0x386: {  	v8 =	vadd.f32 v20, v8;
	v1 =	vadd.f32 v19, v60;
	v4 =	vand.u32 $0x7, v4  }
0x387: {  	v5 =	vadd.f32 v6, v5;
	v20 =	vor.u32 v4, v7;
	v4 =	vmul.f32 v16, v53;
	_ =	sdelay $0x1  }
0x388: {  	v6 =	vadd.f32 v58, v1;
	v1 =	vadd.f32 v4, v5;
	v4 =	vld [tilespmem:$0x1FB80];
	_ =	sdelay $0x4  }
0x389: {  	v5 =	vadd.f32 v4, v2;
	v4 =	vld [tilespmem:$0x1FB90]  }
0x38a: {  	v18 =	vadd.f32 v18, v54;
	_ =	sdelay $0x1  }
0x38b: {  	v0 =	vadd.f32 v22, v50;
	v22 =	vmul.f32 v42, v18;
	_ =	sdelay $0x1  }
0x38c: {  	v4 =	vadd.f32 v4, v8;
	v8 =	vadd.f32 v22, v1;
	v1 =	vld [tilespmem:$0x1FBA0];
	_ =	sdelay $0x2  }
0x38d: {  	v9 =	vadd.f32 v23, v9;
	v2 =	vperm.xlane v20, v40  }
0x38e: {  	v21 =	vperm.xlane v20, v38  }
0x38f: {  	v23 =	vadd.s32 v3, v2;
	v2 =	vadd.f32 v1, v9;
	v1 =	vld [tilespmem:$0x1FBB0]  }
0x390: {  	v21 =	vadd.s32 v3, v21  }
0x391: {  	v54 =	vadd.f32 v44, v51  }
0x392: {  	v24 =	vperm.xlane v20, v24  }
0x393: {  	v7 =	vadd.f32 v56, v48;
	v22 =	vmul.f32 v49, v54  }
0x394: {  	s24 =	simm.s32 $0x9000;
	v56 =	vadd.s32 v3, v24;
	v1 =	vadd.f32 v1, v15;
	v15 =	vperm.xlane v20, v27  }
0x395: {  	[tilespmem:s24], [sflag:$0x3] =	stream.indirect_vreg.gather [hbm4b:s7+s23], $0x80, v21, vm0, $0xb8;
	v21 =	vmul.f32 v47, v12;
	v8 =	vadd.f32 v22, v8;
	v22 =	vmul.f32 v45, v13;
	[tilespmem:$0xC700] =	vst v63  }
0x396: {  	s24 =	simm.s32 $0x9080;
	v15 =	vadd.s32 v3, v15  }
0x397: {  	[tilespmem:s24], [sflag:$0x3] =	stream.indirect_vreg.gather [hbm4b:s7+s23], $0x80, v23, vm0, $0xb8;
	v21 =	vadd.f32 v22, v21;
	v22 =	vld [tilespmem:$0x1FBD0]  }
0x398: {  	s24 =	simm.s32 $0x9100  }
0x399: {  	v60 =	vld [tilespmem:$0x1FBE0];
	[tilespmem:s24], [sflag:$0x3] =	stream.indirect_vreg.gather [hbm4b:s7+s23], $0x80, v56, vm0, $0xb8  }
0x39a: {  	s24 =	simm.s32 $0x9180  }
0x39b: {  	[tilespmem:s24], [sflag:$0x3] =	stream.indirect_vreg.gather [hbm4b:s7+s23], $0x80, v15, vm0, $0xb8;
	v15 =	vld [tilespmem:$0x1FC00]  }
0x39c: {  	v57 =	vld [tilespmem:$0x1FBC0];
	v22 =	vmul.f32 v22, v14;
	_ =	sdelay $0x1  }
0x39d: {  	v9 =	vmul.f32 v60, v17;
	v21 =	vadd.f32 v22, v21;
	v22 =	vld [tilespmem:$0x1FBF0]  }
0x39e: {  	v19 =	vadd.f32 v43, v52;
	v58 =	vperm.xlane v20, v28  }
0x39f: {  	v16 =	vadd.f32 v55, v46;
	v9 =	vadd.f32 v9, v21;
	v15 =	vmul.f32 v15, v53  }
0x3a0: {  	v59 =	vperm.xlane v20, v29;
	v24 =	vmul.f32 v57, v19;
	v23 =	vadd.s32 v3, v58  }
0x3a1: {  	v61 =	vperm.xlane v20, v30;
	v9 =	vadd.f32 v15, v9;
	v15 =	vld [tilespmem:$0x1FC10]  }
0x3a2: {  	v8 =	vadd.f32 v24, v8;
	v24 =	vadd.s32 v3, v59;
	v22 =	vmul.f32 v22, v16;
	_ =	sdelay $0x1  }
0x3a3: {  	v21 =	vadd.s32 v3, v61;
	s24 =	simm.s32 $0x9200;
	v8 =	vadd.f32 v22, v8;
	v22 =	vperm.xlane v20, v31  }
0x3a4: {  	[tilespmem:s24], [sflag:$0x3] =	stream.indirect_vreg.gather [hbm4b:s7+s23], $0x80, v23, vm0, $0xb8;
	[tilespmem:$0xC700] =	vst v63  }
0x3a5: {  	v62 =	vperm.xlane v20, v32;
	s24 =	simm.s32 $0x9280;
	v22 =	vadd.s32 v3, v22;
	v15 =	vmul.f32 v15, v7  }
0x3a6: {  	[tilespmem:s24], [sflag:$0x3] =	stream.indirect_vreg.gather [hbm4b:s7+s23], $0x80, v24, vm0, $0xb8;
	[tilespmem:$0xC700] =	vst v63  }
0x3a7: {  	v51 =	vld [tilespmem:$0x1FCE0];
	s24 =	simm.s32 $0x9300;
	v8 =	vadd.f32 v15, v8;
	v15 =	vadd.s32 v3, v62  }
0x3a8: {  	v63 =	vld [tilespmem:$0x1FC30];
	[tilespmem:s24], [sflag:$0x3] =	stream.indirect_vreg.gather [hbm4b:s7+s23], $0x80, v21, vm0, $0xb8  }
0x3a9: {  	v48 =	vld [tilespmem:$0x1FCB0];
	s24 =	simm.s32 $0x9380  }
0x3aa: {  	v32 =	vld [tilespmem:$0x1FC40];
	[tilespmem:s24], [sflag:$0x3] =	stream.indirect_vreg.gather [hbm4b:s7+s23], $0x80, v22, vm0, $0xb8  }
0x3ab: {  	v23 =	vld [tilespmem:$0x1FC20];
	s24 =	simm.s32 $0x9400  }
0x3ac: {  	[tilespmem:s24], [sflag:$0x3] =	stream.indirect_vreg.gather [hbm4b:s7+s23], $0x80, v15, vm0, $0xb8;
	v15 =	vld [tilespmem:$0x1FC80]  }
0x3ad: {  	v44 =	vld [tilespmem:$0x1FC70]  }
0x3ae: {  	v33 =	vperm.xlane v20, v33;
	v21 =	vld [tilespmem:$0x1FC50]  }
0x3af: {  	v43 =	vperm.xlane v20, v34;
	v26 =	vmul.f32 v32, v13;
	v22 =	vld [tilespmem:$0x1FC60]  }
0x3b0: {  	v24 =	vmul.f32 v63, v12;
	v23 =	vmul.f32 v23, v18  }
0x3b1: {  	v42 =	vadd.s32 v3, v33;
	v13 =	vmul.f32 v48, v13;
	v12 =	vmul.f32 v15, v12  }
0x3b2: {  	v9 =	vadd.f32 v23, v9;
	v23 =	vadd.f32 v26, v24;
	v26 =	vmul.f32 v44, v14  }
0x3b3: {  	v14 =	vmul.f32 v51, v14;
	v21 =	vmul.f32 v21, v6;
	v12 =	vadd.f32 v13, v12  }
0x3b4: {  	v45 =	vperm.xlane v20, v35;
	v22 =	vmul.f32 v22, v54  }
0x3b5: {  	v8 =	vadd.f32 v21, v8;
	v21 =	vadd.s32 v3, v43;
	v12 =	vadd.f32 v14, v12;
	v14 =	vld [tilespmem:$0x1FCF0]  }
0x3b6: {  	v9 =	vadd.f32 v22, v9  }
0x3b7: {  	v22 =	vadd.f32 v26, v23;
	v23 =	vperm.xlane v20, v36;
	s24 =	simm.s32 $0x9480;
	v15 =	vadd.s32 v3, v45  }
0x3b8: {  	[tilespmem:s24], [sflag:$0x3] =	stream.indirect_vreg.gather [hbm4b:s7+s23], $0x80, v42, vm0, $0xb8;
	[tilespmem:$0xC700] =	vst v63  }
0x3b9: {  	v49 =	vperm.xlane v20, v37;
	v23 =	vadd.s32 v3, v23;
	s24 =	simm.s32 $0x9500  }
0x3ba: {  	[tilespmem:s24], [sflag:$0x3] =	stream.indirect_vreg.gather [hbm4b:s7+s23], $0x80, v21, vm0, $0xb8;
	v14 =	vmul.f32 v14, v17;
	[tilespmem:$0xC700] =	vst v63  }
0x3bb: {  	v46 =	vld [tilespmem:$0x1FC90];
	s24 =	simm.s32 $0x9580;
	v13 =	vadd.s32 v3, v49  }
0x3bc: {  	[tilespmem:s24], [sflag:$0x3] =	stream.indirect_vreg.gather [hbm4b:s7+s23], $0x80, v15, vm0, $0xb8;
	v12 =	vadd.f32 v14, v12;
	v14 =	vld [tilespmem:$0x1FD20]  }
0x3bd: {  	v47 =	vld [tilespmem:$0x1FCA0];
	s24 =	simm.s32 $0x9600  }
0x3be: {  	v15 =	vld [tilespmem:$0x1FCC0];
	[tilespmem:s24], [sflag:$0x3] =	stream.indirect_vreg.gather [hbm4b:s7+s23], $0x80, v23, vm0, $0xb8  }
0x3bf: {  	v50 =	vld [tilespmem:$0x1FCD0];
	s24 =	simm.s32 $0x9680  }
0x3c0: {  	[tilespmem:s24], [sflag:$0x3] =	stream.indirect_vreg.gather [hbm4b:s7+s23], $0x80, v13, vm0, $0xb8;
	v13 =	vld [tilespmem:$0x1FD00]  }
0x3c1: {  	v24 =	vmul.f32 v46, v19;
	v10 =	vmul.f32 v14, v53;
	v14 =	vld [tilespmem:$0x1FD30]  }
0x3c2: {  	v25 =	vmul.f32 v47, v17  }
0x3c3: {  	v9 =	vadd.f32 v24, v9;
	v15 =	vmul.f32 v15, v16  }
0x3c4: {  	v22 =	vadd.f32 v25, v22;
	v24 =	vmul.f32 v50, v53  }
0x3c5: {  	v9 =	vadd.f32 v15, v9  }
0x3c6: {  	v15 =	vadd.f32 v24, v22;
	v13 =	vmul.f32 v13, v5;
	v14 =	vmul.f32 v14, v18  }
0x3c7: {  	v10 =	vadd.f32 v10, v12;
	v12 =	vld [tilespmem:$0x1FD40]  }
0x3c8: {  	v8 =	vadd.f32 v13, v8;
	v13 =	vadd.f32 v14, v15;
	v14 =	vld [tilespmem:$0x1FD50];
	_ =	sdelay $0x1  }
0x3c9: {  	v21 =	vperm.xlane v20, v39;
	v20 =	vperm.xlane v20, v41;
	_ =	sdelay $0x1  }
0x3ca: {  	v17 =	vadd.s32 v3, v20;
	v20 =	vld [tilespmem:$0x1FD10];
	v12 =	vmul.f32 v12, v18  }
0x3cb: {  	v15 =	vld [tilespmem:$0x1FD60];
	v14 =	vmul.f32 v14, v4  }
0x3cc: {  	v10 =	vadd.f32 v12, v10;
	v12 =	vld [tilespmem:$0x1FD70]  }
0x3cd: {  	v8 =	vadd.f32 v14, v8;
	v14 =	vld [tilespmem:$0x1FD90]  }
0x3ce: {  	v21 =	vadd.s32 v3, v21  }
0x3cf: {  	v20 =	vmul.f32 v20, v7  }
0x3d0: {  	v15 =	vmul.f32 v15, v54  }
0x3d1: {  	v9 =	vadd.f32 v20, v9  }
0x3d2: {  	s24 =	simm.s32 $0x9700;
	v12 =	vmul.f32 v12, v6;
	v13 =	vadd.f32 v15, v13;
	v14 =	vmul.f32 v14, v19  }
0x3d3: {  	[tilespmem:s24], [sflag:$0x3] =	stream.indirect_vreg.gather [hbm4b:s7+s23], $0x80, v21, vm0, $0xb8;
	[tilespmem:$0xC700] =	vst v63  }
0x3d4: {  	s24 =	simm.s32 $0x9780;
	v9 =	vadd.f32 v12, v9;
	v12 =	vadd.f32 v14, v13;
	v14 =	vld [tilespmem:$0x1FDC0]  }
0x3d5: {  	[tilespmem:s24], [sflag:$0x3] =	stream.indirect_vreg.gather [hbm4b:s7+s23], $0x80, v17, vm0, $0xb8;
	v17 =	vld [tilespmem:$0x1FD80]  }
0x3d6: {  	_ = 	snop  }
0x3d7: {  	v52 =	vld [tilespmem:$0x1FDA0]  }
0x3d8: {  	v53 =	vld [tilespmem:$0x1FDD0]  }
0x3d9: {  	v15 =	vld [tilespmem:$0x1FDE0];
	v14 =	vmul.f32 v14, v5  }
0x3da: {  	v11 =	vmul.f32 v17, v54;
	v13 =	vld [tilespmem:$0x1FDB0]  }
0x3db: {  	v9 =	vadd.f32 v14, v9;
	v14 =	vld [tilespmem:$0x1FE00]  }
0x3dc: {  	v17 =	vld.msk [tilespmem:s22+$0x130], $0x3;
	v10 =	vadd.f32 v11, v10;
	v11 =	vmul.f32 v52, v19;
	_ =	sdelay $0x1  }
0x3dd: {  	v10 =	vadd.f32 v11, v10;
	v15 =	vmul.f32 v15, v16  }
0x3de: {  	v13 =	vmul.f32 v13, v2  }
0x3df: {  	v11 =	vmul.f32 v53, v16;
	v16 =	vld [tilespmem:$0x1FE10];
	v10 =	vadd.f32 v15, v10;
	v14 =	vmul.f32 v14, v4  }
0x3e0: {  	v15 =	vand.u32 $0x7, v17;
	v8 =	vadd.f32 v13, v8;
	v13 =	vshrl.u32 v17, $0x3;
	v17 =	vld [tilespmem:$0x1FE20]  }
0x3e1: {  	v9 =	vadd.f32 v14, v9;
	v14 =	vld [tilespmem:$0x1FE30]  }
0x3e2: {  	v54 =	vld [tilespmem:$0x1FE40];
	_ =	sdelay $0x1  }
0x3e3: {  	v11 =	vadd.f32 v11, v12;
	v16 =	vmul.f32 v16, v7  }
0x3e4: {  	v7 =	vmul.f32 v17, v7  }
0x3e5: {  	v11 =	vadd.f32 v16, v11;
	v14 =	vmul.f32 v14, v6  }
0x3e6: {  	v7 =	vadd.f32 v7, v10;
	v6 =	vmul.f32 v54, v6  }
0x3e7: {  	v11 =	vadd.f32 v14, v11;
	v14 =	vld [tilespmem:$0x1FE60]  }
0x3e8: {  	v6 =	vadd.f32 v6, v7;
	v7 =	vld [tilespmem:$0x1FE70];
	_ =	sdelay $0x3  }
0x3e9: {  	v12 =	vmul.u32 $0x18, v13;
	v13 =	vld [tilespmem:$0x1FDF0];
	v14 =	vmul.f32 v14, v5  }
0x3ea: {  	v5 =	vmul.f32 v7, v5  }
0x3eb: {  	v11 =	vadd.f32 v14, v11;
	v14 =	vld [tilespmem:$0x1FE90]  }
0x3ec: {  	v5 =	vadd.f32 v5, v6;
	v6 =	vld [tilespmem:$0x1FEA0];
	_ =	sdelay $0x1  }
0x3ed: {  	v13 =	vmul.f32 v13, v1  }
0x3ee: {  	v12 =	vor.u32 v15, v12  }
0x3ef: {  	v8 =	vadd.f32 v13, v8;
	v13 =	vperm.xlane v12, v38  }
0x3f0: {  	v56 =	vld [tilespmem:$0x1FEB0];
	v14 =	vmul.f32 v14, v4;
	v4 =	vmul.f32 v6, v4  }
0x3f1: {  	v55 =	vadd.s32 v3, v13;
	v13 =	vld [tilespmem:$0x1FE50]  }
0x3f2: {  	v4 =	vadd.f32 v4, v5;
	v5 =	vld [tilespmem:$0x1FED0];
	_ =	sdelay $0x2  }
0x3f3: {  	v12 =	vperm.xlane v12, v40  }
0x3f4: {  	v6 =	vadd.f32 v14, v11;
	v11 =	vmul.f32 v56, v2  }
0x3f5: {  	v57 =	vld [tilespmem:$0x1FEC0];
	v13 =	vmul.f32 v13, v2;
	v7 =	vadd.s32 v3, v12;
	v2 =	vmul.f32 v5, v2  }
0x3f6: {  	v5 =	vadd.f32 v11, v6;
	v6 =	vld [tilespmem:$0x1FEE0]  }
0x3f7: {  	s24 =	simm.s32 $0x9800;
	v2 =	vadd.f32 v2, v4;
	v4 =	vld [tilespmem:$0x1FEF0]  }
0x3f8: {  	[tilespmem:s24], [sflag:$0x3] =	stream.indirect_vreg.gather [hbm4b:s7+s23], $0x80, v55, vm0, $0xb8;
	[tilespmem:$0xC700] =	vst v63  }
0x3f9: {  	s24 =	simm.s32 $0x9880  }
0x3fa: {  	[tilespmem:s24], [sflag:$0x3] =	stream.indirect_vreg.gather [hbm4b:s7+s23], $0x80, v7, vm0, $0xb8;
	[tilespmem:$0xC700] =	vst v63  }
0x3fb: {  	v12 =	vld [tilespmem:$0x1FE80];
	_ =	swait.ge [sflag:s19], $0x1900;
	v6 =	vmul.f32 v6, v1  }
0x3fc: {  	v10 =	vmul.f32 v57, v1;
	v1 =	vmul.f32 v4, v1;
	v4 =	vld [tilespmem:$0x1FF00]  }
0x3fd: {  	v5 =	vadd.f32 v6, v5;
	v6 =	vld [tilespmem:$0x1FF10]  }
0x3fe: {  	v1 =	vadd.f32 v1, v2;
	v2 =	vld [tilespmem:$0x1FF20]  }
0x3ff: {  	v9 =	vadd.f32 v13, v9  }
0x400: {  	[sflag:s19] =	ssyncset.done $0x0  }
0x401: {  	v7 =	vadd.f32 v10, v9;
	[sflag:s19] =	ssyncadd.s32 $0xFFFFE700;
	v4 =	vmul.f32 v4, v0  }
0x402: {  	v12 =	vmul.f32 v12, v0;
	_ =	swait.ge [sflag:s20], $0x1900  }
0x403: {  	v6 =	vmul.f32 v6, v0;
	v0 =	vmul.f32 v2, v0;
	v2 =	vadd.f32 v4, v7;
	v7 =	vld [tilespmem:$0x1FFC0];
	_ =	sdelay $0x2  }
0x404: {  	v8 =	vadd.f32 v12, v8  }
0x405: {  	v12 =	vld [tilespmem:$0x1FFD0];
	v4 =	vadd.f32 v6, v5  }
0x406: {  	v0 =	vadd.f32 v0, v1;
	v5 =	vperm.xlane v8, v7;
	v1 =	vperm.xlane v2, v7  }
0x407: {  	v6 =	vperm.xlane v4, v7  }
0x408: {  	v7 =	vperm.xlane v0, v7;
	v5 =	vadd.f32 v8, v5;
	v1 =	vadd.f32 v2, v1  }
0x409: {  	[sflag:s20] =	ssyncset.done $0x0;
	v16 =	vld [tilespmem:$0x1FFE0];
	v2 =	vadd.f32 v4, v6  }
0x40a: {  	s24 =	simm.s32 $0x0;
	[sflag:s20] =	ssyncadd.s32 $0xFFFFE700;
	v0 =	vadd.f32 v0, v7;
	v6 =	vperm.xlane v5, v12;
	v58 =	vperm.xlane v1, v12  }
0x40b: {  	v60 =	vld [tilespmem:s24+$0x6020];
	v59 =	vperm.xlane v2, v12  }
0x40c: {  	v61 =	vld [tilespmem:s24+$0x6040];
	v5 =	vadd.f32 v5, v6;
	v6 =	vperm.xlane v0, v12;
	v1 =	vadd.f32 v1, v58  }
0x40d: {  	v15 =	vld [tilespmem:s24+$0x6060];
	v2 =	vadd.f32 v2, v59  }
0x40e: {  	v63 =	vld [tilespmem:s24+$0x6070];
	v62 =	vperm.xlane v5, v16;
	v0 =	vadd.f32 v0, v6;
	v13 =	vperm.xlane v1, v16  }
0x40f: {  	v4 =	vld [tilespmem:s24+$0x6000];
	v14 =	vperm.xlane v2, v16  }
0x410: {  	v17 =	vadd.f32 v5, v62;
	v5 =	vperm.xlane v0, v16;
	v16 =	vadd.f32 v1, v13;
	v1 =	vld [tilespmem:$0x1FFF0]  }
0x411: {  	v8 =	vld [tilespmem:s24+$0xA070]  }
0x412: {  	v7 =	vld [tilespmem:s24+$0x6010]  }
0x413: {  	v12 =	vld [tilespmem:s24+$0x6030]  }
0x414: {  	v57 =	vimm.f32 $0.0e+00;
	v6 =	vld [tilespmem:s24+$0x6050];
	v13 =	vadd.f32 v2, v14;
	[tilespmem:$0x1FF30] =	vst v17  }
0x415: {  	v19 =	vadd.f32 v4, v57;
	v2 =	vld [tilespmem:s24+$0xA000];
	v5 =	vadd.f32 v0, v5;
	[tilespmem:$0x1FF50] =	vst v16;
	v4 =	vperm.xlane v16, v1  }
0x416: {  	v30 =	vadd.f32 v8, v57;
	v0 =	vld [tilespmem:s24+$0xA010];
	[tilespmem:$0x1FF70] =	vst v13;
	v8 =	vperm.xlane v17, v1  }
0x417: {  	v42 =	vld [tilespmem:s24+$0xA020];
	v53 =	vadd.f32 v60, v57;
	[tilespmem:$0x1FF60] =	vst v4;
	v4 =	vperm.xlane v13, v1;
	v1 =	vperm.xlane v5, v1  }
0x418: {  	v34 =	vimm.f32 $0.0e+00;
	v21 =	vld [tilespmem:s24+$0xA030];
	v54 =	vadd.f32 v61, v57;
	v46 =	vadd.f32 v15, v57;
	[tilespmem:$0x1FF90] =	vst v5  }
0x419: {  	v37 =	vimm.f32 $0.0e+00;
	v20 =	vadd.f32 v7, v57;
	v48 =	vadd.f32 v12, v57;
	[tilespmem:$0x1FFA0] =	vst v1;
	v1 =	vld [tilespmem:s24+$0xA040]  }
0x41a: {  	v35 =	vimm.f32 $0.0e+00;
	v28 =	vld [tilespmem:s24+$0xA050];
	v50 =	vadd.f32 v6, v57;
	v17 =	vadd.f32 v63, v57;
	[tilespmem:$0x1FF40] =	vst v8  }
0x41b: {  	v36 =	vimm.f32 $0.0e+00;
	s23 =	simm.s32 $0x80;
	v7 =	vld [tilespmem:s24+$0xA060];
	v14 =	vadd.f32 v2, v57;
	v13 =	vadd.f32 v0, v57;
	[tilespmem:$0x1FF80] =	vst v4;
	s24 =	simm.s32 $0x400  }
.LBB2_5:
0x41c: {  	p0 =	sne.s32 s24, $0x6200;
	v0 =	vld [tilespmem:s23+$0xA070];
	v57 =	vadd.f32 v42, v57  }
0x41d: {  	v2 =	vld [tilespmem:s23+$0x6000];
	v34 =	vadd.f32 v21, v34  }
0x41e: {  	v4 =	vld [tilespmem:s23+$0x6010];
	v35 =	vadd.f32 v1, v35  }
0x41f: {  	v1 =	vld [tilespmem:s23+$0x6020];
	v36 =	vadd.f32 v28, v36  }
0x420: {  	v5 =	vld [tilespmem:s23+$0x6030];
	v37 =	vadd.f32 v7, v37  }
0x421: {  	v6 =	vld [tilespmem:s23+$0x6040];
	v30 =	vadd.f32 v0, v30  }
0x422: {  	v19 =	vadd.f32 v2, v19;
	v0 =	vld [tilespmem:s23+$0x6050]  }
0x423: {  	v20 =	vadd.f32 v4, v20;
	v2 =	vld [tilespmem:s23+$0x6060]  }
0x424: {  	v53 =	vadd.f32 v1, v53;
	v1 =	vld [tilespmem:s23+$0x6070]  }
0x425: {  	v48 =	vadd.f32 v5, v48;
	v4 =	vld [tilespmem:s23+$0xA000]  }
0x426: {  	v54 =	vadd.f32 v6, v54;
	v5 =	vld [tilespmem:s23+$0xA010]  }
.Ltmp1:
0x427: {  	v50 =	vadd.f32 v0, v50;
	v42 =	vld [tilespmem:s23+$0xA020];
	(pc) =	sbr.rel @p0 .LBB2_5-.Ltmp1, $4  }
0x428: {  	v46 =	vadd.f32 v2, v46;
	v21 =	vld [tilespmem:s23+$0xA030]  }
0x429: {  	v17 =	vadd.f32 v1, v17;
	v1 =	vld [tilespmem:s23+$0xA040]  }
0x42a: {  	v14 =	vadd.f32 v4, v14;
	v28 =	vld [tilespmem:s23+$0xA050]  }
0x42b: {  	v13 =	vadd.f32 v5, v13;
	v7 =	vld [tilespmem:s23+$0xA060];
	s23 =	sshra.s32 s24, $0x2;
	s24 =	sadd.s32 $0x200, s24  }
0x42c: {  	v0 =	vld [tilespmem:s23+$0xA070];
	_ =	sdelay $0x4  }
0x42d: {  	[tilespmem:$0x1F8C0] =	vst v0;
	v0 =	vld [tilespmem:s23+$0xA030];
	_ =	sdelay $0x4  }
0x42e: {  	[tilespmem:$0x1F860] =	vst v0;
	v0 =	vld [tilespmem:s23+$0xA040];
	_ =	sdelay $0x4  }
0x42f: {  	[tilespmem:$0x1F890] =	vst v0;
	v0 =	vld [tilespmem:s23+$0xA050];
	_ =	sdelay $0x4  }
0x430: {  	[tilespmem:$0x1F8E0] =	vst v0;
	v0 =	vld [tilespmem:s23+$0xA060];
	_ =	sdelay $0x4  }
0x431: {  	[tilespmem:$0x1F940] =	vst v0;
	v0 =	vld [tilespmem:$0xC180];
	_ =	sdelay $0x4  }
0x432: {  	[tilespmem:$0x1F7D0] =	vst v0;
	v0 =	vld [tilespmem:$0xC1C0];
	_ =	sdelay $0x4  }
0x433: {  	[tilespmem:$0x1F7F0] =	vst v0;
	v0 =	vld [tilespmem:$0xC200];
	_ =	sdelay $0x4  }
0x434: {  	[tilespmem:$0x1F820] =	vst v0;
	v0 =	vld [tilespmem:$0xC240];
	_ =	sdelay $0x4  }
0x435: {  	[tilespmem:$0x1F840] =	vst v0;
	v0 =	vld [tilespmem:$0xC280];
	_ =	sdelay $0x4  }
0x436: {  	[tilespmem:$0x1F870] =	vst v0;
	v0 =	vld [tilespmem:$0xC2C0];
	_ =	sdelay $0x4  }
0x437: {  	[tilespmem:$0x1F8A0] =	vst v0;
	v0 =	vld [tilespmem:$0xC300];
	_ =	sdelay $0x4  }
0x438: {  	[tilespmem:$0x1F8D0] =	vst v0;
	v0 =	vld [tilespmem:$0xC340];
	_ =	sdelay $0x4  }
0x439: {  	[tilespmem:$0x1F920] =	vst v0;
	v0 =	vld [tilespmem:$0xC380];
	_ =	sdelay $0x4  }
0x43a: {  	[tilespmem:$0x1F970] =	vst v0;
	v0 =	vld [tilespmem:$0xC3C0];
	_ =	sdelay $0x4  }
0x43b: {  	[tilespmem:$0x1F9A0] =	vst v0;
	v0 =	vld [tilespmem:$0xC110];
	_ =	sdelay $0x4  }
0x43c: {  	[tilespmem:$0x1F7E0] =	vst v0;
	v0 =	vld [tilespmem:$0xC150];
	_ =	sdelay $0x4  }
0x43d: {  	[tilespmem:$0x1F800] =	vst v0;
	v0 =	vld [tilespmem:$0xC190];
	_ =	sdelay $0x4  }
0x43e: {  	[tilespmem:$0x1F810] =	vst v0;
	v0 =	vld [tilespmem:$0xC1D0];
	_ =	sdelay $0x4  }
0x43f: {  	[tilespmem:$0x1F830] =	vst v0;
	v0 =	vld [tilespmem:$0xC210];
	_ =	sdelay $0x4  }
0x440: {  	[tilespmem:$0x1F850] =	vst v0;
	v0 =	vld [tilespmem:$0xC250];
	_ =	sdelay $0x4  }
0x441: {  	[tilespmem:$0x1F880] =	vst v0;
	v0 =	vld [tilespmem:$0xC290];
	_ =	sdelay $0x4  }
0x442: {  	[tilespmem:$0x1F8B0] =	vst v0;
	v0 =	vld [tilespmem:$0xC2D0];
	_ =	sdelay $0x4  }
0x443: {  	[tilespmem:$0x1F8F0] =	vst v0;
	v0 =	vld [tilespmem:$0xC310];
	_ =	sdelay $0x4  }
0x444: {  	[tilespmem:$0x1F930] =	vst v0;
	v0 =	vld [tilespmem:$0xC350];
	_ =	sdelay $0x4  }
0x445: {  	[tilespmem:$0x1F980] =	vst v0;
	v0 =	vld [tilespmem:$0xC390];
	_ =	sdelay $0x4  }
0x446: {  	[tilespmem:$0x1F9C0] =	vst v0;
	v0 =	vld [tilespmem:$0xC3D0];
	_ =	sdelay $0x4  }
0x447: {  	[tilespmem:$0x1FB00] =	vst v0;
	v0 =	vld [tilespmem:$0xC020];
	_ =	sdelay $0x4  }
0x448: {  	[tilespmem:$0x1F900] =	vst v0;
	v0 =	vld [tilespmem:$0xC060];
	_ =	sdelay $0x4  }
0x449: {  	[tilespmem:$0x1F910] =	vst v0;
	v0 =	vld [tilespmem:$0xC0A0];
	_ =	sdelay $0x4  }
0x44a: {  	[tilespmem:$0x1F950] =	vst v0;
	v0 =	vld [tilespmem:$0xC0E0];
	_ =	sdelay $0x4  }
0x44b: {  	[tilespmem:$0x1F960] =	vst v0;
	v0 =	vld [tilespmem:$0xC120];
	_ =	sdelay $0x4  }
0x44c: {  	[tilespmem:$0x1F990] =	vst v0;
	v0 =	vld [tilespmem:$0xC160];
	_ =	sdelay $0x4  }
0x44d: {  	[tilespmem:$0x1F9B0] =	vst v0;
	v0 =	vld [tilespmem:$0xC1A0];
	_ =	sdelay $0x4  }
0x44e: {  	[tilespmem:$0x1F9D0] =	vst v0;
	v0 =	vld [tilespmem:$0xC1E0];
	_ =	sdelay $0x3  }
0x44f: {  	v2 =	vld [tilespmem:$0xC070]  }
0x450: {  	[tilespmem:$0x1FA00] =	vst v0;
	v0 =	vld [tilespmem:$0xC220];
	_ =	sdelay $0x3  }
0x451: {  	[tilespmem:$0x1F9F0] =	vst v2;
	v2 =	vld [tilespmem:$0xC0B0]  }
0x452: {  	[tilespmem:$0x1FA30] =	vst v0;
	v0 =	vld [tilespmem:$0xC260];
	_ =	sdelay $0x3  }
0x453: {  	[tilespmem:$0x1FA10] =	vst v2;
	v2 =	vld [tilespmem:$0xC0F0]  }
0x454: {  	[tilespmem:$0x1FA60] =	vst v0;
	v0 =	vld [tilespmem:$0xC2A0];
	_ =	sdelay $0x3  }
0x455: {  	[tilespmem:$0x1FA20] =	vst v2;
	v2 =	vld [tilespmem:$0xC130]  }
0x456: {  	[tilespmem:$0x1FA90] =	vst v0;
	v0 =	vld [tilespmem:$0xC2E0];
	_ =	sdelay $0x3  }
0x457: {  	[tilespmem:$0x1FA40] =	vst v2;
	v2 =	vld [tilespmem:$0xC170]  }
0x458: {  	[tilespmem:$0x1FAC0] =	vst v0;
	v0 =	vld [tilespmem:$0xC320];
	_ =	sdelay $0x3  }
0x459: {  	[tilespmem:$0x1FA50] =	vst v2;
	v2 =	vld [tilespmem:$0xC1B0]  }
0x45a: {  	[tilespmem:$0x1FAE0] =	vst v0;
	v0 =	vld [tilespmem:$0xC360];
	_ =	sdelay $0x3  }
0x45b: {  	[tilespmem:$0x1FA70] =	vst v2;
	v2 =	vld [tilespmem:$0xC1F0]  }
0x45c: {  	[tilespmem:$0x1FB20] =	vst v0;
	v0 =	vld [tilespmem:$0xC3A0];
	_ =	sdelay $0x3  }
0x45d: {  	[tilespmem:$0x1FA80] =	vst v2;
	v2 =	vld [tilespmem:$0xC230]  }
0x45e: {  	[tilespmem:$0x1FB40] =	vst v0;
	v0 =	vld [tilespmem:$0xC3E0];
	_ =	sdelay $0x2  }
0x45f: {  	v9 =	vld [tilespmem:s23+$0x6000]  }
0x460: {  	[tilespmem:$0x1FAA0] =	vst v2;
	v2 =	vld [tilespmem:$0xC270]  }
0x461: {  	[tilespmem:$0x1FB60] =	vst v0;
	v0 =	vld [tilespmem:$0xC030]  }
0x462: {  	v10 =	vld [tilespmem:s23+$0x6010]  }
0x463: {  	v11 =	vld [tilespmem:s23+$0x6020]  }
0x464: {  	v15 =	vld [tilespmem:s23+$0x6030]  }
0x465: {  	[tilespmem:$0x1FAB0] =	vst v2;
	v2 =	vld [tilespmem:$0xC2B0]  }
0x466: {  	[tilespmem:$0x1F9E0] =	vst v0;
	v0 =	vld [tilespmem:s22+$0x180]  }
0x467: {  	v16 =	vld [tilespmem:s23+$0x6040]  }
0x468: {  	v18 =	vld [tilespmem:s23+$0x6050]  }
0x469: {  	v23 =	vld [tilespmem:s23+$0x6060]  }
0x46a: {  	[tilespmem:$0x1FAD0] =	vst v2;
	v2 =	vld [tilespmem:$0xC2F0]  }
0x46b: {  	v55 =	vld [tilespmem:s23+$0x6070];
	v60 =	vshrl.u32 v0, $0x3  }
0x46c: {  	v59 =	vld [tilespmem:s23+$0xA000];
	v60 =	vmul.u32 $0x18, v60  }
0x46d: {  	v62 =	vld [tilespmem:s23+$0xA010];
	v0 =	vand.u32 $0x7, v0  }
0x46e: {  	v40 =	vimm.s32 $0x1;
	v4 =	vld [tilespmem:$0xC330];
	v0 =	vor.u32 v0, v60  }
0x46f: {  	v63 =	vld [tilespmem:s23+$0xA020];
	[tilespmem:$0x1FAF0] =	vst v2;
	v2 =	vperm.xlane v0, v40  }
0x470: {  	v6 =	vld [tilespmem:$0xC000]  }
0x471: {  	v5 =	vadd.s32 v3, v2;
	v2 =	vld [tilespmem:$0xC370]  }
0x472: {  	v8 =	vld [tilespmem:$0xC040]  }
0x473: {  	[tilespmem:$0x1FB10] =	vst v4;
	v4 =	vld [tilespmem:$0xC3B0]  }
0x474: {  	v12 =	vld [tilespmem:$0xC080];
	v38 =	vimm.s32 $0x0  }
0x475: {  	v22 =	vld [tilespmem:$0xC0C0];
	v26 =	vimm.s32 $0x2;
	v60 =	vperm.xlane v0, v38  }
0x476: {  	v52 =	vld [tilespmem:$0xC100];
	[tilespmem:$0x1FB30] =	vst v2;
	v2 =	vperm.xlane v0, v26  }
0x477: {  	v58 =	vld [tilespmem:$0xC140];
	v60 =	vadd.s32 v3, v60  }
0x478: {  	[tilespmem:$0x1FB50] =	vst v4;
	v4 =	vadd.s32 v3, v2;
	v2 =	vld [tilespmem:$0xC3F0]  }
0x479: {  	v25 =	vld [tilespmem:$0xC010]  }
0x47a: {  	v24 =	vld [tilespmem:$0xC050]  }
0x47b: {  	v56 =	vld [tilespmem:$0xC090];
	s24 =	simm.s32 $0x6000;
	v29 =	vimm.s32 $0x4  }
0x47c: {  	v61 =	vld [tilespmem:$0xC0D0];
	v27 =	vimm.s32 $0x3;
	v31 =	vperm.xlane v0, v29;
	[tilespmem:s24], [sflag:$0x2] =	stream.indirect_vreg.gather [hbm4b:s3+s2], $0x80, v60, vm0, $0xb8  }
0x47d: {  	s24 =	simm.s32 $0x6080;
	[tilespmem:$0x1FB70] =	vst v2;
	v2 =	vperm.xlane v0, v27  }
0x47e: {  	[tilespmem:s24], [sflag:$0x2] =	stream.indirect_vreg.gather [hbm4b:s3+s2], $0x80, v5, vm0, $0xb8;
	v5 =	vadd.s32 v3, v31;
	v31 =	vimm.s32 $0x5;
	[tilespmem:$0xC700] =	vst v63  }
0x47f: {  	v32 =	vperm.xlane v0, v31;
	v2 =	vadd.s32 v3, v2  }
0x480: {  	s24 =	simm.s32 $0x6100  }
0x481: {  	[tilespmem:s24], [sflag:$0x2] =	stream.indirect_vreg.gather [hbm4b:s3+s2], $0x80, v4, vm0, $0xb8;
	v4 =	vadd.s32 v3, v32;
	v32 =	vimm.s32 $0x6;
	[tilespmem:$0xC700] =	vst v63  }
0x482: {  	v33 =	vperm.xlane v0, v32  }
0x483: {  	s24 =	simm.s32 $0x6180  }
0x484: {  	[tilespmem:s24], [sflag:$0x2] =	stream.indirect_vreg.gather [hbm4b:s3+s2], $0x80, v2, vm0, $0xb8;
	v2 =	vadd.s32 v3, v33;
	v33 =	vimm.s32 $0x7;
	[tilespmem:$0xC700] =	vst v63  }
0x485: {  	v39 =	vperm.xlane v0, v33  }
0x486: {  	s24 =	simm.s32 $0x6200  }
0x487: {  	[tilespmem:s24], [sflag:$0x2] =	stream.indirect_vreg.gather [hbm4b:s3+s2], $0x80, v5, vm0, $0xb8;
	v5 =	vadd.s32 v3, v39;
	v39 =	vimm.s32 $0x8;
	[tilespmem:$0xC700] =	vst v63  }
0x488: {  	v41 =	vperm.xlane v0, v39  }
0x489: {  	s24 =	simm.s32 $0x6280  }
0x48a: {  	[tilespmem:s24], [sflag:$0x2] =	stream.indirect_vreg.gather [hbm4b:s3+s2], $0x80, v4, vm0, $0xb8;
	v4 =	vadd.s32 v3, v41;
	v41 =	vimm.s32 $0x9;
	[tilespmem:$0xC700] =	vst v63  }
0x48b: {  	v43 =	vperm.xlane v0, v41  }
0x48c: {  	s24 =	simm.s32 $0x6300  }
0x48d: {  	[tilespmem:s24], [sflag:$0x2] =	stream.indirect_vreg.gather [hbm4b:s3+s2], $0x80, v2, vm0, $0xb8;
	v2 =	vadd.s32 v3, v43;
	v43 =	vimm.s32 $0xA;
	[tilespmem:$0xC700] =	vst v63  }
0x48e: {  	v44 =	vperm.xlane v0, v43  }
0x48f: {  	s24 =	simm.s32 $0x6380  }
0x490: {  	[tilespmem:s24], [sflag:$0x2] =	stream.indirect_vreg.gather [hbm4b:s3+s2], $0x80, v5, vm0, $0xb8;
	v5 =	vadd.s32 v3, v44;
	v44 =	vimm.s32 $0xB;
	[tilespmem:$0xC700] =	vst v63  }
0x491: {  	v45 =	vperm.xlane v0, v44  }
0x492: {  	s24 =	simm.s32 $0x6400  }
0x493: {  	[tilespmem:s24], [sflag:$0x2] =	stream.indirect_vreg.gather [hbm4b:s3+s2], $0x80, v4, vm0, $0xb8;
	v4 =	vadd.s32 v3, v45;
	v45 =	vimm.s32 $0xC;
	[tilespmem:$0xC700] =	vst v63  }
0x494: {  	v47 =	vperm.xlane v0, v45  }
0x495: {  	s24 =	simm.s32 $0x6480  }
0x496: {  	[tilespmem:s24], [sflag:$0x2] =	stream.indirect_vreg.gather [hbm4b:s3+s2], $0x80, v2, vm0, $0xb8;
	v2 =	vadd.s32 v3, v47;
	v47 =	vimm.s32 $0xD;
	[tilespmem:$0xC700] =	vst v63  }
0x497: {  	v49 =	vperm.xlane v0, v47  }
0x498: {  	s24 =	simm.s32 $0x6500  }
0x499: {  	[tilespmem:s24], [sflag:$0x2] =	stream.indirect_vreg.gather [hbm4b:s3+s2], $0x80, v5, vm0, $0xb8;
	v5 =	vadd.s32 v3, v49;
	v49 =	vimm.s32 $0xE;
	[tilespmem:$0xC700] =	vst v63  }
0x49a: {  	v51 =	vperm.xlane v0, v49  }
0x49b: {  	s24 =	simm.s32 $0x6580  }
0x49c: {  	[tilespmem:s24], [sflag:$0x2] =	stream.indirect_vreg.gather [hbm4b:s3+s2], $0x80, v4, vm0, $0xb8;
	v4 =	vadd.s32 v3, v51;
	v51 =	vimm.s32 $0xF;
	[tilespmem:$0xC700] =	vst v63  }
0x49d: {  	s24 =	simm.s32 $0x6600;
	v0 =	vperm.xlane v0, v51  }
0x49e: {  	[tilespmem:s24], [sflag:$0x2] =	stream.indirect_vreg.gather [hbm4b:s3+s2], $0x80, v2, vm0, $0xb8;
	[tilespmem:$0xC700] =	vst v63  }
0x49f: {  	s24 =	simm.s32 $0x6680;
	v0 =	vadd.s32 v3, v0  }
0x4a0: {  	[tilespmem:s24], [sflag:$0x2] =	stream.indirect_vreg.gather [hbm4b:s3+s2], $0x80, v5, vm0, $0xb8;
	[tilespmem:$0xC700] =	vst v63  }
0x4a1: {  	s24 =	simm.s32 $0x6700  }
0x4a2: {  	[tilespmem:s24], [sflag:$0x2] =	stream.indirect_vreg.gather [hbm4b:s3+s2], $0x80, v4, vm0, $0xb8;
	[tilespmem:$0xC700] =	vst v63  }
0x4a3: {  	s24 =	simm.s32 $0x6780  }
0x4a4: {  	[tilespmem:s24], [sflag:$0x2] =	stream.indirect_vreg.gather [hbm4b:s3+s2], $0x80, v0, vm0, $0xb8;
	[tilespmem:$0xC700] =	vst v63  }
0x4a5: {  	v0 =	vld [tilespmem:s22+$0x190];
	_ =	sdelay $0x4  }
0x4a6: {  	v2 =	vshrl.u32 v0, $0x3  }
0x4a7: {  	v2 =	vmul.u32 $0x18, v2  }
0x4a8: {  	v0 =	vand.u32 $0x7, v0  }
0x4a9: {  	v0 =	vor.u32 v0, v2  }
0x4aa: {  	v2 =	vperm.xlane v0, v38;
	_ =	sdelay $0x1  }
0x4ab: {  	v4 =	vperm.xlane v0, v40;
	v2 =	vadd.s32 v3, v2;
	_ =	sdelay $0x1  }
0x4ac: {  	v5 =	vperm.xlane v0, v26;
	v4 =	vadd.s32 v3, v4;
	_ =	sdelay $0x1  }
0x4ad: {  	s24 =	simm.s32 $0x6800;
	v60 =	vperm.xlane v0, v27;
	v5 =	vadd.s32 v3, v5  }
0x4ae: {  	[tilespmem:s24], [sflag:$0x2] =	stream.indirect_vreg.gather [hbm4b:s3+s2], $0x80, v2, vm0, $0xb8;
	[tilespmem:$0xC700] =	vst v63  }
0x4af: {  	v2 =	vadd.s32 v3, v60;
	v60 =	vperm.xlane v0, v29;
	s24 =	simm.s32 $0x6880  }
0x4b0: {  	[tilespmem:s24], [sflag:$0x2] =	stream.indirect_vreg.gather [hbm4b:s3+s2], $0x80, v4, vm0, $0xb8;
	[tilespmem:$0xC700] =	vst v63  }
0x4b1: {  	v4 =	vadd.s32 v3, v60;
	v60 =	vperm.xlane v0, v31;
	s24 =	simm.s32 $0x6900  }
0x4b2: {  	[tilespmem:s24], [sflag:$0x2] =	stream.indirect_vreg.gather [hbm4b:s3+s2], $0x80, v5, vm0, $0xb8;
	[tilespmem:$0xC700] =	vst v63  }
0x4b3: {  	v5 =	vadd.s32 v3, v60;
	v60 =	vperm.xlane v0, v32;
	s24 =	simm.s32 $0x6980  }
0x4b4: {  	[tilespmem:s24], [sflag:$0x2] =	stream.indirect_vreg.gather [hbm4b:s3+s2], $0x80, v2, vm0, $0xb8;
	[tilespmem:$0xC700] =	vst v63  }
0x4b5: {  	v2 =	vadd.s32 v3, v60;
	v60 =	vperm.xlane v0, v33;
	s24 =	simm.s32 $0x6A00  }
0x4b6: {  	[tilespmem:s24], [sflag:$0x2] =	stream.indirect_vreg.gather [hbm4b:s3+s2], $0x80, v4, vm0, $0xb8;
	[tilespmem:$0xC700] =	vst v63  }
0x4b7: {  	v4 =	vadd.s32 v3, v60;
	v60 =	vperm.xlane v0, v39;
	s24 =	simm.s32 $0x6A80  }
0x4b8: {  	[tilespmem:s24], [sflag:$0x2] =	stream.indirect_vreg.gather [hbm4b:s3+s2], $0x80, v5, vm0, $0xb8;
	[tilespmem:$0xC700] =	vst v63  }
0x4b9: {  	v5 =	vadd.s32 v3, v60;
	v60 =	vperm.xlane v0, v41;
	s24 =	simm.s32 $0x6B00  }
0x4ba: {  	[tilespmem:s24], [sflag:$0x2] =	stream.indirect_vreg.gather [hbm4b:s3+s2], $0x80, v2, vm0, $0xb8;
	[tilespmem:$0xC700] =	vst v63  }
0x4bb: {  	v2 =	vadd.s32 v3, v60;
	v60 =	vperm.xlane v0, v43;
	s24 =	simm.s32 $0x6B80  }
0x4bc: {  	[tilespmem:s24], [sflag:$0x2] =	stream.indirect_vreg.gather [hbm4b:s3+s2], $0x80, v4, vm0, $0xb8;
	[tilespmem:$0xC700] =	vst v63  }
0x4bd: {  	v4 =	vadd.s32 v3, v60;
	v60 =	vperm.xlane v0, v44;
	s24 =	simm.s32 $0x6C00  }
0x4be: {  	[tilespmem:s24], [sflag:$0x2] =	stream.indirect_vreg.gather [hbm4b:s3+s2], $0x80, v5, vm0, $0xb8;
	[tilespmem:$0xC700] =	vst v63  }
0x4bf: {  	v5 =	vadd.s32 v3, v60;
	v60 =	vperm.xlane v0, v45;
	s24 =	simm.s32 $0x6C80  }
0x4c0: {  	[tilespmem:s24], [sflag:$0x2] =	stream.indirect_vreg.gather [hbm4b:s3+s2], $0x80, v2, vm0, $0xb8;
	[tilespmem:$0xC700] =	vst v63  }
0x4c1: {  	v2 =	vadd.s32 v3, v60;
	v60 =	vperm.xlane v0, v47;
	s24 =	simm.s32 $0x6D00  }
0x4c2: {  	[tilespmem:s24], [sflag:$0x2] =	stream.indirect_vreg.gather [hbm4b:s3+s2], $0x80, v4, vm0, $0xb8;
	[tilespmem:$0xC700] =	vst v63  }
0x4c3: {  	v4 =	vadd.s32 v3, v60;
	v60 =	vperm.xlane v0, v49;
	s24 =	simm.s32 $0x6D80  }
0x4c4: {  	[tilespmem:s24], [sflag:$0x2] =	stream.indirect_vreg.gather [hbm4b:s3+s2], $0x80, v5, vm0, $0xb8;
	[tilespmem:$0xC700] =	vst v63  }
0x4c5: {  	v0 =	vperm.xlane v0, v51;
	v5 =	vadd.s32 v3, v60;
	s24 =	simm.s32 $0x6E00  }
0x4c6: {  	[tilespmem:s24], [sflag:$0x2] =	stream.indirect_vreg.gather [hbm4b:s3+s2], $0x80, v2, vm0, $0xb8;
	[tilespmem:$0xC700] =	vst v63  }
0x4c7: {  	v0 =	vadd.s32 v3, v0;
	s24 =	simm.s32 $0x6E80  }
0x4c8: {  	[tilespmem:s24], [sflag:$0x2] =	stream.indirect_vreg.gather [hbm4b:s3+s2], $0x80, v4, vm0, $0xb8;
	[tilespmem:$0xC700] =	vst v63  }
0x4c9: {  	s24 =	simm.s32 $0x6F00  }
0x4ca: {  	[tilespmem:s24], [sflag:$0x2] =	stream.indirect_vreg.gather [hbm4b:s3+s2], $0x80, v5, vm0, $0xb8;
	[tilespmem:$0xC700] =	vst v63  }
0x4cb: {  	s24 =	simm.s32 $0x6F80  }
0x4cc: {  	[tilespmem:s24], [sflag:$0x2] =	stream.indirect_vreg.gather [hbm4b:s3+s2], $0x80, v0, vm0, $0xb8;
	[tilespmem:$0xC700] =	vst v63  }
0x4cd: {  	v0 =	vld [tilespmem:s22+$0x1A0];
	_ =	sdelay $0x4  }
0x4ce: {  	v2 =	vshrl.u32 v0, $0x3  }
0x4cf: {  	v2 =	vmul.u32 $0x18, v2  }
0x4d0: {  	v0 =	vand.u32 $0x7, v0  }
0x4d1: {  	v0 =	vor.u32 v0, v2  }
0x4d2: {  	v2 =	vperm.xlane v0, v38;
	_ =	sdelay $0x1  }
0x4d3: {  	v4 =	vperm.xlane v0, v40;
	v2 =	vadd.s32 v3, v2;
	_ =	sdelay $0x1  }
0x4d4: {  	v5 =	vperm.xlane v0, v26;
	v4 =	vadd.s32 v3, v4;
	_ =	sdelay $0x1  }
0x4d5: {  	s24 =	simm.s32 $0x7000;
	v60 =	vperm.xlane v0, v27;
	v5 =	vadd.s32 v3, v5  }
0x4d6: {  	[tilespmem:s24], [sflag:$0x2] =	stream.indirect_vreg.gather [hbm4b:s3+s2], $0x80, v2, vm0, $0xb8;
	[tilespmem:$0xC700] =	vst v63  }
0x4d7: {  	v2 =	vadd.s32 v3, v60;
	v60 =	vperm.xlane v0, v29;
	s24 =	simm.s32 $0x7080  }
0x4d8: {  	[tilespmem:s24], [sflag:$0x2] =	stream.indirect_vreg.gather [hbm4b:s3+s2], $0x80, v4, vm0, $0xb8;
	[tilespmem:$0xC700] =	vst v63  }
0x4d9: {  	v4 =	vadd.s32 v3, v60;
	v60 =	vperm.xlane v0, v31;
	s24 =	simm.s32 $0x7100  }
0x4da: {  	[tilespmem:s24], [sflag:$0x2] =	stream.indirect_vreg.gather [hbm4b:s3+s2], $0x80, v5, vm0, $0xb8;
	[tilespmem:$0xC700] =	vst v63  }
0x4db: {  	v5 =	vadd.s32 v3, v60;
	v60 =	vperm.xlane v0, v32;
	s24 =	simm.s32 $0x7180  }
0x4dc: {  	[tilespmem:s24], [sflag:$0x2] =	stream.indirect_vreg.gather [hbm4b:s3+s2], $0x80, v2, vm0, $0xb8;
	[tilespmem:$0xC700] =	vst v63  }
0x4dd: {  	v2 =	vadd.s32 v3, v60;
	v60 =	vperm.xlane v0, v33;
	s24 =	simm.s32 $0x7200  }
0x4de: {  	[tilespmem:s24], [sflag:$0x2] =	stream.indirect_vreg.gather [hbm4b:s3+s2], $0x80, v4, vm0, $0xb8;
	[tilespmem:$0xC700] =	vst v63  }
0x4df: {  	v4 =	vadd.s32 v3, v60;
	v60 =	vperm.xlane v0, v39;
	s24 =	simm.s32 $0x7280  }
0x4e0: {  	[tilespmem:s24], [sflag:$0x2] =	stream.indirect_vreg.gather [hbm4b:s3+s2], $0x80, v5, vm0, $0xb8;
	[tilespmem:$0xC700] =	vst v63  }
0x4e1: {  	v5 =	vadd.s32 v3, v60;
	v60 =	vperm.xlane v0, v41;
	s24 =	simm.s32 $0x7300  }
0x4e2: {  	[tilespmem:s24], [sflag:$0x2] =	stream.indirect_vreg.gather [hbm4b:s3+s2], $0x80, v2, vm0, $0xb8;
	[tilespmem:$0xC700] =	vst v63  }
0x4e3: {  	v2 =	vadd.s32 v3, v60;
	v60 =	vperm.xlane v0, v43;
	s24 =	simm.s32 $0x7380  }
0x4e4: {  	[tilespmem:s24], [sflag:$0x2] =	stream.indirect_vreg.gather [hbm4b:s3+s2], $0x80, v4, vm0, $0xb8;
	[tilespmem:$0xC700] =	vst v63  }
0x4e5: {  	v4 =	vadd.s32 v3, v60;
	v60 =	vperm.xlane v0, v44;
	s24 =	simm.s32 $0x7400  }
0x4e6: {  	[tilespmem:s24], [sflag:$0x2] =	stream.indirect_vreg.gather [hbm4b:s3+s2], $0x80, v5, vm0, $0xb8;
	[tilespmem:$0xC700] =	vst v63  }
0x4e7: {  	v5 =	vadd.s32 v3, v60;
	v60 =	vperm.xlane v0, v45;
	s24 =	simm.s32 $0x7480  }
0x4e8: {  	[tilespmem:s24], [sflag:$0x2] =	stream.indirect_vreg.gather [hbm4b:s3+s2], $0x80, v2, vm0, $0xb8;
	[tilespmem:$0xC700] =	vst v63  }
0x4e9: {  	v2 =	vadd.s32 v3, v60;
	v60 =	vperm.xlane v0, v47;
	s24 =	simm.s32 $0x7500  }
0x4ea: {  	[tilespmem:s24], [sflag:$0x2] =	stream.indirect_vreg.gather [hbm4b:s3+s2], $0x80, v4, vm0, $0xb8;
	[tilespmem:$0xC700] =	vst v63  }
0x4eb: {  	v4 =	vadd.s32 v3, v60;
	v60 =	vperm.xlane v0, v49;
	s24 =	simm.s32 $0x7580  }
0x4ec: {  	[tilespmem:s24], [sflag:$0x2] =	stream.indirect_vreg.gather [hbm4b:s3+s2], $0x80, v5, vm0, $0xb8;
	[tilespmem:$0xC700] =	vst v63  }
0x4ed: {  	v0 =	vperm.xlane v0, v51;
	v5 =	vadd.s32 v3, v60;
	s24 =	simm.s32 $0x7600  }
0x4ee: {  	[tilespmem:s24], [sflag:$0x2] =	stream.indirect_vreg.gather [hbm4b:s3+s2], $0x80, v2, vm0, $0xb8;
	[tilespmem:$0xC700] =	vst v63  }
0x4ef: {  	v0 =	vadd.s32 v3, v0;
	s24 =	simm.s32 $0x7680  }
0x4f0: {  	[tilespmem:s24], [sflag:$0x2] =	stream.indirect_vreg.gather [hbm4b:s3+s2], $0x80, v4, vm0, $0xb8;
	[tilespmem:$0xC700] =	vst v63  }
0x4f1: {  	s24 =	simm.s32 $0x7700  }
0x4f2: {  	[tilespmem:s24], [sflag:$0x2] =	stream.indirect_vreg.gather [hbm4b:s3+s2], $0x80, v5, vm0, $0xb8;
	[tilespmem:$0xC700] =	vst v63  }
0x4f3: {  	s24 =	simm.s32 $0x7780  }
0x4f4: {  	[tilespmem:s24], [sflag:$0x2] =	stream.indirect_vreg.gather [hbm4b:s3+s2], $0x80, v0, vm0, $0xb8;
	[tilespmem:$0xC700] =	vst v63  }
0x4f5: {  	v0 =	vld.msk [tilespmem:s22+$0x1B0], $0x3;
	_ =	sdelay $0x4  }
0x4f6: {  	v2 =	vshrl.u32 v0, $0x3  }
0x4f7: {  	v2 =	vmul.u32 $0x18, v2  }
0x4f8: {  	v0 =	vand.u32 $0x7, v0  }
0x4f9: {  	v0 =	vor.u32 v0, v2  }
0x4fa: {  	v2 =	vperm.xlane v0, v38;
	_ =	sdelay $0x1  }
0x4fb: {  	v0 =	vperm.xlane v0, v40;
	v2 =	vadd.s32 v3, v2;
	_ =	sdelay $0x1  }
0x4fc: {  	v0 =	vadd.s32 v3, v0;
	_ =	sdelay $0x1  }
0x4fd: {  	s24 =	simm.s32 $0x7800  }
0x4fe: {  	[tilespmem:s24], [sflag:$0x2] =	stream.indirect_vreg.gather [hbm4b:s3+s2], $0x80, v2, vm0, $0xb8;
	[tilespmem:$0xC700] =	vst v63  }
0x4ff: {  	s24 =	simm.s32 $0x7880  }
0x500: {  	[tilespmem:s24], [sflag:$0x2] =	stream.indirect_vreg.gather [hbm4b:s3+s2], $0x80, v0, vm0, $0xb8;
	[tilespmem:$0xC700] =	vst v63  }
0x501: {  	v0 =	vld [tilespmem:s22+$0x180];
	_ =	sdelay $0x4  }
0x502: {  	v2 =	vshrl.u32 v0, $0x3  }
0x503: {  	v2 =	vmul.u32 $0x18, v2  }
0x504: {  	v0 =	vand.u32 $0x7, v0  }
0x505: {  	v0 =	vor.u32 v0, v2  }
0x506: {  	v2 =	vperm.xlane v0, v38;
	_ =	sdelay $0x1  }
0x507: {  	v4 =	vperm.xlane v0, v40;
	v2 =	vadd.s32 v3, v2;
	_ =	sdelay $0x1  }
0x508: {  	v5 =	vperm.xlane v0, v26;
	v4 =	vadd.s32 v3, v4;
	_ =	sdelay $0x1  }
0x509: {  	s24 =	simm.s32 $0xA000;
	v60 =	vperm.xlane v0, v27;
	v5 =	vadd.s32 v3, v5  }
0x50a: {  	[tilespmem:s24], [sflag:$0x4] =	stream.indirect_vreg.gather [hbm4b:s7+s2], $0x80, v2, vm0, $0xb8;
	[tilespmem:$0xC700] =	vst v63  }
0x50b: {  	v2 =	vadd.s32 v3, v60;
	v60 =	vperm.xlane v0, v29;
	s24 =	simm.s32 $0xA080  }
0x50c: {  	[tilespmem:s24], [sflag:$0x4] =	stream.indirect_vreg.gather [hbm4b:s7+s2], $0x80, v4, vm0, $0xb8;
	[tilespmem:$0xC700] =	vst v63  }
0x50d: {  	v4 =	vadd.s32 v3, v60;
	v60 =	vperm.xlane v0, v31;
	s24 =	simm.s32 $0xA100  }
0x50e: {  	[tilespmem:s24], [sflag:$0x4] =	stream.indirect_vreg.gather [hbm4b:s7+s2], $0x80, v5, vm0, $0xb8;
	[tilespmem:$0xC700] =	vst v63  }
0x50f: {  	v5 =	vadd.s32 v3, v60;
	v60 =	vperm.xlane v0, v32;
	s24 =	simm.s32 $0xA180  }
0x510: {  	[tilespmem:s24], [sflag:$0x4] =	stream.indirect_vreg.gather [hbm4b:s7+s2], $0x80, v2, vm0, $0xb8;
	[tilespmem:$0xC700] =	vst v63  }
0x511: {  	v2 =	vadd.s32 v3, v60;
	v60 =	vperm.xlane v0, v33;
	s24 =	simm.s32 $0xA200  }
0x512: {  	[tilespmem:s24], [sflag:$0x4] =	stream.indirect_vreg.gather [hbm4b:s7+s2], $0x80, v4, vm0, $0xb8;
	[tilespmem:$0xC700] =	vst v63  }
0x513: {  	v4 =	vadd.s32 v3, v60;
	v60 =	vperm.xlane v0, v39;
	s24 =	simm.s32 $0xA280  }
0x514: {  	[tilespmem:s24], [sflag:$0x4] =	stream.indirect_vreg.gather [hbm4b:s7+s2], $0x80, v5, vm0, $0xb8;
	[tilespmem:$0xC700] =	vst v63  }
0x515: {  	v5 =	vadd.s32 v3, v60;
	v60 =	vperm.xlane v0, v41;
	s24 =	simm.s32 $0xA300  }
0x516: {  	[tilespmem:s24], [sflag:$0x4] =	stream.indirect_vreg.gather [hbm4b:s7+s2], $0x80, v2, vm0, $0xb8;
	[tilespmem:$0xC700] =	vst v63  }
0x517: {  	v2 =	vadd.s32 v3, v60;
	v60 =	vperm.xlane v0, v43;
	s24 =	simm.s32 $0xA380  }
0x518: {  	[tilespmem:s24], [sflag:$0x4] =	stream.indirect_vreg.gather [hbm4b:s7+s2], $0x80, v4, vm0, $0xb8;
	[tilespmem:$0xC700] =	vst v63  }
0x519: {  	v4 =	vadd.s32 v3, v60;
	v60 =	vperm.xlane v0, v44;
	s24 =	simm.s32 $0xA400  }
0x51a: {  	[tilespmem:s24], [sflag:$0x4] =	stream.indirect_vreg.gather [hbm4b:s7+s2], $0x80, v5, vm0, $0xb8;
	[tilespmem:$0xC700] =	vst v63  }
0x51b: {  	v5 =	vadd.s32 v3, v60;
	v60 =	vperm.xlane v0, v45;
	s24 =	simm.s32 $0xA480  }
0x51c: {  	[tilespmem:s24], [sflag:$0x4] =	stream.indirect_vreg.gather [hbm4b:s7+s2], $0x80, v2, vm0, $0xb8;
	[tilespmem:$0xC700] =	vst v63  }
0x51d: {  	v2 =	vadd.s32 v3, v60;
	v60 =	vperm.xlane v0, v47;
	s24 =	simm.s32 $0xA500  }
0x51e: {  	[tilespmem:s24], [sflag:$0x4] =	stream.indirect_vreg.gather [hbm4b:s7+s2], $0x80, v4, vm0, $0xb8;
	[tilespmem:$0xC700] =	vst v63  }
0x51f: {  	v4 =	vadd.s32 v3, v60;
	v60 =	vperm.xlane v0, v49;
	s24 =	simm.s32 $0xA580  }
0x520: {  	[tilespmem:s24], [sflag:$0x4] =	stream.indirect_vreg.gather [hbm4b:s7+s2], $0x80, v5, vm0, $0xb8;
	[tilespmem:$0xC700] =	vst v63  }
0x521: {  	v0 =	vperm.xlane v0, v51;
	v5 =	vadd.s32 v3, v60;
	s24 =	simm.s32 $0xA600  }
0x522: {  	[tilespmem:s24], [sflag:$0x4] =	stream.indirect_vreg.gather [hbm4b:s7+s2], $0x80, v2, vm0, $0xb8;
	[tilespmem:$0xC700] =	vst v63  }
0x523: {  	v0 =	vadd.s32 v3, v0;
	s24 =	simm.s32 $0xA680  }
0x524: {  	[tilespmem:s24], [sflag:$0x4] =	stream.indirect_vreg.gather [hbm4b:s7+s2], $0x80, v4, vm0, $0xb8;
	[tilespmem:$0xC700] =	vst v63  }
0x525: {  	s24 =	simm.s32 $0xA700  }
0x526: {  	[tilespmem:s24], [sflag:$0x4] =	stream.indirect_vreg.gather [hbm4b:s7+s2], $0x80, v5, vm0, $0xb8;
	[tilespmem:$0xC700] =	vst v63  }
0x527: {  	s24 =	simm.s32 $0xA780  }
0x528: {  	[tilespmem:s24], [sflag:$0x4] =	stream.indirect_vreg.gather [hbm4b:s7+s2], $0x80, v0, vm0, $0xb8;
	[tilespmem:$0xC700] =	vst v63  }
0x529: {  	v0 =	vld [tilespmem:s22+$0x190];
	_ =	sdelay $0x4  }
0x52a: {  	v2 =	vshrl.u32 v0, $0x3  }
0x52b: {  	v2 =	vmul.u32 $0x18, v2  }
0x52c: {  	v0 =	vand.u32 $0x7, v0  }
0x52d: {  	v42 =	vadd.f32 v42, v57;
	v60 =	vor.u32 v0, v2  }
0x52e: {  	v34 =	vadd.f32 v21, v34;
	v35 =	vadd.f32 v1, v35;
	v0 =	vperm.xlane v60, v38  }
0x52f: {  	v28 =	vadd.f32 v28, v36;
	v36 =	vadd.f32 v7, v37  }
0x530: {  	v21 =	vadd.f32 v9, v19;
	v2 =	vperm.xlane v60, v40;
	v0 =	vadd.s32 v3, v0  }
0x531: {  	v20 =	vadd.f32 v10, v20;
	v19 =	vadd.f32 v11, v53  }
0x532: {  	v10 =	vadd.f32 v15, v48;
	v1 =	vperm.xlane v60, v26;
	v2 =	vadd.s32 v3, v2  }
0x533: {  	v7 =	vadd.f32 v16, v54;
	v6 =	vmul.f32 v6, v21;
	v8 =	vmul.f32 v8, v20  }
0x534: {  	v57 =	vmul.f32 v12, v19;
	s24 =	simm.s32 $0xA800;
	v5 =	vperm.xlane v60, v27;
	v4 =	vadd.s32 v3, v1  }
0x535: {  	v37 =	vmul.f32 v52, v7;
	v52 =	vmul.f32 v25, v21;
	[tilespmem:s24], [sflag:$0x4] =	stream.indirect_vreg.gather [hbm4b:s7+s2], $0x80, v0, vm0, $0xb8;
	[tilespmem:$0xC700] =	vst v63  }
0x536: {  	v53 =	vmul.f32 v24, v20;
	v0 =	vadd.s32 v3, v5;
	v5 =	vperm.xlane v60, v29;
	s24 =	simm.s32 $0xA880  }
0x537: {  	v61 =	vmul.f32 v61, v10;
	v6 =	vadd.f32 v8, v6;
	[tilespmem:s24], [sflag:$0x4] =	stream.indirect_vreg.gather [hbm4b:s7+s2], $0x80, v2, vm0, $0xb8;
	[tilespmem:$0xC700] =	vst v63  }
0x538: {  	v8 =	vadd.f32 v53, v52;
	v54 =	vadd.s32 v3, v5;
	v5 =	vperm.xlane v60, v31;
	s24 =	simm.s32 $0xA900  }
0x539: {  	v6 =	vadd.f32 v57, v6;
	v57 =	vmul.f32 v56, v19;
	[tilespmem:s24], [sflag:$0x4] =	stream.indirect_vreg.gather [hbm4b:s7+s2], $0x80, v4, vm0, $0xb8;
	[tilespmem:$0xC700] =	vst v63  }
0x53a: {  	v4 =	vadd.f32 v55, v17;
	v16 =	vadd.s32 v3, v5;
	v17 =	vperm.xlane v60, v32;
	s24 =	simm.s32 $0xA980  }
0x53b: {  	v8 =	vadd.f32 v57, v8;
	v1 =	vadd.f32 v18, v50;
	[tilespmem:s24], [sflag:$0x4] =	stream.indirect_vreg.gather [hbm4b:s7+s2], $0x80, v0, vm0, $0xb8;
	[tilespmem:$0xC700] =	vst v63  }
0x53c: {  	v0 =	vmul.f32 v22, v10;
	v18 =	vadd.s32 v3, v17;
	v22 =	vperm.xlane v60, v33;
	s24 =	simm.s32 $0xAA00  }
0x53d: {  	v8 =	vadd.f32 v61, v8;
	v61 =	vld [tilespmem:$0x1F8C0];
	v48 =	vmul.f32 v58, v1;
	[tilespmem:s24], [sflag:$0x4] =	stream.indirect_vreg.gather [hbm4b:s7+s2], $0x80, v54, vm0, $0xb8  }
0x53e: {  	v58 =	vld [tilespmem:$0x1F7D0];
	v2 =	vadd.f32 v23, v46;
	v46 =	vperm.xlane v60, v39;
	v12 =	vadd.s32 v3, v22;
	s24 =	simm.s32 $0xAA80  }
0x53f: {  	v17 =	vld [tilespmem:$0x1F7E0];
	v23 =	vadd.f32 v0, v6;
	[tilespmem:s24], [sflag:$0x4] =	stream.indirect_vreg.gather [hbm4b:s7+s2], $0x80, v16, vm0, $0xb8  }
0x540: {  	v57 =	vld [tilespmem:$0x1F890];
	v50 =	vperm.xlane v60, v41;
	v6 =	vadd.f32 v62, v13;
	v13 =	vadd.s32 v3, v46;
	s24 =	simm.s32 $0xAB00  }
0x541: {  	v25 =	vperm.xlane v60, v49;
	v9 =	vadd.f32 v37, v23;
	v23 =	vld [tilespmem:$0x1F800];
	[tilespmem:s24], [sflag:$0x4] =	stream.indirect_vreg.gather [hbm4b:s7+s2], $0x80, v18, vm0, $0xb8  }
0x542: {  	v53 =	vld [tilespmem:$0x1F850];
	v5 =	vadd.f32 v59, v14;
	v55 =	vperm.xlane v60, v43;
	v54 =	vadd.s32 v3, v50;
	s24 =	simm.s32 $0xAB80  }
0x543: {  	v15 =	vmul.f32 v58, v2;
	v59 =	vperm.xlane v60, v44;
	v37 =	vld [tilespmem:$0x1F810];
	[tilespmem:s24], [sflag:$0x4] =	stream.indirect_vreg.gather [hbm4b:s7+s2], $0x80, v12, vm0, $0xb8  }
0x544: {  	v14 =	vadd.s32 v3, v55;
	v0 =	vadd.f32 v63, v42;
	v11 =	vmul.f32 v17, v7;
	v18 =	vld [tilespmem:$0x1F7F0];
	s24 =	simm.s32 $0xAC00  }
0x545: {  	v62 =	vadd.s32 v3, v59;
	v9 =	vadd.f32 v48, v9;
	v48 =	vld [tilespmem:$0x1F830];
	[tilespmem:s24], [sflag:$0x4] =	stream.indirect_vreg.gather [hbm4b:s7+s2], $0x80, v13, vm0, $0xb8  }
0x546: {  	v63 =	vperm.xlane v60, v45;
	v42 =	vld [tilespmem:$0x1F820];
	v8 =	vadd.f32 v11, v8;
	v11 =	vmul.f32 v23, v1;
	s24 =	simm.s32 $0xAC80  }
0x547: {  	v56 =	vld [tilespmem:$0x1F880];
	v22 =	vperm.xlane v60, v47;
	v9 =	vadd.f32 v15, v9;
	[tilespmem:s24], [sflag:$0x4] =	stream.indirect_vreg.gather [hbm4b:s7+s2], $0x80, v54, vm0, $0xb8  }
0x548: {  	v50 =	vld [tilespmem:$0x1F840];
	v15 =	vadd.s32 v3, v63;
	v8 =	vadd.f32 v11, v8;
	v11 =	vmul.f32 v37, v2;
	s24 =	simm.s32 $0xAD00  }
0x549: {  	v58 =	vld [tilespmem:$0x1F8A0];
	v46 =	vperm.xlane v60, v51;
	v12 =	vmul.f32 v18, v4;
	[tilespmem:s24], [sflag:$0x4] =	stream.indirect_vreg.gather [hbm4b:s7+s2], $0x80, v14, vm0, $0xb8  }
0x54a: {  	v24 =	vadd.s32 v3, v22;
	v54 =	vld [tilespmem:$0x1F860];
	v8 =	vadd.f32 v11, v8;
	v11 =	vmul.f32 v48, v4;
	s24 =	simm.s32 $0xAD80  }
0x54b: {  	v55 =	vld [tilespmem:$0x1F870];
	v13 =	vmul.f32 v42, v5;
	v9 =	vadd.f32 v12, v9;
	[tilespmem:s24], [sflag:$0x4] =	stream.indirect_vreg.gather [hbm4b:s7+s2], $0x80, v62, vm0, $0xb8  }
0x54c: {  	v59 =	vld [tilespmem:$0x1F8B0];
	v14 =	vadd.s32 v3, v25;
	v8 =	vadd.f32 v11, v8;
	v11 =	vmul.f32 v53, v5;
	s24 =	simm.s32 $0xAE00  }
0x54d: {  	v25 =	vld [tilespmem:$0x1F8E0];
	v9 =	vadd.f32 v13, v9;
	v13 =	vmul.f32 v50, v6;
	[tilespmem:s24], [sflag:$0x4] =	stream.indirect_vreg.gather [hbm4b:s7+s2], $0x80, v15, vm0, $0xb8  }
0x54e: {  	v52 =	vadd.s32 v3, v46;
	v62 =	vld [tilespmem:$0x1F8D0];
	v8 =	vadd.f32 v11, v8;
	v11 =	vmul.f32 v56, v6;
	s24 =	simm.s32 $0xAE80  }
0x54f: {  	v12 =	vadd.f32 v54, v34;
	v9 =	vadd.f32 v13, v9;
	v34 =	vld [tilespmem:$0x1F900];
	[tilespmem:s24], [sflag:$0x4] =	stream.indirect_vreg.gather [hbm4b:s7+s2], $0x80, v24, vm0, $0xb8  }
0x550: {  	v13 =	vmul.f32 v55, v0;
	v11 =	vadd.f32 v11, v8;
	v8 =	vadd.f32 v61, v30;
	v30 =	vld [tilespmem:$0x1F8F0]  }
0x551: {  	[tilespmem:s25], [sflag:$0x4] =	stream.indirect_vreg.gather [hbm4b:s7+s2], $0x80, v14, vm0, $0xb8;
	v14 =	vadd.f32 v57, v35;
	v35 =	vld [tilespmem:$0x1F910]  }
0x552: {  	v37 =	vld [tilespmem:$0x1F920];
	v9 =	vadd.f32 v13, v9;
	v13 =	vmul.f32 v58, v12  }
0x553: {  	v60 =	vmul.f32 v59, v0;
	v48 =	vld [tilespmem:$0x1F950];
	[tilespmem:s26], [sflag:$0x4] =	stream.indirect_vreg.gather [hbm4b:s7+s2], $0x80, v52, vm0, $0xb8  }
0x554: {  	v9 =	vadd.f32 v13, v9;
	v13 =	vmul.f32 v62, v14;
	v63 =	vld [tilespmem:s22+$0x1A0]  }
0x555: {  	v17 =	vadd.f32 v25, v28;
	v11 =	vadd.f32 v60, v11;
	v15 =	vmul.f32 v30, v12;
	v52 =	vld [tilespmem:$0x1F960]  }
0x556: {  	v9 =	vadd.f32 v13, v9;
	v13 =	vmul.f32 v34, v21;
	v18 =	vmul.f32 v35, v20  }
0x557: {  	v55 =	vld [tilespmem:$0x1F990];
	v11 =	vadd.f32 v15, v11;
	v15 =	vmul.f32 v37, v17  }
0x558: {  	v13 =	vadd.f32 v18, v13;
	v18 =	vmul.f32 v48, v19  }
0x559: {  	v58 =	vld [tilespmem:$0x1F9B0];
	v9 =	vadd.f32 v15, v9;
	v50 =	vshrl.u32 v63, $0x3  }
0x55a: {  	v46 =	vld [tilespmem:$0x1F940];
	v13 =	vadd.f32 v18, v13;
	v18 =	vmul.f32 v52, v10;
	v15 =	vmul.u32 $0x18, v50  }
0x55b: {  	v61 =	vld [tilespmem:$0x1F9D0];
	v16 =	vand.u32 $0x7, v63  }
0x55c: {  	v28 =	vld [tilespmem:$0x1F9E0];
	v13 =	vadd.f32 v18, v13;
	v15 =	vor.u32 v16, v15;
	v16 =	vmul.f32 v55, v7  }
0x55d: {  	v30 =	vld [tilespmem:$0x1F9F0]  }
0x55e: {  	v42 =	vld [tilespmem:$0x1F930];
	v13 =	vadd.f32 v16, v13;
	v16 =	vmul.f32 v58, v1  }
0x55f: {  	v23 =	vadd.f32 v46, v36;
	v36 =	vld [tilespmem:$0x1FA10]  }
0x560: {  	v54 =	vld [tilespmem:$0x1F980];
	v13 =	vadd.f32 v16, v13;
	v16 =	vmul.f32 v61, v2  }
0x561: {  	v46 =	vld [tilespmem:$0x1FA20]  }
0x562: {  	v59 =	vld [tilespmem:$0x1F9C0];
	v20 =	vmul.f32 v30, v20;
	v13 =	vadd.f32 v16, v13;
	v16 =	vmul.f32 v28, v21  }
0x563: {  	v22 =	vmul.f32 v42, v14;
	v52 =	vld [tilespmem:$0x1FA40]  }
0x564: {  	v19 =	vmul.f32 v36, v19;
	v16 =	vadd.f32 v20, v16  }
0x565: {  	v24 =	vmul.f32 v54, v17;
	v11 =	vadd.f32 v22, v11;
	v55 =	vld [tilespmem:$0x1FA50]  }
0x566: {  	v10 =	vmul.f32 v46, v10;
	v16 =	vadd.f32 v19, v16  }
0x567: {  	v11 =	vadd.f32 v24, v11;
	v24 =	vmul.f32 v59, v23;
	v59 =	vld [tilespmem:$0x1FA70]  }
0x568: {  	v7 =	vmul.f32 v52, v7;
	v10 =	vadd.f32 v10, v16;
	_ =	sdelay $0x1  }
0x569: {  	v1 =	vmul.f32 v55, v1;
	v7 =	vadd.f32 v7, v10;
	_ =	sdelay $0x1  }
0x56a: {  	v2 =	vmul.f32 v59, v2;
	v1 =	vadd.f32 v1, v7;
	_ =	sdelay $0x1  }
0x56b: {  	v1 =	vadd.f32 v2, v1;
	v2 =	vld [tilespmem:$0x1FA80];
	_ =	sdelay $0x1  }
0x56c: {  	v56 =	vperm.xlane v15, v38;
	_ =	sdelay $0x1  }
0x56d: {  	v60 =	vperm.xlane v15, v40;
	v18 =	vadd.s32 v3, v56  }
0x56e: {  	v2 =	vmul.f32 v2, v4  }
0x56f: {  	v53 =	vld [tilespmem:$0x1F970];
	v63 =	vperm.xlane v15, v26;
	v62 =	vadd.s32 v3, v60  }
0x570: {  	v1 =	vadd.f32 v2, v1;
	v2 =	vld [tilespmem:$0x1FAA0]  }
0x571: {  	v11 =	vadd.f32 v24, v11;
	v35 =	vperm.xlane v15, v27;
	v24 =	vadd.s32 v3, v63  }
0x572: {  	v34 =	vld [tilespmem:$0x1FA00];
	[tilespmem:s28], [sflag:$0x4] =	stream.indirect_vreg.gather [hbm4b:s7+s2], $0x80, v18, vm0, $0xb8  }
0x573: {  	v57 =	vld [tilespmem:$0x1F9A0];
	v42 =	vperm.xlane v15, v29;
	v37 =	vadd.s32 v3, v35  }
0x574: {  	v22 =	vmul.f32 v53, v23;
	v48 =	vld [tilespmem:$0x1FA30];
	[tilespmem:s29], [sflag:$0x4] =	stream.indirect_vreg.gather [hbm4b:s7+s2], $0x80, v62, vm0, $0xb8  }
0x575: {  	v50 =	vperm.xlane v15, v31;
	v20 =	vadd.s32 v3, v42;
	v2 =	vmul.f32 v2, v5  }
0x576: {  	v9 =	vadd.f32 v22, v9;
	v54 =	vperm.xlane v15, v32;
	v56 =	vld [tilespmem:$0x1FA60];
	[tilespmem:s30], [sflag:$0x4] =	stream.indirect_vreg.gather [hbm4b:s7+s2], $0x80, v24, vm0, $0xb8  }
0x577: {  	v53 =	vadd.s32 v3, v50;
	v21 =	vmul.f32 v34, v4;
	v1 =	vadd.f32 v2, v1;
	v2 =	vld [tilespmem:$0x1FAB0]  }
0x578: {  	v22 =	vmul.f32 v57, v8;
	v58 =	vperm.xlane v15, v33;
	[tilespmem:s31], [sflag:$0x4] =	stream.indirect_vreg.gather [hbm4b:s7+s2], $0x80, v37, vm0, $0xb8;
	[tilespmem:$0xC700] =	vst v63  }
0x579: {  	v57 =	vadd.s32 v3, v54;
	v13 =	vadd.f32 v21, v13;
	v19 =	vmul.f32 v48, v5  }
0x57a: {  	v61 =	vadd.s32 v3, v58;
	[tilespmem:s0], [sflag:$0x4] =	stream.indirect_vreg.gather [hbm4b:s7+s2], $0x80, v20, vm0, $0xb8;
	v4 =	vld [tilespmem:$0x1FA90]  }
0x57b: {  	v62 =	vperm.xlane v15, v39;
	v13 =	vadd.f32 v19, v13;
	v10 =	vmul.f32 v56, v6  }
0x57c: {  	v21 =	vld [tilespmem:$0x1FAC0];
	[tilespmem:s1], [sflag:$0x4] =	stream.indirect_vreg.gather [hbm4b:s7+s2], $0x80, v53, vm0, $0xb8;
	v2 =	vmul.f32 v2, v6  }
0x57d: {  	v63 =	vperm.xlane v15, v41;
	v60 =	vadd.f32 v10, v13;
	v13 =	vadd.s32 v3, v62  }
0x57e: {  	[tilespmem:s11], [sflag:$0x4] =	stream.indirect_vreg.gather [hbm4b:s7+s2], $0x80, v57, vm0, $0xb8;
	v1 =	vadd.f32 v2, v1;
	v2 =	vld [tilespmem:$0x1FAD0]  }
0x57f: {  	v20 =	vperm.xlane v15, v43;
	v4 =	vmul.f32 v4, v0;
	v5 =	vadd.s32 v3, v63  }
0x580: {  	v9 =	vadd.f32 v22, v9;
	v22 =	vperm.xlane v15, v44;
	[tilespmem:s12], [sflag:$0x4] =	stream.indirect_vreg.gather [hbm4b:s7+s2], $0x80, v61, vm0, $0xb8;
	[tilespmem:$0xC700] =	vst v63  }
0x581: {  	v7 =	vadd.s32 v3, v20;
	v4 =	vadd.f32 v4, v60;
	v6 =	vmul.f32 v21, v12  }
0x582: {  	[tilespmem:s4], [sflag:$0x4] =	stream.indirect_vreg.gather [hbm4b:s7+s2], $0x80, v13, vm0, $0xb8;
	[tilespmem:$0xC700] =	vst v63  }
0x583: {  	v0 =	vmul.f32 v2, v0;
	v2 =	vadd.f32 v6, v4;
	v4 =	vadd.s32 v3, v22  }
0x584: {  	[tilespmem:s5], [sflag:$0x4] =	stream.indirect_vreg.gather [hbm4b:s7+s2], $0x80, v5, vm0, $0xb8;
	[tilespmem:$0xC700] =	vst v63  }
0x585: {  	_ = 	snop  }
0x586: {  	[tilespmem:s6], [sflag:$0x4] =	stream.indirect_vreg.gather [hbm4b:s7+s2], $0x80, v7, vm0, $0xb8;
	v0 =	vadd.f32 v0, v1;
	v1 =	vld [tilespmem:$0x1FAE0]  }
0x587: {  	_ = 	snop  }
0x588: {  	[tilespmem:s8], [sflag:$0x4] =	stream.indirect_vreg.gather [hbm4b:s7+s2], $0x80, v4, vm0, $0xb8;
	v4 =	vld [tilespmem:$0x1FB20]  }
0x589: {  	_ =	sdelay $0x1  }
0x58a: {  	v1 =	vmul.f32 v1, v14;
	_ =	sdelay $0x1  }
0x58b: {  	v1 =	vadd.f32 v1, v2;
	v4 =	vmul.f32 v4, v17  }
0x58c: {  	v5 =	vld [tilespmem:$0x1FAF0]  }
0x58d: {  	v1 =	vadd.f32 v4, v1;
	v4 =	vld [tilespmem:$0x1FB40]  }
0x58e: {  	v29 =	vld [tilespmem:$0x1FB10];
	_ =	sdelay $0x1  }
0x58f: {  	v24 =	vperm.xlane v15, v45  }
0x590: {  	v25 =	vperm.xlane v15, v47;
	v31 =	vld [tilespmem:$0x1FB30]  }
0x591: {  	v28 =	vld [tilespmem:$0x1FB00];
	v5 =	vmul.f32 v5, v12;
	v6 =	vadd.s32 v3, v24;
	v4 =	vmul.f32 v4, v23  }
0x592: {  	v33 =	vld [tilespmem:$0x1FB50];
	v12 =	vmul.f32 v29, v14  }
0x593: {  	v0 =	vadd.f32 v5, v0;
	v5 =	vadd.s32 v3, v25;
	v1 =	vadd.f32 v4, v1;
	v4 =	vld [tilespmem:$0x1FB60]  }
0x594: {  	v34 =	vld [tilespmem:$0x1FB70]  }
0x595: {  	v26 =	vld [tilespmem:$0x1FFC0];
	v27 =	vperm.xlane v15, v49;
	v0 =	vadd.f32 v12, v0;
	v12 =	vmul.f32 v31, v17  }
0x596: {  	v30 =	vperm.xlane v15, v51;
	v10 =	vmul.f32 v28, v8;
	[tilespmem:s9], [sflag:$0x4] =	stream.indirect_vreg.gather [hbm4b:s7+s2], $0x80, v6, vm0, $0xb8;
	[tilespmem:$0xC700] =	vst v63  }
0x597: {  	v7 =	vadd.s32 v3, v27;
	v0 =	vadd.f32 v12, v0;
	v12 =	vmul.f32 v33, v23  }
0x598: {  	[tilespmem:s10], [sflag:$0x4] =	stream.indirect_vreg.gather [hbm4b:s7+s2], $0x80, v5, vm0, $0xb8;
	v5 =	vadd.f32 v10, v11;
	v4 =	vmul.f32 v4, v8;
	[tilespmem:$0xC700] =	vst v63  }
0x599: {  	v36 =	vld [tilespmem:$0x1FFD0];
	v32 =	vadd.s32 v3, v30;
	v0 =	vadd.f32 v12, v0;
	v8 =	vmul.f32 v34, v8  }
0x59a: {  	v2 =	vperm.xlane v9, v26;
	v35 =	vperm.xlane v5, v26;
	v1 =	vadd.f32 v4, v1  }
0x59b: {  	v44 =	vld [tilespmem:$0x1FFE0];
	v0 =	vadd.f32 v8, v0  }
0x59c: {  	v41 =	vld [tilespmem:$0x1FF40];
	v2 =	vadd.f32 v9, v2;
	v4 =	vadd.f32 v5, v35;
	v5 =	vperm.xlane v1, v26  }
0x59d: {  	v61 =	vld [tilespmem:$0x1FF80];
	[tilespmem:s13], [sflag:$0x4] =	stream.indirect_vreg.gather [hbm4b:s7+s2], $0x80, v7, vm0, $0xb8;
	v8 =	vperm.xlane v0, v26  }
0x59e: {  	v60 =	vld [tilespmem:$0x1FF70];
	v37 =	vperm.xlane v2, v36;
	v1 =	vadd.f32 v1, v5  }
0x59f: {  	v39 =	vld [tilespmem:$0x1FF30];
	[tilespmem:s14], [sflag:$0x4] =	stream.indirect_vreg.gather [hbm4b:s7+s2], $0x80, v32, vm0, $0xb8;
	v42 =	vperm.xlane v4, v36;
	v0 =	vadd.f32 v0, v8  }
0x5a0: {  	v6 =	vld.msk [tilespmem:s22+$0x1B0], $0x3;
	v2 =	vadd.f32 v2, v37;
	v43 =	vperm.xlane v1, v36  }
0x5a1: {  	v55 =	vld [tilespmem:$0x1FFF0];
	v4 =	vadd.f32 v4, v42;
	v46 =	vperm.xlane v0, v36  }
0x5a2: {  	v45 =	vperm.xlane v2, v44;
	v1 =	vadd.f32 v1, v43  }
0x5a3: {  	v10 =	vadd.f32 v60, v61;
	v48 =	vperm.xlane v4, v44;
	v0 =	vadd.f32 v0, v46  }
0x5a4: {  	v9 =	vadd.f32 v39, v41;
	v2 =	vadd.f32 v2, v45;
	v50 =	vperm.xlane v1, v44  }
0x5a5: {  	v51 =	vld [tilespmem:$0x1FF50];
	v47 =	vshrl.u32 v6, $0x3;
	v4 =	vadd.f32 v4, v48;
	v53 =	vperm.xlane v0, v44  }
0x5a6: {  	v52 =	vld [tilespmem:$0x1FF60];
	v49 =	vmul.u32 $0x18, v47;
	v56 =	vperm.xlane v2, v55;
	v1 =	vadd.f32 v1, v50  }
0x5a7: {  	v62 =	vld [tilespmem:$0x1FF90];
	v6 =	vand.u32 $0x7, v6;
	v57 =	vperm.xlane v4, v55;
	v0 =	vadd.f32 v0, v53  }
0x5a8: {  	v63 =	vld [tilespmem:$0x1FFA0];
	v6 =	vor.u32 v6, v49;
	v2 =	vadd.f32 v2, v56;
	v59 =	vperm.xlane v1, v55  }
0x5a9: {  	v5 =	vnsel vm0, $0x0, v9;
	v4 =	vadd.f32 v4, v57;
	v9 =	vperm.xlane v0, v55  }
0x5aa: {  	v54 =	vperm.xlane v6, v38;
	v2 =	vsel vm4, $0x0, v2;
	v1 =	vadd.f32 v1, v59  }
0x5ab: {  	v7 =	vadd.f32 v51, v52;
	v2 =	vsel vm5, v2, v4;
	v0 =	vadd.f32 v0, v9  }
0x5ac: {  	v6 =	vperm.xlane v6, v40;
	v58 =	vadd.s32 v3, v54;
	v1 =	vsel vm6, v2, v1  }
0x5ad: {  	v5 =	vsel vm1, v5, v7;
	v7 =	vadd.f32 v62, v63;
	v0 =	vsel vm7, v1, v0;
	v1 =	vld [tilespmem:$0x1FFB0]  }
0x5ae: {  	s24 =	sshll.u32 s21, $0x3;
	s21 =	sadd.s32 $0x1, s21;
	v6 =	vadd.s32 v3, v6;
	v4 =	vsel vm2, v5, v10  }
0x5af: {  	p0 =	sne.s32 s21, $0x3F;
	v2 =	vsel vm3, v4, v7  }
.Ltmp2:
0x5b0: {  	v0 =	vadd.f32 v0, v2;
	(pc) =	sbr.rel @p0 .LBB2_2-.Ltmp2, $4  }
0x5b1: {  	[tilespmem:s15], [sflag:$0x4] =	stream.indirect_vreg.gather [hbm4b:s7+s2], $0x80, v58, vm0, $0xb8;
	[tilespmem:$0xC700] =	vst v63  }
0x5b2: {  	s22 =	sand.u32 $0x3FFFFFF8, s24;
	v0 =	vadd.f32 v0, v1  }
0x5b3: {  	[tilespmem:s16], [sflag:$0x4] =	stream.indirect_vreg.gather [hbm4b:s7+s2], $0x80, v6, vm0, $0xb8;
	[tilespmem:$0xC700] =	vst v63  }
0x5b4: {  	[tilespmem:s22+$0xC480] =	vst v0  }
0x5b5: {  	_ =	swait.ge [sflag:s17], $0x1900  }
0x5b6: {  	[sflag:s17] =	ssyncset.done $0x0  }
0x5b7: {  	[sflag:s17] =	ssyncadd.s32 $0xFFFFE700  }
0x5b8: {  	_ =	swait.ge [sflag:s18], $0x1900  }
0x5b9: {  	[sflag:s18] =	ssyncset.done $0x0  }
0x5ba: {  	s23 =	simm.s32 $0x0;
	[sflag:s18] =	ssyncadd.s32 $0xFFFFE700  }
0x5bb: {  	v0 =	vld [tilespmem:s23+$0x8070]  }
0x5bc: {  	v1 =	vld [tilespmem:s23+$0x4000]  }
0x5bd: {  	v2 =	vld [tilespmem:s23+$0x4010]  }
0x5be: {  	v5 =	vld [tilespmem:s23+$0x4020]  }
0x5bf: {  	v6 =	vld [tilespmem:s23+$0x4030]  }
0x5c0: {  	v7 =	vld [tilespmem:s23+$0x4040]  }
0x5c1: {  	v9 =	vld [tilespmem:s23+$0x4050]  }
0x5c2: {  	v10 =	vld [tilespmem:s23+$0x4060]  }
0x5c3: {  	v16 =	vld [tilespmem:s23+$0x4070]  }
0x5c4: {  	v11 =	vimm.f32 $0.0e+00;
	v17 =	vld [tilespmem:s23+$0x8000]  }
0x5c5: {  	v18 =	vld [tilespmem:s23+$0x8010];
	v0 =	vadd.f32 v0, v11  }
0x5c6: {  	v12 =	vld [tilespmem:s23+$0x8020];
	v4 =	vadd.f32 v1, v11;
	v15 =	vadd.f32 v2, v11  }
0x5c7: {  	v23 =	vimm.f32 $0.0e+00;
	v14 =	vld [tilespmem:s23+$0x8030];
	v13 =	vadd.f32 v5, v11;
	v8 =	vadd.f32 v6, v11  }
0x5c8: {  	v24 =	vimm.f32 $0.0e+00;
	v7 =	vadd.f32 v7, v11;
	v21 =	vadd.f32 v9, v11;
	v9 =	vld [tilespmem:s23+$0x8040]  }
0x5c9: {  	v22 =	vimm.f32 $0.0e+00;
	v31 =	vld [tilespmem:s23+$0x8050];
	v6 =	vadd.f32 v10, v11;
	v5 =	vadd.f32 v16, v11  }
0x5ca: {  	s21 =	simm.s32 $0x80;
	s22 =	simm.s32 $0x400;
	v2 =	vadd.f32 v17, v11;
	v1 =	vadd.f32 v18, v11;
	v17 =	vimm.f32 $0.0e+00;
	v10 =	vld [tilespmem:s23+$0x8060]  }
.LBB2_8:
0x5cb: {  	p0 =	sne.s32 s22, $0x6200;
	v16 =	vld [tilespmem:s21+$0x8070];
	v11 =	vadd.f32 v12, v11  }
0x5cc: {  	v12 =	vld [tilespmem:s21+$0x4000];
	v17 =	vadd.f32 v14, v17  }
0x5cd: {  	v14 =	vld [tilespmem:s21+$0x4010];
	v23 =	vadd.f32 v9, v23  }
0x5ce: {  	v9 =	vld [tilespmem:s21+$0x4020];
	v24 =	vadd.f32 v31, v24  }
0x5cf: {  	v18 =	vld [tilespmem:s21+$0x4030];
	v22 =	vadd.f32 v10, v22  }
0x5d0: {  	v10 =	vld [tilespmem:s21+$0x4040];
	v0 =	vadd.f32 v16, v0  }
0x5d1: {  	v4 =	vadd.f32 v12, v4;
	v12 =	vld [tilespmem:s21+$0x4050]  }
0x5d2: {  	v15 =	vadd.f32 v14, v15;
	v14 =	vld [tilespmem:s21+$0x4060]  }
0x5d3: {  	v13 =	vadd.f32 v9, v13;
	v9 =	vld [tilespmem:s21+$0x4070]  }
0x5d4: {  	v8 =	vadd.f32 v18, v8;
	v16 =	vld [tilespmem:s21+$0x8000]  }
0x5d5: {  	v7 =	vadd.f32 v10, v7;
	v10 =	vld [tilespmem:s21+$0x8010]  }
.Ltmp3:
0x5d6: {  	v21 =	vadd.f32 v12, v21;
	v12 =	vld [tilespmem:s21+$0x8020];
	(pc) =	sbr.rel @p0 .LBB2_8-.Ltmp3, $4  }
0x5d7: {  	v6 =	vadd.f32 v14, v6;
	v14 =	vld [tilespmem:s21+$0x8030]  }
0x5d8: {  	v5 =	vadd.f32 v9, v5;
	v9 =	vld [tilespmem:s21+$0x8040]  }
0x5d9: {  	v2 =	vadd.f32 v16, v2;
	v31 =	vld [tilespmem:s21+$0x8050]  }
0x5da: {  	v1 =	vadd.f32 v10, v1;
	v10 =	vld [tilespmem:s21+$0x8060];
	s21 =	sshra.s32 s22, $0x2;
	s22 =	sadd.s32 $0x200, s22  }
0x5db: {  	v16 =	vld [tilespmem:s21+$0x8070]  }
0x5dc: {  	v18 =	vld [tilespmem:s21+$0x4000]  }
0x5dd: {  	v19 =	vld [tilespmem:s21+$0x4010]  }
0x5de: {  	v20 =	vld [tilespmem:s21+$0x4020]  }
0x5df: {  	v25 =	vld [tilespmem:s21+$0x4030]  }
0x5e0: {  	v26 =	vld [tilespmem:s21+$0x4040]  }
0x5e1: {  	v32 =	vld [tilespmem:s21+$0x4050]  }
0x5e2: {  	v33 =	vld [tilespmem:s21+$0x4060]  }
0x5e3: {  	v36 =	vld [tilespmem:s21+$0x4070]  }
0x5e4: {  	v37 =	vld [tilespmem:s21+$0x8000]  }
0x5e5: {  	v38 =	vld [tilespmem:s21+$0x8010]  }
0x5e6: {  	v39 =	vld [tilespmem:s21+$0x8020]  }
0x5e7: {  	v40 =	vld [tilespmem:s21+$0x8030]  }
0x5e8: {  	v41 =	vld [tilespmem:s21+$0x8040]  }
0x5e9: {  	v42 =	vld [tilespmem:s21+$0x8050]  }
0x5ea: {  	v43 =	vld [tilespmem:s21+$0x8060]  }
0x5eb: {  	v50 =	vld [tilespmem:$0xC000]  }
0x5ec: {  	v54 =	vld [tilespmem:$0xC040]  }
0x5ed: {  	v49 =	vld [tilespmem:$0xC080]  }
0x5ee: {  	v53 =	vld [tilespmem:$0xC0C0]  }
0x5ef: {  	v55 =	vld [tilespmem:$0xC100]  }
0x5f0: {  	v51 =	vld [tilespmem:$0xC140]  }
0x5f1: {  	v47 =	vld [tilespmem:$0xC180]  }
0x5f2: {  	v46 =	vld [tilespmem:$0xC1C0]  }
0x5f3: {  	v45 =	vld [tilespmem:$0xC200]  }
0x5f4: {  	v44 =	vld [tilespmem:$0xC240]  }
0x5f5: {  	v48 =	vld [tilespmem:$0xC280]  }
0x5f6: {  	v52 =	vld [tilespmem:$0xC2C0]  }
0x5f7: {  	v56 =	vld [tilespmem:$0xC300]  }
0x5f8: {  	v29 =	vld [tilespmem:$0xC340]  }
0x5f9: {  	v28 =	vld [tilespmem:$0xC380]  }
0x5fa: {  	v27 =	vld [tilespmem:$0xC3C0]  }
0x5fb: {  	v34 =	vld [tilespmem:$0xC010]  }
0x5fc: {  	v35 =	vld [tilespmem:$0xC050]  }
0x5fd: {  	v30 =	vld [tilespmem:$0xC090]  }
0x5fe: {  	v61 =	vld [tilespmem:$0xC0D0]  }
0x5ff: {  	v60 =	vld [tilespmem:$0xC110];
	v4 =	vadd.f32 v18, v4;
	v15 =	vadd.f32 v19, v15  }
0x600: {  	v59 =	vld [tilespmem:$0xC150];
	v11 =	vadd.f32 v12, v11;
	v12 =	vadd.f32 v14, v17  }
0x601: {  	v58 =	vld [tilespmem:$0xC190];
	v13 =	vadd.f32 v20, v13;
	v14 =	vmul.f32 v50, v4;
	v17 =	vmul.f32 v54, v15  }
0x602: {  	v57 =	vld [tilespmem:$0xC1D0];
	v9 =	vadd.f32 v9, v23;
	v10 =	vadd.f32 v10, v22  }
0x603: {  	v62 =	vld [tilespmem:$0xC290];
	v8 =	vadd.f32 v25, v8;
	v14 =	vadd.f32 v17, v14;
	v17 =	vmul.f32 v49, v13  }
0x604: {  	v63 =	vld [tilespmem:$0xC2D0];
	v18 =	vadd.f32 v31, v24;
	v19 =	vmul.f32 v34, v4;
	v20 =	vmul.f32 v35, v15  }
0x605: {  	v23 =	vld [tilespmem:$0xC3D0];
	v7 =	vadd.f32 v26, v7;
	v14 =	vadd.f32 v17, v14;
	v17 =	vmul.f32 v53, v8  }
0x606: {  	v0 =	vadd.f32 v16, v0;
	v26 =	vld [tilespmem:$0xC310];
	v16 =	vadd.f32 v20, v19;
	v19 =	vmul.f32 v30, v13  }
0x607: {  	v25 =	vld [tilespmem:$0xC350];
	v20 =	vadd.f32 v32, v21;
	v14 =	vadd.f32 v17, v14;
	v17 =	vmul.f32 v55, v7  }
0x608: {  	v6 =	vadd.f32 v33, v6;
	v31 =	vld [tilespmem:$0xC020];
	v16 =	vadd.f32 v19, v16;
	v19 =	vmul.f32 v61, v8  }
0x609: {  	v5 =	vadd.f32 v36, v5;
	v33 =	vld [tilespmem:$0xC030];
	v14 =	vadd.f32 v17, v14;
	v17 =	vmul.f32 v51, v20  }
0x60a: {  	v2 =	vadd.f32 v37, v2;
	v36 =	vld [tilespmem:$0xC070];
	v16 =	vadd.f32 v19, v16;
	v19 =	vmul.f32 v60, v7  }
0x60b: {  	v1 =	vadd.f32 v38, v1;
	v37 =	vld [tilespmem:$0xC0A0];
	v14 =	vadd.f32 v17, v14;
	v17 =	vmul.f32 v47, v6  }
0x60c: {  	v11 =	vadd.f32 v39, v11;
	v32 =	vld [tilespmem:$0xC060];
	v16 =	vadd.f32 v19, v16;
	v19 =	vmul.f32 v59, v20  }
0x60d: {  	v12 =	vadd.f32 v40, v12;
	v40 =	vld [tilespmem:$0xC0B0];
	v14 =	vadd.f32 v17, v14;
	v17 =	vmul.f32 v46, v5  }
0x60e: {  	[tilespmem:$0x1F5D0] =	vst v54;
	v9 =	vadd.f32 v41, v9;
	v54 =	vld [tilespmem:$0xC210];
	v16 =	vadd.f32 v19, v16;
	v19 =	vmul.f32 v58, v6  }
0x60f: {  	v38 =	vld [tilespmem:$0xC0E0];
	v10 =	vadd.f32 v43, v10;
	v14 =	vadd.f32 v17, v14;
	v17 =	vmul.f32 v45, v2  }
0x610: {  	[tilespmem:$0x1F5C0] =	vst v50;
	v41 =	vld [tilespmem:$0xC0F0];
	v18 =	vadd.f32 v42, v18;
	v16 =	vadd.f32 v19, v16;
	v19 =	vmul.f32 v57, v5  }
0x611: {  	[tilespmem:$0x1F5E0] =	vst v49;
	v50 =	vld [tilespmem:$0xC250];
	v21 =	vmul.f32 v32, v15;
	v14 =	vadd.f32 v17, v14;
	v17 =	vmul.f32 v31, v4  }
0x612: {  	[tilespmem:$0x1F5F0] =	vst v53;
	v39 =	vld [tilespmem:$0xC120];
	v15 =	vmul.f32 v36, v15;
	v16 =	vadd.f32 v19, v16;
	v4 =	vmul.f32 v33, v4  }
0x613: {  	[tilespmem:$0x1F600] =	vst v55;
	v43 =	vld [tilespmem:$0xC130];
	v19 =	vmul.f32 v54, v2;
	v17 =	vadd.f32 v21, v17;
	v21 =	vmul.f32 v37, v13  }
0x614: {  	[tilespmem:$0x1F610] =	vst v61;
	v22 =	vmul.f32 v44, v1;
	v42 =	vld [tilespmem:$0xC160];
	v4 =	vadd.f32 v15, v4;
	v13 =	vmul.f32 v40, v13  }
0x615: {  	[tilespmem:$0x1F6B0] =	vst v44;
	v44 =	vld [tilespmem:$0xC170];
	v15 =	vadd.f32 v19, v16;
	v16 =	vadd.f32 v21, v17;
	v17 =	vmul.f32 v38, v8  }
0x616: {  	[tilespmem:$0x1F680] =	vst v45;
	v45 =	vld [tilespmem:$0xC1A0];
	v4 =	vadd.f32 v13, v4;
	v13 =	vmul.f32 v50, v1;
	v8 =	vmul.f32 v41, v8  }
0x617: {  	[tilespmem:$0x1F640] =	vst v47;
	v47 =	vld [tilespmem:$0xC1B0];
	v14 =	vadd.f32 v22, v14;
	v16 =	vadd.f32 v17, v16;
	v17 =	vmul.f32 v39, v7  }
0x618: {  	[tilespmem:$0x1F660] =	vst v46;
	v46 =	vld [tilespmem:$0xC1E0];
	v13 =	vadd.f32 v13, v15;
	v4 =	vadd.f32 v8, v4;
	v7 =	vmul.f32 v43, v7  }
0x619: {  	[tilespmem:$0x1F6D0] =	vst v48;
	v15 =	vmul.f32 v48, v11;
	v48 =	vld [tilespmem:$0xC1F0];
	v8 =	vadd.f32 v17, v16;
	v16 =	vmul.f32 v42, v20  }
0x61a: {  	[tilespmem:$0x1F620] =	vst v51;
	v49 =	vld [tilespmem:$0xC220];
	v4 =	vadd.f32 v7, v4;
	v7 =	vmul.f32 v44, v20;
	v17 =	vmul.f32 v62, v11  }
0x61b: {  	[tilespmem:$0x1F630] =	vst v60;
	v51 =	vld [tilespmem:$0xC230];
	v14 =	vadd.f32 v15, v14;
	v15 =	vmul.f32 v45, v6;
	v8 =	vadd.f32 v16, v8  }
0x61c: {  	v24 =	vld [tilespmem:$0xC390];
	[tilespmem:$0x1F650] =	vst v59;
	v6 =	vmul.f32 v47, v6;
	v13 =	vadd.f32 v17, v13;
	v4 =	vadd.f32 v7, v4  }
0x61d: {  	[tilespmem:$0x1F6C0] =	vst v50;
	v50 =	vld [tilespmem:$0xC260];
	v7 =	vadd.f32 v15, v8;
	v8 =	vmul.f32 v52, v12;
	v15 =	vmul.f32 v46, v5  }
0x61e: {  	[tilespmem:$0x1F6F0] =	vst v52;
	v52 =	vld [tilespmem:$0xC270];
	v4 =	vadd.f32 v6, v4;
	v5 =	vmul.f32 v48, v5;
	v6 =	vmul.f32 v63, v12  }
0x61f: {  	[tilespmem:$0x1F670] =	vst v58;
	v53 =	vld [tilespmem:$0xC2A0];
	v8 =	vadd.f32 v8, v14;
	v7 =	vadd.f32 v15, v7;
	v14 =	vmul.f32 v49, v2  }
0x620: {  	[tilespmem:$0x1F690] =	vst v57;
	v55 =	vld [tilespmem:$0xC2B0];
	v4 =	vadd.f32 v5, v4;
	v2 =	vmul.f32 v51, v2  }
0x621: {  	[tilespmem:$0x1F6A0] =	vst v54;
	v54 =	vld [tilespmem:$0xC2E0];
	v6 =	vadd.f32 v6, v13;
	v5 =	vadd.f32 v14, v7;
	v7 =	vmul.f32 v56, v9  }
0x622: {  	[tilespmem:$0x1F710] =	vst v56;
	v13 =	vmul.f32 v50, v1;
	v56 =	vld [tilespmem:$0xC2F0];
	v2 =	vadd.f32 v2, v4;
	v4 =	vmul.f32 v26, v9  }
0x623: {  	[tilespmem:$0x1F6E0] =	vst v62;
	v57 =	vld [tilespmem:$0xC320];
	v1 =	vmul.f32 v52, v1;
	v7 =	vadd.f32 v7, v8  }
0x624: {  	[tilespmem:$0x1F700] =	vst v63;
	v59 =	vld [tilespmem:$0xC330];
	v5 =	vadd.f32 v13, v5;
	v8 =	vmul.f32 v53, v11;
	v4 =	vadd.f32 v4, v6  }
0x625: {  	[tilespmem:$0x1F730] =	vst v29;
	v58 =	vld [tilespmem:$0xC360];
	v6 =	vmul.f32 v29, v18;
	v1 =	vadd.f32 v1, v2;
	v2 =	vmul.f32 v55, v11  }
0x626: {  	[tilespmem:$0x1F750] =	vst v28;
	v60 =	vld [tilespmem:$0xC370];
	v11 =	vmul.f32 v25, v18;
	v5 =	vadd.f32 v8, v5;
	v8 =	vmul.f32 v54, v12  }
0x627: {  	[tilespmem:$0x1F720] =	vst v26;
	v61 =	vld [tilespmem:$0xC3A0];
	v6 =	vadd.f32 v6, v7;
	v1 =	vadd.f32 v2, v1;
	v2 =	vmul.f32 v56, v12  }
0x628: {  	[tilespmem:$0x1F740] =	vst v25;
	v63 =	vld [tilespmem:$0xC3B0];
	v7 =	vmul.f32 v57, v9;
	v4 =	vadd.f32 v11, v4;
	v5 =	vadd.f32 v8, v5  }
0x629: {  	[tilespmem:$0x1F760] =	vst v24;
	v22 =	vld [tilespmem:$0xC3F0];
	v1 =	vadd.f32 v2, v1;
	v2 =	vmul.f32 v59, v9;
	v9 =	vmul.f32 v24, v10  }
0x62a: {  	v62 =	vld [tilespmem:$0xC3E0];
	_ =	swait.ge [sflag:s19], $0x1900;
	v8 =	vmul.f32 v58, v18;
	v5 =	vadd.f32 v7, v5;
	v7 =	vmul.f32 v28, v10  }
0x62b: {  	[tilespmem:$0x1F770] =	vst v27;
	[sflag:s19] =	ssyncset.done $0x0;
	v1 =	vadd.f32 v2, v1;
	v2 =	vmul.f32 v60, v18;
	v4 =	vadd.f32 v9, v4  }
0x62c: {  	[tilespmem:$0x1F780] =	vst v23;
	[sflag:s19] =	ssyncadd.s32 $0xFFFFE700;
	v6 =	vadd.f32 v7, v6;
	v5 =	vadd.f32 v8, v5;
	v8 =	vmul.f32 v23, v0  }
0x62d: {  	_ =	swait.ge [sflag:s20], $0x1900;
	v7 =	vmul.f32 v61, v10;
	v1 =	vadd.f32 v2, v1;
	v2 =	vmul.f32 v63, v10  }
0x62e: {  	v4 =	vadd.f32 v8, v4;
	v8 =	vld [tilespmem:$0x1FFC0]  }
0x62f: {  	v5 =	vadd.f32 v7, v5;
	v1 =	vadd.f32 v2, v1;
	v2 =	vmul.f32 v62, v0;
	_ =	sdelay $0x1  }
0x630: {  	v7 =	vmul.f32 v27, v0;
	v0 =	vmul.f32 v22, v0;
	v2 =	vadd.f32 v2, v5  }
0x631: {  	v11 =	vld [tilespmem:$0x1FFD0]  }
0x632: {  	v6 =	vadd.f32 v7, v6;
	v0 =	vadd.f32 v0, v1;
	v7 =	vperm.xlane v2, v8  }
0x633: {  	v5 =	vperm.xlane v4, v8  }
0x634: {  	v1 =	vperm.xlane v6, v8;
	v8 =	vperm.xlane v0, v8;
	v2 =	vadd.f32 v2, v7  }
0x635: {  	v12 =	vld [tilespmem:$0x1FFE0];
	v4 =	vadd.f32 v4, v5  }
0x636: {  	[sflag:s20] =	ssyncset.done $0x0;
	v1 =	vadd.f32 v6, v1;
	v0 =	vadd.f32 v0, v8;
	v10 =	vperm.xlane v2, v11  }
0x637: {  	s23 =	simm.s32 $0x0;
	[sflag:s20] =	ssyncadd.s32 $0xFFFFE700;
	v8 =	vperm.xlane v4, v11  }
0x638: {  	v14 =	vld [tilespmem:s23+$0x6020];
	v7 =	vperm.xlane v1, v11;
	v11 =	vperm.xlane v0, v11;
	v2 =	vadd.f32 v2, v10  }
0x639: {  	v15 =	vld [tilespmem:s23+$0x6040];
	v4 =	vadd.f32 v4, v8  }
0x63a: {  	v16 =	vld [tilespmem:s23+$0x6050];
	v1 =	vadd.f32 v1, v7;
	v7 =	vadd.f32 v0, v11;
	v11 =	vperm.xlane v2, v12  }
0x63b: {  	v17 =	vld [tilespmem:s23+$0x6060];
	v10 =	vperm.xlane v4, v12  }
0x63c: {  	v9 =	vld [tilespmem:s23+$0x6010];
	v24 =	vadd.f32 v2, v11;
	v11 =	vimm.f32 $0.0e+00  }
0x63d: {  	v21 =	vadd.f32 v4, v10;
	v10 =	vadd.f32 v14, v11;
	v14 =	vld [tilespmem:$0x1FFF0]  }
0x63e: {  	v20 =	vld [tilespmem:s23+$0xA010];
	v0 =	vperm.xlane v1, v12  }
0x63f: {  	v5 =	vld [tilespmem:s23+$0xA070]  }
0x640: {  	v6 =	vld [tilespmem:s23+$0x6000];
	v0 =	vadd.f32 v1, v0  }
0x641: {  	v8 =	vld [tilespmem:s23+$0x6030];
	v12 =	vperm.xlane v7, v12  }
0x642: {  	v18 =	vld [tilespmem:s23+$0xA000];
	v13 =	vadd.f32 v9, v11;
	v9 =	vadd.f32 v15, v11;
	v15 =	vperm.xlane v0, v14  }
0x643: {  	v1 =	vld [tilespmem:s23+$0x6070]  }
0x644: {  	v23 =	vadd.f32 v7, v12;
	[tilespmem:$0x1F790] =	vst v15;
	v15 =	vperm.xlane v21, v14  }
0x645: {  	v25 =	vld [tilespmem:s23+$0xA020];
	v7 =	vadd.f32 v5, v11;
	v12 =	vadd.f32 v6, v11  }
0x646: {  	v19 =	vld [tilespmem:s23+$0xA030];
	v2 =	vadd.f32 v8, v11;
	v8 =	vadd.f32 v16, v11;
	[tilespmem:$0x1F7A0] =	vst v15;
	v15 =	vperm.xlane v24, v14  }
0x647: {  	v26 =	vld [tilespmem:s23+$0xA040];
	v6 =	vadd.f32 v17, v11;
	v5 =	vadd.f32 v18, v11;
	v14 =	vperm.xlane v23, v14  }
0x648: {  	v16 =	vimm.f32 $0.0e+00;
	v4 =	vadd.f32 v1, v11;
	v1 =	vadd.f32 v20, v11;
	v20 =	vld [tilespmem:s23+$0xA050];
	[tilespmem:$0x1F7B0] =	vst v15  }
0x649: {  	s21 =	simm.s32 $0x80;
	s22 =	simm.s32 $0x400;
	v18 =	vld [tilespmem:s23+$0xA060];
	v17 =	vimm.f32 $0.0e+00;
	[tilespmem:$0x1F7C0] =	vst v14;
	v15 =	vimm.f32 $0.0e+00;
	v14 =	vimm.f32 $0.0e+00  }
.LBB2_10:
0x64a: {  	p0 =	sne.s32 s22, $0x6200;
	v27 =	vld [tilespmem:s21+$0xA070];
	v11 =	vadd.f32 v25, v11  }
0x64b: {  	v25 =	vld [tilespmem:s21+$0x6000];
	v16 =	vadd.f32 v19, v16  }
0x64c: {  	v19 =	vld [tilespmem:s21+$0x6010];
	v17 =	vadd.f32 v26, v17  }
0x64d: {  	v26 =	vld [tilespmem:s21+$0x6020];
	v15 =	vadd.f32 v20, v15  }
0x64e: {  	v20 =	vld [tilespmem:s21+$0x6030];
	v14 =	vadd.f32 v18, v14  }
0x64f: {  	v18 =	vld [tilespmem:s21+$0x6040];
	v7 =	vadd.f32 v27, v7  }
0x650: {  	v12 =	vadd.f32 v25, v12;
	v25 =	vld [tilespmem:s21+$0x6050]  }
0x651: {  	v13 =	vadd.f32 v19, v13;
	v19 =	vld [tilespmem:s21+$0x6060]  }
0x652: {  	v10 =	vadd.f32 v26, v10;
	v26 =	vld [tilespmem:s21+$0x6070]  }
0x653: {  	v2 =	vadd.f32 v20, v2;
	v20 =	vld [tilespmem:s21+$0xA000]  }
0x654: {  	v9 =	vadd.f32 v18, v9;
	v18 =	vld [tilespmem:s21+$0xA010]  }
.Ltmp4:
0x655: {  	v8 =	vadd.f32 v25, v8;
	v25 =	vld [tilespmem:s21+$0xA020];
	(pc) =	sbr.rel @p0 .LBB2_10-.Ltmp4, $4  }
0x656: {  	v6 =	vadd.f32 v19, v6;
	v19 =	vld [tilespmem:s21+$0xA030]  }
0x657: {  	v4 =	vadd.f32 v26, v4;
	v26 =	vld [tilespmem:s21+$0xA040]  }
0x658: {  	v5 =	vadd.f32 v20, v5;
	v20 =	vld [tilespmem:s21+$0xA050]  }
0x659: {  	v1 =	vadd.f32 v18, v1;
	v18 =	vld [tilespmem:s21+$0xA060];
	s21 =	sshra.s32 s22, $0x2;
	s22 =	sadd.s32 $0x200, s22  }
0x65a: {  	v29 =	vld [tilespmem:s21+$0x6020]  }
0x65b: {  	v27 =	vld [tilespmem:s21+$0x6000]  }
0x65c: {  	v28 =	vld [tilespmem:s21+$0x6010];
	_ =	sdelay $0x2  }
0x65d: {  	v10 =	vadd.f32 v29, v10;
	v29 =	vld [tilespmem:$0x1F5C0]  }
0x65e: {  	v12 =	vadd.f32 v27, v12;
	v27 =	vld [tilespmem:$0x1F5D0]  }
0x65f: {  	v13 =	vadd.f32 v28, v13;
	v28 =	vld [tilespmem:s21+$0xA070]  }
0x660: {  	v11 =	vadd.f32 v25, v11;
	v25 =	vld [tilespmem:s21+$0x6030]  }
0x661: {  	v16 =	vadd.f32 v19, v16;
	v19 =	vld [tilespmem:s21+$0x6040]  }
0x662: {  	v15 =	vadd.f32 v20, v15;
	v20 =	vmul.f32 v12, v34;
	v34 =	vld [tilespmem:s21+$0x6050]  }
0x663: {  	v17 =	vadd.f32 v26, v17;
	v26 =	vmul.f32 v12, v29;
	v29 =	vmul.f32 v13, v35;
	v35 =	vld [tilespmem:$0x1F5E0]  }
0x664: {  	v27 =	vmul.f32 v13, v27;
	v7 =	vadd.f32 v28, v7;
	v28 =	vld [tilespmem:$0x1F610]  }
0x665: {  	v32 =	vmul.f32 v13, v32;
	v13 =	vmul.f32 v13, v36;
	v36 =	vld [tilespmem:$0x1F6C0]  }
0x666: {  	v2 =	vadd.f32 v25, v2;
	v25 =	vadd.f32 v27, v26;
	v27 =	vld [tilespmem:s21+$0x6060]  }
0x667: {  	v14 =	vadd.f32 v18, v14;
	v18 =	vadd.f32 v29, v20;
	v29 =	vld [tilespmem:s21+$0x6070]  }
0x668: {  	v20 =	vmul.f32 v10, v30;
	v30 =	vld [tilespmem:$0x1F600]  }
0x669: {  	v8 =	vadd.f32 v34, v8;
	v34 =	vld [tilespmem:$0x1F630]  }
0x66a: {  	v26 =	vmul.f32 v10, v35;
	v35 =	vld [tilespmem:$0x1F5F0]  }
0x66b: {  	v18 =	vadd.f32 v20, v18;
	v20 =	vmul.f32 v2, v28;
	v28 =	vld [tilespmem:s21+$0xA010]  }
0x66c: {  	v9 =	vadd.f32 v19, v9;
	v19 =	vadd.f32 v26, v25;
	v26 =	vld [tilespmem:s21+$0xA000]  }
0x66d: {  	v6 =	vadd.f32 v27, v6;
	v27 =	vld [tilespmem:s21+$0xA030]  }
0x66e: {  	v4 =	vadd.f32 v29, v4;
	v29 =	vld [tilespmem:s21+$0xA040]  }
0x66f: {  	v25 =	vmul.f32 v2, v35;
	v35 =	vld [tilespmem:$0x1F620]  }
0x670: {  	v1 =	vadd.f32 v28, v1;
	v28 =	vld [tilespmem:$0x1F640]  }
0x671: {  	v31 =	vmul.f32 v12, v31;
	v5 =	vadd.f32 v26, v5;
	v26 =	vld [tilespmem:$0x1F650]  }
0x672: {  	v12 =	vmul.f32 v12, v33;
	v19 =	vadd.f32 v25, v19;
	v25 =	vmul.f32 v9, v30;
	v30 =	vld [tilespmem:s21+$0xA020]  }
0x673: {  	v33 =	vadd.f32 v32, v31;
	v18 =	vadd.f32 v20, v18;
	v20 =	vmul.f32 v9, v34;
	v34 =	vld [tilespmem:$0x1F670]  }
0x674: {  	v12 =	vadd.f32 v13, v12;
	v19 =	vadd.f32 v25, v19;
	v25 =	vmul.f32 v8, v35;
	v35 =	vld [tilespmem:$0x1F660]  }
0x675: {  	v18 =	vadd.f32 v20, v18;
	v16 =	vadd.f32 v27, v16;
	v27 =	vld [tilespmem:$0x1F690]  }
0x676: {  	v31 =	vmul.f32 v4, v46;
	v17 =	vadd.f32 v29, v17;
	v20 =	vmul.f32 v8, v26  }
0x677: {  	v19 =	vadd.f32 v25, v19;
	v25 =	vmul.f32 v6, v28;
	v11 =	vadd.f32 v30, v11;
	v30 =	vld [tilespmem:$0x1F6A0]  }
0x678: {  	v13 =	vmul.f32 v1, v36;
	v26 =	vld [tilespmem:s21+$0xA050];
	v18 =	vadd.f32 v20, v18;
	v20 =	vmul.f32 v6, v34  }
0x679: {  	v19 =	vadd.f32 v25, v19;
	v25 =	vmul.f32 v4, v35;
	v35 =	vmul.f32 v10, v37  }
0x67a: {  	v29 =	vld [tilespmem:$0x1F680];
	v10 =	vmul.f32 v10, v40;
	v18 =	vadd.f32 v20, v18;
	v20 =	vmul.f32 v4, v27  }
0x67b: {  	v28 =	vld [tilespmem:s21+$0xA060];
	v37 =	vmul.f32 v2, v38;
	v2 =	vmul.f32 v2, v41  }
0x67c: {  	v34 =	vld [tilespmem:$0x1F6B0];
	v41 =	vmul.f32 v9, v39;
	v18 =	vadd.f32 v20, v18;
	v20 =	vmul.f32 v5, v30  }
0x67d: {  	v9 =	vmul.f32 v9, v43;
	v39 =	vmul.f32 v16, v54;
	v15 =	vadd.f32 v26, v15  }
0x67e: {  	v4 =	vmul.f32 v4, v48;
	v18 =	vadd.f32 v20, v18;
	v20 =	vadd.f32 v35, v33  }
0x67f: {  	v19 =	vadd.f32 v25, v19;
	v25 =	vmul.f32 v5, v29;
	v10 =	vadd.f32 v10, v12  }
0x680: {  	v14 =	vadd.f32 v28, v14;
	v26 =	vmul.f32 v8, v42;
	v38 =	vadd.f32 v37, v20  }
0x681: {  	v40 =	vld [tilespmem:$0x1F6D0];
	v19 =	vadd.f32 v25, v19;
	v25 =	vmul.f32 v1, v34;
	v2 =	vadd.f32 v2, v10  }
0x682: {  	v8 =	vmul.f32 v8, v44;
	v29 =	vmul.f32 v6, v45;
	v12 =	vadd.f32 v41, v38  }
0x683: {  	v6 =	vmul.f32 v6, v47;
	v19 =	vadd.f32 v25, v19;
	v25 =	vld [tilespmem:$0x1F6E0];
	v2 =	vadd.f32 v9, v2  }
0x684: {  	v28 =	vld [tilespmem:$0x1F6F0];
	v34 =	vmul.f32 v5, v49;
	v43 =	vmul.f32 v15, v58;
	v27 =	vadd.f32 v26, v12  }
0x685: {  	v30 =	vld [tilespmem:$0x1F700];
	v45 =	vmul.f32 v14, v61;
	v35 =	vmul.f32 v1, v50;
	v2 =	vadd.f32 v8, v2  }
0x686: {  	v13 =	vadd.f32 v13, v18;
	v18 =	vmul.f32 v11, v40;
	v9 =	vadd.f32 v29, v27  }
0x687: {  	v33 =	vld [tilespmem:$0x1F710];
	v1 =	vmul.f32 v1, v52;
	v37 =	vmul.f32 v11, v53;
	v2 =	vadd.f32 v6, v2  }
0x688: {  	v18 =	vadd.f32 v18, v19;
	v38 =	vld [tilespmem:$0x1F740];
	v10 =	vmul.f32 v11, v25;
	v32 =	vadd.f32 v31, v9  }
0x689: {  	v12 =	vmul.f32 v16, v28;
	v2 =	vadd.f32 v4, v2;
	v4 =	vmul.f32 v5, v51;
	v5 =	vld [tilespmem:$0x1F720]  }
0x68a: {  	v36 =	vld [tilespmem:$0x1F730];
	v8 =	vmul.f32 v16, v30;
	v10 =	vadd.f32 v10, v13;
	v6 =	vadd.f32 v34, v32  }
0x68b: {  	v40 =	vld [tilespmem:$0x1F750];
	v41 =	vmul.f32 v17, v57;
	v12 =	vadd.f32 v12, v18;
	v2 =	vadd.f32 v4, v2  }
0x68c: {  	v8 =	vadd.f32 v8, v10;
	v9 =	vmul.f32 v17, v33;
	v4 =	vadd.f32 v35, v6  }
0x68d: {  	v42 =	vld [tilespmem:$0x1F760];
	v10 =	vmul.f32 v15, v38;
	v1 =	vadd.f32 v1, v2;
	v2 =	vmul.f32 v11, v55  }
0x68e: {  	v5 =	vmul.f32 v17, v5;
	v9 =	vadd.f32 v9, v12;
	v4 =	vadd.f32 v37, v4  }
0x68f: {  	v44 =	vld [tilespmem:$0x1F770];
	v1 =	vadd.f32 v2, v1;
	v2 =	vmul.f32 v16, v56;
	v6 =	vmul.f32 v15, v36  }
0x690: {  	v46 =	vld [tilespmem:$0x1F780];
	v5 =	vadd.f32 v5, v8;
	v8 =	vmul.f32 v14, v40;
	v4 =	vadd.f32 v39, v4  }
0x691: {  	v1 =	vadd.f32 v2, v1;
	v2 =	vmul.f32 v17, v59;
	v6 =	vadd.f32 v6, v9  }
0x692: {  	v5 =	vadd.f32 v10, v5;
	v10 =	vmul.f32 v14, v42;
	v4 =	vadd.f32 v41, v4  }
0x693: {  	v48 =	vld [tilespmem:$0x1FFC0];
	v1 =	vadd.f32 v2, v1;
	v2 =	vmul.f32 v15, v60;
	v6 =	vadd.f32 v8, v6  }
0x694: {  	v5 =	vadd.f32 v10, v5;
	v8 =	vmul.f32 v7, v44;
	v4 =	vadd.f32 v43, v4  }
0x695: {  	v10 =	vmul.f32 v7, v46;
	v1 =	vadd.f32 v2, v1;
	v2 =	vmul.f32 v14, v63  }
0x696: {  	v47 =	vmul.f32 v7, v62;
	v6 =	vadd.f32 v8, v6;
	v4 =	vadd.f32 v45, v4  }
0x697: {  	v51 =	vld [tilespmem:$0x1FFD0];
	v5 =	vadd.f32 v10, v5;
	v1 =	vadd.f32 v2, v1;
	v2 =	vmul.f32 v7, v22  }
0x698: {  	v49 =	vperm.xlane v6, v48;
	v4 =	vadd.f32 v47, v4  }
0x699: {  	v1 =	vadd.f32 v2, v1;
	v2 =	vperm.xlane v5, v48  }
0x69a: {  	v6 =	vadd.f32 v49, v6;
	v50 =	vperm.xlane v4, v48  }
0x69b: {  	v54 =	vld [tilespmem:$0x1FFE0];
	v2 =	vadd.f32 v2, v5;
	v5 =	vperm.xlane v1, v48  }
0x69c: {  	v52 =	vperm.xlane v6, v51;
	v4 =	vadd.f32 v50, v4  }
0x69d: {  	v1 =	vadd.f32 v5, v1;
	v5 =	vperm.xlane v2, v51  }
0x69e: {  	v58 =	vld [tilespmem:$0x1FFF0];
	v6 =	vadd.f32 v52, v6;
	v53 =	vperm.xlane v4, v51  }
0x69f: {  	v57 =	vld [tilespmem:$0x1F790];
	v2 =	vadd.f32 v5, v2;
	v5 =	vperm.xlane v1, v51  }
0x6a0: {  	v60 =	vld [tilespmem:$0x1F7A0];
	v55 =	vperm.xlane v6, v54;
	v4 =	vadd.f32 v53, v4  }
0x6a1: {  	v1 =	vadd.f32 v5, v1;
	v5 =	vperm.xlane v2, v54  }
0x6a2: {  	v6 =	vadd.f32 v55, v6;
	v56 =	vperm.xlane v4, v54  }
0x6a3: {  	v62 =	vld [tilespmem:$0x1F7B0];
	v2 =	vadd.f32 v5, v2;
	v5 =	vperm.xlane v1, v54  }
0x6a4: {  	v0 =	vadd.f32 v0, v57;
	v63 =	vld [tilespmem:$0x1F7C0];
	v59 =	vperm.xlane v6, v58;
	v4 =	vadd.f32 v56, v4  }
0x6a5: {  	v8 =	vadd.f32 v21, v60;
	v1 =	vadd.f32 v5, v1;
	v5 =	vperm.xlane v2, v58  }
0x6a6: {  	v0 =	vnsel vm0, $0x0, v0;
	v6 =	vadd.f32 v59, v6;
	v61 =	vperm.xlane v4, v58  }
0x6a7: {  	v0 =	vsel vm1, v0, v8;
	v2 =	vadd.f32 v5, v2;
	v5 =	vperm.xlane v1, v58  }
0x6a8: {  	v8 =	vadd.f32 v24, v62;
	v6 =	vsel vm4, $0x0, v6;
	v4 =	vadd.f32 v61, v4  }
0x6a9: {  	v7 =	vadd.f32 v23, v63;
	v2 =	vsel vm5, v6, v2;
	v1 =	vadd.f32 v5, v1  }
0x6aa: {  	v0 =	vsel vm2, v0, v8;
	v2 =	vsel vm6, v2, v4  }
0x6ab: {  	v0 =	vsel vm3, v0, v7;
	v1 =	vsel vm7, v2, v1  }
0x6ac: {  	v0 =	vadd.f32 v1, v0;
	v1 =	vld [tilespmem:$0x1FFB0];
	_ =	sdelay $0x4  }
0x6ad: {  	v0 =	vadd.f32 v0, v1;
	_ =	sdelay $0x1  }
0x6ae: {  	s23 =	rddreg [dreg:$0x6];
	s22 =	simm.s32 $0xC480;
	[tilespmem:$0xC678] =	vst v0  }
0x6af: {  	[hbm4b:s23+s2] =	stream.linear.scatter [tilespmem:s22], [sflag:$0x5], $0x200, $0x38;
	[tilespmem:$0xC700] =	vst v63  }
0x6b0: {  	s22 =	simm.s32 $0x5  }
0x6b1: {  	_ =	swait.ge [sflag:s22], $0x200  }
0x6b2: {  	s23 =	rddreg [dreg:$0x8]  }
0x6b3: {  	s24 =	rddreg [dreg:$0x7];
	s23 =	sadd.s32 $0x1, s23  }
0x6b4: {  	p0 =	sne.s32 s23, s24  }
.Ltmp5:
0x6b5: {  	_ = 	snop;
	(pc) =	sbr.rel @p0 .LBB2_1-.Ltmp5, $3  }
0x6b6: {  	_ =	sdelay $0x1  }
0x6b7: {  	[sflag:s22] =	ssyncset.done $0x0  }
0x6b8: {  	[sflag:s22] =	ssyncadd.s32 $0xFFFFFE00  }
0x6b9: {  	_ =	sfence.sel $0x180000  }
0x6ba: {  	[bflag:$0x0] =	sbarrier.arrive $0xFFFF  }
0x6bb: {  	_ =	strace $0x9000004A  }
0x6bc: {  	s0 =	stileid.u32;
	[bflag:$0x2] =	sbarrier.arrive $0xFFFF  }
0x6bd: {  	p0 =	sne.s32 s0, $0x0;
	s0 =	rddreg [dreg:$0x2]  }
0x6be: {  	s0 =	sadd.s32 @!p0 $0x100000, s0  }
0x6bf: {  	[sflag:s0] =	ssyncadd.tile.s32 @!p0 $0x1;
	_ =	shalt  }
.Lfunc_end2:
_tile_overlayer_lowered:
.L_overlay_start_2:
0x6c0: {  	(tag) =	ssettag $0x2  }
0x6c1: {  	s0 =	rddreg [dreg:$0x0];
	s2 =	stileid.u32  }
0x6c2: {  	s1 =	rddreg [dreg:$0x1];
	p0 =	sne.s32 s2, $0x0  }
0x6c3: {  	s3 =	rddreg [dreg:$0x2];
	[bflag:$0x3] =	sbarrier.arrive $0xFFFF;
	s2 =	simm.s32 @!p0 $0x1C05  }
0x6c4: {  	[timem:s3], [sflag:s2] =	dma.local @!p0 [hbm:s0], s1  }
0x6c5: {  	s0 =	simm.s32 @!p0 $0x5  }
0x6c6: {  	_ =	swait.ge @!p0 [sflag:s0], s1  }
0x6c7: {  	s1 =	ssub.s32 @!p0 $0x0, s1;
	[sflag:s0] =	ssyncset.done @!p0 $0x0  }
0x6c8: {  	[sflag:s0] =	ssyncadd.s32 @!p0 s1  }
0x6c9: {  	[bflag:$0x3] =	sbarrier.arrive $0xFFFF  }
0x6ca: {  	_ =	shalt  }

// kernel: kernel.8.cloned.1.call-start
scs
__scs_entry_jumppad:
0x0: {  	(pc) =	sbr.rel $0x88, $3  }
0x1: {  	(tag) =	ssettag $0x0;
	lr =	simm.s32 $0x1  }
0x2: {  	[smem:$0x3F9D] =	sst lr;
	_ =	strace $0xD0000000  }
0x3: {  	_ = 	snop  }
0x4: {  	_ = 	snop  }
0x5: {  	_ = 	snop  }
0x6: {  	_ = 	snop  }
0x7: {  	_ = 	snop  }
__scs_overlays_trampoline_lowered:
0x8: {  	[smem:$0x3FAC] =	sst s0  }
0x9: {  	[smem:$0x3FAD] =	sst s1  }
0xa: {  	[smem:$0x3FAE] =	sst s2  }
0xb: {  	[smem:$0x3FAF] =	sst s3  }
0xc: {  	[smem:$0x3FB0] =	sst s4  }
0xd: {  	[smem:$0x3FB1] =	sst s5  }
0xe: {  	[smem:$0x3FB2] =	sst s6  }
0xf: {  	[smem:$0x3FB3] =	sst s7  }
0x10: {  	[smem:$0x3FB4] =	sst s8  }
0x11: {  	[smem:$0x3FB5] =	sst s9;
	s0 =	simm.s32 @!p0 $0x0  }
0x12: {  	s1 =	sld [smem:$0x3F9B];
	s0 =	simm.s32 @p0 $0x1  }
0x13: {  	[smem:$0x3FB6] =	sst s0;
	s0 =	simm.s32 @!p1 $0x0  }
0x14: {  	s2 =	sld [smem:$0x3F9A];
	s0 =	simm.s32 @p1 $0x1  }
0x15: {  	[smem:$0x3FB7] =	sst s0;
	s0 =	simm.s32 @!p2 $0x0  }
0x16: {  	s3 =	sld [smem:$0x3FDB];
	s0 =	simm.s32 @p2 $0x1  }
0x17: {  	s4 =	simm.s32 $0x1BF5;
	[smem:$0x3FB9] =	sst s0  }
0x18: {  	s0 =	sld [smem:$0x3F9C];
	_ =	swait.ge [sflag:s4], $0x0  }
0x19: {  	s7 =	sld [smem:$0x3F9D]  }
0x1a: {  	s8 =	sadd.s32 $0xFFFFE003, lr  }
0x1b: {  	s9 =	sadd.s32 $0xFFFFFEF7, lr;
	s5 =	simm.s32 $0xFFFFFFFF;
	p2 =	slt.u32 s8, $0xFFFFF086  }
0x1c: {  	p1 =	slt.u32 s9, $0xF7A;
	s5 =	simm.s32 @!p2 $0x0  }
0x1d: {  	s5 =	simm.s32 @p1 $0x1;
	p0 =	seq.s32 s7, s2  }
0x1e: {  	s7 =	smul.u32 @!p0 $0xF7A, s2;
	p2 =	seq.s32 @!p0 s5, $0x0  }
0x1f: {  	s9 =	smul.u32 $0xF7A, s1;
	s8 =	simm.s32 @!p0 $0x1BF5;
	p2 =	por !p2, p0  }
0x20: {  	[sflag:s8] =	ssyncset.s32 @!p0 $0xFFFFF086;
	s6 =	sadd.s32 @!p0 s3, s7;
	s7 =	simm.s32 @!p0 $0x108  }
0x21: {  	s3 =	sadd.s32 s3, s9;
	s6 =	sadd.s32 @!p0 $0x88, s6;
	s7 =	simm.s32 @p2 $0x1082  }
0x22: {  	[simem:s7], [sflag:s8] =	dma.local @!p0 [hbm:s6], $0xF7A  }
0x23: {  	s9 =	sor.u32 $0xD0000000, s2;
	s6 =	simm.s32 $0x108;
	_ =	swait.ge @!p0 [sflag:s8], $0x0  }
0x24: {  	s3 =	sadd.s32 $0x88, s3;
	s6 =	simm.s32 @!p1 $0x1082;
	[sflag:s4] =	ssyncset.s32 $0xFFFFF086  }
0x25: {  	[simem:s6], [sflag:s4] =	dma.local [hbm:s3], $0xF7A  }
0x26: {  	[smem:$0x3F9D] =	sst s1;
	(tag) =	ssettag s2;
	_ =	strace s9  }
0x27: {  	s1 =	sld [smem:$0x3FAD]  }
0x28: {  	s2 =	sld [smem:$0x3FAE]  }
0x29: {  	s4 =	sld [smem:$0x3FB0]  }
0x2a: {  	p0 =	seq.s32 s5, $0x0;
	s5 =	sld [smem:$0x3FB1]  }
0x2b: {  	s6 =	sld [smem:$0x3FB2]  }
0x2c: {  	s7 =	sld [smem:$0x3FB3]  }
0x2d: {  	s3 =	simm.s32 $0x108;
	s8 =	sld [smem:$0x3FB4]  }
0x2e: {  	s3 =	simm.s32 @!p0 $0x1082;
	s9 =	sld [smem:$0x3FB5]  }
0x2f: {  	lr =	sadd.s32 s0, s3;
	s0 =	sld [smem:$0x3FAC]  }
0x30: {  	s3 =	sld [smem:$0x3FAF]  }
0x31: {  	[smem:$0x3FB8] =	sst s10  }
0x32: {  	s10 =	sld [smem:$0x3FB6];
	_ =	sdelay $0x3  }
0x33: {  	p0 =	seq.s32 s10, $0x1;
	s10 =	sld [smem:$0x3FB8];
	_ =	sdelay $0x3  }
0x34: {  	[smem:$0x3FB8] =	sst s10  }
0x35: {  	s10 =	sld [smem:$0x3FB7];
	_ =	sdelay $0x3  }
0x36: {  	p1 =	seq.s32 s10, $0x1;
	s10 =	sld [smem:$0x3FB8];
	_ =	sdelay $0x3  }
0x37: {  	[smem:$0x3FB8] =	sst s10  }
0x38: {  	s10 =	sld [smem:$0x3FB9]  }
0x39: {  	_ = 	snop;
	(pc) =	sbr.ind lr, $3  }
0x3a: {  	_ = 	snop  }
0x3b: {  	_ = 	snop  }
0x3c: {  	p2 =	seq.s32 s10, $0x1;
	s10 =	sld [smem:$0x3FB8]  }
0x3d: {  	_ =	shalt  }
0x3e: {  	_ =	shalt  }
0x3f: {  	_ =	shalt  }
0x40: {  	_ =	shalt  }
0x41: {  	_ =	shalt  }
0x42: {  	_ =	shalt  }
0x43: {  	_ =	shalt  }
0x44: {  	_ =	shalt  }
0x45: {  	_ =	shalt  }
0x46: {  	_ =	shalt  }
0x47: {  	_ =	shalt  }
0x48: {  	_ =	shalt  }
0x49: {  	_ =	shalt  }
0x4a: {  	_ =	shalt  }
0x4b: {  	_ =	shalt  }
0x4c: {  	_ =	shalt  }
0x4d: {  	_ =	shalt  }
0x4e: {  	_ =	shalt  }
0x4f: {  	_ =	shalt  }
0x50: {  	_ =	shalt  }
0x51: {  	_ =	shalt  }
0x52: {  	_ =	shalt  }
0x53: {  	_ =	shalt  }
0x54: {  	_ =	shalt  }
0x55: {  	_ =	shalt  }
0x56: {  	_ =	shalt  }
0x57: {  	_ =	shalt  }
0x58: {  	_ =	shalt  }
0x59: {  	_ =	shalt  }
0x5a: {  	_ =	shalt  }
0x5b: {  	_ =	shalt  }
0x5c: {  	_ =	shalt  }
0x5d: {  	_ =	shalt  }
0x5e: {  	_ =	shalt  }
0x5f: {  	_ =	shalt  }
0x60: {  	_ =	shalt  }
0x61: {  	_ =	shalt  }
0x62: {  	_ =	shalt  }
0x63: {  	_ =	shalt  }
0x64: {  	_ =	shalt  }
0x65: {  	_ =	shalt  }
0x66: {  	_ =	shalt  }
0x67: {  	_ =	shalt  }
0x68: {  	_ =	shalt  }
0x69: {  	_ =	shalt  }
0x6a: {  	_ =	shalt  }
0x6b: {  	_ =	shalt  }
0x6c: {  	_ =	shalt  }
0x6d: {  	_ =	shalt  }
0x6e: {  	_ =	shalt  }
0x6f: {  	_ =	shalt  }
0x70: {  	_ =	shalt  }
0x71: {  	_ =	shalt  }
0x72: {  	_ =	shalt  }
0x73: {  	_ =	shalt  }
0x74: {  	_ =	shalt  }
0x75: {  	_ =	shalt  }
0x76: {  	_ =	shalt  }
0x77: {  	_ =	shalt  }
0x78: {  	_ =	shalt  }
0x79: {  	_ =	shalt  }
0x7a: {  	_ =	shalt  }
0x7b: {  	_ =	shalt  }
0x7c: {  	_ =	shalt  }
0x7d: {  	_ =	shalt  }
0x7e: {  	_ =	shalt  }
0x7f: {  	_ =	shalt  }
0x80: {  	_ =	shalt  }
0x81: {  	_ =	shalt  }
0x82: {  	_ =	shalt  }
0x83: {  	_ =	shalt  }
0x84: {  	_ =	shalt  }
0x85: {  	_ =	shalt  }
0x86: {  	_ =	shalt  }
0x87: {  	_ =	shalt  }
.Lfunc_end0:
.L_simem_size_0:
called_computation.1_lowered:
.L_overlay_start_0:
0x88: {  	s2 =	sld [smem:$0x3FD9]  }
0x89: {  	s3 =	sld [smem:$0x3FFE];
	_ =	sdelay $0x1  }
0x8a: {  	s1 =	srdreg.scid  }
0x8b: {  	s0 =	sand.u32 $0x1, s1  }
0x8c: {  	s16 =	sshll.u32 s0, $0xA;
	s2 =	sadd.s32 s3, s2  }
0x8d: {  	s2 =	sadd.s32 s2, s16  }
0x8e: {  	[smem:$0x3FC4] =	sst s2  }
0x8f: {  	_ = 	snop  }
0x90: {  	(tm) =	ssettm $0x1  }
0x91: {  	s17 =	sld [smem:$0x3FFB];
	_ =	sdelay $0x3  }
0x92: {  	_ =	strace s17  }
0x93: {  	s2 =	sld [smem:$0x3FFC];
	_ =	sdelay $0x3  }
0x94: {  	_ =	strace s2  }
0x95: {  	s2 =	sld [smem:$0x3FFD];
	_ =	sdelay $0x3  }
0x96: {  	_ =	strace s2  }
0x97: {  	_ =	strace $0x8FFFFFFF  }
0x98: {  	s18 =	sld [smem:$0x3FDB];
	_ =	sdelay $0x1  }
0x99: {  	s19 =	simm.s32 $_scs_section_size  }
0x9a: {  	s4 =	simm.s32 $_size__tile_overlayer_lowered;
	s5 =	simm.s32 $_tile_overlayer_lowered  }
0x9b: {  	s22 =	simm.s32 $0x1BFF;
	s21 =	sshll.u32 s5, $0x1;
	s2 =	sadd.s32 s19, s18  }
0x9c: {  	s6 =	simm.s32 $0x0;
	s20 =	sshll.u32 s4, $0x1;
	s4 =	sadd.s32 s21, s2  }
0x9d: {  	[timem:s6], [sflag:s22] =	dma.local [hbm:s4], s20  }
0x9e: {  	_ =	swait.ge [sflag:s22], s20  }
0x9f: {  	s3 =	ssub.s32 $0x0, s20;
	[sflag:s22] =	ssyncset.done $0x0  }
0xa0: {  	[sflag:s22] =	ssyncadd.s32 s3;
	_ =	sdelay $0x1  }
0xa1: {  	s23 =	simm.s32 $0x1B8B  }
0xa2: {  	_ =	swait.ge [sflag:s23], $0x1  }
0xa3: {  	[sflag:s23] =	ssyncset.done $0x0  }
0xa4: {  	s25 =	simm.s32 $0x1B8E;
	s24 =	sld [smem:$0x3FFE];
	[sflag:s23] =	ssyncadd.s32 $0xFFFFFFFF  }
0xa5: {  	s26 =	simm.s32 $execute0_lowered;
	[smem:$0x3FD2] =	sst s25  }
0xa6: {  	s4 =	sshll.u32 s26, $0x1;
	_ =	strace $0x80000046;
	[dreg:$0x1] =	wrdreg $0xFFFFFFFF  }
0xa7: {  	s28 =	simm.s32 $_size_execute0_lowered;
	s2 =	sadd.s32 s2, s4;
	[dreg:$0x0] =	wrdreg $0x0  }
0xa8: {  	s4 =	sshll.u32 s28, $0x1;
	[dreg:$0x2] =	wrdreg s2  }
0xa9: {  	[dreg:$0x3] =	wrdreg s4  }
0xaa: {  	[dreg:$0x4] =	wrdreg $0xC0  }
0xab: {  	_ =	task [dreg:s6], $0x5FFFF  }
0xac: {  	[dreg:$0x1] =	wrdreg $0xFFFFFFFF  }
0xad: {  	[dreg:$0x0] =	wrdreg $0x60  }
0xae: {  	[dreg:$0x2] =	wrdreg s24  }
0xaf: {  	[dreg:$0x3] =	wrdreg $0xA  }
0xb0: {  	_ =	task.clear_ibuf [dreg:s6], $0x4FFFF;
	_ =	strace $0x90000046  }
0xb1: {  	s29 =	simm.s32 $0xA;
	_ =	strace $0x80000048  }
0xb2: {  	_ =	swait.ge [sflag:s29], $0x1  }
0xb3: {  	[sflag:s29] =	ssyncadd.s32 $0xFFFFFFFF  }
0xb4: {  	_ =	strace $0x90000048  }
0xb5: {  	_ =	sfence  }
0xb6: {  	s30 =	sld [smem:$0x0];
	_ =	sdelay $0x2  }
0xb7: {  	s31 =	sshll.u32 s1, $0xD;
	s1 =	sshrl.u32 s1, $0x2  }
0xb8: {  	s3 =	sand.u32 $0x4000, s31;
	s1 =	sadd.s32 s1, s30  }
0xb9: {  	s0 =	sor.u32 s3, s0;
	s1 =	sshll.u32 s1, $0x11  }
0xba: {  	s0 =	sor.u32 s1, s0  }
0xbb: {  	s0 =	sadd.s32 $0x8F2B, s0  }
0xbc: {  	[sflag:s0] =	ssyncadd.remote.s32 $0x1  }
0xbd: {  	_ =	sfence.sel $0xFFFF  }
0xbe: {  	[dreg:$0x0] =	wrdreg $0xFFFFFFFF;
	(pc) =	sbr.abs _section_cstart, $3  }
0xbf: {  	[dreg:$0x1] =	wrdreg $0xFFFFFFFF  }
0xc0: {  	_ =	task.clear_ibuf [dreg:s6], $0x2FFFF;
	_ =	strace $0x9FFFFFFF  }
0xc1: {  	(tm) =	ssettm $0x7FFFFFFF  }
tec
execute0_lowered:
.L_overlay_start_1:
0x0: {  	(tag) =	ssettag $0x1  }
0x1: {  	s4 =	rddreg [dreg:$0x0]  }
0x2: {  	s0 =	rddreg [dreg:$0x1];
	s2 =	simm.s32 $0x0  }
0x3: {  	s3 =	srdreg.scid;
	s1 =	stileid.u32;
	s9 =	simm.s32 $0x4000  }
0x4: {  	s10 =	simm.s32 $0x80;
	s11 =	simm.s32 $0x6000;
	s12 =	simm.s32 $0x1  }
0x5: {  	s13 =	simm.s32 $0x2;
	s14 =	simm.s32 $0x8000;
	s15 =	simm.s32 $0x0  }
0x6: {  	v0 =	vimm.s32 $0xBA987654;
	v1 =	vimm.s32 $0x3210FEDC;
	[smem:$0x7FF] =	sst s2;
	s5 =	sand.u32 $0x1, s3;
	s6 =	sshll.u32 s1, $0x1  }
0x7: {  	s3 =	sadd.s32 $0x2DD7C00, s4;
	v0 =	vunpack.c.l.s4.s8 v0;
	v1 =	vunpack.c.l.s4.s8 v1;
	_ =	strace $0x80000047;
	s6 =	sor.u32 s5, s6  }
0x8: {  	s5 =	ssub.s32 $0x2, s5;
	s7 =	sshll.u32 s6, $0xB;
	s6 =	sshll.u32 s6, $0x6  }
0x9: {  	s8 =	sshrl.u32 s5, $0x1;
	v0 =	vunpack.c.0.s8.s32 v0;
	v1 =	vunpack.c.0.s8.s32 v1;
	s7 =	sadd.s32 s7, s4;
	s6 =	sadd.s32 s6, s4  }
0xa: {  	s8 =	ssub.s32 s5, s8;
	s4 =	sadd.s32 $0x2DC7C00, s7;
	s5 =	sadd.s32 $0x3D37C00, s6  }
0xb: {  	vm0 =	vmmov $0xf;
	s6 =	smax.u32 s8, $0x1;
	s7 =	simm.s32 $0x3;
	s8 =	simm.s32 $0x32;
	v0 =	vcombine.low v1, v0  }
.LBB2_1:
0xc: {  	[tilespmem:s2], [sflag:$0x3] =	stream.linear.gather [hbm4b:s4+s2], $0x4000, $0x38;
	[tilespmem:$0x8280] =	vst v63  }
0xd: {  	_ =	swait.ge [sflag:s7], $0x4000  }
0xe: {  	[sflag:s7] =	ssyncset.done $0x0  }
0xf: {  	[sflag:s7] =	ssyncadd.s32 $0xFFFFC000  }
0x10: {  	[tilespmem:s9], [sflag:$0x1] =	stream.indirect.gather [hbm4b:s3+s8], $0x80, s2, s8, $0xb8;
	[tilespmem:$0x8280] =	vst v63  }
0x11: {  	s16 =	simm.s32 $0x0  }
0x12: {  	[tilespmem:s11], [sflag:$0x2] =	stream.indirect.gather [hbm4b:s3+s8], $0x80, s10, s8, $0xb8;
	[tilespmem:$0x8280] =	vst v63  }
.LBB2_2:
0x13: {  	_ =	swait.ge [sflag:s12], $0x1900  }
0x14: {  	[sflag:s12] =	ssyncset.done $0x0  }
0x15: {  	s18 =	simm.s32 $0x0;
	[sflag:s12] =	ssyncadd.s32 $0xFFFFE700  }
0x16: {  	v1 =	vimm.f32 $0.0e+00;
	s17 =	simm.s32 $0x200;
	v2 =	vld [tilespmem:s18+$0x4000]  }
.LBB2_3:
0x17: {  	p0 =	sne.s32 s17, $0x6200  }
.Ltmp0:
0x18: {  	_ = 	snop;
	(pc) =	sbr.rel @p0 .LBB2_3-.Ltmp0, $3  }
0x19: {  	_ =	sdelay $0x1  }
0x1a: {  	s18 =	sshra.s32 s17, $0x2;
	s17 =	sadd.s32 $0x200, s17;
	v1 =	vadd.f32 v2, v1  }
0x1b: {  	v2 =	vld [tilespmem:s18+$0x4000]  }
0x1c: {  	s17 =	sshll.u32 s16, $0x8  }
0x1d: {  	s17 =	sand.u32 $0x3FFFFF00, s17  }
0x1e: {  	s18 =	sadd.s32 $0x100, s17  }
0x1f: {  	[tilespmem:s9], [sflag:$0x1] =	stream.indirect.gather [hbm4b:s3+s8], $0x80, s18, s8, $0xb8;
	[tilespmem:$0x8280] =	vst v63  }
0x20: {  	_ =	swait.ge [sflag:s13], $0x1900  }
0x21: {  	[sflag:s13] =	ssyncset.done $0x0  }
0x22: {  	s19 =	simm.s32 $0x0;
	[sflag:s13] =	ssyncadd.s32 $0xFFFFE700  }
0x23: {  	s18 =	simm.s32 $0x200;
	v1 =	vadd.f32 v2, v1;
	v2 =	vimm.f32 $0.0e+00;
	v3 =	vld [tilespmem:s19+$0x6000]  }
.LBB2_5:
0x24: {  	p0 =	sne.s32 s18, $0x6200  }
.Ltmp1:
0x25: {  	_ = 	snop;
	(pc) =	sbr.rel @p0 .LBB2_5-.Ltmp1, $3  }
0x26: {  	_ =	sdelay $0x1  }
0x27: {  	s19 =	sshra.s32 s18, $0x2;
	s18 =	sadd.s32 $0x200, s18;
	v2 =	vadd.f32 v3, v2  }
0x28: {  	v3 =	vld [tilespmem:s19+$0x6000]  }
0x29: {  	_ =	sdelay $0x2  }
0x2a: {  	s31 =	sshll.u32 s16, $0x3;
	s16 =	sadd.s32 $0x1, s16  }
0x2b: {  	p0 =	sne.s32 s16, $0x3F;
	v2 =	vadd.f32 v3, v2  }
.Ltmp2:
0x2c: {  	_ = 	snop;
	(pc) =	sbr.rel @p0 .LBB2_2-.Ltmp2, $4  }
0x2d: {  	s17 =	sadd.s32 $0x180, s17;
	v2 =	vperm.xlane v2, v0  }
0x2e: {  	[tilespmem:s11], [sflag:$0x2] =	stream.indirect.gather [hbm4b:s3+s8], $0x80, s17, s8, $0xb8;
	[tilespmem:$0x8280] =	vst v63  }
0x2f: {  	s17 =	sand.u32 $0x3FFFFFF8, s31;
	v1 =	vsel vm0, v1, v2  }
0x30: {  	[tilespmem:s17+$0x8000] =	vst v1  }
0x31: {  	_ =	swait.ge [sflag:s12], $0x1900  }
0x32: {  	[sflag:s12] =	ssyncset.done $0x0  }
0x33: {  	s17 =	simm.s32 $0x0;
	[sflag:s12] =	ssyncadd.s32 $0xFFFFE700  }
0x34: {  	v1 =	vimm.f32 $0.0e+00;
	s16 =	simm.s32 $0x200;
	v2 =	vld [tilespmem:s17+$0x4000]  }
.LBB2_8:
0x35: {  	p0 =	sne.s32 s16, $0x6200  }
.Ltmp3:
0x36: {  	_ = 	snop;
	(pc) =	sbr.rel @p0 .LBB2_8-.Ltmp3, $3  }
0x37: {  	_ =	sdelay $0x1  }
0x38: {  	s17 =	sshra.s32 s16, $0x2;
	s16 =	sadd.s32 $0x200, s16;
	v1 =	vadd.f32 v2, v1  }
0x39: {  	v2 =	vld [tilespmem:s17+$0x4000]  }
0x3a: {  	_ = 	snop  }
0x3b: {  	_ =	swait.ge [sflag:s13], $0x1900  }
0x3c: {  	[sflag:s13] =	ssyncset.done $0x0  }
0x3d: {  	s17 =	simm.s32 $0x0;
	[sflag:s13] =	ssyncadd.s32 $0xFFFFE700  }
0x3e: {  	s16 =	simm.s32 $0x200;
	v3 =	vld [tilespmem:s17+$0x6000];
	v1 =	vadd.f32 v2, v1;
	v2 =	vimm.f32 $0.0e+00  }
.LBB2_10:
0x3f: {  	p0 =	sne.s32 s16, $0x6200  }
.Ltmp4:
0x40: {  	_ = 	snop;
	(pc) =	sbr.rel @p0 .LBB2_10-.Ltmp4, $3  }
0x41: {  	_ =	sdelay $0x1  }
0x42: {  	s17 =	sshra.s32 s16, $0x2;
	s16 =	sadd.s32 $0x200, s16;
	v2 =	vadd.f32 v3, v2  }
0x43: {  	v3 =	vld [tilespmem:s17+$0x6000]  }
0x44: {  	_ =	sdelay $0x3  }
0x45: {  	v2 =	vadd.f32 v3, v2;
	_ =	sdelay $0x1  }
0x46: {  	v2 =	vperm.xlane v2, v0  }
0x47: {  	s15 =	sadd.s32 $0x1, s15  }
0x48: {  	p0 =	sne.s32 s15, s6;
	v1 =	vsel vm0, v1, v2  }
.Ltmp5:
0x49: {  	[tilespmem:$0x81F8] =	vst v1;
	(pc) =	sbr.rel @p0 .LBB2_1-.Ltmp5, $4  }
0x4a: {  	[hbm4b:s5+s2] =	stream.linear.scatter [tilespmem:s14], [sflag:$0x3], $0x200, $0x38;
	[tilespmem:$0x8280] =	vst v63  }
0x4b: {  	_ =	swait.ge [sflag:s7], $0x200  }
0x4c: {  	[sflag:s7] =	ssyncset.done $0x0  }
0x4d: {  	[sflag:s7] =	ssyncadd.s32 $0xFFFFFE00  }
0x4e: {  	_ =	sfence.sel $0x180000  }
0x4f: {  	[bflag:$0x0] =	sbarrier.arrive $0xFFFF  }
0x50: {  	p0 =	sne.s32 s1, $0x0;
	_ =	strace $0x90000047  }
0x51: {  	s0 =	sadd.s32 @!p0 $0x100000, s0;
	[bflag:$0x2] =	sbarrier.arrive $0xFFFF  }
0x52: {  	[sflag:s0] =	ssyncadd.tile.s32 @!p0 $0x1;
	_ =	shalt  }
.Lfunc_end2:
_tile_overlayer_lowered:
.L_overlay_start_2:
0x53: {  	(tag) =	ssettag $0x2  }
0x54: {  	s0 =	rddreg [dreg:$0x0];
	s2 =	stileid.u32  }
0x55: {  	s1 =	rddreg [dreg:$0x1];
	p0 =	sne.s32 s2, $0x0  }
0x56: {  	s3 =	rddreg [dreg:$0x2];
	[bflag:$0x3] =	sbarrier.arrive $0xFFFF;
	s2 =	simm.s32 @!p0 $0x1C03  }
0x57: {  	[timem:s3], [sflag:s2] =	dma.local @!p0 [hbm:s0], s1  }
0x58: {  	s0 =	simm.s32 @!p0 $0x3  }
0x59: {  	_ =	swait.ge @!p0 [sflag:s0], s1  }
0x5a: {  	s1 =	ssub.s32 @!p0 $0x0, s1;
	[sflag:s0] =	ssyncset.done @!p0 $0x0  }
0x5b: {  	[sflag:s0] =	ssyncadd.s32 @!p0 s1  }
0x5c: {  	[bflag:$0x3] =	sbarrier.arrive $0xFFFF  }
0x5d: {  	_ =	shalt  }

</sc_bundles>
